<compile_context>
chip_gen: v7x
topology: tpu7x:2x2x1
jax: 0.10.2.dev20260603
libtpu: 0.0.44.dev20260713+nightly
codegen_flags: <defaults>
</compile_context>

<pallas_src>
import jax
import jax.numpy as jnp
from jax import lax
from jax.experimental import pallas as pl
from jax.experimental.pallas import tpu as pltpu
from jax.experimental.pallas import tpu_sc as plsc

N = 10000
E = 320000
IN_DIM = 128
HID = 16
OUT_DIM = 7
NPAD = 10240
GSZ = NPAD // 8
NC = 2
NS = 16
NW = NC * NS
EPT = E // NW
CHUNK = 2000
NCH = EPT // CHUNK
RPT = NPAD // NS

_mesh = plsc.VectorSubcoreMesh(
    core_axis_name="c", subcore_axis_name="s", num_cores=NC, num_subcores=NS
)
_sc_params = pltpu.CompilerParams(use_tc_tiling_on_sc=False)


def _to_vorder_one(idx2, j, k):
    t = idx2[j, pl.ds(k * 16, 16)]
    q = lax.shift_right_logical(lax.shift_right_logical(t, 8) * 13108, 16)
    idx2[j, pl.ds(k * 16, 16)] = t * 8 - q * 10239


def _to_vorder(idx2, j):
    def body(k, _):
        _to_vorder_one(idx2, j, k)
        return 0

    lax.fori_loop(0, CHUNK // 16, body, 0)


def _deg_body(ei_hbm, out_hbm, idx2, ones_v, stg, deg_sh, sem):
    c = lax.axis_index("c")
    s = lax.axis_index("s")
    wid = c * NS + s

    def fill(i, _):
        ones_v[pl.ds(i * 16, 16)] = jnp.full((16,), 1.0, jnp.float32)
        stg[pl.ds(i * 16, 16)] = jnp.zeros((16,), jnp.float32)
        return 0

    lax.fori_loop(0, CHUNK // 16, fill, 0)
    descs = [
        pltpu.async_copy(
            ei_hbm.at[pl.ds(E + wid * EPT + j * CHUNK, CHUNK)], idx2.at[j], sem)
        for j in range(NCH)
    ]
    pltpu.sync_copy(stg.at[pl.ds(0, RPT)], deg_sh.at[pl.ds(s * RPT, RPT)])
    for d in descs:
        d.wait()
    plsc.subcore_barrier()
    _to_vorder(idx2, 0)
    ds = [None] * NCH
    for j in range(NCH):
        ds[j] = pltpu.async_copy(ones_v, deg_sh.at[idx2.at[j]], sem, add=True)
        if j + 1 < NCH:
            _to_vorder(idx2, j + 1)
    for d in ds:
        d.wait()
    plsc.subcore_barrier()
    pltpu.sync_copy(deg_sh.at[pl.ds(s * RPT, RPT)], stg.at[pl.ds(0, RPT)])
    pltpu.sync_copy(stg.at[pl.ds(0, RPT)], out_hbm.at[pl.ds(c * NPAD + s * RPT, RPT)])


_deg_call = pl.kernel(
    _deg_body,
    out_type=jax.ShapeDtypeStruct((2 * NPAD,), jnp.float32),
    mesh=_mesh,
    scratch_types=[
        pltpu.VMEM((NCH, CHUNK), jnp.int32),
        pltpu.VMEM((CHUNK,), jnp.float32),
        pltpu.VMEM((CHUNK,), jnp.float32),
        pltpu.VMEM_SHARED((NPAD,), jnp.float32),
        pltpu.SemaphoreType.DMA,
    ],
    compiler_params=_sc_params,
)


def _msg_body(tab_hbm, ei_hbm, out_hbm, idx_s2, idx_d2, rows0, rows1, rows2,
              acc_sh, semi, sg0, sg1, sg2, ssc):
    c = lax.axis_index("c")
    s = lax.axis_index("s")
    wid = c * NS + s
    stg = rows2.at[pl.ds(0, RPT)]

    def zfill(i, _):
        rows2[i, :] = jnp.zeros((16,), jnp.float32)
        return 0

    lax.fori_loop(0, RPT, zfill, 0)
    descs = []
    for j in range(NCH):
        base = wid * EPT + j * CHUNK
        descs.append(pltpu.async_copy(
            ei_hbm.at[pl.ds(base, CHUNK)], idx_s2.at[j], semi))
        descs.append(pltpu.async_copy(
            ei_hbm.at[pl.ds(E + base, CHUNK)], idx_d2.at[j], semi))
    pltpu.sync_copy(stg, acc_sh.at[pl.ds(s * RPT, RPT)])
    descs[0].wait()
    _to_vorder(idx_s2, 0)
    for d in descs[1:]:
        d.wait()
    plsc.subcore_barrier()

    bufs = (rows0, rows1, rows2)
    sems = (sg0, sg1, sg2)
    g = [None] * NCH
    sc = [None] * NCH
    g[0] = pltpu.async_copy(tab_hbm.at[idx_s2.at[0]], bufs[0], sems[0])
    _to_vorder(idx_d2, 0)
    for j in range(NCH):
        if j + 1 < NCH:
            _to_vorder(idx_s2, j + 1)
            _to_vorder(idx_d2, j + 1)
        g[j].wait()
        if j >= 2:
            sc[j - 2].wait()
        if j + 1 < NCH:
            g[j + 1] = pltpu.async_copy(
                tab_hbm.at[idx_s2.at[j + 1]], bufs[(j + 1) % 3], sems[(j + 1) % 3])
        sc[j] = pltpu.async_copy(
            bufs[j % 3], acc_sh.at[idx_d2.at[j]], ssc, add=True)
    sc[NCH - 2].wait()
    sc[NCH - 1].wait()
    plsc.subcore_barrier()
    pltpu.sync_copy(acc_sh.at[pl.ds(s * RPT, RPT)], stg)
    pltpu.sync_copy(stg, out_hbm.at[pl.ds(c * NPAD + s * RPT, RPT)])


_msg_call = pl.kernel(
    _msg_body,
    out_type=jax.ShapeDtypeStruct((2 * NPAD, HID), jnp.float32),
    mesh=_mesh,
    scratch_types=[
        pltpu.VMEM((NCH, CHUNK), jnp.int32),
        pltpu.VMEM((NCH, CHUNK), jnp.int32),
        pltpu.VMEM((CHUNK, HID), jnp.float32),
        pltpu.VMEM((CHUNK, HID), jnp.float32),
        pltpu.VMEM((CHUNK, HID), jnp.float32),
        pltpu.VMEM_SHARED((NPAD, HID), jnp.float32),
        pltpu.SemaphoreType.DMA,
        pltpu.SemaphoreType.DMA,
        pltpu.SemaphoreType.DMA,
        pltpu.SemaphoreType.DMA,
        pltpu.SemaphoreType.DMA,
    ],
    compiler_params=_sc_params,
)


GRID = 2
RBP = GSZ // GRID
DBP = NPAD // 128 // GRID
PKR = GSZ
DEGR = NPAD // 128


def _dscale_blk(dp_ref, rbp, dbp):
    deg = dp_ref[0] + dp_ref[1] + 1.0
    dinv = lax.rsqrt(deg)
    r_col = lax.broadcasted_iota(jnp.int32, (rbp, dbp), 0)
    q_row = lax.broadcasted_iota(jnp.int32, (rbp, dbp), 1)
    qoh = jnp.where(r_col // 16 == q_row, 1.0, 0.0)
    u = jnp.dot(qoh, dinv, preferred_element_type=jnp.float32)
    r2 = lax.broadcasted_iota(jnp.int32, (rbp, 128), 0)
    l2 = lax.broadcasted_iota(jnp.int32, (rbp, 128), 1)
    cols = []
    for a in range(8):
        loh = jnp.where(l2 == 8 * (r2 % 16) + a, 1.0, 0.0)
        cols.append(jnp.sum(u * loh, axis=1, keepdims=True))
    dvec8 = jnp.concatenate(cols, axis=1)
    a_row = lax.broadcasted_iota(jnp.int32, (8, 128), 0)
    m_col = lax.broadcasted_iota(jnp.int32, (8, 128), 1)
    bcast = jnp.where(m_col // 16 == a_row, 1.0, 0.0)
    return jnp.dot(dvec8, bcast, preferred_element_type=jnp.float32)


def _s1a_body(x_ref, w_ref, o_ref):
    for a in range(8):
        rows = min(GSZ, N - GSZ * a)
        h = jnp.dot(x_ref[pl.ds(GSZ * a, rows), :], w_ref[...],
                    preferred_element_type=jnp.float32)
        o_ref[pl.ds(0, rows), pl.ds(a * HID, HID)] = h


def _s1b_body(h_ref, dp_ref, o_ref, ds_ref):
    dscale = _dscale_blk(dp_ref, RBP, DBP)
    ds_ref[...] = dscale
    o_ref[...] = h_ref[...] * dscale


def _s2_body(p_ref, h1s_ref, ds_ref, b1_ref, w2bd_ref, o_ref):
    dscale = ds_ref[...]
    m = p_ref[0] + p_ref[1] + h1s_ref[...]
    a = jnp.maximum(m * dscale + b1_ref[...], 0.0)
    h2 = jnp.dot(a, w2bd_ref[...], preferred_element_type=jnp.float32)
    o_ref[...] = h2 * dscale


def _s3_body(p_ref, h2s_ref, ds_ref, b2_ref, o_ref):
    mcol = lax.broadcasted_iota(jnp.int32, (PKR, HID), 1)
    mask = mcol < OUT_DIM
    ps = (p_ref[0] + p_ref[1] + h2s_ref[...]) * ds_ref[...]
    for a in range(8):
        z = ps[:, a * HID:(a + 1) * HID] + b2_ref[...]
        zm = jnp.where(mask, z, jnp.float32(-1e30))
        mx = jnp.max(zm, axis=1, keepdims=True)
        e = jnp.where(mask, jnp.exp(z - mx), 0.0)
        lse = jnp.log(jnp.sum(e, axis=1, keepdims=True)) + mx
        o_ref[pl.ds(GSZ * a, GSZ), :] = (z - lse)[:, :8]


def kernel(x, edge_index, W1, b1, W2, b2):
    ei = edge_index.reshape(2 * E).astype(jnp.int32)
    W2p = jnp.pad(W2, ((0, 0), (0, HID - OUT_DIM)))
    aeq = (jnp.arange(128)[:, None] // HID) == (jnp.arange(128)[None, :] // HID)
    W2bd = jnp.where(aeq, jnp.tile(W2p, (8, 8)), 0.0)
    b1r = jnp.reshape(jnp.tile(b1, 8), (1, 128))
    b2p = jnp.reshape(jnp.pad(b2, (0, HID - OUT_DIM)), (1, HID))

    deg_pk = _deg_call(ei).reshape(2, DEGR, 128)

    h1_pk = pl.pallas_call(
        _s1a_body,
        in_specs=[
            pl.BlockSpec((N, IN_DIM), lambda: (0, 0)),
            pl.BlockSpec((IN_DIM, HID), lambda: (0, 0)),
        ],
        out_specs=pl.BlockSpec((GSZ, 128), lambda: (0, 0)),
        out_shape=jax.ShapeDtypeStruct((GSZ, 128), jnp.float32),
    )(x, W1)

    h1s_pk, dscale_pk = pl.pallas_call(
        _s1b_body,
        grid=(GRID,),
        in_specs=[
            pl.BlockSpec((RBP, 128), lambda i: (i, 0)),
            pl.BlockSpec((2, DBP, 128), lambda i: (0, i, 0)),
        ],
        out_specs=[
            pl.BlockSpec((RBP, 128), lambda i: (i, 0)),
            pl.BlockSpec((RBP, 128), lambda i: (i, 0)),
        ],
        out_shape=[
            jax.ShapeDtypeStruct((GSZ, 128), jnp.float32),
            jax.ShapeDtypeStruct((GSZ, 128), jnp.float32),
        ],
    )(h1_pk, deg_pk)

    p1_pk = _msg_call(h1s_pk.reshape(NPAD, HID), ei).reshape(2, GSZ, 128)

    h2s_pk = pl.pallas_call(
        _s2_body,
        grid=(GRID,),
        in_specs=[
            pl.BlockSpec((2, RBP, 128), lambda i: (0, i, 0)),
            pl.BlockSpec((RBP, 128), lambda i: (i, 0)),
            pl.BlockSpec((RBP, 128), lambda i: (i, 0)),
            pl.BlockSpec((1, 128), lambda i: (0, 0)),
            pl.BlockSpec((128, 128), lambda i: (0, 0)),
        ],
        out_specs=pl.BlockSpec((RBP, 128), lambda i: (i, 0)),
        out_shape=jax.ShapeDtypeStruct((GSZ, 128), jnp.float32),
    )(p1_pk, h1s_pk, dscale_pk, b1r, W2bd)

    p2_pk = _msg_call(h2s_pk.reshape(NPAD, HID), ei).reshape(2, GSZ, 128)

    out = pl.pallas_call(
        _s3_body,
        in_specs=[
            pl.BlockSpec((2, GSZ, 128), lambda: (0, 0, 0)),
            pl.BlockSpec((GSZ, 128), lambda: (0, 0)),
            pl.BlockSpec((GSZ, 128), lambda: (0, 0)),
            pl.BlockSpec((1, HID), lambda: (0, 0)),
        ],
        out_specs=pl.BlockSpec((NPAD, 8), lambda: (0, 0)),
        out_shape=jax.ShapeDtypeStruct((NPAD, 8), jnp.float32),
    )(p2_pk, h2s_pk, dscale_pk, b2p)

    return out[:N, :OUT_DIM]

# --- scband reference (transcript-rebuilt; emitter-appended) ---
"""Pipeline reference for scband-method-gcn-11098195493080 (READ-ONLY COPY).

The authoritative reference and input builder live on the scoring server;
editing this copy changes nothing except your own understanding.
"""

import jax, jax.numpy as jnp
import numpy as np

N_NODES = 10000
N_EDGES = 320000
IN_DIM = 128
HID_DIM = 16
OUT_DIM = 7


def gcn_conv(x, edge_index, W, b):
    # Faithful GCNConv: linear transform, add self-loops, symmetric deg^-1/2 normalization,
    # gather messages by src, scatter-add by dst, add bias.
    n = x.shape[0]
    src = edge_index[0]
    dst = edge_index[1]
    loop = jnp.arange(n, dtype=src.dtype)
    src = jnp.concatenate([src, loop])
    dst = jnp.concatenate([dst, loop])
    h = x @ W
    deg = jnp.zeros((n,), dtype=h.dtype).at[dst].add(1.0)
    dinv = jnp.where(deg > 0, deg ** -0.5, 0.0)
    norm = dinv[src] * dinv[dst]
    msg = jnp.take(h, src, axis=0) * norm[:, None]
    out = jnp.zeros((n, h.shape[1]), dtype=h.dtype).at[dst].add(msg)
    return out + b


def setup_inputs(seed: int = 0) -> dict:
    key = jax.random.key(seed)
    k1, k2, k3, k4 = jax.random.split(key, 4)
    x = jax.random.normal(k1, (N_NODES, IN_DIM), dtype=jnp.float32)
    edge_index = jax.random.randint(k2, (2, N_EDGES), 0, N_NODES)
    # Glorot-style init for GCN weights
    W1 = jax.random.normal(k3, (IN_DIM, HID_DIM), dtype=jnp.float32) * (2.0 / (IN_DIM + HID_DIM)) ** 0.5
    b1 = jnp.zeros((HID_DIM,), dtype=jnp.float32)
    W2 = jax.random.normal(k4, (HID_DIM, OUT_DIM), dtype=jnp.float32) * (2.0 / (HID_DIM + OUT_DIM)) ** 0.5
    b2 = jnp.zeros((OUT_DIM,), dtype=jnp.float32)
    return {"x": x, "edge_index": edge_index, "W1": W1, "b1": b1, "W2": W2, "b2": b2}


def reference(x, edge_index, W1, b1, W2, b2):
    h = gcn_conv(x, edge_index, W1, b1)
    h = jax.nn.relu(h)
    # F.dropout(..., training=self.training) is identity in eval mode
    h = gcn_conv(h, edge_index, W2, b2)
    return jax.nn.log_softmax(h, axis=1)

if __name__ == "__main__":
    import jax
    _d = setup_inputs()
    print(jax.jit(kernel)(*tuple(_d.values())))

</pallas_src>

<mosaic_0001>
#map = affine_map<(d0, d1) -> (0, 0)>
#map1 = affine_map<(d0, d1) -> (0)>
module attributes {stable_mosaic.version = 14 : i64} {
  func.func @_msg_body(%arg0: i32, %arg1: i32, %arg2: memref<10240x16xf32, #tpu.memory_space<hbm>>, %arg3: memref<640000xi32, #tpu.memory_space<hbm>>, %arg4: memref<20480x16xf32, #tpu.memory_space<hbm>>, %arg5: memref<5x2000xi32, #tpu.memory_space<vmem>>, %arg6: memref<5x2000xi32, #tpu.memory_space<vmem>>, %arg7: memref<2000x16xf32, #tpu.memory_space<vmem>>, %arg8: memref<2000x16xf32, #tpu.memory_space<vmem>>, %arg9: memref<2000x16xf32, #tpu.memory_space<vmem>>, %arg10: memref<10240x16xf32, #tpu.memory_space<vmem_shared>>, %arg11: memref<!tpu.dma_semaphore, #tpu.memory_space<semaphore_mem>>, %arg12: memref<!tpu.dma_semaphore, #tpu.memory_space<semaphore_mem>>, %arg13: memref<!tpu.dma_semaphore, #tpu.memory_space<semaphore_mem>>, %arg14: memref<!tpu.dma_semaphore, #tpu.memory_space<semaphore_mem>>, %arg15: memref<!tpu.dma_semaphore, #tpu.memory_space<semaphore_mem>>) attributes {dimension_semantics = [#tpu.dimension_semantics<core_parallel>, #tpu.dimension_semantics<subcore_parallel>], iteration_bounds = array<i64: 2, 16>, scalar_prefetch = 0 : i64, scratch_operands = 11 : i64, tpu.core_type = #tpu.core_type<sc_vector_subcore>, window_params = [{transform_indices = #map}, {transform_indices = #map1}, {transform_indices = #map}]} {
    %mul3A = arith.constant 16 : i32
    %mul3A_0 = arith.muli %arg0, %mul3A : i32
    %add3A = arith.addi %mul3A_0, %arg1 : i32
    %scan3A = arith.constant 0 : i32
    %scan3A_1 = arith.constant 0 : i32
    %scan3A_2 = arith.constant 640 : i32
    %scan3A_3 = arith.addi %scan3A_1, %scan3A_2 : i32
    %scan3A_4 = arith.constant 1 : i32
    %scan3A_5 = scf.for %scan3A_435 = %scan3A_1 to %scan3A_3 step %scan3A_4 iter_args(%scan3A_436 = %scan3A) -> (i32)  : i32 {
      %broadcast_in_dim3A = arith.constant 0.000000e+00 : f32
      %broadcast_in_dim3A_437 = vector.broadcast %broadcast_in_dim3A : f32 to vector<16xf32>
      %swap3A = arith.index_cast %scan3A_435 : i32 to index
      %swap3A_438 = arith.constant 0 : index
      %swap3A_439 = tpu.vector_load %arg9[%swap3A, %swap3A_438] {strides = array<i32>} : memref<2000x16xf32, #tpu.memory_space<vmem>>, vector<1x16xf32>,
      %swap3A_440 = vector.shape_cast %swap3A_439 : vector<1x16xf32> to vector<16xf32>
      %swap3A_441 = vector.shape_cast %broadcast_in_dim3A_437 : vector<16xf32> to vector<1x16xf32>
      tpu.vector_store %arg9[%swap3A, %swap3A_438], %swap3A_441 {strides = array<i32>} : memref<2000x16xf32, #tpu.memory_space<vmem>>, vector<1x16xf32>,
      %scan3A_442 = arith.constant 0 : i32
      scf.yield %scan3A_442 : i32
    }
    %scan3A_6 = arith.constant 640 : i32
    %mul3A_7 = arith.constant 10000 : i32
    %mul3A_8 = arith.muli %add3A, %mul3A_7 : i32
    %add3A_9 = arith.constant 0 : i32
    %add3A_10 = arith.addi %mul3A_8, %add3A_9 : i32
    %dma_start3A = arith.constant 0 : i32
    %dma_start3A_11 = arith.constant 0 : i32
    %dma_start3A_12 = tpu.memref_slice %arg5[%dma_start3A, %dma_start3A_11] : memref<5x2000xi32, #tpu.memory_space<vmem>> -> memref<1x2000xi32, #tpu.memory_space<vmem>>
    %dma_start3A_13 = tpu.memref_squeeze %dma_start3A_12 : memref<1x2000xi32, #tpu.memory_space<vmem>> -> memref<2000xi32, #tpu.memory_space<vmem>>
    %dma_start3A_14 = tpu.memref_slice %arg3[%add3A_10] : memref<640000xi32, #tpu.memory_space<hbm>> -> memref<2000xi32, #tpu.memory_space<hbm>>
    %dma_start3A_15 = arith.constant 0 : i32
    %dma_start3A_16 = tpu.memref_slice %arg5[%dma_start3A, %dma_start3A_15] : memref<5x2000xi32, #tpu.memory_space<vmem>> -> memref<1x2000xi32, #tpu.memory_space<vmem>>
    %dma_start3A_17 = tpu.memref_squeeze %dma_start3A_16 : memref<1x2000xi32, #tpu.memory_space<vmem>> -> memref<2000xi32, #tpu.memory_space<vmem>>
    %dma_start3A_18 = tpu.memref_slice %arg3[%add3A_10] : memref<640000xi32, #tpu.memory_space<hbm>> -> memref<2000xi32, #tpu.memory_space<hbm>>
    tpu.enqueue_dma source(%dma_start3A_18 : memref<2000xi32, #tpu.memory_space<hbm>>) target(%dma_start3A_17 : memref<2000xi32, #tpu.memory_space<vmem>>) target_semaphore(%arg11 : memref<!tpu.dma_semaphore, #tpu.memory_space<semaphore_mem>>)
    %add3A_19 = arith.constant 320000 : i32
    %add3A_20 = arith.addi %add3A_19, %add3A_10 : i32
    %dma_start3A_21 = arith.constant 0 : i32
    %dma_start3A_22 = arith.constant 0 : i32
    %dma_start3A_23 = tpu.memref_slice %arg6[%dma_start3A_21, %dma_start3A_22] : memref<5x2000xi32, #tpu.memory_space<vmem>> -> memref<1x2000xi32, #tpu.memory_space<vmem>>
    %dma_start3A_24 = tpu.memref_squeeze %dma_start3A_23 : memref<1x2000xi32, #tpu.memory_space<vmem>> -> memref<2000xi32, #tpu.memory_space<vmem>>
    %dma_start3A_25 = tpu.memref_slice %arg3[%add3A_20] : memref<640000xi32, #tpu.memory_space<hbm>> -> memref<2000xi32, #tpu.memory_space<hbm>>
    %dma_start3A_26 = arith.constant 0 : i32
    %dma_start3A_27 = tpu.memref_slice %arg6[%dma_start3A_21, %dma_start3A_26] : memref<5x2000xi32, #tpu.memory_space<vmem>> -> memref<1x2000xi32, #tpu.memory_space<vmem>>
    %dma_start3A_28 = tpu.memref_squeeze %dma_start3A_27 : memref<1x2000xi32, #tpu.memory_space<vmem>> -> memref<2000xi32, #tpu.memory_space<vmem>>
    %dma_start3A_29 = tpu.memref_slice %arg3[%add3A_20] : memref<640000xi32, #tpu.memory_space<hbm>> -> memref<2000xi32, #tpu.memory_space<hbm>>
    tpu.enqueue_dma source(%dma_start3A_29 : memref<2000xi32, #tpu.memory_space<hbm>>) target(%dma_start3A_28 : memref<2000xi32, #tpu.memory_space<vmem>>) target_semaphore(%arg11 : memref<!tpu.dma_semaphore, #tpu.memory_space<semaphore_mem>>)
    %mul3A_30 = arith.constant 10000 : i32
    %mul3A_31 = arith.muli %add3A, %mul3A_30 : i32
    %add3A_32 = arith.constant 2000 : i32
    %add3A_33 = arith.addi %mul3A_31, %add3A_32 : i32
    %dma_start3A_34 = arith.constant 1 : i32
    %dma_start3A_35 = arith.constant 0 : i32
    %dma_start3A_36 = tpu.memref_slice %arg5[%dma_start3A_34, %dma_start3A_35] : memref<5x2000xi32, #tpu.memory_space<vmem>> -> memref<1x2000xi32, #tpu.memory_space<vmem>>
    %dma_start3A_37 = tpu.memref_squeeze %dma_start3A_36 : memref<1x2000xi32, #tpu.memory_space<vmem>> -> memref<2000xi32, #tpu.memory_space<vmem>>
    %dma_start3A_38 = tpu.memref_slice %arg3[%add3A_33] : memref<640000xi32, #tpu.memory_space<hbm>> -> memref<2000xi32, #tpu.memory_space<hbm>>
    %dma_start3A_39 = arith.constant 0 : i32
    %dma_start3A_40 = tpu.memref_slice %arg5[%dma_start3A_34, %dma_start3A_39] : memref<5x2000xi32, #tpu.memory_space<vmem>> -> memref<1x2000xi32, #tpu.memory_space<vmem>>
    %dma_start3A_41 = tpu.memref_squeeze %dma_start3A_40 : memref<1x2000xi32, #tpu.memory_space<vmem>> -> memref<2000xi32, #tpu.memory_space<vmem>>
    %dma_start3A_42 = tpu.memref_slice %arg3[%add3A_33] : memref<640000xi32, #tpu.memory_space<hbm>> -> memref<2000xi32, #tpu.memory_space<hbm>>
    tpu.enqueue_dma source(%dma_start3A_42 : memref<2000xi32, #tpu.memory_space<hbm>>) target(%dma_start3A_41 : memref<2000xi32, #tpu.memory_space<vmem>>) target_semaphore(%arg11 : memref<!tpu.dma_semaphore, #tpu.memory_space<semaphore_mem>>)
    %add3A_43 = arith.constant 320000 : i32
    %add3A_44 = arith.addi %add3A_43, %add3A_33 : i32
    %dma_start3A_45 = arith.constant 1 : i32
    %dma_start3A_46 = arith.constant 0 : i32
    %dma_start3A_47 = tpu.memref_slice %arg6[%dma_start3A_45, %dma_start3A_46] : memref<5x2000xi32, #tpu.memory_space<vmem>> -> memref<1x2000xi32, #tpu.memory_space<vmem>>
    %dma_start3A_48 = tpu.memref_squeeze %dma_start3A_47 : memref<1x2000xi32, #tpu.memory_space<vmem>> -> memref<2000xi32, #tpu.memory_space<vmem>>
    %dma_start3A_49 = tpu.memref_slice %arg3[%add3A_44] : memref<640000xi32, #tpu.memory_space<hbm>> -> memref<2000xi32, #tpu.memory_space<hbm>>
    %dma_start3A_50 = arith.constant 0 : i32
    %dma_start3A_51 = tpu.memref_slice %arg6[%dma_start3A_45, %dma_start3A_50] : memref<5x2000xi32, #tpu.memory_space<vmem>> -> memref<1x2000xi32, #tpu.memory_space<vmem>>
    %dma_start3A_52 = tpu.memref_squeeze %dma_start3A_51 : memref<1x2000xi32, #tpu.memory_space<vmem>> -> memref<2000xi32, #tpu.memory_space<vmem>>
    %dma_start3A_53 = tpu.memref_slice %arg3[%add3A_44] : memref<640000xi32, #tpu.memory_space<hbm>> -> memref<2000xi32, #tpu.memory_space<hbm>>
    tpu.enqueue_dma source(%dma_start3A_53 : memref<2000xi32, #tpu.memory_space<hbm>>) target(%dma_start3A_52 : memref<2000xi32, #tpu.memory_space<vmem>>) target_semaphore(%arg11 : memref<!tpu.dma_semaphore, #tpu.memory_space<semaphore_mem>>)
    %mul3A_54 = arith.constant 10000 : i32
    %mul3A_55 = arith.muli %add3A, %mul3A_54 : i32
    %add3A_56 = arith.constant 4000 : i32
    %add3A_57 = arith.addi %mul3A_55, %add3A_56 : i32
    %dma_start3A_58 = arith.constant 2 : i32
    %dma_start3A_59 = arith.constant 0 : i32
    %dma_start3A_60 = tpu.memref_slice %arg5[%dma_start3A_58, %dma_start3A_59] : memref<5x2000xi32, #tpu.memory_space<vmem>> -> memref<1x2000xi32, #tpu.memory_space<vmem>>
    %dma_start3A_61 = tpu.memref_squeeze %dma_start3A_60 : memref<1x2000xi32, #tpu.memory_space<vmem>> -> memref<2000xi32, #tpu.memory_space<vmem>>
    %dma_start3A_62 = tpu.memref_slice %arg3[%add3A_57] : memref<640000xi32, #tpu.memory_space<hbm>> -> memref<2000xi32, #tpu.memory_space<hbm>>
    %dma_start3A_63 = arith.constant 0 : i32
    %dma_start3A_64 = tpu.memref_slice %arg5[%dma_start3A_58, %dma_start3A_63] : memref<5x2000xi32, #tpu.memory_space<vmem>> -> memref<1x2000xi32, #tpu.memory_space<vmem>>
    %dma_start3A_65 = tpu.memref_squeeze %dma_start3A_64 : memref<1x2000xi32, #tpu.memory_space<vmem>> -> memref<2000xi32, #tpu.memory_space<vmem>>
    %dma_start3A_66 = tpu.memref_slice %arg3[%add3A_57] : memref<640000xi32, #tpu.memory_space<hbm>> -> memref<2000xi32, #tpu.memory_space<hbm>>
    tpu.enqueue_dma source(%dma_start3A_66 : memref<2000xi32, #tpu.memory_space<hbm>>) target(%dma_start3A_65 : memref<2000xi32, #tpu.memory_space<vmem>>) target_semaphore(%arg11 : memref<!tpu.dma_semaphore, #tpu.memory_space<semaphore_mem>>)
    %add3A_67 = arith.constant 320000 : i32
    %add3A_68 = arith.addi %add3A_67, %add3A_57 : i32
    %dma_start3A_69 = arith.constant 2 : i32
    %dma_start3A_70 = arith.constant 0 : i32
    %dma_start3A_71 = tpu.memref_slice %arg6[%dma_start3A_69, %dma_start3A_70] : memref<5x2000xi32, #tpu.memory_space<vmem>> -> memref<1x2000xi32, #tpu.memory_space<vmem>>
    %dma_start3A_72 = tpu.memref_squeeze %dma_start3A_71 : memref<1x2000xi32, #tpu.memory_space<vmem>> -> memref<2000xi32, #tpu.memory_space<vmem>>
    %dma_start3A_73 = tpu.memref_slice %arg3[%add3A_68] : memref<640000xi32, #tpu.memory_space<hbm>> -> memref<2000xi32, #tpu.memory_space<hbm>>
    %dma_start3A_74 = arith.constant 0 : i32
    %dma_start3A_75 = tpu.memref_slice %arg6[%dma_start3A_69, %dma_start3A_74] : memref<5x2000xi32, #tpu.memory_space<vmem>> -> memref<1x2000xi32, #tpu.memory_space<vmem>>
    %dma_start3A_76 = tpu.memref_squeeze %dma_start3A_75 : memref<1x2000xi32, #tpu.memory_space<vmem>> -> memref<2000xi32, #tpu.memory_space<vmem>>
    %dma_start3A_77 = tpu.memref_slice %arg3[%add3A_68] : memref<640000xi32, #tpu.memory_space<hbm>> -> memref<2000xi32, #tpu.memory_space<hbm>>
    tpu.enqueue_dma source(%dma_start3A_77 : memref<2000xi32, #tpu.memory_space<hbm>>) target(%dma_start3A_76 : memref<2000xi32, #tpu.memory_space<vmem>>) target_semaphore(%arg11 : memref<!tpu.dma_semaphore, #tpu.memory_space<semaphore_mem>>)
    %mul3A_78 = arith.constant 10000 : i32
    %mul3A_79 = arith.muli %add3A, %mul3A_78 : i32
    %add3A_80 = arith.constant 6000 : i32
    %add3A_81 = arith.addi %mul3A_79, %add3A_80 : i32
    %dma_start3A_82 = arith.constant 3 : i32
    %dma_start3A_83 = arith.constant 0 : i32
    %dma_start3A_84 = tpu.memref_slice %arg5[%dma_start3A_82, %dma_start3A_83] : memref<5x2000xi32, #tpu.memory_space<vmem>> -> memref<1x2000xi32, #tpu.memory_space<vmem>>
    %dma_start3A_85 = tpu.memref_squeeze %dma_start3A_84 : memref<1x2000xi32, #tpu.memory_space<vmem>> -> memref<2000xi32, #tpu.memory_space<vmem>>
    %dma_start3A_86 = tpu.memref_slice %arg3[%add3A_81] : memref<640000xi32, #tpu.memory_space<hbm>> -> memref<2000xi32, #tpu.memory_space<hbm>>
    %dma_start3A_87 = arith.constant 0 : i32
    %dma_start3A_88 = tpu.memref_slice %arg5[%dma_start3A_82, %dma_start3A_87] : memref<5x2000xi32, #tpu.memory_space<vmem>> -> memref<1x2000xi32, #tpu.memory_space<vmem>>
    %dma_start3A_89 = tpu.memref_squeeze %dma_start3A_88 : memref<1x2000xi32, #tpu.memory_space<vmem>> -> memref<2000xi32, #tpu.memory_space<vmem>>
    %dma_start3A_90 = tpu.memref_slice %arg3[%add3A_81] : memref<640000xi32, #tpu.memory_space<hbm>> -> memref<2000xi32, #tpu.memory_space<hbm>>
    tpu.enqueue_dma source(%dma_start3A_90 : memref<2000xi32, #tpu.memory_space<hbm>>) target(%dma_start3A_89 : memref<2000xi32, #tpu.memory_space<vmem>>) target_semaphore(%arg11 : memref<!tpu.dma_semaphore, #tpu.memory_space<semaphore_mem>>)
    %add3A_91 = arith.constant 320000 : i32
    %add3A_92 = arith.addi %add3A_91, %add3A_81 : i32
    %dma_start3A_93 = arith.constant 3 : i32
    %dma_start3A_94 = arith.constant 0 : i32
    %dma_start3A_95 = tpu.memref_slice %arg6[%dma_start3A_93, %dma_start3A_94] : memref<5x2000xi32, #tpu.memory_space<vmem>> -> memref<1x2000xi32, #tpu.memory_space<vmem>>
    %dma_start3A_96 = tpu.memref_squeeze %dma_start3A_95 : memref<1x2000xi32, #tpu.memory_space<vmem>> -> memref<2000xi32, #tpu.memory_space<vmem>>
    %dma_start3A_97 = tpu.memref_slice %arg3[%add3A_92] : memref<640000xi32, #tpu.memory_space<hbm>> -> memref<2000xi32, #tpu.memory_space<hbm>>
    %dma_start3A_98 = arith.constant 0 : i32
    %dma_start3A_99 = tpu.memref_slice %arg6[%dma_start3A_93, %dma_start3A_98] : memref<5x2000xi32, #tpu.memory_space<vmem>> -> memref<1x2000xi32, #tpu.memory_space<vmem>>
    %dma_start3A_100 = tpu.memref_squeeze %dma_start3A_99 : memref<1x2000xi32, #tpu.memory_space<vmem>> -> memref<2000xi32, #tpu.memory_space<vmem>>
    %dma_start3A_101 = tpu.memref_slice %arg3[%add3A_92] : memref<640000xi32, #tpu.memory_space<hbm>> -> memref<2000xi32, #tpu.memory_space<hbm>>
    tpu.enqueue_dma source(%dma_start3A_101 : memref<2000xi32, #tpu.memory_space<hbm>>) target(%dma_start3A_100 : memref<2000xi32, #tpu.memory_space<vmem>>) target_semaphore(%arg11 : memref<!tpu.dma_semaphore, #tpu.memory_space<semaphore_mem>>)
    %mul3A_102 = arith.constant 10000 : i32
    %mul3A_103 = arith.muli %add3A, %mul3A_102 : i32
    %add3A_104 = arith.constant 8000 : i32
    %add3A_105 = arith.addi %mul3A_103, %add3A_104 : i32
    %dma_start3A_106 = arith.constant 4 : i32
    %dma_start3A_107 = arith.constant 0 : i32
    %dma_start3A_108 = tpu.memref_slice %arg5[%dma_start3A_106, %dma_start3A_107] : memref<5x2000xi32, #tpu.memory_space<vmem>> -> memref<1x2000xi32, #tpu.memory_space<vmem>>
    %dma_start3A_109 = tpu.memref_squeeze %dma_start3A_108 : memref<1x2000xi32, #tpu.memory_space<vmem>> -> memref<2000xi32, #tpu.memory_space<vmem>>
    %dma_start3A_110 = tpu.memref_slice %arg3[%add3A_105] : memref<640000xi32, #tpu.memory_space<hbm>> -> memref<2000xi32, #tpu.memory_space<hbm>>
    %dma_start3A_111 = arith.constant 0 : i32
    %dma_start3A_112 = tpu.memref_slice %arg5[%dma_start3A_106, %dma_start3A_111] : memref<5x2000xi32, #tpu.memory_space<vmem>> -> memref<1x2000xi32, #tpu.memory_space<vmem>>
    %dma_start3A_113 = tpu.memref_squeeze %dma_start3A_112 : memref<1x2000xi32, #tpu.memory_space<vmem>> -> memref<2000xi32, #tpu.memory_space<vmem>>
    %dma_start3A_114 = tpu.memref_slice %arg3[%add3A_105] : memref<640000xi32, #tpu.memory_space<hbm>> -> memref<2000xi32, #tpu.memory_space<hbm>>
    tpu.enqueue_dma source(%dma_start3A_114 : memref<2000xi32, #tpu.memory_space<hbm>>) target(%dma_start3A_113 : memref<2000xi32, #tpu.memory_space<vmem>>) target_semaphore(%arg11 : memref<!tpu.dma_semaphore, #tpu.memory_space<semaphore_mem>>)
    %add3A_115 = arith.constant 320000 : i32
    %add3A_116 = arith.addi %add3A_115, %add3A_105 : i32
    %dma_start3A_117 = arith.constant 4 : i32
    %dma_start3A_118 = arith.constant 0 : i32
    %dma_start3A_119 = tpu.memref_slice %arg6[%dma_start3A_117, %dma_start3A_118] : memref<5x2000xi32, #tpu.memory_space<vmem>> -> memref<1x2000xi32, #tpu.memory_space<vmem>>
    %dma_start3A_120 = tpu.memref_squeeze %dma_start3A_119 : memref<1x2000xi32, #tpu.memory_space<vmem>> -> memref<2000xi32, #tpu.memory_space<vmem>>
    %dma_start3A_121 = tpu.memref_slice %arg3[%add3A_116] : memref<640000xi32, #tpu.memory_space<hbm>> -> memref<2000xi32, #tpu.memory_space<hbm>>
    %dma_start3A_122 = arith.constant 0 : i32
    %dma_start3A_123 = tpu.memref_slice %arg6[%dma_start3A_117, %dma_start3A_122] : memref<5x2000xi32, #tpu.memory_space<vmem>> -> memref<1x2000xi32, #tpu.memory_space<vmem>>
    %dma_start3A_124 = tpu.memref_squeeze %dma_start3A_123 : memref<1x2000xi32, #tpu.memory_space<vmem>> -> memref<2000xi32, #tpu.memory_space<vmem>>
    %dma_start3A_125 = tpu.memref_slice %arg3[%add3A_116] : memref<640000xi32, #tpu.memory_space<hbm>> -> memref<2000xi32, #tpu.memory_space<hbm>>
    tpu.enqueue_dma source(%dma_start3A_125 : memref<2000xi32, #tpu.memory_space<hbm>>) target(%dma_start3A_124 : memref<2000xi32, #tpu.memory_space<vmem>>) target_semaphore(%arg11 : memref<!tpu.dma_semaphore, #tpu.memory_space<semaphore_mem>>)
    %mul3A_126 = arith.constant 640 : i32
    %mul3A_127 = arith.muli %arg1, %mul3A_126 : i32
    "tpu.region"() ({
      %run_scoped3A = tpu.sem_alloc : memref<!tpu.dma_semaphore, #tpu.memory_space<semaphore_mem>>
      %dma_start3A_435 = arith.constant 0 : i32
      %dma_start3A_436 = arith.constant 0 : i32
      %dma_start3A_437 = tpu.memref_slice %arg9[%dma_start3A_435, %dma_start3A_436] : memref<2000x16xf32, #tpu.memory_space<vmem>> -> memref<640x16xf32, #tpu.memory_space<vmem>>
      %dma_start3A_438 = arith.constant 0 : i32
      %dma_start3A_439 = tpu.memref_slice %arg10[%mul3A_127, %dma_start3A_438] : memref<10240x16xf32, #tpu.memory_space<vmem_shared>> -> memref<640x16xf32, #tpu.memory_space<vmem_shared>>
      %dma_start3A_440 = arith.constant 0 : i32
      %dma_start3A_441 = tpu.memref_slice %arg10[%mul3A_127, %dma_start3A_440] : memref<10240x16xf32, #tpu.memory_space<vmem_shared>> -> memref<640x16xf32, #tpu.memory_space<vmem_shared>>
      %dma_start3A_442 = arith.constant 0 : i32
      %dma_start3A_443 = arith.constant 0 : i32
      %dma_start3A_444 = tpu.memref_slice %arg9[%dma_start3A_442, %dma_start3A_443] : memref<2000x16xf32, #tpu.memory_space<vmem>> -> memref<640x16xf32, #tpu.memory_space<vmem>>
      tpu.enqueue_dma source(%dma_start3A_444 : memref<640x16xf32, #tpu.memory_space<vmem>>) target(%dma_start3A_441 : memref<640x16xf32, #tpu.memory_space<vmem_shared>>) target_semaphore(%run_scoped3A : memref<!tpu.dma_semaphore, #tpu.memory_space<semaphore_mem>>)
      %dma_wait3A_445 = arith.constant 0 : i32
      %dma_wait3A_446 = arith.constant 0 : i32
      %dma_wait3A_447 = tpu.memref_slice %arg9[%dma_wait3A_445, %dma_wait3A_446] : memref<2000x16xf32, #tpu.memory_space<vmem>> -> memref<640x16xf32, #tpu.memory_space<vmem>>
      %dma_wait3A_448 = arith.constant 0 : i32
      %dma_wait3A_449 = tpu.memref_slice %arg10[%mul3A_127, %dma_wait3A_448] : memref<10240x16xf32, #tpu.memory_space<vmem_shared>> -> memref<640x16xf32, #tpu.memory_space<vmem_shared>>
      %dma_wait3A_450 = arith.constant 0 : i32
      %dma_wait3A_451 = tpu.memref_slice %arg10[%mul3A_127, %dma_wait3A_450] : memref<10240x16xf32, #tpu.memory_space<vmem_shared>> -> memref<640x16xf32, #tpu.memory_space<vmem_shared>>
      %dma_wait3A_452 = arith.constant 0 : i32
      %dma_wait3A_453 = arith.constant 0 : i32
      %dma_wait3A_454 = tpu.memref_slice %arg9[%dma_wait3A_452, %dma_wait3A_453] : memref<2000x16xf32, #tpu.memory_space<vmem>> -> memref<640x16xf32, #tpu.memory_space<vmem>>
      tpu.wait_dma2 semaphore(%run_scoped3A : memref<!tpu.dma_semaphore, #tpu.memory_space<semaphore_mem>>) src(%dma_wait3A_454 : memref<640x16xf32, #tpu.memory_space<vmem>>) dst(%dma_wait3A_451 : memref<640x16xf32, #tpu.memory_space<vmem_shared>>)
      tpu.yield
    }) : () -> ()
    %dma_wait3A = arith.constant 0 : i32
    %dma_wait3A_128 = arith.constant 0 : i32
    %dma_wait3A_129 = tpu.memref_slice %arg5[%dma_wait3A, %dma_wait3A_128] : memref<5x2000xi32, #tpu.memory_space<vmem>> -> memref<1x2000xi32, #tpu.memory_space<vmem>>
    %dma_wait3A_130 = tpu.memref_squeeze %dma_wait3A_129 : memref<1x2000xi32, #tpu.memory_space<vmem>> -> memref<2000xi32, #tpu.memory_space<vmem>>
    %dma_wait3A_131 = tpu.memref_slice %arg3[%add3A_10] : memref<640000xi32, #tpu.memory_space<hbm>> -> memref<2000xi32, #tpu.memory_space<hbm>>
    %dma_wait3A_132 = arith.constant 0 : i32
    %dma_wait3A_133 = tpu.memref_slice %arg5[%dma_wait3A, %dma_wait3A_132] : memref<5x2000xi32, #tpu.memory_space<vmem>> -> memref<1x2000xi32, #tpu.memory_space<vmem>>
    %dma_wait3A_134 = tpu.memref_squeeze %dma_wait3A_133 : memref<1x2000xi32, #tpu.memory_space<vmem>> -> memref<2000xi32, #tpu.memory_space<vmem>>
    %dma_wait3A_135 = tpu.memref_slice %arg3[%add3A_10] : memref<640000xi32, #tpu.memory_space<hbm>> -> memref<2000xi32, #tpu.memory_space<hbm>>
    tpu.wait_dma2 semaphore(%arg11 : memref<!tpu.dma_semaphore, #tpu.memory_space<semaphore_mem>>) src(%dma_wait3A_135 : memref<2000xi32, #tpu.memory_space<hbm>>) dst(%dma_wait3A_134 : memref<2000xi32, #tpu.memory_space<vmem>>)
    %scan3A_136 = arith.constant 0 : i32
    %scan3A_137 = arith.constant 0 : i32
    %scan3A_138 = arith.constant 125 : i32
    %scan3A_139 = arith.addi %scan3A_137, %scan3A_138 : i32
    %scan3A_140 = arith.constant 1 : i32
    %scan3A_141 = scf.for %scan3A_435 = %scan3A_137 to %scan3A_139 step %scan3A_140 iter_args(%scan3A_436 = %scan3A_136) -> (i32)  : i32 {
      %mul3A_437 = arith.constant 16 : i32
      %mul3A_438 = arith.muli %scan3A_435, %mul3A_437 : i32
      %get3A = arith.constant 0 : i32
      %get3A_439 = arith.index_cast %get3A : i32 to index
      %get3A_440 = arith.index_cast %mul3A_438 : i32 to index
      %get3A_441 = tpu.vector_load %arg5[%get3A_439, %get3A_440] {strides = array<i32>} : memref<5x2000xi32, #tpu.memory_space<vmem>>, vector<1x16xi32>,
      %get3A_442 = vector.shape_cast %get3A_441 : vector<1x16xi32> to vector<16xi32>
      %shift_right_logical3A = arith.constant 8 : i32
      %shift_right_logical3A_443 = vector.broadcast %shift_right_logical3A : i32 to vector<16xi32>
      %shift_right_logical3A_444 = arith.shrui %get3A_442, %shift_right_logical3A_443 : vector<16xi32>
      %mul3A_445 = arith.constant 13108 : i32
      %mul3A_446 = vector.broadcast %mul3A_445 : i32 to vector<16xi32>
      %mul3A_447 = arith.muli %shift_right_logical3A_444, %mul3A_446 : vector<16xi32>
      %shift_right_logical3A_448 = arith.constant 16 : i32
      %shift_right_logical3A_449 = vector.broadcast %shift_right_logical3A_448 : i32 to vector<16xi32>
      %shift_right_logical3A_450 = arith.shrui %mul3A_447, %shift_right_logical3A_449 : vector<16xi32>
      %mul3A_451 = arith.constant 8 : i32
      %mul3A_452 = vector.broadcast %mul3A_451 : i32 to vector<16xi32>
      %mul3A_453 = arith.muli %get3A_442, %mul3A_452 : vector<16xi32>
      %mul3A_454 = arith.constant 10239 : i32
      %mul3A_455 = vector.broadcast %mul3A_454 : i32 to vector<16xi32>
      %mul3A_456 = arith.muli %shift_right_logical3A_450, %mul3A_455 : vector<16xi32>
      %sub3A = arith.subi %mul3A_453, %mul3A_456 : vector<16xi32>
      %mul3A_457 = arith.constant 16 : i32
      %mul3A_458 = arith.muli %scan3A_435, %mul3A_457 : i32
      %swap3A = arith.constant 0 : i32
      %swap3A_459 = arith.index_cast %swap3A : i32 to index
      %swap3A_460 = arith.index_cast %mul3A_458 : i32 to index
      %swap3A_461 = tpu.vector_load %arg5[%swap3A_459, %swap3A_460] {strides = array<i32>} : memref<5x2000xi32, #tpu.memory_space<vmem>>, vector<1x16xi32>,
      %swap3A_462 = vector.shape_cast %swap3A_461 : vector<1x16xi32> to vector<16xi32>
      %swap3A_463 = vector.shape_cast %sub3A : vector<16xi32> to vector<1x16xi32>
      tpu.vector_store %arg5[%swap3A_459, %swap3A_460], %swap3A_463 {strides = array<i32>} : memref<5x2000xi32, #tpu.memory_space<vmem>>, vector<1x16xi32>,
      %scan3A_464 = arith.constant 0 : i32
      scf.yield %scan3A_464 : i32
    }
    %scan3A_142 = arith.constant 125 : i32
    %dma_wait3A_143 = arith.constant 0 : i32
    %dma_wait3A_144 = arith.constant 0 : i32
    %dma_wait3A_145 = tpu.memref_slice %arg6[%dma_wait3A_143, %dma_wait3A_144] : memref<5x2000xi32, #tpu.memory_space<vmem>> -> memref<1x2000xi32, #tpu.memory_space<vmem>>
    %dma_wait3A_146 = tpu.memref_squeeze %dma_wait3A_145 : memref<1x2000xi32, #tpu.memory_space<vmem>> -> memref<2000xi32, #tpu.memory_space<vmem>>
    %dma_wait3A_147 = tpu.memref_slice %arg3[%add3A_20] : memref<640000xi32, #tpu.memory_space<hbm>> -> memref<2000xi32, #tpu.memory_space<hbm>>
    %dma_wait3A_148 = arith.constant 0 : i32
    %dma_wait3A_149 = tpu.memref_slice %arg6[%dma_wait3A_143, %dma_wait3A_148] : memref<5x2000xi32, #tpu.memory_space<vmem>> -> memref<1x2000xi32, #tpu.memory_space<vmem>>
    %dma_wait3A_150 = tpu.memref_squeeze %dma_wait3A_149 : memref<1x2000xi32, #tpu.memory_space<vmem>> -> memref<2000xi32, #tpu.memory_space<vmem>>
    %dma_wait3A_151 = tpu.memref_slice %arg3[%add3A_20] : memref<640000xi32, #tpu.memory_space<hbm>> -> memref<2000xi32, #tpu.memory_space<hbm>>
    tpu.wait_dma2 semaphore(%arg11 : memref<!tpu.dma_semaphore, #tpu.memory_space<semaphore_mem>>) src(%dma_wait3A_151 : memref<2000xi32, #tpu.memory_space<hbm>>) dst(%dma_wait3A_150 : memref<2000xi32, #tpu.memory_space<vmem>>)
    %dma_wait3A_152 = arith.constant 1 : i32
    %dma_wait3A_153 = arith.constant 0 : i32
    %dma_wait3A_154 = tpu.memref_slice %arg5[%dma_wait3A_152, %dma_wait3A_153] : memref<5x2000xi32, #tpu.memory_space<vmem>> -> memref<1x2000xi32, #tpu.memory_space<vmem>>
    %dma_wait3A_155 = tpu.memref_squeeze %dma_wait3A_154 : memref<1x2000xi32, #tpu.memory_space<vmem>> -> memref<2000xi32, #tpu.memory_space<vmem>>
    %dma_wait3A_156 = tpu.memref_slice %arg3[%add3A_33] : memref<640000xi32, #tpu.memory_space<hbm>> -> memref<2000xi32, #tpu.memory_space<hbm>>
    %dma_wait3A_157 = arith.constant 0 : i32
    %dma_wait3A_158 = tpu.memref_slice %arg5[%dma_wait3A_152, %dma_wait3A_157] : memref<5x2000xi32, #tpu.memory_space<vmem>> -> memref<1x2000xi32, #tpu.memory_space<vmem>>
    %dma_wait3A_159 = tpu.memref_squeeze %dma_wait3A_158 : memref<1x2000xi32, #tpu.memory_space<vmem>> -> memref<2000xi32, #tpu.memory_space<vmem>>
    %dma_wait3A_160 = tpu.memref_slice %arg3[%add3A_33] : memref<640000xi32, #tpu.memory_space<hbm>> -> memref<2000xi32, #tpu.memory_space<hbm>>
    tpu.wait_dma2 semaphore(%arg11 : memref<!tpu.dma_semaphore, #tpu.memory_space<semaphore_mem>>) src(%dma_wait3A_160 : memref<2000xi32, #tpu.memory_space<hbm>>) dst(%dma_wait3A_159 : memref<2000xi32, #tpu.memory_space<vmem>>)
    %dma_wait3A_161 = arith.constant 1 : i32
    %dma_wait3A_162 = arith.constant 0 : i32
    %dma_wait3A_163 = tpu.memref_slice %arg6[%dma_wait3A_161, %dma_wait3A_162] : memref<5x2000xi32, #tpu.memory_space<vmem>> -> memref<1x2000xi32, #tpu.memory_space<vmem>>
    %dma_wait3A_164 = tpu.memref_squeeze %dma_wait3A_163 : memref<1x2000xi32, #tpu.memory_space<vmem>> -> memref<2000xi32, #tpu.memory_space<vmem>>
    %dma_wait3A_165 = tpu.memref_slice %arg3[%add3A_44] : memref<640000xi32, #tpu.memory_space<hbm>> -> memref<2000xi32, #tpu.memory_space<hbm>>
    %dma_wait3A_166 = arith.constant 0 : i32
    %dma_wait3A_167 = tpu.memref_slice %arg6[%dma_wait3A_161, %dma_wait3A_166] : memref<5x2000xi32, #tpu.memory_space<vmem>> -> memref<1x2000xi32, #tpu.memory_space<vmem>>
    %dma_wait3A_168 = tpu.memref_squeeze %dma_wait3A_167 : memref<1x2000xi32, #tpu.memory_space<vmem>> -> memref<2000xi32, #tpu.memory_space<vmem>>
    %dma_wait3A_169 = tpu.memref_slice %arg3[%add3A_44] : memref<640000xi32, #tpu.memory_space<hbm>> -> memref<2000xi32, #tpu.memory_space<hbm>>
    tpu.wait_dma2 semaphore(%arg11 : memref<!tpu.dma_semaphore, #tpu.memory_space<semaphore_mem>>) src(%dma_wait3A_169 : memref<2000xi32, #tpu.memory_space<hbm>>) dst(%dma_wait3A_168 : memref<2000xi32, #tpu.memory_space<vmem>>)
    %dma_wait3A_170 = arith.constant 2 : i32
    %dma_wait3A_171 = arith.constant 0 : i32
    %dma_wait3A_172 = tpu.memref_slice %arg5[%dma_wait3A_170, %dma_wait3A_171] : memref<5x2000xi32, #tpu.memory_space<vmem>> -> memref<1x2000xi32, #tpu.memory_space<vmem>>
    %dma_wait3A_173 = tpu.memref_squeeze %dma_wait3A_172 : memref<1x2000xi32, #tpu.memory_space<vmem>> -> memref<2000xi32, #tpu.memory_space<vmem>>
    %dma_wait3A_174 = tpu.memref_slice %arg3[%add3A_57] : memref<640000xi32, #tpu.memory_space<hbm>> -> memref<2000xi32, #tpu.memory_space<hbm>>
    %dma_wait3A_175 = arith.constant 0 : i32
    %dma_wait3A_176 = tpu.memref_slice %arg5[%dma_wait3A_170, %dma_wait3A_175] : memref<5x2000xi32, #tpu.memory_space<vmem>> -> memref<1x2000xi32, #tpu.memory_space<vmem>>
    %dma_wait3A_177 = tpu.memref_squeeze %dma_wait3A_176 : memref<1x2000xi32, #tpu.memory_space<vmem>> -> memref<2000xi32, #tpu.memory_space<vmem>>
    %dma_wait3A_178 = tpu.memref_slice %arg3[%add3A_57] : memref<640000xi32, #tpu.memory_space<hbm>> -> memref<2000xi32, #tpu.memory_space<hbm>>
    tpu.wait_dma2 semaphore(%arg11 : memref<!tpu.dma_semaphore, #tpu.memory_space<semaphore_mem>>) src(%dma_wait3A_178 : memref<2000xi32, #tpu.memory_space<hbm>>) dst(%dma_wait3A_177 : memref<2000xi32, #tpu.memory_space<vmem>>)
    %dma_wait3A_179 = arith.constant 2 : i32
    %dma_wait3A_180 = arith.constant 0 : i32
    %dma_wait3A_181 = tpu.memref_slice %arg6[%dma_wait3A_179, %dma_wait3A_180] : memref<5x2000xi32, #tpu.memory_space<vmem>> -> memref<1x2000xi32, #tpu.memory_space<vmem>>
    %dma_wait3A_182 = tpu.memref_squeeze %dma_wait3A_181 : memref<1x2000xi32, #tpu.memory_space<vmem>> -> memref<2000xi32, #tpu.memory_space<vmem>>
    %dma_wait3A_183 = tpu.memref_slice %arg3[%add3A_68] : memref<640000xi32, #tpu.memory_space<hbm>> -> memref<2000xi32, #tpu.memory_space<hbm>>
    %dma_wait3A_184 = arith.constant 0 : i32
    %dma_wait3A_185 = tpu.memref_slice %arg6[%dma_wait3A_179, %dma_wait3A_184] : memref<5x2000xi32, #tpu.memory_space<vmem>> -> memref<1x2000xi32, #tpu.memory_space<vmem>>
    %dma_wait3A_186 = tpu.memref_squeeze %dma_wait3A_185 : memref<1x2000xi32, #tpu.memory_space<vmem>> -> memref<2000xi32, #tpu.memory_space<vmem>>
    %dma_wait3A_187 = tpu.memref_slice %arg3[%add3A_68] : memref<640000xi32, #tpu.memory_space<hbm>> -> memref<2000xi32, #tpu.memory_space<hbm>>
    tpu.wait_dma2 semaphore(%arg11 : memref<!tpu.dma_semaphore, #tpu.memory_space<semaphore_mem>>) src(%dma_wait3A_187 : memref<2000xi32, #tpu.memory_space<hbm>>) dst(%dma_wait3A_186 : memref<2000xi32, #tpu.memory_space<vmem>>)
    %dma_wait3A_188 = arith.constant 3 : i32
    %dma_wait3A_189 = arith.constant 0 : i32
    %dma_wait3A_190 = tpu.memref_slice %arg5[%dma_wait3A_188, %dma_wait3A_189] : memref<5x2000xi32, #tpu.memory_space<vmem>> -> memref<1x2000xi32, #tpu.memory_space<vmem>>
    %dma_wait3A_191 = tpu.memref_squeeze %dma_wait3A_190 : memref<1x2000xi32, #tpu.memory_space<vmem>> -> memref<2000xi32, #tpu.memory_space<vmem>>
    %dma_wait3A_192 = tpu.memref_slice %arg3[%add3A_81] : memref<640000xi32, #tpu.memory_space<hbm>> -> memref<2000xi32, #tpu.memory_space<hbm>>
    %dma_wait3A_193 = arith.constant 0 : i32
    %dma_wait3A_194 = tpu.memref_slice %arg5[%dma_wait3A_188, %dma_wait3A_193] : memref<5x2000xi32, #tpu.memory_space<vmem>> -> memref<1x2000xi32, #tpu.memory_space<vmem>>
    %dma_wait3A_195 = tpu.memref_squeeze %dma_wait3A_194 : memref<1x2000xi32, #tpu.memory_space<vmem>> -> memref<2000xi32, #tpu.memory_space<vmem>>
    %dma_wait3A_196 = tpu.memref_slice %arg3[%add3A_81] : memref<640000xi32, #tpu.memory_space<hbm>> -> memref<2000xi32, #tpu.memory_space<hbm>>
    tpu.wait_dma2 semaphore(%arg11 : memref<!tpu.dma_semaphore, #tpu.memory_space<semaphore_mem>>) src(%dma_wait3A_196 : memref<2000xi32, #tpu.memory_space<hbm>>) dst(%dma_wait3A_195 : memref<2000xi32, #tpu.memory_space<vmem>>)
    %dma_wait3A_197 = arith.constant 3 : i32
    %dma_wait3A_198 = arith.constant 0 : i32
    %dma_wait3A_199 = tpu.memref_slice %arg6[%dma_wait3A_197, %dma_wait3A_198] : memref<5x2000xi32, #tpu.memory_space<vmem>> -> memref<1x2000xi32, #tpu.memory_space<vmem>>
    %dma_wait3A_200 = tpu.memref_squeeze %dma_wait3A_199 : memref<1x2000xi32, #tpu.memory_space<vmem>> -> memref<2000xi32, #tpu.memory_space<vmem>>
    %dma_wait3A_201 = tpu.memref_slice %arg3[%add3A_92] : memref<640000xi32, #tpu.memory_space<hbm>> -> memref<2000xi32, #tpu.memory_space<hbm>>
    %dma_wait3A_202 = arith.constant 0 : i32
    %dma_wait3A_203 = tpu.memref_slice %arg6[%dma_wait3A_197, %dma_wait3A_202] : memref<5x2000xi32, #tpu.memory_space<vmem>> -> memref<1x2000xi32, #tpu.memory_space<vmem>>
    %dma_wait3A_204 = tpu.memref_squeeze %dma_wait3A_203 : memref<1x2000xi32, #tpu.memory_space<vmem>> -> memref<2000xi32, #tpu.memory_space<vmem>>
    %dma_wait3A_205 = tpu.memref_slice %arg3[%add3A_92] : memref<640000xi32, #tpu.memory_space<hbm>> -> memref<2000xi32, #tpu.memory_space<hbm>>
    tpu.wait_dma2 semaphore(%arg11 : memref<!tpu.dma_semaphore, #tpu.memory_space<semaphore_mem>>) src(%dma_wait3A_205 : memref<2000xi32, #tpu.memory_space<hbm>>) dst(%dma_wait3A_204 : memref<2000xi32, #tpu.memory_space<vmem>>)
    %dma_wait3A_206 = arith.constant 4 : i32
    %dma_wait3A_207 = arith.constant 0 : i32
    %dma_wait3A_208 = tpu.memref_slice %arg5[%dma_wait3A_206, %dma_wait3A_207] : memref<5x2000xi32, #tpu.memory_space<vmem>> -> memref<1x2000xi32, #tpu.memory_space<vmem>>
    %dma_wait3A_209 = tpu.memref_squeeze %dma_wait3A_208 : memref<1x2000xi32, #tpu.memory_space<vmem>> -> memref<2000xi32, #tpu.memory_space<vmem>>
    %dma_wait3A_210 = tpu.memref_slice %arg3[%add3A_105] : memref<640000xi32, #tpu.memory_space<hbm>> -> memref<2000xi32, #tpu.memory_space<hbm>>
    %dma_wait3A_211 = arith.constant 0 : i32
    %dma_wait3A_212 = tpu.memref_slice %arg5[%dma_wait3A_206, %dma_wait3A_211] : memref<5x2000xi32, #tpu.memory_space<vmem>> -> memref<1x2000xi32, #tpu.memory_space<vmem>>
    %dma_wait3A_213 = tpu.memref_squeeze %dma_wait3A_212 : memref<1x2000xi32, #tpu.memory_space<vmem>> -> memref<2000xi32, #tpu.memory_space<vmem>>
    %dma_wait3A_214 = tpu.memref_slice %arg3[%add3A_105] : memref<640000xi32, #tpu.memory_space<hbm>> -> memref<2000xi32, #tpu.memory_space<hbm>>
    tpu.wait_dma2 semaphore(%arg11 : memref<!tpu.dma_semaphore, #tpu.memory_space<semaphore_mem>>) src(%dma_wait3A_214 : memref<2000xi32, #tpu.memory_space<hbm>>) dst(%dma_wait3A_213 : memref<2000xi32, #tpu.memory_space<vmem>>)
    %dma_wait3A_215 = arith.constant 4 : i32
    %dma_wait3A_216 = arith.constant 0 : i32
    %dma_wait3A_217 = tpu.memref_slice %arg6[%dma_wait3A_215, %dma_wait3A_216] : memref<5x2000xi32, #tpu.memory_space<vmem>> -> memref<1x2000xi32, #tpu.memory_space<vmem>>
    %dma_wait3A_218 = tpu.memref_squeeze %dma_wait3A_217 : memref<1x2000xi32, #tpu.memory_space<vmem>> -> memref<2000xi32, #tpu.memory_space<vmem>>
    %dma_wait3A_219 = tpu.memref_slice %arg3[%add3A_116] : memref<640000xi32, #tpu.memory_space<hbm>> -> memref<2000xi32, #tpu.memory_space<hbm>>
    %dma_wait3A_220 = arith.constant 0 : i32
    %dma_wait3A_221 = tpu.memref_slice %arg6[%dma_wait3A_215, %dma_wait3A_220] : memref<5x2000xi32, #tpu.memory_space<vmem>> -> memref<1x2000xi32, #tpu.memory_space<vmem>>
    %dma_wait3A_222 = tpu.memref_squeeze %dma_wait3A_221 : memref<1x2000xi32, #tpu.memory_space<vmem>> -> memref<2000xi32, #tpu.memory_space<vmem>>
    %dma_wait3A_223 = tpu.memref_slice %arg3[%add3A_116] : memref<640000xi32, #tpu.memory_space<hbm>> -> memref<2000xi32, #tpu.memory_space<hbm>>
    tpu.wait_dma2 semaphore(%arg11 : memref<!tpu.dma_semaphore, #tpu.memory_space<semaphore_mem>>) src(%dma_wait3A_223 : memref<2000xi32, #tpu.memory_space<hbm>>) dst(%dma_wait3A_222 : memref<2000xi32, #tpu.memory_space<vmem>>)
    %barrier3A = arith.constant 0 : index
    tpu.barrier barrier_id(%barrier3A)
    %dma_start3A_224 = arith.constant 0 : i32
    %dma_start3A_225 = arith.constant 0 : i32
    %dma_start3A_226 = tpu.memref_slice %arg5[%dma_start3A_224, %dma_start3A_225] : memref<5x2000xi32, #tpu.memory_space<vmem>> -> memref<1x2000xi32, #tpu.memory_space<vmem>>
    %dma_start3A_227 = tpu.memref_squeeze %dma_start3A_226 : memref<1x2000xi32, #tpu.memory_space<vmem>> -> memref<2000xi32, #tpu.memory_space<vmem>>
    %dma_start3A_228 = arith.constant 0 : i32
    %dma_start3A_229 = arith.constant 0 : i32
    %dma_start3A_230 = tpu.memref_slice %arg2[%dma_start3A_228, %dma_start3A_229] : memref<10240x16xf32, #tpu.memory_space<hbm>> -> memref<10240x16xf32, #tpu.memory_space<hbm>>
    tpu.enqueue_indirect_dma source(%dma_start3A_230 : memref<10240x16xf32, #tpu.memory_space<hbm>>) target(%arg7 : memref<2000x16xf32, #tpu.memory_space<vmem>>) offsets(%dma_start3A_227 : memref<2000xi32, #tpu.memory_space<vmem>>) semaphore(%arg12 : memref<!tpu.dma_semaphore, #tpu.memory_space<semaphore_mem>>)
    %scan3A_231 = arith.constant 0 : i32
    %scan3A_232 = arith.constant 0 : i32
    %scan3A_233 = arith.constant 125 : i32
    %scan3A_234 = arith.addi %scan3A_232, %scan3A_233 : i32
    %scan3A_235 = arith.constant 1 : i32
    %scan3A_236 = scf.for %scan3A_435 = %scan3A_232 to %scan3A_234 step %scan3A_235 iter_args(%scan3A_436 = %scan3A_231) -> (i32)  : i32 {
      %mul3A_437 = arith.constant 16 : i32
      %mul3A_438 = arith.muli %scan3A_435, %mul3A_437 : i32
      %get3A = arith.constant 0 : i32
      %get3A_439 = arith.index_cast %get3A : i32 to index
      %get3A_440 = arith.index_cast %mul3A_438 : i32 to index
      %get3A_441 = tpu.vector_load %arg6[%get3A_439, %get3A_440] {strides = array<i32>} : memref<5x2000xi32, #tpu.memory_space<vmem>>, vector<1x16xi32>,
      %get3A_442 = vector.shape_cast %get3A_441 : vector<1x16xi32> to vector<16xi32>
      %shift_right_logical3A = arith.constant 8 : i32
      %shift_right_logical3A_443 = vector.broadcast %shift_right_logical3A : i32 to vector<16xi32>
      %shift_right_logical3A_444 = arith.shrui %get3A_442, %shift_right_logical3A_443 : vector<16xi32>
      %mul3A_445 = arith.constant 13108 : i32
      %mul3A_446 = vector.broadcast %mul3A_445 : i32 to vector<16xi32>
      %mul3A_447 = arith.muli %shift_right_logical3A_444, %mul3A_446 : vector<16xi32>
      %shift_right_logical3A_448 = arith.constant 16 : i32
      %shift_right_logical3A_449 = vector.broadcast %shift_right_logical3A_448 : i32 to vector<16xi32>
      %shift_right_logical3A_450 = arith.shrui %mul3A_447, %shift_right_logical3A_449 : vector<16xi32>
      %mul3A_451 = arith.constant 8 : i32
      %mul3A_452 = vector.broadcast %mul3A_451 : i32 to vector<16xi32>
      %mul3A_453 = arith.muli %get3A_442, %mul3A_452 : vector<16xi32>
      %mul3A_454 = arith.constant 10239 : i32
      %mul3A_455 = vector.broadcast %mul3A_454 : i32 to vector<16xi32>
      %mul3A_456 = arith.muli %shift_right_logical3A_450, %mul3A_455 : vector<16xi32>
      %sub3A = arith.subi %mul3A_453, %mul3A_456 : vector<16xi32>
      %mul3A_457 = arith.constant 16 : i32
      %mul3A_458 = arith.muli %scan3A_435, %mul3A_457 : i32
      %swap3A = arith.constant 0 : i32
      %swap3A_459 = arith.index_cast %swap3A : i32 to index
      %swap3A_460 = arith.index_cast %mul3A_458 : i32 to index
      %swap3A_461 = tpu.vector_load %arg6[%swap3A_459, %swap3A_460] {strides = array<i32>} : memref<5x2000xi32, #tpu.memory_space<vmem>>, vector<1x16xi32>,
      %swap3A_462 = vector.shape_cast %swap3A_461 : vector<1x16xi32> to vector<16xi32>
      %swap3A_463 = vector.shape_cast %sub3A : vector<16xi32> to vector<1x16xi32>
      tpu.vector_store %arg6[%swap3A_459, %swap3A_460], %swap3A_463 {strides = array<i32>} : memref<5x2000xi32, #tpu.memory_space<vmem>>, vector<1x16xi32>,
      %scan3A_464 = arith.constant 0 : i32
      scf.yield %scan3A_464 : i32
    }
    %scan3A_237 = arith.constant 125 : i32
    %scan3A_238 = arith.constant 0 : i32
    %scan3A_239 = arith.constant 0 : i32
    %scan3A_240 = arith.constant 125 : i32
    %scan3A_241 = arith.addi %scan3A_239, %scan3A_240 : i32
    %scan3A_242 = arith.constant 1 : i32
    %scan3A_243 = scf.for %scan3A_435 = %scan3A_239 to %scan3A_241 step %scan3A_242 iter_args(%scan3A_436 = %scan3A_238) -> (i32)  : i32 {
      %mul3A_437 = arith.constant 16 : i32
      %mul3A_438 = arith.muli %scan3A_435, %mul3A_437 : i32
      %get3A = arith.constant 1 : i32
      %get3A_439 = arith.index_cast %get3A : i32 to index
      %get3A_440 = arith.index_cast %mul3A_438 : i32 to index
      %get3A_441 = tpu.vector_load %arg5[%get3A_439, %get3A_440] {strides = array<i32>} : memref<5x2000xi32, #tpu.memory_space<vmem>>, vector<1x16xi32>,
      %get3A_442 = vector.shape_cast %get3A_441 : vector<1x16xi32> to vector<16xi32>
      %shift_right_logical3A = arith.constant 8 : i32
      %shift_right_logical3A_443 = vector.broadcast %shift_right_logical3A : i32 to vector<16xi32>
      %shift_right_logical3A_444 = arith.shrui %get3A_442, %shift_right_logical3A_443 : vector<16xi32>
      %mul3A_445 = arith.constant 13108 : i32
      %mul3A_446 = vector.broadcast %mul3A_445 : i32 to vector<16xi32>
      %mul3A_447 = arith.muli %shift_right_logical3A_444, %mul3A_446 : vector<16xi32>
      %shift_right_logical3A_448 = arith.constant 16 : i32
      %shift_right_logical3A_449 = vector.broadcast %shift_right_logical3A_448 : i32 to vector<16xi32>
      %shift_right_logical3A_450 = arith.shrui %mul3A_447, %shift_right_logical3A_449 : vector<16xi32>
      %mul3A_451 = arith.constant 8 : i32
      %mul3A_452 = vector.broadcast %mul3A_451 : i32 to vector<16xi32>
      %mul3A_453 = arith.muli %get3A_442, %mul3A_452 : vector<16xi32>
      %mul3A_454 = arith.constant 10239 : i32
      %mul3A_455 = vector.broadcast %mul3A_454 : i32 to vector<16xi32>
      %mul3A_456 = arith.muli %shift_right_logical3A_450, %mul3A_455 : vector<16xi32>
      %sub3A = arith.subi %mul3A_453, %mul3A_456 : vector<16xi32>
      %mul3A_457 = arith.constant 16 : i32
      %mul3A_458 = arith.muli %scan3A_435, %mul3A_457 : i32
      %swap3A = arith.constant 1 : i32
      %swap3A_459 = arith.index_cast %swap3A : i32 to index
      %swap3A_460 = arith.index_cast %mul3A_458 : i32 to index
      %swap3A_461 = tpu.vector_load %arg5[%swap3A_459, %swap3A_460] {strides = array<i32>} : memref<5x2000xi32, #tpu.memory_space<vmem>>, vector<1x16xi32>,
      %swap3A_462 = vector.shape_cast %swap3A_461 : vector<1x16xi32> to vector<16xi32>
      %swap3A_463 = vector.shape_cast %sub3A : vector<16xi32> to vector<1x16xi32>
      tpu.vector_store %arg5[%swap3A_459, %swap3A_460], %swap3A_463 {strides = array<i32>} : memref<5x2000xi32, #tpu.memory_space<vmem>>, vector<1x16xi32>,
      %scan3A_464 = arith.constant 0 : i32
      scf.yield %scan3A_464 : i32
    }
    %scan3A_244 = arith.constant 125 : i32
    %scan3A_245 = arith.constant 0 : i32
    %scan3A_246 = arith.constant 0 : i32
    %scan3A_247 = arith.constant 125 : i32
    %scan3A_248 = arith.addi %scan3A_246, %scan3A_247 : i32
    %scan3A_249 = arith.constant 1 : i32
    %scan3A_250 = scf.for %scan3A_435 = %scan3A_246 to %scan3A_248 step %scan3A_249 iter_args(%scan3A_436 = %scan3A_245) -> (i32)  : i32 {
      %mul3A_437 = arith.constant 16 : i32
      %mul3A_438 = arith.muli %scan3A_435, %mul3A_437 : i32
      %get3A = arith.constant 1 : i32
      %get3A_439 = arith.index_cast %get3A : i32 to index
      %get3A_440 = arith.index_cast %mul3A_438 : i32 to index
      %get3A_441 = tpu.vector_load %arg6[%get3A_439, %get3A_440] {strides = array<i32>} : memref<5x2000xi32, #tpu.memory_space<vmem>>, vector<1x16xi32>,
      %get3A_442 = vector.shape_cast %get3A_441 : vector<1x16xi32> to vector<16xi32>
      %shift_right_logical3A = arith.constant 8 : i32
      %shift_right_logical3A_443 = vector.broadcast %shift_right_logical3A : i32 to vector<16xi32>
      %shift_right_logical3A_444 = arith.shrui %get3A_442, %shift_right_logical3A_443 : vector<16xi32>
      %mul3A_445 = arith.constant 13108 : i32
      %mul3A_446 = vector.broadcast %mul3A_445 : i32 to vector<16xi32>
      %mul3A_447 = arith.muli %shift_right_logical3A_444, %mul3A_446 : vector<16xi32>
      %shift_right_logical3A_448 = arith.constant 16 : i32
      %shift_right_logical3A_449 = vector.broadcast %shift_right_logical3A_448 : i32 to vector<16xi32>
      %shift_right_logical3A_450 = arith.shrui %mul3A_447, %shift_right_logical3A_449 : vector<16xi32>
      %mul3A_451 = arith.constant 8 : i32
      %mul3A_452 = vector.broadcast %mul3A_451 : i32 to vector<16xi32>
      %mul3A_453 = arith.muli %get3A_442, %mul3A_452 : vector<16xi32>
      %mul3A_454 = arith.constant 10239 : i32
      %mul3A_455 = vector.broadcast %mul3A_454 : i32 to vector<16xi32>
      %mul3A_456 = arith.muli %shift_right_logical3A_450, %mul3A_455 : vector<16xi32>
      %sub3A = arith.subi %mul3A_453, %mul3A_456 : vector<16xi32>
      %mul3A_457 = arith.constant 16 : i32
      %mul3A_458 = arith.muli %scan3A_435, %mul3A_457 : i32
      %swap3A = arith.constant 1 : i32
      %swap3A_459 = arith.index_cast %swap3A : i32 to index
      %swap3A_460 = arith.index_cast %mul3A_458 : i32 to index
      %swap3A_461 = tpu.vector_load %arg6[%swap3A_459, %swap3A_460] {strides = array<i32>} : memref<5x2000xi32, #tpu.memory_space<vmem>>, vector<1x16xi32>,
      %swap3A_462 = vector.shape_cast %swap3A_461 : vector<1x16xi32> to vector<16xi32>
      %swap3A_463 = vector.shape_cast %sub3A : vector<16xi32> to vector<1x16xi32>
      tpu.vector_store %arg6[%swap3A_459, %swap3A_460], %swap3A_463 {strides = array<i32>} : memref<5x2000xi32, #tpu.memory_space<vmem>>, vector<1x16xi32>,
      %scan3A_464 = arith.constant 0 : i32
      scf.yield %scan3A_464 : i32
    }
    %scan3A_251 = arith.constant 125 : i32
    %dma_wait3A_252 = arith.constant 0 : i32
    %dma_wait3A_253 = arith.constant 0 : i32
    %dma_wait3A_254 = tpu.memref_slice %arg5[%dma_wait3A_252, %dma_wait3A_253] : memref<5x2000xi32, #tpu.memory_space<vmem>> -> memref<1x2000xi32, #tpu.memory_space<vmem>>
    %dma_wait3A_255 = tpu.memref_squeeze %dma_wait3A_254 : memref<1x2000xi32, #tpu.memory_space<vmem>> -> memref<2000xi32, #tpu.memory_space<vmem>>
    %dma_wait3A_256 = arith.constant 0 : i32
    %dma_wait3A_257 = arith.constant 0 : i32
    %dma_wait3A_258 = tpu.memref_slice %arg2[%dma_wait3A_256, %dma_wait3A_257] : memref<10240x16xf32, #tpu.memory_space<hbm>> -> memref<10240x16xf32, #tpu.memory_space<hbm>>
    tpu.wait_indirect_dma semaphore(%arg12 : memref<!tpu.dma_semaphore, #tpu.memory_space<semaphore_mem>>) src(%dma_wait3A_258 : memref<10240x16xf32, #tpu.memory_space<hbm>>) dst(%arg7 : memref<2000x16xf32, #tpu.memory_space<vmem>>)
    %dma_start3A_259 = arith.constant 1 : i32
    %dma_start3A_260 = arith.constant 0 : i32
    %dma_start3A_261 = tpu.memref_slice %arg5[%dma_start3A_259, %dma_start3A_260] : memref<5x2000xi32, #tpu.memory_space<vmem>> -> memref<1x2000xi32, #tpu.memory_space<vmem>>
    %dma_start3A_262 = tpu.memref_squeeze %dma_start3A_261 : memref<1x2000xi32, #tpu.memory_space<vmem>> -> memref<2000xi32, #tpu.memory_space<vmem>>
    %dma_start3A_263 = arith.constant 0 : i32
    %dma_start3A_264 = arith.constant 0 : i32
    %dma_start3A_265 = tpu.memref_slice %arg2[%dma_start3A_263, %dma_start3A_264] : memref<10240x16xf32, #tpu.memory_space<hbm>> -> memref<10240x16xf32, #tpu.memory_space<hbm>>
    tpu.enqueue_indirect_dma source(%dma_start3A_265 : memref<10240x16xf32, #tpu.memory_space<hbm>>) target(%arg8 : memref<2000x16xf32, #tpu.memory_space<vmem>>) offsets(%dma_start3A_262 : memref<2000xi32, #tpu.memory_space<vmem>>) semaphore(%arg13 : memref<!tpu.dma_semaphore, #tpu.memory_space<semaphore_mem>>)
    %dma_start3A_266 = arith.constant 0 : i32
    %dma_start3A_267 = arith.constant 0 : i32
    %dma_start3A_268 = tpu.memref_slice %arg6[%dma_start3A_266, %dma_start3A_267] : memref<5x2000xi32, #tpu.memory_space<vmem>> -> memref<1x2000xi32, #tpu.memory_space<vmem>>
    %dma_start3A_269 = tpu.memref_squeeze %dma_start3A_268 : memref<1x2000xi32, #tpu.memory_space<vmem>> -> memref<2000xi32, #tpu.memory_space<vmem>>
    %dma_start3A_270 = arith.constant 0 : i32
    %dma_start3A_271 = arith.constant 0 : i32
    %dma_start3A_272 = tpu.memref_slice %arg10[%dma_start3A_270, %dma_start3A_271] : memref<10240x16xf32, #tpu.memory_space<vmem_shared>> -> memref<10240x16xf32, #tpu.memory_space<vmem_shared>>
    tpu.enqueue_indirect_dma source(%arg7 : memref<2000x16xf32, #tpu.memory_space<vmem>>) target(%dma_start3A_272 : memref<10240x16xf32, #tpu.memory_space<vmem_shared>>) offsets(%dma_start3A_269 : memref<2000xi32, #tpu.memory_space<vmem>>) semaphore(%arg15 : memref<!tpu.dma_semaphore, #tpu.memory_space<semaphore_mem>>) {add = true}
    %scan3A_273 = arith.constant 0 : i32
    %scan3A_274 = arith.constant 0 : i32
    %scan3A_275 = arith.constant 125 : i32
    %scan3A_276 = arith.addi %scan3A_274, %scan3A_275 : i32
    %scan3A_277 = arith.constant 1 : i32
    %scan3A_278 = scf.for %scan3A_435 = %scan3A_274 to %scan3A_276 step %scan3A_277 iter_args(%scan3A_436 = %scan3A_273) -> (i32)  : i32 {
      %mul3A_437 = arith.constant 16 : i32
      %mul3A_438 = arith.muli %scan3A_435, %mul3A_437 : i32
      %get3A = arith.constant 2 : i32
      %get3A_439 = arith.index_cast %get3A : i32 to index
      %get3A_440 = arith.index_cast %mul3A_438 : i32 to index
      %get3A_441 = tpu.vector_load %arg5[%get3A_439, %get3A_440] {strides = array<i32>} : memref<5x2000xi32, #tpu.memory_space<vmem>>, vector<1x16xi32>,
      %get3A_442 = vector.shape_cast %get3A_441 : vector<1x16xi32> to vector<16xi32>
      %shift_right_logical3A = arith.constant 8 : i32
      %shift_right_logical3A_443 = vector.broadcast %shift_right_logical3A : i32 to vector<16xi32>
      %shift_right_logical3A_444 = arith.shrui %get3A_442, %shift_right_logical3A_443 : vector<16xi32>
      %mul3A_445 = arith.constant 13108 : i32
      %mul3A_446 = vector.broadcast %mul3A_445 : i32 to vector<16xi32>
      %mul3A_447 = arith.muli %shift_right_logical3A_444, %mul3A_446 : vector<16xi32>
      %shift_right_logical3A_448 = arith.constant 16 : i32
      %shift_right_logical3A_449 = vector.broadcast %shift_right_logical3A_448 : i32 to vector<16xi32>
      %shift_right_logical3A_450 = arith.shrui %mul3A_447, %shift_right_logical3A_449 : vector<16xi32>
      %mul3A_451 = arith.constant 8 : i32
      %mul3A_452 = vector.broadcast %mul3A_451 : i32 to vector<16xi32>
      %mul3A_453 = arith.muli %get3A_442, %mul3A_452 : vector<16xi32>
      %mul3A_454 = arith.constant 10239 : i32
      %mul3A_455 = vector.broadcast %mul3A_454 : i32 to vector<16xi32>
      %mul3A_456 = arith.muli %shift_right_logical3A_450, %mul3A_455 : vector<16xi32>
      %sub3A = arith.subi %mul3A_453, %mul3A_456 : vector<16xi32>
      %mul3A_457 = arith.constant 16 : i32
      %mul3A_458 = arith.muli %scan3A_435, %mul3A_457 : i32
      %swap3A = arith.constant 2 : i32
      %swap3A_459 = arith.index_cast %swap3A : i32 to index
      %swap3A_460 = arith.index_cast %mul3A_458 : i32 to index
      %swap3A_461 = tpu.vector_load %arg5[%swap3A_459, %swap3A_460] {strides = array<i32>} : memref<5x2000xi32, #tpu.memory_space<vmem>>, vector<1x16xi32>,
      %swap3A_462 = vector.shape_cast %swap3A_461 : vector<1x16xi32> to vector<16xi32>
      %swap3A_463 = vector.shape_cast %sub3A : vector<16xi32> to vector<1x16xi32>
      tpu.vector_store %arg5[%swap3A_459, %swap3A_460], %swap3A_463 {strides = array<i32>} : memref<5x2000xi32, #tpu.memory_space<vmem>>, vector<1x16xi32>,
      %scan3A_464 = arith.constant 0 : i32
      scf.yield %scan3A_464 : i32
    }
    %scan3A_279 = arith.constant 125 : i32
    %scan3A_280 = arith.constant 0 : i32
    %scan3A_281 = arith.constant 0 : i32
    %scan3A_282 = arith.constant 125 : i32
    %scan3A_283 = arith.addi %scan3A_281, %scan3A_282 : i32
    %scan3A_284 = arith.constant 1 : i32
    %scan3A_285 = scf.for %scan3A_435 = %scan3A_281 to %scan3A_283 step %scan3A_284 iter_args(%scan3A_436 = %scan3A_280) -> (i32)  : i32 {
      %mul3A_437 = arith.constant 16 : i32
      %mul3A_438 = arith.muli %scan3A_435, %mul3A_437 : i32
      %get3A = arith.constant 2 : i32
      %get3A_439 = arith.index_cast %get3A : i32 to index
      %get3A_440 = arith.index_cast %mul3A_438 : i32 to index
      %get3A_441 = tpu.vector_load %arg6[%get3A_439, %get3A_440] {strides = array<i32>} : memref<5x2000xi32, #tpu.memory_space<vmem>>, vector<1x16xi32>,
      %get3A_442 = vector.shape_cast %get3A_441 : vector<1x16xi32> to vector<16xi32>
      %shift_right_logical3A = arith.constant 8 : i32
      %shift_right_logical3A_443 = vector.broadcast %shift_right_logical3A : i32 to vector<16xi32>
      %shift_right_logical3A_444 = arith.shrui %get3A_442, %shift_right_logical3A_443 : vector<16xi32>
      %mul3A_445 = arith.constant 13108 : i32
      %mul3A_446 = vector.broadcast %mul3A_445 : i32 to vector<16xi32>
      %mul3A_447 = arith.muli %shift_right_logical3A_444, %mul3A_446 : vector<16xi32>
      %shift_right_logical3A_448 = arith.constant 16 : i32
      %shift_right_logical3A_449 = vector.broadcast %shift_right_logical3A_448 : i32 to vector<16xi32>
      %shift_right_logical3A_450 = arith.shrui %mul3A_447, %shift_right_logical3A_449 : vector<16xi32>
      %mul3A_451 = arith.constant 8 : i32
      %mul3A_452 = vector.broadcast %mul3A_451 : i32 to vector<16xi32>
      %mul3A_453 = arith.muli %get3A_442, %mul3A_452 : vector<16xi32>
      %mul3A_454 = arith.constant 10239 : i32
      %mul3A_455 = vector.broadcast %mul3A_454 : i32 to vector<16xi32>
      %mul3A_456 = arith.muli %shift_right_logical3A_450, %mul3A_455 : vector<16xi32>
      %sub3A = arith.subi %mul3A_453, %mul3A_456 : vector<16xi32>
      %mul3A_457 = arith.constant 16 : i32
      %mul3A_458 = arith.muli %scan3A_435, %mul3A_457 : i32
      %swap3A = arith.constant 2 : i32
      %swap3A_459 = arith.index_cast %swap3A : i32 to index
      %swap3A_460 = arith.index_cast %mul3A_458 : i32 to index
      %swap3A_461 = tpu.vector_load %arg6[%swap3A_459, %swap3A_460] {strides = array<i32>} : memref<5x2000xi32, #tpu.memory_space<vmem>>, vector<1x16xi32>,
      %swap3A_462 = vector.shape_cast %swap3A_461 : vector<1x16xi32> to vector<16xi32>
      %swap3A_463 = vector.shape_cast %sub3A : vector<16xi32> to vector<1x16xi32>
      tpu.vector_store %arg6[%swap3A_459, %swap3A_460], %swap3A_463 {strides = array<i32>} : memref<5x2000xi32, #tpu.memory_space<vmem>>, vector<1x16xi32>,
      %scan3A_464 = arith.constant 0 : i32
      scf.yield %scan3A_464 : i32
    }
    %scan3A_286 = arith.constant 125 : i32
    %dma_wait3A_287 = arith.constant 1 : i32
    %dma_wait3A_288 = arith.constant 0 : i32
    %dma_wait3A_289 = tpu.memref_slice %arg5[%dma_wait3A_287, %dma_wait3A_288] : memref<5x2000xi32, #tpu.memory_space<vmem>> -> memref<1x2000xi32, #tpu.memory_space<vmem>>
    %dma_wait3A_290 = tpu.memref_squeeze %dma_wait3A_289 : memref<1x2000xi32, #tpu.memory_space<vmem>> -> memref<2000xi32, #tpu.memory_space<vmem>>
    %dma_wait3A_291 = arith.constant 0 : i32
    %dma_wait3A_292 = arith.constant 0 : i32
    %dma_wait3A_293 = tpu.memref_slice %arg2[%dma_wait3A_291, %dma_wait3A_292] : memref<10240x16xf32, #tpu.memory_space<hbm>> -> memref<10240x16xf32, #tpu.memory_space<hbm>>
    tpu.wait_indirect_dma semaphore(%arg13 : memref<!tpu.dma_semaphore, #tpu.memory_space<semaphore_mem>>) src(%dma_wait3A_293 : memref<10240x16xf32, #tpu.memory_space<hbm>>) dst(%arg8 : memref<2000x16xf32, #tpu.memory_space<vmem>>)
    %dma_start3A_294 = arith.constant 2 : i32
    %dma_start3A_295 = arith.constant 0 : i32
    %dma_start3A_296 = tpu.memref_slice %arg5[%dma_start3A_294, %dma_start3A_295] : memref<5x2000xi32, #tpu.memory_space<vmem>> -> memref<1x2000xi32, #tpu.memory_space<vmem>>
    %dma_start3A_297 = tpu.memref_squeeze %dma_start3A_296 : memref<1x2000xi32, #tpu.memory_space<vmem>> -> memref<2000xi32, #tpu.memory_space<vmem>>
    %dma_start3A_298 = arith.constant 0 : i32
    %dma_start3A_299 = arith.constant 0 : i32
    %dma_start3A_300 = tpu.memref_slice %arg2[%dma_start3A_298, %dma_start3A_299] : memref<10240x16xf32, #tpu.memory_space<hbm>> -> memref<10240x16xf32, #tpu.memory_space<hbm>>
    tpu.enqueue_indirect_dma source(%dma_start3A_300 : memref<10240x16xf32, #tpu.memory_space<hbm>>) target(%arg9 : memref<2000x16xf32, #tpu.memory_space<vmem>>) offsets(%dma_start3A_297 : memref<2000xi32, #tpu.memory_space<vmem>>) semaphore(%arg14 : memref<!tpu.dma_semaphore, #tpu.memory_space<semaphore_mem>>)
    %dma_start3A_301 = arith.constant 1 : i32
    %dma_start3A_302 = arith.constant 0 : i32
    %dma_start3A_303 = tpu.memref_slice %arg6[%dma_start3A_301, %dma_start3A_302] : memref<5x2000xi32, #tpu.memory_space<vmem>> -> memref<1x2000xi32, #tpu.memory_space<vmem>>
    %dma_start3A_304 = tpu.memref_squeeze %dma_start3A_303 : memref<1x2000xi32, #tpu.memory_space<vmem>> -> memref<2000xi32, #tpu.memory_space<vmem>>
    %dma_start3A_305 = arith.constant 0 : i32
    %dma_start3A_306 = arith.constant 0 : i32
    %dma_start3A_307 = tpu.memref_slice %arg10[%dma_start3A_305, %dma_start3A_306] : memref<10240x16xf32, #tpu.memory_space<vmem_shared>> -> memref<10240x16xf32, #tpu.memory_space<vmem_shared>>
    tpu.enqueue_indirect_dma source(%arg8 : memref<2000x16xf32, #tpu.memory_space<vmem>>) target(%dma_start3A_307 : memref<10240x16xf32, #tpu.memory_space<vmem_shared>>) offsets(%dma_start3A_304 : memref<2000xi32, #tpu.memory_space<vmem>>) semaphore(%arg15 : memref<!tpu.dma_semaphore, #tpu.memory_space<semaphore_mem>>) {add = true}
    %scan3A_308 = arith.constant 0 : i32
    %scan3A_309 = arith.constant 0 : i32
    %scan3A_310 = arith.constant 125 : i32
    %scan3A_311 = arith.addi %scan3A_309, %scan3A_310 : i32
    %scan3A_312 = arith.constant 1 : i32
    %scan3A_313 = scf.for %scan3A_435 = %scan3A_309 to %scan3A_311 step %scan3A_312 iter_args(%scan3A_436 = %scan3A_308) -> (i32)  : i32 {
      %mul3A_437 = arith.constant 16 : i32
      %mul3A_438 = arith.muli %scan3A_435, %mul3A_437 : i32
      %get3A = arith.constant 3 : i32
      %get3A_439 = arith.index_cast %get3A : i32 to index
      %get3A_440 = arith.index_cast %mul3A_438 : i32 to index
      %get3A_441 = tpu.vector_load %arg5[%get3A_439, %get3A_440] {strides = array<i32>} : memref<5x2000xi32, #tpu.memory_space<vmem>>, vector<1x16xi32>,
      %get3A_442 = vector.shape_cast %get3A_441 : vector<1x16xi32> to vector<16xi32>
      %shift_right_logical3A = arith.constant 8 : i32
      %shift_right_logical3A_443 = vector.broadcast %shift_right_logical3A : i32 to vector<16xi32>
      %shift_right_logical3A_444 = arith.shrui %get3A_442, %shift_right_logical3A_443 : vector<16xi32>
      %mul3A_445 = arith.constant 13108 : i32
      %mul3A_446 = vector.broadcast %mul3A_445 : i32 to vector<16xi32>
      %mul3A_447 = arith.muli %shift_right_logical3A_444, %mul3A_446 : vector<16xi32>
      %shift_right_logical3A_448 = arith.constant 16 : i32
      %shift_right_logical3A_449 = vector.broadcast %shift_right_logical3A_448 : i32 to vector<16xi32>
      %shift_right_logical3A_450 = arith.shrui %mul3A_447, %shift_right_logical3A_449 : vector<16xi32>
      %mul3A_451 = arith.constant 8 : i32
      %mul3A_452 = vector.broadcast %mul3A_451 : i32 to vector<16xi32>
      %mul3A_453 = arith.muli %get3A_442, %mul3A_452 : vector<16xi32>
      %mul3A_454 = arith.constant 10239 : i32
      %mul3A_455 = vector.broadcast %mul3A_454 : i32 to vector<16xi32>
      %mul3A_456 = arith.muli %shift_right_logical3A_450, %mul3A_455 : vector<16xi32>
      %sub3A = arith.subi %mul3A_453, %mul3A_456 : vector<16xi32>
      %mul3A_457 = arith.constant 16 : i32
      %mul3A_458 = arith.muli %scan3A_435, %mul3A_457 : i32
      %swap3A = arith.constant 3 : i32
      %swap3A_459 = arith.index_cast %swap3A : i32 to index
      %swap3A_460 = arith.index_cast %mul3A_458 : i32 to index
      %swap3A_461 = tpu.vector_load %arg5[%swap3A_459, %swap3A_460] {strides = array<i32>} : memref<5x2000xi32, #tpu.memory_space<vmem>>, vector<1x16xi32>,
      %swap3A_462 = vector.shape_cast %swap3A_461 : vector<1x16xi32> to vector<16xi32>
      %swap3A_463 = vector.shape_cast %sub3A : vector<16xi32> to vector<1x16xi32>
      tpu.vector_store %arg5[%swap3A_459, %swap3A_460], %swap3A_463 {strides = array<i32>} : memref<5x2000xi32, #tpu.memory_space<vmem>>, vector<1x16xi32>,
      %scan3A_464 = arith.constant 0 : i32
      scf.yield %scan3A_464 : i32
    }
    %scan3A_314 = arith.constant 125 : i32
    %scan3A_315 = arith.constant 0 : i32
    %scan3A_316 = arith.constant 0 : i32
    %scan3A_317 = arith.constant 125 : i32
    %scan3A_318 = arith.addi %scan3A_316, %scan3A_317 : i32
    %scan3A_319 = arith.constant 1 : i32
    %scan3A_320 = scf.for %scan3A_435 = %scan3A_316 to %scan3A_318 step %scan3A_319 iter_args(%scan3A_436 = %scan3A_315) -> (i32)  : i32 {
      %mul3A_437 = arith.constant 16 : i32
      %mul3A_438 = arith.muli %scan3A_435, %mul3A_437 : i32
      %get3A = arith.constant 3 : i32
      %get3A_439 = arith.index_cast %get3A : i32 to index
      %get3A_440 = arith.index_cast %mul3A_438 : i32 to index
      %get3A_441 = tpu.vector_load %arg6[%get3A_439, %get3A_440] {strides = array<i32>} : memref<5x2000xi32, #tpu.memory_space<vmem>>, vector<1x16xi32>,
      %get3A_442 = vector.shape_cast %get3A_441 : vector<1x16xi32> to vector<16xi32>
      %shift_right_logical3A = arith.constant 8 : i32
      %shift_right_logical3A_443 = vector.broadcast %shift_right_logical3A : i32 to vector<16xi32>
      %shift_right_logical3A_444 = arith.shrui %get3A_442, %shift_right_logical3A_443 : vector<16xi32>
      %mul3A_445 = arith.constant 13108 : i32
      %mul3A_446 = vector.broadcast %mul3A_445 : i32 to vector<16xi32>
      %mul3A_447 = arith.muli %shift_right_logical3A_444, %mul3A_446 : vector<16xi32>
      %shift_right_logical3A_448 = arith.constant 16 : i32
      %shift_right_logical3A_449 = vector.broadcast %shift_right_logical3A_448 : i32 to vector<16xi32>
      %shift_right_logical3A_450 = arith.shrui %mul3A_447, %shift_right_logical3A_449 : vector<16xi32>
      %mul3A_451 = arith.constant 8 : i32
      %mul3A_452 = vector.broadcast %mul3A_451 : i32 to vector<16xi32>
      %mul3A_453 = arith.muli %get3A_442, %mul3A_452 : vector<16xi32>
      %mul3A_454 = arith.constant 10239 : i32
      %mul3A_455 = vector.broadcast %mul3A_454 : i32 to vector<16xi32>
      %mul3A_456 = arith.muli %shift_right_logical3A_450, %mul3A_455 : vector<16xi32>
      %sub3A = arith.subi %mul3A_453, %mul3A_456 : vector<16xi32>
      %mul3A_457 = arith.constant 16 : i32
      %mul3A_458 = arith.muli %scan3A_435, %mul3A_457 : i32
      %swap3A = arith.constant 3 : i32
      %swap3A_459 = arith.index_cast %swap3A : i32 to index
      %swap3A_460 = arith.index_cast %mul3A_458 : i32 to index
      %swap3A_461 = tpu.vector_load %arg6[%swap3A_459, %swap3A_460] {strides = array<i32>} : memref<5x2000xi32, #tpu.memory_space<vmem>>, vector<1x16xi32>,
      %swap3A_462 = vector.shape_cast %swap3A_461 : vector<1x16xi32> to vector<16xi32>
      %swap3A_463 = vector.shape_cast %sub3A : vector<16xi32> to vector<1x16xi32>
      tpu.vector_store %arg6[%swap3A_459, %swap3A_460], %swap3A_463 {strides = array<i32>} : memref<5x2000xi32, #tpu.memory_space<vmem>>, vector<1x16xi32>,
      %scan3A_464 = arith.constant 0 : i32
      scf.yield %scan3A_464 : i32
    }
    %scan3A_321 = arith.constant 125 : i32
    %dma_wait3A_322 = arith.constant 2 : i32
    %dma_wait3A_323 = arith.constant 0 : i32
    %dma_wait3A_324 = tpu.memref_slice %arg5[%dma_wait3A_322, %dma_wait3A_323] : memref<5x2000xi32, #tpu.memory_space<vmem>> -> memref<1x2000xi32, #tpu.memory_space<vmem>>
    %dma_wait3A_325 = tpu.memref_squeeze %dma_wait3A_324 : memref<1x2000xi32, #tpu.memory_space<vmem>> -> memref<2000xi32, #tpu.memory_space<vmem>>
    %dma_wait3A_326 = arith.constant 0 : i32
    %dma_wait3A_327 = arith.constant 0 : i32
    %dma_wait3A_328 = tpu.memref_slice %arg2[%dma_wait3A_326, %dma_wait3A_327] : memref<10240x16xf32, #tpu.memory_space<hbm>> -> memref<10240x16xf32, #tpu.memory_space<hbm>>
    tpu.wait_indirect_dma semaphore(%arg14 : memref<!tpu.dma_semaphore, #tpu.memory_space<semaphore_mem>>) src(%dma_wait3A_328 : memref<10240x16xf32, #tpu.memory_space<hbm>>) dst(%arg9 : memref<2000x16xf32, #tpu.memory_space<vmem>>)
    %dma_wait3A_329 = arith.constant 0 : i32
    %dma_wait3A_330 = arith.constant 0 : i32
    %dma_wait3A_331 = tpu.memref_slice %arg6[%dma_wait3A_329, %dma_wait3A_330] : memref<5x2000xi32, #tpu.memory_space<vmem>> -> memref<1x2000xi32, #tpu.memory_space<vmem>>
    %dma_wait3A_332 = tpu.memref_squeeze %dma_wait3A_331 : memref<1x2000xi32, #tpu.memory_space<vmem>> -> memref<2000xi32, #tpu.memory_space<vmem>>
    %dma_wait3A_333 = arith.constant 0 : i32
    %dma_wait3A_334 = arith.constant 0 : i32
    %dma_wait3A_335 = tpu.memref_slice %arg10[%dma_wait3A_333, %dma_wait3A_334] : memref<10240x16xf32, #tpu.memory_space<vmem_shared>> -> memref<10240x16xf32, #tpu.memory_space<vmem_shared>>
    tpu.wait_indirect_dma semaphore(%arg15 : memref<!tpu.dma_semaphore, #tpu.memory_space<semaphore_mem>>) src(%arg7 : memref<2000x16xf32, #tpu.memory_space<vmem>>) dst(%dma_wait3A_335 : memref<10240x16xf32, #tpu.memory_space<vmem_shared>>)
    %dma_start3A_336 = arith.constant 3 : i32
    %dma_start3A_337 = arith.constant 0 : i32
    %dma_start3A_338 = tpu.memref_slice %arg5[%dma_start3A_336, %dma_start3A_337] : memref<5x2000xi32, #tpu.memory_space<vmem>> -> memref<1x2000xi32, #tpu.memory_space<vmem>>
    %dma_start3A_339 = tpu.memref_squeeze %dma_start3A_338 : memref<1x2000xi32, #tpu.memory_space<vmem>> -> memref<2000xi32, #tpu.memory_space<vmem>>
    %dma_start3A_340 = arith.constant 0 : i32
    %dma_start3A_341 = arith.constant 0 : i32
    %dma_start3A_342 = tpu.memref_slice %arg2[%dma_start3A_340, %dma_start3A_341] : memref<10240x16xf32, #tpu.memory_space<hbm>> -> memref<10240x16xf32, #tpu.memory_space<hbm>>
    tpu.enqueue_indirect_dma source(%dma_start3A_342 : memref<10240x16xf32, #tpu.memory_space<hbm>>) target(%arg7 : memref<2000x16xf32, #tpu.memory_space<vmem>>) offsets(%dma_start3A_339 : memref<2000xi32, #tpu.memory_space<vmem>>) semaphore(%arg12 : memref<!tpu.dma_semaphore, #tpu.memory_space<semaphore_mem>>)
    %dma_start3A_343 = arith.constant 2 : i32
    %dma_start3A_344 = arith.constant 0 : i32
    %dma_start3A_345 = tpu.memref_slice %arg6[%dma_start3A_343, %dma_start3A_344] : memref<5x2000xi32, #tpu.memory_space<vmem>> -> memref<1x2000xi32, #tpu.memory_space<vmem>>
    %dma_start3A_346 = tpu.memref_squeeze %dma_start3A_345 : memref<1x2000xi32, #tpu.memory_space<vmem>> -> memref<2000xi32, #tpu.memory_space<vmem>>
    %dma_start3A_347 = arith.constant 0 : i32
    %dma_start3A_348 = arith.constant 0 : i32
    %dma_start3A_349 = tpu.memref_slice %arg10[%dma_start3A_347, %dma_start3A_348] : memref<10240x16xf32, #tpu.memory_space<vmem_shared>> -> memref<10240x16xf32, #tpu.memory_space<vmem_shared>>
    tpu.enqueue_indirect_dma source(%arg9 : memref<2000x16xf32, #tpu.memory_space<vmem>>) target(%dma_start3A_349 : memref<10240x16xf32, #tpu.memory_space<vmem_shared>>) offsets(%dma_start3A_346 : memref<2000xi32, #tpu.memory_space<vmem>>) semaphore(%arg15 : memref<!tpu.dma_semaphore, #tpu.memory_space<semaphore_mem>>) {add = true}
    %scan3A_350 = arith.constant 0 : i32
    %scan3A_351 = arith.constant 0 : i32
    %scan3A_352 = arith.constant 125 : i32
    %scan3A_353 = arith.addi %scan3A_351, %scan3A_352 : i32
    %scan3A_354 = arith.constant 1 : i32
    %scan3A_355 = scf.for %scan3A_435 = %scan3A_351 to %scan3A_353 step %scan3A_354 iter_args(%scan3A_436 = %scan3A_350) -> (i32)  : i32 {
      %mul3A_437 = arith.constant 16 : i32
      %mul3A_438 = arith.muli %scan3A_435, %mul3A_437 : i32
      %get3A = arith.constant 4 : i32
      %get3A_439 = arith.index_cast %get3A : i32 to index
      %get3A_440 = arith.index_cast %mul3A_438 : i32 to index
      %get3A_441 = tpu.vector_load %arg5[%get3A_439, %get3A_440] {strides = array<i32>} : memref<5x2000xi32, #tpu.memory_space<vmem>>, vector<1x16xi32>,
      %get3A_442 = vector.shape_cast %get3A_441 : vector<1x16xi32> to vector<16xi32>
      %shift_right_logical3A = arith.constant 8 : i32
      %shift_right_logical3A_443 = vector.broadcast %shift_right_logical3A : i32 to vector<16xi32>
      %shift_right_logical3A_444 = arith.shrui %get3A_442, %shift_right_logical3A_443 : vector<16xi32>
      %mul3A_445 = arith.constant 13108 : i32
      %mul3A_446 = vector.broadcast %mul3A_445 : i32 to vector<16xi32>
      %mul3A_447 = arith.muli %shift_right_logical3A_444, %mul3A_446 : vector<16xi32>
      %shift_right_logical3A_448 = arith.constant 16 : i32
      %shift_right_logical3A_449 = vector.broadcast %shift_right_logical3A_448 : i32 to vector<16xi32>
      %shift_right_logical3A_450 = arith.shrui %mul3A_447, %shift_right_logical3A_449 : vector<16xi32>
      %mul3A_451 = arith.constant 8 : i32
      %mul3A_452 = vector.broadcast %mul3A_451 : i32 to vector<16xi32>
      %mul3A_453 = arith.muli %get3A_442, %mul3A_452 : vector<16xi32>
      %mul3A_454 = arith.constant 10239 : i32
      %mul3A_455 = vector.broadcast %mul3A_454 : i32 to vector<16xi32>
      %mul3A_456 = arith.muli %shift_right_logical3A_450, %mul3A_455 : vector<16xi32>
      %sub3A = arith.subi %mul3A_453, %mul3A_456 : vector<16xi32>
      %mul3A_457 = arith.constant 16 : i32
      %mul3A_458 = arith.muli %scan3A_435, %mul3A_457 : i32
      %swap3A = arith.constant 4 : i32
      %swap3A_459 = arith.index_cast %swap3A : i32 to index
      %swap3A_460 = arith.index_cast %mul3A_458 : i32 to index
      %swap3A_461 = tpu.vector_load %arg5[%swap3A_459, %swap3A_460] {strides = array<i32>} : memref<5x2000xi32, #tpu.memory_space<vmem>>, vector<1x16xi32>,
      %swap3A_462 = vector.shape_cast %swap3A_461 : vector<1x16xi32> to vector<16xi32>
      %swap3A_463 = vector.shape_cast %sub3A : vector<16xi32> to vector<1x16xi32>
      tpu.vector_store %arg5[%swap3A_459, %swap3A_460], %swap3A_463 {strides = array<i32>} : memref<5x2000xi32, #tpu.memory_space<vmem>>, vector<1x16xi32>,
      %scan3A_464 = arith.constant 0 : i32
      scf.yield %scan3A_464 : i32
    }
    %scan3A_356 = arith.constant 125 : i32
    %scan3A_357 = arith.constant 0 : i32
    %scan3A_358 = arith.constant 0 : i32
    %scan3A_359 = arith.constant 125 : i32
    %scan3A_360 = arith.addi %scan3A_358, %scan3A_359 : i32
    %scan3A_361 = arith.constant 1 : i32
    %scan3A_362 = scf.for %scan3A_435 = %scan3A_358 to %scan3A_360 step %scan3A_361 iter_args(%scan3A_436 = %scan3A_357) -> (i32)  : i32 {
      %mul3A_437 = arith.constant 16 : i32
      %mul3A_438 = arith.muli %scan3A_435, %mul3A_437 : i32
      %get3A = arith.constant 4 : i32
      %get3A_439 = arith.index_cast %get3A : i32 to index
      %get3A_440 = arith.index_cast %mul3A_438 : i32 to index
      %get3A_441 = tpu.vector_load %arg6[%get3A_439, %get3A_440] {strides = array<i32>} : memref<5x2000xi32, #tpu.memory_space<vmem>>, vector<1x16xi32>,
      %get3A_442 = vector.shape_cast %get3A_441 : vector<1x16xi32> to vector<16xi32>
      %shift_right_logical3A = arith.constant 8 : i32
      %shift_right_logical3A_443 = vector.broadcast %shift_right_logical3A : i32 to vector<16xi32>
      %shift_right_logical3A_444 = arith.shrui %get3A_442, %shift_right_logical3A_443 : vector<16xi32>
      %mul3A_445 = arith.constant 13108 : i32
      %mul3A_446 = vector.broadcast %mul3A_445 : i32 to vector<16xi32>
      %mul3A_447 = arith.muli %shift_right_logical3A_444, %mul3A_446 : vector<16xi32>
      %shift_right_logical3A_448 = arith.constant 16 : i32
      %shift_right_logical3A_449 = vector.broadcast %shift_right_logical3A_448 : i32 to vector<16xi32>
      %shift_right_logical3A_450 = arith.shrui %mul3A_447, %shift_right_logical3A_449 : vector<16xi32>
      %mul3A_451 = arith.constant 8 : i32
      %mul3A_452 = vector.broadcast %mul3A_451 : i32 to vector<16xi32>
      %mul3A_453 = arith.muli %get3A_442, %mul3A_452 : vector<16xi32>
      %mul3A_454 = arith.constant 10239 : i32
      %mul3A_455 = vector.broadcast %mul3A_454 : i32 to vector<16xi32>
      %mul3A_456 = arith.muli %shift_right_logical3A_450, %mul3A_455 : vector<16xi32>
      %sub3A = arith.subi %mul3A_453, %mul3A_456 : vector<16xi32>
      %mul3A_457 = arith.constant 16 : i32
      %mul3A_458 = arith.muli %scan3A_435, %mul3A_457 : i32
      %swap3A = arith.constant 4 : i32
      %swap3A_459 = arith.index_cast %swap3A : i32 to index
      %swap3A_460 = arith.index_cast %mul3A_458 : i32 to index
      %swap3A_461 = tpu.vector_load %arg6[%swap3A_459, %swap3A_460] {strides = array<i32>} : memref<5x2000xi32, #tpu.memory_space<vmem>>, vector<1x16xi32>,
      %swap3A_462 = vector.shape_cast %swap3A_461 : vector<1x16xi32> to vector<16xi32>
      %swap3A_463 = vector.shape_cast %sub3A : vector<16xi32> to vector<1x16xi32>
      tpu.vector_store %arg6[%swap3A_459, %swap3A_460], %swap3A_463 {strides = array<i32>} : memref<5x2000xi32, #tpu.memory_space<vmem>>, vector<1x16xi32>,
      %scan3A_464 = arith.constant 0 : i32
      scf.yield %scan3A_464 : i32
    }
    %scan3A_363 = arith.constant 125 : i32
    %dma_wait3A_364 = arith.constant 3 : i32
    %dma_wait3A_365 = arith.constant 0 : i32
    %dma_wait3A_366 = tpu.memref_slice %arg5[%dma_wait3A_364, %dma_wait3A_365] : memref<5x2000xi32, #tpu.memory_space<vmem>> -> memref<1x2000xi32, #tpu.memory_space<vmem>>
    %dma_wait3A_367 = tpu.memref_squeeze %dma_wait3A_366 : memref<1x2000xi32, #tpu.memory_space<vmem>> -> memref<2000xi32, #tpu.memory_space<vmem>>
    %dma_wait3A_368 = arith.constant 0 : i32
    %dma_wait3A_369 = arith.constant 0 : i32
    %dma_wait3A_370 = tpu.memref_slice %arg2[%dma_wait3A_368, %dma_wait3A_369] : memref<10240x16xf32, #tpu.memory_space<hbm>> -> memref<10240x16xf32, #tpu.memory_space<hbm>>
    tpu.wait_indirect_dma semaphore(%arg12 : memref<!tpu.dma_semaphore, #tpu.memory_space<semaphore_mem>>) src(%dma_wait3A_370 : memref<10240x16xf32, #tpu.memory_space<hbm>>) dst(%arg7 : memref<2000x16xf32, #tpu.memory_space<vmem>>)
    %dma_wait3A_371 = arith.constant 1 : i32
    %dma_wait3A_372 = arith.constant 0 : i32
    %dma_wait3A_373 = tpu.memref_slice %arg6[%dma_wait3A_371, %dma_wait3A_372] : memref<5x2000xi32, #tpu.memory_space<vmem>> -> memref<1x2000xi32, #tpu.memory_space<vmem>>
    %dma_wait3A_374 = tpu.memref_squeeze %dma_wait3A_373 : memref<1x2000xi32, #tpu.memory_space<vmem>> -> memref<2000xi32, #tpu.memory_space<vmem>>
    %dma_wait3A_375 = arith.constant 0 : i32
    %dma_wait3A_376 = arith.constant 0 : i32
    %dma_wait3A_377 = tpu.memref_slice %arg10[%dma_wait3A_375, %dma_wait3A_376] : memref<10240x16xf32, #tpu.memory_space<vmem_shared>> -> memref<10240x16xf32, #tpu.memory_space<vmem_shared>>
    tpu.wait_indirect_dma semaphore(%arg15 : memref<!tpu.dma_semaphore, #tpu.memory_space<semaphore_mem>>) src(%arg8 : memref<2000x16xf32, #tpu.memory_space<vmem>>) dst(%dma_wait3A_377 : memref<10240x16xf32, #tpu.memory_space<vmem_shared>>)
    %dma_start3A_378 = arith.constant 4 : i32
    %dma_start3A_379 = arith.constant 0 : i32
    %dma_start3A_380 = tpu.memref_slice %arg5[%dma_start3A_378, %dma_start3A_379] : memref<5x2000xi32, #tpu.memory_space<vmem>> -> memref<1x2000xi32, #tpu.memory_space<vmem>>
    %dma_start3A_381 = tpu.memref_squeeze %dma_start3A_380 : memref<1x2000xi32, #tpu.memory_space<vmem>> -> memref<2000xi32, #tpu.memory_space<vmem>>
    %dma_start3A_382 = arith.constant 0 : i32
    %dma_start3A_383 = arith.constant 0 : i32
    %dma_start3A_384 = tpu.memref_slice %arg2[%dma_start3A_382, %dma_start3A_383] : memref<10240x16xf32, #tpu.memory_space<hbm>> -> memref<10240x16xf32, #tpu.memory_space<hbm>>
    tpu.enqueue_indirect_dma source(%dma_start3A_384 : memref<10240x16xf32, #tpu.memory_space<hbm>>) target(%arg8 : memref<2000x16xf32, #tpu.memory_space<vmem>>) offsets(%dma_start3A_381 : memref<2000xi32, #tpu.memory_space<vmem>>) semaphore(%arg13 : memref<!tpu.dma_semaphore, #tpu.memory_space<semaphore_mem>>)
    %dma_start3A_385 = arith.constant 3 : i32
    %dma_start3A_386 = arith.constant 0 : i32
    %dma_start3A_387 = tpu.memref_slice %arg6[%dma_start3A_385, %dma_start3A_386] : memref<5x2000xi32, #tpu.memory_space<vmem>> -> memref<1x2000xi32, #tpu.memory_space<vmem>>
    %dma_start3A_388 = tpu.memref_squeeze %dma_start3A_387 : memref<1x2000xi32, #tpu.memory_space<vmem>> -> memref<2000xi32, #tpu.memory_space<vmem>>
    %dma_start3A_389 = arith.constant 0 : i32
    %dma_start3A_390 = arith.constant 0 : i32
    %dma_start3A_391 = tpu.memref_slice %arg10[%dma_start3A_389, %dma_start3A_390] : memref<10240x16xf32, #tpu.memory_space<vmem_shared>> -> memref<10240x16xf32, #tpu.memory_space<vmem_shared>>
    tpu.enqueue_indirect_dma source(%arg7 : memref<2000x16xf32, #tpu.memory_space<vmem>>) target(%dma_start3A_391 : memref<10240x16xf32, #tpu.memory_space<vmem_shared>>) offsets(%dma_start3A_388 : memref<2000xi32, #tpu.memory_space<vmem>>) semaphore(%arg15 : memref<!tpu.dma_semaphore, #tpu.memory_space<semaphore_mem>>) {add = true}
    %dma_wait3A_392 = arith.constant 4 : i32
    %dma_wait3A_393 = arith.constant 0 : i32
    %dma_wait3A_394 = tpu.memref_slice %arg5[%dma_wait3A_392, %dma_wait3A_393] : memref<5x2000xi32, #tpu.memory_space<vmem>> -> memref<1x2000xi32, #tpu.memory_space<vmem>>
    %dma_wait3A_395 = tpu.memref_squeeze %dma_wait3A_394 : memref<1x2000xi32, #tpu.memory_space<vmem>> -> memref<2000xi32, #tpu.memory_space<vmem>>
    %dma_wait3A_396 = arith.constant 0 : i32
    %dma_wait3A_397 = arith.constant 0 : i32
    %dma_wait3A_398 = tpu.memref_slice %arg2[%dma_wait3A_396, %dma_wait3A_397] : memref<10240x16xf32, #tpu.memory_space<hbm>> -> memref<10240x16xf32, #tpu.memory_space<hbm>>
    tpu.wait_indirect_dma semaphore(%arg13 : memref<!tpu.dma_semaphore, #tpu.memory_space<semaphore_mem>>) src(%dma_wait3A_398 : memref<10240x16xf32, #tpu.memory_space<hbm>>) dst(%arg8 : memref<2000x16xf32, #tpu.memory_space<vmem>>)
    %dma_wait3A_399 = arith.constant 2 : i32
    %dma_wait3A_400 = arith.constant 0 : i32
    %dma_wait3A_401 = tpu.memref_slice %arg6[%dma_wait3A_399, %dma_wait3A_400] : memref<5x2000xi32, #tpu.memory_space<vmem>> -> memref<1x2000xi32, #tpu.memory_space<vmem>>
    %dma_wait3A_402 = tpu.memref_squeeze %dma_wait3A_401 : memref<1x2000xi32, #tpu.memory_space<vmem>> -> memref<2000xi32, #tpu.memory_space<vmem>>
    %dma_wait3A_403 = arith.constant 0 : i32
    %dma_wait3A_404 = arith.constant 0 : i32
    %dma_wait3A_405 = tpu.memref_slice %arg10[%dma_wait3A_403, %dma_wait3A_404] : memref<10240x16xf32, #tpu.memory_space<vmem_shared>> -> memref<10240x16xf32, #tpu.memory_space<vmem_shared>>
    tpu.wait_indirect_dma semaphore(%arg15 : memref<!tpu.dma_semaphore, #tpu.memory_space<semaphore_mem>>) src(%arg9 : memref<2000x16xf32, #tpu.memory_space<vmem>>) dst(%dma_wait3A_405 : memref<10240x16xf32, #tpu.memory_space<vmem_shared>>)
    %dma_start3A_406 = arith.constant 4 : i32
    %dma_start3A_407 = arith.constant 0 : i32
    %dma_start3A_408 = tpu.memref_slice %arg6[%dma_start3A_406, %dma_start3A_407] : memref<5x2000xi32, #tpu.memory_space<vmem>> -> memref<1x2000xi32, #tpu.memory_space<vmem>>
    %dma_start3A_409 = tpu.memref_squeeze %dma_start3A_408 : memref<1x2000xi32, #tpu.memory_space<vmem>> -> memref<2000xi32, #tpu.memory_space<vmem>>
    %dma_start3A_410 = arith.constant 0 : i32
    %dma_start3A_411 = arith.constant 0 : i32
    %dma_start3A_412 = tpu.memref_slice %arg10[%dma_start3A_410, %dma_start3A_411] : memref<10240x16xf32, #tpu.memory_space<vmem_shared>> -> memref<10240x16xf32, #tpu.memory_space<vmem_shared>>
    tpu.enqueue_indirect_dma source(%arg8 : memref<2000x16xf32, #tpu.memory_space<vmem>>) target(%dma_start3A_412 : memref<10240x16xf32, #tpu.memory_space<vmem_shared>>) offsets(%dma_start3A_409 : memref<2000xi32, #tpu.memory_space<vmem>>) semaphore(%arg15 : memref<!tpu.dma_semaphore, #tpu.memory_space<semaphore_mem>>) {add = true}
    %dma_wait3A_413 = arith.constant 3 : i32
    %dma_wait3A_414 = arith.constant 0 : i32
    %dma_wait3A_415 = tpu.memref_slice %arg6[%dma_wait3A_413, %dma_wait3A_414] : memref<5x2000xi32, #tpu.memory_space<vmem>> -> memref<1x2000xi32, #tpu.memory_space<vmem>>
    %dma_wait3A_416 = tpu.memref_squeeze %dma_wait3A_415 : memref<1x2000xi32, #tpu.memory_space<vmem>> -> memref<2000xi32, #tpu.memory_space<vmem>>
    %dma_wait3A_417 = arith.constant 0 : i32
    %dma_wait3A_418 = arith.constant 0 : i32
    %dma_wait3A_419 = tpu.memref_slice %arg10[%dma_wait3A_417, %dma_wait3A_418] : memref<10240x16xf32, #tpu.memory_space<vmem_shared>> -> memref<10240x16xf32, #tpu.memory_space<vmem_shared>>
    tpu.wait_indirect_dma semaphore(%arg15 : memref<!tpu.dma_semaphore, #tpu.memory_space<semaphore_mem>>) src(%arg7 : memref<2000x16xf32, #tpu.memory_space<vmem>>) dst(%dma_wait3A_419 : memref<10240x16xf32, #tpu.memory_space<vmem_shared>>)
    %dma_wait3A_420 = arith.constant 4 : i32
    %dma_wait3A_421 = arith.constant 0 : i32
    %dma_wait3A_422 = tpu.memref_slice %arg6[%dma_wait3A_420, %dma_wait3A_421] : memref<5x2000xi32, #tpu.memory_space<vmem>> -> memref<1x2000xi32, #tpu.memory_space<vmem>>
    %dma_wait3A_423 = tpu.memref_squeeze %dma_wait3A_422 : memref<1x2000xi32, #tpu.memory_space<vmem>> -> memref<2000xi32, #tpu.memory_space<vmem>>
    %dma_wait3A_424 = arith.constant 0 : i32
    %dma_wait3A_425 = arith.constant 0 : i32
    %dma_wait3A_426 = tpu.memref_slice %arg10[%dma_wait3A_424, %dma_wait3A_425] : memref<10240x16xf32, #tpu.memory_space<vmem_shared>> -> memref<10240x16xf32, #tpu.memory_space<vmem_shared>>
    tpu.wait_indirect_dma semaphore(%arg15 : memref<!tpu.dma_semaphore, #tpu.memory_space<semaphore_mem>>) src(%arg8 : memref<2000x16xf32, #tpu.memory_space<vmem>>) dst(%dma_wait3A_426 : memref<10240x16xf32, #tpu.memory_space<vmem_shared>>)
    %barrier3A_427 = arith.constant 0 : index
    tpu.barrier barrier_id(%barrier3A_427)
    %mul3A_428 = arith.constant 640 : i32
    %mul3A_429 = arith.muli %arg1, %mul3A_428 : i32
    "tpu.region"() ({
      %run_scoped3A = tpu.sem_alloc : memref<!tpu.dma_semaphore, #tpu.memory_space<semaphore_mem>>
      %dma_start3A_435 = arith.constant 0 : i32
      %dma_start3A_436 = arith.constant 0 : i32
      %dma_start3A_437 = tpu.memref_slice %arg9[%dma_start3A_435, %dma_start3A_436] : memref<2000x16xf32, #tpu.memory_space<vmem>> -> memref<640x16xf32, #tpu.memory_space<vmem>>
      %dma_start3A_438 = arith.constant 0 : i32
      %dma_start3A_439 = tpu.memref_slice %arg10[%mul3A_429, %dma_start3A_438] : memref<10240x16xf32, #tpu.memory_space<vmem_shared>> -> memref<640x16xf32, #tpu.memory_space<vmem_shared>>
      %dma_start3A_440 = arith.constant 0 : i32
      %dma_start3A_441 = arith.constant 0 : i32
      %dma_start3A_442 = tpu.memref_slice %arg9[%dma_start3A_440, %dma_start3A_441] : memref<2000x16xf32, #tpu.memory_space<vmem>> -> memref<640x16xf32, #tpu.memory_space<vmem>>
      %dma_start3A_443 = arith.constant 0 : i32
      %dma_start3A_444 = tpu.memref_slice %arg10[%mul3A_429, %dma_start3A_443] : memref<10240x16xf32, #tpu.memory_space<vmem_shared>> -> memref<640x16xf32, #tpu.memory_space<vmem_shared>>
      tpu.enqueue_dma source(%dma_start3A_444 : memref<640x16xf32, #tpu.memory_space<vmem_shared>>) target(%dma_start3A_442 : memref<640x16xf32, #tpu.memory_space<vmem>>) target_semaphore(%run_scoped3A : memref<!tpu.dma_semaphore, #tpu.memory_space<semaphore_mem>>)
      %dma_wait3A_445 = arith.constant 0 : i32
      %dma_wait3A_446 = arith.constant 0 : i32
      %dma_wait3A_447 = tpu.memref_slice %arg9[%dma_wait3A_445, %dma_wait3A_446] : memref<2000x16xf32, #tpu.memory_space<vmem>> -> memref<640x16xf32, #tpu.memory_space<vmem>>
      %dma_wait3A_448 = arith.constant 0 : i32
      %dma_wait3A_449 = tpu.memref_slice %arg10[%mul3A_429, %dma_wait3A_448] : memref<10240x16xf32, #tpu.memory_space<vmem_shared>> -> memref<640x16xf32, #tpu.memory_space<vmem_shared>>
      %dma_wait3A_450 = arith.constant 0 : i32
      %dma_wait3A_451 = arith.constant 0 : i32
      %dma_wait3A_452 = tpu.memref_slice %arg9[%dma_wait3A_450, %dma_wait3A_451] : memref<2000x16xf32, #tpu.memory_space<vmem>> -> memref<640x16xf32, #tpu.memory_space<vmem>>
      %dma_wait3A_453 = arith.constant 0 : i32
      %dma_wait3A_454 = tpu.memref_slice %arg10[%mul3A_429, %dma_wait3A_453] : memref<10240x16xf32, #tpu.memory_space<vmem_shared>> -> memref<640x16xf32, #tpu.memory_space<vmem_shared>>
      tpu.wait_dma2 semaphore(%run_scoped3A : memref<!tpu.dma_semaphore, #tpu.memory_space<semaphore_mem>>) src(%dma_wait3A_454 : memref<640x16xf32, #tpu.memory_space<vmem_shared>>) dst(%dma_wait3A_452 : memref<640x16xf32, #tpu.memory_space<vmem>>)
      tpu.yield
    }) : () -> ()
    %mul3A_430 = arith.constant 10240 : i32
    %mul3A_431 = arith.muli %arg0, %mul3A_430 : i32
    %mul3A_432 = arith.constant 640 : i32
    %mul3A_433 = arith.muli %arg1, %mul3A_432 : i32
    %add3A_434 = arith.addi %mul3A_431, %mul3A_433 : i32
    "tpu.region"() ({
      %run_scoped3A = tpu.sem_alloc : memref<!tpu.dma_semaphore, #tpu.memory_space<semaphore_mem>>
      %dma_start3A_435 = arith.constant 0 : i32
      %dma_start3A_436 = arith.constant 0 : i32
      %dma_start3A_437 = tpu.memref_slice %arg9[%dma_start3A_435, %dma_start3A_436] : memref<2000x16xf32, #tpu.memory_space<vmem>> -> memref<640x16xf32, #tpu.memory_space<vmem>>
      %dma_start3A_438 = arith.constant 0 : i32
      %dma_start3A_439 = tpu.memref_slice %arg4[%add3A_434, %dma_start3A_438] : memref<20480x16xf32, #tpu.memory_space<hbm>> -> memref<640x16xf32, #tpu.memory_space<hbm>>
      %dma_start3A_440 = arith.constant 0 : i32
      %dma_start3A_441 = tpu.memref_slice %arg4[%add3A_434, %dma_start3A_440] : memref<20480x16xf32, #tpu.memory_space<hbm>> -> memref<640x16xf32, #tpu.memory_space<hbm>>
      %dma_start3A_442 = arith.constant 0 : i32
      %dma_start3A_443 = arith.constant 0 : i32
      %dma_start3A_444 = tpu.memref_slice %arg9[%dma_start3A_442, %dma_start3A_443] : memref<2000x16xf32, #tpu.memory_space<vmem>> -> memref<640x16xf32, #tpu.memory_space<vmem>>
      tpu.enqueue_dma source(%dma_start3A_444 : memref<640x16xf32, #tpu.memory_space<vmem>>) target(%dma_start3A_441 : memref<640x16xf32, #tpu.memory_space<hbm>>) target_semaphore(%run_scoped3A : memref<!tpu.dma_semaphore, #tpu.memory_space<semaphore_mem>>)
      %dma_wait3A_445 = arith.constant 0 : i32
      %dma_wait3A_446 = arith.constant 0 : i32
      %dma_wait3A_447 = tpu.memref_slice %arg9[%dma_wait3A_445, %dma_wait3A_446] : memref<2000x16xf32, #tpu.memory_space<vmem>> -> memref<640x16xf32, #tpu.memory_space<vmem>>
      %dma_wait3A_448 = arith.constant 0 : i32
      %dma_wait3A_449 = tpu.memref_slice %arg4[%add3A_434, %dma_wait3A_448] : memref<20480x16xf32, #tpu.memory_space<hbm>> -> memref<640x16xf32, #tpu.memory_space<hbm>>
      %dma_wait3A_450 = arith.constant 0 : i32
      %dma_wait3A_451 = tpu.memref_slice %arg4[%add3A_434, %dma_wait3A_450] : memref<20480x16xf32, #tpu.memory_space<hbm>> -> memref<640x16xf32, #tpu.memory_space<hbm>>
      %dma_wait3A_452 = arith.constant 0 : i32
      %dma_wait3A_453 = arith.constant 0 : i32
      %dma_wait3A_454 = tpu.memref_slice %arg9[%dma_wait3A_452, %dma_wait3A_453] : memref<2000x16xf32, #tpu.memory_space<vmem>> -> memref<640x16xf32, #tpu.memory_space<vmem>>
      tpu.wait_dma2 semaphore(%run_scoped3A : memref<!tpu.dma_semaphore, #tpu.memory_space<semaphore_mem>>) src(%dma_wait3A_454 : memref<640x16xf32, #tpu.memory_space<vmem>>) dst(%dma_wait3A_451 : memref<640x16xf32, #tpu.memory_space<hbm>>)
      tpu.yield
    }) : () -> ()
    return
  }
}

#map = affine_map<(d0, d1) -> (0)>
module attributes {stable_mosaic.version = 14 : i64} {
  func.func @_deg_body(%arg0: i32, %arg1: i32, %arg2: memref<640000xi32, #tpu.memory_space<hbm>>, %arg3: memref<20480xf32, #tpu.memory_space<hbm>>, %arg4: memref<5x2000xi32, #tpu.memory_space<vmem>>, %arg5: memref<2000xf32, #tpu.memory_space<vmem>>, %arg6: memref<2000xf32, #tpu.memory_space<vmem>>, %arg7: memref<10240xf32, #tpu.memory_space<vmem_shared>>, %arg8: memref<!tpu.dma_semaphore, #tpu.memory_space<semaphore_mem>>) attributes {dimension_semantics = [#tpu.dimension_semantics<core_parallel>, #tpu.dimension_semantics<subcore_parallel>], iteration_bounds = array<i64: 2, 16>, scalar_prefetch = 0 : i64, scratch_operands = 5 : i64, tpu.core_type = #tpu.core_type<sc_vector_subcore>, window_params = [{transform_indices = #map}, {transform_indices = #map}]} {
    %mul3A = arith.constant 16 : i32
    %mul3A_0 = arith.muli %arg0, %mul3A : i32
    %add3A = arith.addi %mul3A_0, %arg1 : i32
    %scan3A = arith.constant 0 : i32
    %scan3A_1 = arith.constant 0 : i32
    %scan3A_2 = arith.constant 125 : i32
    %scan3A_3 = arith.addi %scan3A_1, %scan3A_2 : i32
    %scan3A_4 = arith.constant 1 : i32
    %scan3A_5 = scf.for %scan3A_230 = %scan3A_1 to %scan3A_3 step %scan3A_4 iter_args(%scan3A_231 = %scan3A) -> (i32)  : i32 {
      %broadcast_in_dim3A = arith.constant 1.000000e+00 : f32
      %broadcast_in_dim3A_232 = vector.broadcast %broadcast_in_dim3A : f32 to vector<16xf32>
      %mul3A_233 = arith.constant 16 : i32
      %mul3A_234 = arith.muli %scan3A_230, %mul3A_233 : i32
      %swap3A = arith.index_cast %mul3A_234 : i32 to index
      %swap3A_235 = tpu.vector_load %arg5[%swap3A] {strides = array<i32>} : memref<2000xf32, #tpu.memory_space<vmem>>, vector<16xf32>,
      %swap3A_236 = vector.shape_cast %swap3A_235 : vector<16xf32> to vector<16xf32>
      %swap3A_237 = vector.shape_cast %broadcast_in_dim3A_232 : vector<16xf32> to vector<16xf32>
      tpu.vector_store %arg5[%swap3A], %swap3A_237 {strides = array<i32>} : memref<2000xf32, #tpu.memory_space<vmem>>, vector<16xf32>,
      %broadcast_in_dim3A_238 = arith.constant 0.000000e+00 : f32
      %broadcast_in_dim3A_239 = vector.broadcast %broadcast_in_dim3A_238 : f32 to vector<16xf32>
      %mul3A_240 = arith.constant 16 : i32
      %mul3A_241 = arith.muli %scan3A_230, %mul3A_240 : i32
      %swap3A_242 = arith.index_cast %mul3A_241 : i32 to index
      %swap3A_243 = tpu.vector_load %arg6[%swap3A_242] {strides = array<i32>} : memref<2000xf32, #tpu.memory_space<vmem>>, vector<16xf32>,
      %swap3A_244 = vector.shape_cast %swap3A_243 : vector<16xf32> to vector<16xf32>
      %swap3A_245 = vector.shape_cast %broadcast_in_dim3A_239 : vector<16xf32> to vector<16xf32>
      tpu.vector_store %arg6[%swap3A_242], %swap3A_245 {strides = array<i32>} : memref<2000xf32, #tpu.memory_space<vmem>>, vector<16xf32>,
      %scan3A_246 = arith.constant 0 : i32
      scf.yield %scan3A_246 : i32
    }
    %scan3A_6 = arith.constant 125 : i32
    %mul3A_7 = arith.constant 10000 : i32
    %mul3A_8 = arith.muli %add3A, %mul3A_7 : i32
    %add3A_9 = arith.constant 320000 : i32
    %add3A_10 = arith.addi %add3A_9, %mul3A_8 : i32
    %add3A_11 = arith.constant 0 : i32
    %add3A_12 = arith.addi %add3A_10, %add3A_11 : i32
    %dma_start3A = arith.constant 0 : i32
    %dma_start3A_13 = arith.constant 0 : i32
    %dma_start3A_14 = tpu.memref_slice %arg4[%dma_start3A, %dma_start3A_13] : memref<5x2000xi32, #tpu.memory_space<vmem>> -> memref<1x2000xi32, #tpu.memory_space<vmem>>
    %dma_start3A_15 = tpu.memref_squeeze %dma_start3A_14 : memref<1x2000xi32, #tpu.memory_space<vmem>> -> memref<2000xi32, #tpu.memory_space<vmem>>
    %dma_start3A_16 = tpu.memref_slice %arg2[%add3A_12] : memref<640000xi32, #tpu.memory_space<hbm>> -> memref<2000xi32, #tpu.memory_space<hbm>>
    %dma_start3A_17 = arith.constant 0 : i32
    %dma_start3A_18 = tpu.memref_slice %arg4[%dma_start3A, %dma_start3A_17] : memref<5x2000xi32, #tpu.memory_space<vmem>> -> memref<1x2000xi32, #tpu.memory_space<vmem>>
    %dma_start3A_19 = tpu.memref_squeeze %dma_start3A_18 : memref<1x2000xi32, #tpu.memory_space<vmem>> -> memref<2000xi32, #tpu.memory_space<vmem>>
    %dma_start3A_20 = tpu.memref_slice %arg2[%add3A_12] : memref<640000xi32, #tpu.memory_space<hbm>> -> memref<2000xi32, #tpu.memory_space<hbm>>
    tpu.enqueue_dma source(%dma_start3A_20 : memref<2000xi32, #tpu.memory_space<hbm>>) target(%dma_start3A_19 : memref<2000xi32, #tpu.memory_space<vmem>>) target_semaphore(%arg8 : memref<!tpu.dma_semaphore, #tpu.memory_space<semaphore_mem>>)
    %mul3A_21 = arith.constant 10000 : i32
    %mul3A_22 = arith.muli %add3A, %mul3A_21 : i32
    %add3A_23 = arith.constant 320000 : i32
    %add3A_24 = arith.addi %add3A_23, %mul3A_22 : i32
    %add3A_25 = arith.constant 2000 : i32
    %add3A_26 = arith.addi %add3A_24, %add3A_25 : i32
    %dma_start3A_27 = arith.constant 1 : i32
    %dma_start3A_28 = arith.constant 0 : i32
    %dma_start3A_29 = tpu.memref_slice %arg4[%dma_start3A_27, %dma_start3A_28] : memref<5x2000xi32, #tpu.memory_space<vmem>> -> memref<1x2000xi32, #tpu.memory_space<vmem>>
    %dma_start3A_30 = tpu.memref_squeeze %dma_start3A_29 : memref<1x2000xi32, #tpu.memory_space<vmem>> -> memref<2000xi32, #tpu.memory_space<vmem>>
    %dma_start3A_31 = tpu.memref_slice %arg2[%add3A_26] : memref<640000xi32, #tpu.memory_space<hbm>> -> memref<2000xi32, #tpu.memory_space<hbm>>
    %dma_start3A_32 = arith.constant 0 : i32
    %dma_start3A_33 = tpu.memref_slice %arg4[%dma_start3A_27, %dma_start3A_32] : memref<5x2000xi32, #tpu.memory_space<vmem>> -> memref<1x2000xi32, #tpu.memory_space<vmem>>
    %dma_start3A_34 = tpu.memref_squeeze %dma_start3A_33 : memref<1x2000xi32, #tpu.memory_space<vmem>> -> memref<2000xi32, #tpu.memory_space<vmem>>
    %dma_start3A_35 = tpu.memref_slice %arg2[%add3A_26] : memref<640000xi32, #tpu.memory_space<hbm>> -> memref<2000xi32, #tpu.memory_space<hbm>>
    tpu.enqueue_dma source(%dma_start3A_35 : memref<2000xi32, #tpu.memory_space<hbm>>) target(%dma_start3A_34 : memref<2000xi32, #tpu.memory_space<vmem>>) target_semaphore(%arg8 : memref<!tpu.dma_semaphore, #tpu.memory_space<semaphore_mem>>)
    %mul3A_36 = arith.constant 10000 : i32
    %mul3A_37 = arith.muli %add3A, %mul3A_36 : i32
    %add3A_38 = arith.constant 320000 : i32
    %add3A_39 = arith.addi %add3A_38, %mul3A_37 : i32
    %add3A_40 = arith.constant 4000 : i32
    %add3A_41 = arith.addi %add3A_39, %add3A_40 : i32
    %dma_start3A_42 = arith.constant 2 : i32
    %dma_start3A_43 = arith.constant 0 : i32
    %dma_start3A_44 = tpu.memref_slice %arg4[%dma_start3A_42, %dma_start3A_43] : memref<5x2000xi32, #tpu.memory_space<vmem>> -> memref<1x2000xi32, #tpu.memory_space<vmem>>
    %dma_start3A_45 = tpu.memref_squeeze %dma_start3A_44 : memref<1x2000xi32, #tpu.memory_space<vmem>> -> memref<2000xi32, #tpu.memory_space<vmem>>
    %dma_start3A_46 = tpu.memref_slice %arg2[%add3A_41] : memref<640000xi32, #tpu.memory_space<hbm>> -> memref<2000xi32, #tpu.memory_space<hbm>>
    %dma_start3A_47 = arith.constant 0 : i32
    %dma_start3A_48 = tpu.memref_slice %arg4[%dma_start3A_42, %dma_start3A_47] : memref<5x2000xi32, #tpu.memory_space<vmem>> -> memref<1x2000xi32, #tpu.memory_space<vmem>>
    %dma_start3A_49 = tpu.memref_squeeze %dma_start3A_48 : memref<1x2000xi32, #tpu.memory_space<vmem>> -> memref<2000xi32, #tpu.memory_space<vmem>>
    %dma_start3A_50 = tpu.memref_slice %arg2[%add3A_41] : memref<640000xi32, #tpu.memory_space<hbm>> -> memref<2000xi32, #tpu.memory_space<hbm>>
    tpu.enqueue_dma source(%dma_start3A_50 : memref<2000xi32, #tpu.memory_space<hbm>>) target(%dma_start3A_49 : memref<2000xi32, #tpu.memory_space<vmem>>) target_semaphore(%arg8 : memref<!tpu.dma_semaphore, #tpu.memory_space<semaphore_mem>>)
    %mul3A_51 = arith.constant 10000 : i32
    %mul3A_52 = arith.muli %add3A, %mul3A_51 : i32
    %add3A_53 = arith.constant 320000 : i32
    %add3A_54 = arith.addi %add3A_53, %mul3A_52 : i32
    %add3A_55 = arith.constant 6000 : i32
    %add3A_56 = arith.addi %add3A_54, %add3A_55 : i32
    %dma_start3A_57 = arith.constant 3 : i32
    %dma_start3A_58 = arith.constant 0 : i32
    %dma_start3A_59 = tpu.memref_slice %arg4[%dma_start3A_57, %dma_start3A_58] : memref<5x2000xi32, #tpu.memory_space<vmem>> -> memref<1x2000xi32, #tpu.memory_space<vmem>>
    %dma_start3A_60 = tpu.memref_squeeze %dma_start3A_59 : memref<1x2000xi32, #tpu.memory_space<vmem>> -> memref<2000xi32, #tpu.memory_space<vmem>>
    %dma_start3A_61 = tpu.memref_slice %arg2[%add3A_56] : memref<640000xi32, #tpu.memory_space<hbm>> -> memref<2000xi32, #tpu.memory_space<hbm>>
    %dma_start3A_62 = arith.constant 0 : i32
    %dma_start3A_63 = tpu.memref_slice %arg4[%dma_start3A_57, %dma_start3A_62] : memref<5x2000xi32, #tpu.memory_space<vmem>> -> memref<1x2000xi32, #tpu.memory_space<vmem>>
    %dma_start3A_64 = tpu.memref_squeeze %dma_start3A_63 : memref<1x2000xi32, #tpu.memory_space<vmem>> -> memref<2000xi32, #tpu.memory_space<vmem>>
    %dma_start3A_65 = tpu.memref_slice %arg2[%add3A_56] : memref<640000xi32, #tpu.memory_space<hbm>> -> memref<2000xi32, #tpu.memory_space<hbm>>
    tpu.enqueue_dma source(%dma_start3A_65 : memref<2000xi32, #tpu.memory_space<hbm>>) target(%dma_start3A_64 : memref<2000xi32, #tpu.memory_space<vmem>>) target_semaphore(%arg8 : memref<!tpu.dma_semaphore, #tpu.memory_space<semaphore_mem>>)
    %mul3A_66 = arith.constant 10000 : i32
    %mul3A_67 = arith.muli %add3A, %mul3A_66 : i32
    %add3A_68 = arith.constant 320000 : i32
    %add3A_69 = arith.addi %add3A_68, %mul3A_67 : i32
    %add3A_70 = arith.constant 8000 : i32
    %add3A_71 = arith.addi %add3A_69, %add3A_70 : i32
    %dma_start3A_72 = arith.constant 4 : i32
    %dma_start3A_73 = arith.constant 0 : i32
    %dma_start3A_74 = tpu.memref_slice %arg4[%dma_start3A_72, %dma_start3A_73] : memref<5x2000xi32, #tpu.memory_space<vmem>> -> memref<1x2000xi32, #tpu.memory_space<vmem>>
    %dma_start3A_75 = tpu.memref_squeeze %dma_start3A_74 : memref<1x2000xi32, #tpu.memory_space<vmem>> -> memref<2000xi32, #tpu.memory_space<vmem>>
    %dma_start3A_76 = tpu.memref_slice %arg2[%add3A_71] : memref<640000xi32, #tpu.memory_space<hbm>> -> memref<2000xi32, #tpu.memory_space<hbm>>
    %dma_start3A_77 = arith.constant 0 : i32
    %dma_start3A_78 = tpu.memref_slice %arg4[%dma_start3A_72, %dma_start3A_77] : memref<5x2000xi32, #tpu.memory_space<vmem>> -> memref<1x2000xi32, #tpu.memory_space<vmem>>
    %dma_start3A_79 = tpu.memref_squeeze %dma_start3A_78 : memref<1x2000xi32, #tpu.memory_space<vmem>> -> memref<2000xi32, #tpu.memory_space<vmem>>
    %dma_start3A_80 = tpu.memref_slice %arg2[%add3A_71] : memref<640000xi32, #tpu.memory_space<hbm>> -> memref<2000xi32, #tpu.memory_space<hbm>>
    tpu.enqueue_dma source(%dma_start3A_80 : memref<2000xi32, #tpu.memory_space<hbm>>) target(%dma_start3A_79 : memref<2000xi32, #tpu.memory_space<vmem>>) target_semaphore(%arg8 : memref<!tpu.dma_semaphore, #tpu.memory_space<semaphore_mem>>)
    %mul3A_81 = arith.constant 640 : i32
    %mul3A_82 = arith.muli %arg1, %mul3A_81 : i32
    "tpu.region"() ({
      %run_scoped3A = tpu.sem_alloc : memref<!tpu.dma_semaphore, #tpu.memory_space<semaphore_mem>>
      %dma_start3A_230 = arith.constant 0 : i32
      %dma_start3A_231 = tpu.memref_slice %arg6[%dma_start3A_230] : memref<2000xf32, #tpu.memory_space<vmem>> -> memref<640xf32, #tpu.memory_space<vmem>>
      %dma_start3A_232 = tpu.memref_slice %arg7[%mul3A_82] : memref<10240xf32, #tpu.memory_space<vmem_shared>> -> memref<640xf32, #tpu.memory_space<vmem_shared>>
      %dma_start3A_233 = tpu.memref_slice %arg7[%mul3A_82] : memref<10240xf32, #tpu.memory_space<vmem_shared>> -> memref<640xf32, #tpu.memory_space<vmem_shared>>
      %dma_start3A_234 = arith.constant 0 : i32
      %dma_start3A_235 = tpu.memref_slice %arg6[%dma_start3A_234] : memref<2000xf32, #tpu.memory_space<vmem>> -> memref<640xf32, #tpu.memory_space<vmem>>
      tpu.enqueue_dma source(%dma_start3A_235 : memref<640xf32, #tpu.memory_space<vmem>>) target(%dma_start3A_233 : memref<640xf32, #tpu.memory_space<vmem_shared>>) target_semaphore(%run_scoped3A : memref<!tpu.dma_semaphore, #tpu.memory_space<semaphore_mem>>)
      %dma_wait3A_236 = arith.constant 0 : i32
      %dma_wait3A_237 = tpu.memref_slice %arg6[%dma_wait3A_236] : memref<2000xf32, #tpu.memory_space<vmem>> -> memref<640xf32, #tpu.memory_space<vmem>>
      %dma_wait3A_238 = tpu.memref_slice %arg7[%mul3A_82] : memref<10240xf32, #tpu.memory_space<vmem_shared>> -> memref<640xf32, #tpu.memory_space<vmem_shared>>
      %dma_wait3A_239 = tpu.memref_slice %arg7[%mul3A_82] : memref<10240xf32, #tpu.memory_space<vmem_shared>> -> memref<640xf32, #tpu.memory_space<vmem_shared>>
      %dma_wait3A_240 = arith.constant 0 : i32
      %dma_wait3A_241 = tpu.memref_slice %arg6[%dma_wait3A_240] : memref<2000xf32, #tpu.memory_space<vmem>> -> memref<640xf32, #tpu.memory_space<vmem>>
      tpu.wait_dma2 semaphore(%run_scoped3A : memref<!tpu.dma_semaphore, #tpu.memory_space<semaphore_mem>>) src(%dma_wait3A_241 : memref<640xf32, #tpu.memory_space<vmem>>) dst(%dma_wait3A_239 : memref<640xf32, #tpu.memory_space<vmem_shared>>)
      tpu.yield
    }) : () -> ()
    %dma_wait3A = arith.constant 0 : i32
    %dma_wait3A_83 = arith.constant 0 : i32
    %dma_wait3A_84 = tpu.memref_slice %arg4[%dma_wait3A, %dma_wait3A_83] : memref<5x2000xi32, #tpu.memory_space<vmem>> -> memref<1x2000xi32, #tpu.memory_space<vmem>>
    %dma_wait3A_85 = tpu.memref_squeeze %dma_wait3A_84 : memref<1x2000xi32, #tpu.memory_space<vmem>> -> memref<2000xi32, #tpu.memory_space<vmem>>
    %dma_wait3A_86 = tpu.memref_slice %arg2[%add3A_12] : memref<640000xi32, #tpu.memory_space<hbm>> -> memref<2000xi32, #tpu.memory_space<hbm>>
    %dma_wait3A_87 = arith.constant 0 : i32
    %dma_wait3A_88 = tpu.memref_slice %arg4[%dma_wait3A, %dma_wait3A_87] : memref<5x2000xi32, #tpu.memory_space<vmem>> -> memref<1x2000xi32, #tpu.memory_space<vmem>>
    %dma_wait3A_89 = tpu.memref_squeeze %dma_wait3A_88 : memref<1x2000xi32, #tpu.memory_space<vmem>> -> memref<2000xi32, #tpu.memory_space<vmem>>
    %dma_wait3A_90 = tpu.memref_slice %arg2[%add3A_12] : memref<640000xi32, #tpu.memory_space<hbm>> -> memref<2000xi32, #tpu.memory_space<hbm>>
    tpu.wait_dma2 semaphore(%arg8 : memref<!tpu.dma_semaphore, #tpu.memory_space<semaphore_mem>>) src(%dma_wait3A_90 : memref<2000xi32, #tpu.memory_space<hbm>>) dst(%dma_wait3A_89 : memref<2000xi32, #tpu.memory_space<vmem>>)
    %dma_wait3A_91 = arith.constant 1 : i32
    %dma_wait3A_92 = arith.constant 0 : i32
    %dma_wait3A_93 = tpu.memref_slice %arg4[%dma_wait3A_91, %dma_wait3A_92] : memref<5x2000xi32, #tpu.memory_space<vmem>> -> memref<1x2000xi32, #tpu.memory_space<vmem>>
    %dma_wait3A_94 = tpu.memref_squeeze %dma_wait3A_93 : memref<1x2000xi32, #tpu.memory_space<vmem>> -> memref<2000xi32, #tpu.memory_space<vmem>>
    %dma_wait3A_95 = tpu.memref_slice %arg2[%add3A_26] : memref<640000xi32, #tpu.memory_space<hbm>> -> memref<2000xi32, #tpu.memory_space<hbm>>
    %dma_wait3A_96 = arith.constant 0 : i32
    %dma_wait3A_97 = tpu.memref_slice %arg4[%dma_wait3A_91, %dma_wait3A_96] : memref<5x2000xi32, #tpu.memory_space<vmem>> -> memref<1x2000xi32, #tpu.memory_space<vmem>>
    %dma_wait3A_98 = tpu.memref_squeeze %dma_wait3A_97 : memref<1x2000xi32, #tpu.memory_space<vmem>> -> memref<2000xi32, #tpu.memory_space<vmem>>
    %dma_wait3A_99 = tpu.memref_slice %arg2[%add3A_26] : memref<640000xi32, #tpu.memory_space<hbm>> -> memref<2000xi32, #tpu.memory_space<hbm>>
    tpu.wait_dma2 semaphore(%arg8 : memref<!tpu.dma_semaphore, #tpu.memory_space<semaphore_mem>>) src(%dma_wait3A_99 : memref<2000xi32, #tpu.memory_space<hbm>>) dst(%dma_wait3A_98 : memref<2000xi32, #tpu.memory_space<vmem>>)
    %dma_wait3A_100 = arith.constant 2 : i32
    %dma_wait3A_101 = arith.constant 0 : i32
    %dma_wait3A_102 = tpu.memref_slice %arg4[%dma_wait3A_100, %dma_wait3A_101] : memref<5x2000xi32, #tpu.memory_space<vmem>> -> memref<1x2000xi32, #tpu.memory_space<vmem>>
    %dma_wait3A_103 = tpu.memref_squeeze %dma_wait3A_102 : memref<1x2000xi32, #tpu.memory_space<vmem>> -> memref<2000xi32, #tpu.memory_space<vmem>>
    %dma_wait3A_104 = tpu.memref_slice %arg2[%add3A_41] : memref<640000xi32, #tpu.memory_space<hbm>> -> memref<2000xi32, #tpu.memory_space<hbm>>
    %dma_wait3A_105 = arith.constant 0 : i32
    %dma_wait3A_106 = tpu.memref_slice %arg4[%dma_wait3A_100, %dma_wait3A_105] : memref<5x2000xi32, #tpu.memory_space<vmem>> -> memref<1x2000xi32, #tpu.memory_space<vmem>>
    %dma_wait3A_107 = tpu.memref_squeeze %dma_wait3A_106 : memref<1x2000xi32, #tpu.memory_space<vmem>> -> memref<2000xi32, #tpu.memory_space<vmem>>
    %dma_wait3A_108 = tpu.memref_slice %arg2[%add3A_41] : memref<640000xi32, #tpu.memory_space<hbm>> -> memref<2000xi32, #tpu.memory_space<hbm>>
    tpu.wait_dma2 semaphore(%arg8 : memref<!tpu.dma_semaphore, #tpu.memory_space<semaphore_mem>>) src(%dma_wait3A_108 : memref<2000xi32, #tpu.memory_space<hbm>>) dst(%dma_wait3A_107 : memref<2000xi32, #tpu.memory_space<vmem>>)
    %dma_wait3A_109 = arith.constant 3 : i32
    %dma_wait3A_110 = arith.constant 0 : i32
    %dma_wait3A_111 = tpu.memref_slice %arg4[%dma_wait3A_109, %dma_wait3A_110] : memref<5x2000xi32, #tpu.memory_space<vmem>> -> memref<1x2000xi32, #tpu.memory_space<vmem>>
    %dma_wait3A_112 = tpu.memref_squeeze %dma_wait3A_111 : memref<1x2000xi32, #tpu.memory_space<vmem>> -> memref<2000xi32, #tpu.memory_space<vmem>>
    %dma_wait3A_113 = tpu.memref_slice %arg2[%add3A_56] : memref<640000xi32, #tpu.memory_space<hbm>> -> memref<2000xi32, #tpu.memory_space<hbm>>
    %dma_wait3A_114 = arith.constant 0 : i32
    %dma_wait3A_115 = tpu.memref_slice %arg4[%dma_wait3A_109, %dma_wait3A_114] : memref<5x2000xi32, #tpu.memory_space<vmem>> -> memref<1x2000xi32, #tpu.memory_space<vmem>>
    %dma_wait3A_116 = tpu.memref_squeeze %dma_wait3A_115 : memref<1x2000xi32, #tpu.memory_space<vmem>> -> memref<2000xi32, #tpu.memory_space<vmem>>
    %dma_wait3A_117 = tpu.memref_slice %arg2[%add3A_56] : memref<640000xi32, #tpu.memory_space<hbm>> -> memref<2000xi32, #tpu.memory_space<hbm>>
    tpu.wait_dma2 semaphore(%arg8 : memref<!tpu.dma_semaphore, #tpu.memory_space<semaphore_mem>>) src(%dma_wait3A_117 : memref<2000xi32, #tpu.memory_space<hbm>>) dst(%dma_wait3A_116 : memref<2000xi32, #tpu.memory_space<vmem>>)
    %dma_wait3A_118 = arith.constant 4 : i32
    %dma_wait3A_119 = arith.constant 0 : i32
    %dma_wait3A_120 = tpu.memref_slice %arg4[%dma_wait3A_118, %dma_wait3A_119] : memref<5x2000xi32, #tpu.memory_space<vmem>> -> memref<1x2000xi32, #tpu.memory_space<vmem>>
    %dma_wait3A_121 = tpu.memref_squeeze %dma_wait3A_120 : memref<1x2000xi32, #tpu.memory_space<vmem>> -> memref<2000xi32, #tpu.memory_space<vmem>>
    %dma_wait3A_122 = tpu.memref_slice %arg2[%add3A_71] : memref<640000xi32, #tpu.memory_space<hbm>> -> memref<2000xi32, #tpu.memory_space<hbm>>
    %dma_wait3A_123 = arith.constant 0 : i32
    %dma_wait3A_124 = tpu.memref_slice %arg4[%dma_wait3A_118, %dma_wait3A_123] : memref<5x2000xi32, #tpu.memory_space<vmem>> -> memref<1x2000xi32, #tpu.memory_space<vmem>>
    %dma_wait3A_125 = tpu.memref_squeeze %dma_wait3A_124 : memref<1x2000xi32, #tpu.memory_space<vmem>> -> memref<2000xi32, #tpu.memory_space<vmem>>
    %dma_wait3A_126 = tpu.memref_slice %arg2[%add3A_71] : memref<640000xi32, #tpu.memory_space<hbm>> -> memref<2000xi32, #tpu.memory_space<hbm>>
    tpu.wait_dma2 semaphore(%arg8 : memref<!tpu.dma_semaphore, #tpu.memory_space<semaphore_mem>>) src(%dma_wait3A_126 : memref<2000xi32, #tpu.memory_space<hbm>>) dst(%dma_wait3A_125 : memref<2000xi32, #tpu.memory_space<vmem>>)
    %barrier3A = arith.constant 0 : index
    tpu.barrier barrier_id(%barrier3A)
    %scan3A_127 = arith.constant 0 : i32
    %scan3A_128 = arith.constant 0 : i32
    %scan3A_129 = arith.constant 125 : i32
    %scan3A_130 = arith.addi %scan3A_128, %scan3A_129 : i32
    %scan3A_131 = arith.constant 1 : i32
    %scan3A_132 = scf.for %scan3A_230 = %scan3A_128 to %scan3A_130 step %scan3A_131 iter_args(%scan3A_231 = %scan3A_127) -> (i32)  : i32 {
      %mul3A_232 = arith.constant 16 : i32
      %mul3A_233 = arith.muli %scan3A_230, %mul3A_232 : i32
      %get3A = arith.constant 0 : i32
      %get3A_234 = arith.index_cast %get3A : i32 to index
      %get3A_235 = arith.index_cast %mul3A_233 : i32 to index
      %get3A_236 = tpu.vector_load %arg4[%get3A_234, %get3A_235] {strides = array<i32>} : memref<5x2000xi32, #tpu.memory_space<vmem>>, vector<1x16xi32>,
      %get3A_237 = vector.shape_cast %get3A_236 : vector<1x16xi32> to vector<16xi32>
      %shift_right_logical3A = arith.constant 8 : i32
      %shift_right_logical3A_238 = vector.broadcast %shift_right_logical3A : i32 to vector<16xi32>
      %shift_right_logical3A_239 = arith.shrui %get3A_237, %shift_right_logical3A_238 : vector<16xi32>
      %mul3A_240 = arith.constant 13108 : i32
      %mul3A_241 = vector.broadcast %mul3A_240 : i32 to vector<16xi32>
      %mul3A_242 = arith.muli %shift_right_logical3A_239, %mul3A_241 : vector<16xi32>
      %shift_right_logical3A_243 = arith.constant 16 : i32
      %shift_right_logical3A_244 = vector.broadcast %shift_right_logical3A_243 : i32 to vector<16xi32>
      %shift_right_logical3A_245 = arith.shrui %mul3A_242, %shift_right_logical3A_244 : vector<16xi32>
      %mul3A_246 = arith.constant 8 : i32
      %mul3A_247 = vector.broadcast %mul3A_246 : i32 to vector<16xi32>
      %mul3A_248 = arith.muli %get3A_237, %mul3A_247 : vector<16xi32>
      %mul3A_249 = arith.constant 10239 : i32
      %mul3A_250 = vector.broadcast %mul3A_249 : i32 to vector<16xi32>
      %mul3A_251 = arith.muli %shift_right_logical3A_245, %mul3A_250 : vector<16xi32>
      %sub3A = arith.subi %mul3A_248, %mul3A_251 : vector<16xi32>
      %mul3A_252 = arith.constant 16 : i32
      %mul3A_253 = arith.muli %scan3A_230, %mul3A_252 : i32
      %swap3A = arith.constant 0 : i32
      %swap3A_254 = arith.index_cast %swap3A : i32 to index
      %swap3A_255 = arith.index_cast %mul3A_253 : i32 to index
      %swap3A_256 = tpu.vector_load %arg4[%swap3A_254, %swap3A_255] {strides = array<i32>} : memref<5x2000xi32, #tpu.memory_space<vmem>>, vector<1x16xi32>,
      %swap3A_257 = vector.shape_cast %swap3A_256 : vector<1x16xi32> to vector<16xi32>
      %swap3A_258 = vector.shape_cast %sub3A : vector<16xi32> to vector<1x16xi32>
      tpu.vector_store %arg4[%swap3A_254, %swap3A_255], %swap3A_258 {strides = array<i32>} : memref<5x2000xi32, #tpu.memory_space<vmem>>, vector<1x16xi32>,
      %scan3A_259 = arith.constant 0 : i32
      scf.yield %scan3A_259 : i32
    }
    %scan3A_133 = arith.constant 125 : i32
    %dma_start3A_134 = arith.constant 0 : i32
    %dma_start3A_135 = arith.constant 0 : i32
    %dma_start3A_136 = tpu.memref_slice %arg4[%dma_start3A_134, %dma_start3A_135] : memref<5x2000xi32, #tpu.memory_space<vmem>> -> memref<1x2000xi32, #tpu.memory_space<vmem>>
    %dma_start3A_137 = tpu.memref_squeeze %dma_start3A_136 : memref<1x2000xi32, #tpu.memory_space<vmem>> -> memref<2000xi32, #tpu.memory_space<vmem>>
    %dma_start3A_138 = arith.constant 0 : i32
    %dma_start3A_139 = tpu.memref_slice %arg7[%dma_start3A_138] : memref<10240xf32, #tpu.memory_space<vmem_shared>> -> memref<10240xf32, #tpu.memory_space<vmem_shared>>
    tpu.enqueue_indirect_dma source(%arg5 : memref<2000xf32, #tpu.memory_space<vmem>>) target(%dma_start3A_139 : memref<10240xf32, #tpu.memory_space<vmem_shared>>) offsets(%dma_start3A_137 : memref<2000xi32, #tpu.memory_space<vmem>>) semaphore(%arg8 : memref<!tpu.dma_semaphore, #tpu.memory_space<semaphore_mem>>) {add = true}
    %scan3A_140 = arith.constant 0 : i32
    %scan3A_141 = arith.constant 0 : i32
    %scan3A_142 = arith.constant 125 : i32
    %scan3A_143 = arith.addi %scan3A_141, %scan3A_142 : i32
    %scan3A_144 = arith.constant 1 : i32
    %scan3A_145 = scf.for %scan3A_230 = %scan3A_141 to %scan3A_143 step %scan3A_144 iter_args(%scan3A_231 = %scan3A_140) -> (i32)  : i32 {
      %mul3A_232 = arith.constant 16 : i32
      %mul3A_233 = arith.muli %scan3A_230, %mul3A_232 : i32
      %get3A = arith.constant 1 : i32
      %get3A_234 = arith.index_cast %get3A : i32 to index
      %get3A_235 = arith.index_cast %mul3A_233 : i32 to index
      %get3A_236 = tpu.vector_load %arg4[%get3A_234, %get3A_235] {strides = array<i32>} : memref<5x2000xi32, #tpu.memory_space<vmem>>, vector<1x16xi32>,
      %get3A_237 = vector.shape_cast %get3A_236 : vector<1x16xi32> to vector<16xi32>
      %shift_right_logical3A = arith.constant 8 : i32
      %shift_right_logical3A_238 = vector.broadcast %shift_right_logical3A : i32 to vector<16xi32>
      %shift_right_logical3A_239 = arith.shrui %get3A_237, %shift_right_logical3A_238 : vector<16xi32>
      %mul3A_240 = arith.constant 13108 : i32
      %mul3A_241 = vector.broadcast %mul3A_240 : i32 to vector<16xi32>
      %mul3A_242 = arith.muli %shift_right_logical3A_239, %mul3A_241 : vector<16xi32>
      %shift_right_logical3A_243 = arith.constant 16 : i32
      %shift_right_logical3A_244 = vector.broadcast %shift_right_logical3A_243 : i32 to vector<16xi32>
      %shift_right_logical3A_245 = arith.shrui %mul3A_242, %shift_right_logical3A_244 : vector<16xi32>
      %mul3A_246 = arith.constant 8 : i32
      %mul3A_247 = vector.broadcast %mul3A_246 : i32 to vector<16xi32>
      %mul3A_248 = arith.muli %get3A_237, %mul3A_247 : vector<16xi32>
      %mul3A_249 = arith.constant 10239 : i32
      %mul3A_250 = vector.broadcast %mul3A_249 : i32 to vector<16xi32>
      %mul3A_251 = arith.muli %shift_right_logical3A_245, %mul3A_250 : vector<16xi32>
      %sub3A = arith.subi %mul3A_248, %mul3A_251 : vector<16xi32>
      %mul3A_252 = arith.constant 16 : i32
      %mul3A_253 = arith.muli %scan3A_230, %mul3A_252 : i32
      %swap3A = arith.constant 1 : i32
      %swap3A_254 = arith.index_cast %swap3A : i32 to index
      %swap3A_255 = arith.index_cast %mul3A_253 : i32 to index
      %swap3A_256 = tpu.vector_load %arg4[%swap3A_254, %swap3A_255] {strides = array<i32>} : memref<5x2000xi32, #tpu.memory_space<vmem>>, vector<1x16xi32>,
      %swap3A_257 = vector.shape_cast %swap3A_256 : vector<1x16xi32> to vector<16xi32>
      %swap3A_258 = vector.shape_cast %sub3A : vector<16xi32> to vector<1x16xi32>
      tpu.vector_store %arg4[%swap3A_254, %swap3A_255], %swap3A_258 {strides = array<i32>} : memref<5x2000xi32, #tpu.memory_space<vmem>>, vector<1x16xi32>,
      %scan3A_259 = arith.constant 0 : i32
      scf.yield %scan3A_259 : i32
    }
    %scan3A_146 = arith.constant 125 : i32
    %dma_start3A_147 = arith.constant 1 : i32
    %dma_start3A_148 = arith.constant 0 : i32
    %dma_start3A_149 = tpu.memref_slice %arg4[%dma_start3A_147, %dma_start3A_148] : memref<5x2000xi32, #tpu.memory_space<vmem>> -> memref<1x2000xi32, #tpu.memory_space<vmem>>
    %dma_start3A_150 = tpu.memref_squeeze %dma_start3A_149 : memref<1x2000xi32, #tpu.memory_space<vmem>> -> memref<2000xi32, #tpu.memory_space<vmem>>
    %dma_start3A_151 = arith.constant 0 : i32
    %dma_start3A_152 = tpu.memref_slice %arg7[%dma_start3A_151] : memref<10240xf32, #tpu.memory_space<vmem_shared>> -> memref<10240xf32, #tpu.memory_space<vmem_shared>>
    tpu.enqueue_indirect_dma source(%arg5 : memref<2000xf32, #tpu.memory_space<vmem>>) target(%dma_start3A_152 : memref<10240xf32, #tpu.memory_space<vmem_shared>>) offsets(%dma_start3A_150 : memref<2000xi32, #tpu.memory_space<vmem>>) semaphore(%arg8 : memref<!tpu.dma_semaphore, #tpu.memory_space<semaphore_mem>>) {add = true}
    %scan3A_153 = arith.constant 0 : i32
    %scan3A_154 = arith.constant 0 : i32
    %scan3A_155 = arith.constant 125 : i32
    %scan3A_156 = arith.addi %scan3A_154, %scan3A_155 : i32
    %scan3A_157 = arith.constant 1 : i32
    %scan3A_158 = scf.for %scan3A_230 = %scan3A_154 to %scan3A_156 step %scan3A_157 iter_args(%scan3A_231 = %scan3A_153) -> (i32)  : i32 {
      %mul3A_232 = arith.constant 16 : i32
      %mul3A_233 = arith.muli %scan3A_230, %mul3A_232 : i32
      %get3A = arith.constant 2 : i32
      %get3A_234 = arith.index_cast %get3A : i32 to index
      %get3A_235 = arith.index_cast %mul3A_233 : i32 to index
      %get3A_236 = tpu.vector_load %arg4[%get3A_234, %get3A_235] {strides = array<i32>} : memref<5x2000xi32, #tpu.memory_space<vmem>>, vector<1x16xi32>,
      %get3A_237 = vector.shape_cast %get3A_236 : vector<1x16xi32> to vector<16xi32>
      %shift_right_logical3A = arith.constant 8 : i32
      %shift_right_logical3A_238 = vector.broadcast %shift_right_logical3A : i32 to vector<16xi32>
      %shift_right_logical3A_239 = arith.shrui %get3A_237, %shift_right_logical3A_238 : vector<16xi32>
      %mul3A_240 = arith.constant 13108 : i32
      %mul3A_241 = vector.broadcast %mul3A_240 : i32 to vector<16xi32>
      %mul3A_242 = arith.muli %shift_right_logical3A_239, %mul3A_241 : vector<16xi32>
      %shift_right_logical3A_243 = arith.constant 16 : i32
      %shift_right_logical3A_244 = vector.broadcast %shift_right_logical3A_243 : i32 to vector<16xi32>
      %shift_right_logical3A_245 = arith.shrui %mul3A_242, %shift_right_logical3A_244 : vector<16xi32>
      %mul3A_246 = arith.constant 8 : i32
      %mul3A_247 = vector.broadcast %mul3A_246 : i32 to vector<16xi32>
      %mul3A_248 = arith.muli %get3A_237, %mul3A_247 : vector<16xi32>
      %mul3A_249 = arith.constant 10239 : i32
      %mul3A_250 = vector.broadcast %mul3A_249 : i32 to vector<16xi32>
      %mul3A_251 = arith.muli %shift_right_logical3A_245, %mul3A_250 : vector<16xi32>
      %sub3A = arith.subi %mul3A_248, %mul3A_251 : vector<16xi32>
      %mul3A_252 = arith.constant 16 : i32
      %mul3A_253 = arith.muli %scan3A_230, %mul3A_252 : i32
      %swap3A = arith.constant 2 : i32
      %swap3A_254 = arith.index_cast %swap3A : i32 to index
      %swap3A_255 = arith.index_cast %mul3A_253 : i32 to index
      %swap3A_256 = tpu.vector_load %arg4[%swap3A_254, %swap3A_255] {strides = array<i32>} : memref<5x2000xi32, #tpu.memory_space<vmem>>, vector<1x16xi32>,
      %swap3A_257 = vector.shape_cast %swap3A_256 : vector<1x16xi32> to vector<16xi32>
      %swap3A_258 = vector.shape_cast %sub3A : vector<16xi32> to vector<1x16xi32>
      tpu.vector_store %arg4[%swap3A_254, %swap3A_255], %swap3A_258 {strides = array<i32>} : memref<5x2000xi32, #tpu.memory_space<vmem>>, vector<1x16xi32>,
      %scan3A_259 = arith.constant 0 : i32
      scf.yield %scan3A_259 : i32
    }
    %scan3A_159 = arith.constant 125 : i32
    %dma_start3A_160 = arith.constant 2 : i32
    %dma_start3A_161 = arith.constant 0 : i32
    %dma_start3A_162 = tpu.memref_slice %arg4[%dma_start3A_160, %dma_start3A_161] : memref<5x2000xi32, #tpu.memory_space<vmem>> -> memref<1x2000xi32, #tpu.memory_space<vmem>>
    %dma_start3A_163 = tpu.memref_squeeze %dma_start3A_162 : memref<1x2000xi32, #tpu.memory_space<vmem>> -> memref<2000xi32, #tpu.memory_space<vmem>>
    %dma_start3A_164 = arith.constant 0 : i32
    %dma_start3A_165 = tpu.memref_slice %arg7[%dma_start3A_164] : memref<10240xf32, #tpu.memory_space<vmem_shared>> -> memref<10240xf32, #tpu.memory_space<vmem_shared>>
    tpu.enqueue_indirect_dma source(%arg5 : memref<2000xf32, #tpu.memory_space<vmem>>) target(%dma_start3A_165 : memref<10240xf32, #tpu.memory_space<vmem_shared>>) offsets(%dma_start3A_163 : memref<2000xi32, #tpu.memory_space<vmem>>) semaphore(%arg8 : memref<!tpu.dma_semaphore, #tpu.memory_space<semaphore_mem>>) {add = true}
    %scan3A_166 = arith.constant 0 : i32
    %scan3A_167 = arith.constant 0 : i32
    %scan3A_168 = arith.constant 125 : i32
    %scan3A_169 = arith.addi %scan3A_167, %scan3A_168 : i32
    %scan3A_170 = arith.constant 1 : i32
    %scan3A_171 = scf.for %scan3A_230 = %scan3A_167 to %scan3A_169 step %scan3A_170 iter_args(%scan3A_231 = %scan3A_166) -> (i32)  : i32 {
      %mul3A_232 = arith.constant 16 : i32
      %mul3A_233 = arith.muli %scan3A_230, %mul3A_232 : i32
      %get3A = arith.constant 3 : i32
      %get3A_234 = arith.index_cast %get3A : i32 to index
      %get3A_235 = arith.index_cast %mul3A_233 : i32 to index
      %get3A_236 = tpu.vector_load %arg4[%get3A_234, %get3A_235] {strides = array<i32>} : memref<5x2000xi32, #tpu.memory_space<vmem>>, vector<1x16xi32>,
      %get3A_237 = vector.shape_cast %get3A_236 : vector<1x16xi32> to vector<16xi32>
      %shift_right_logical3A = arith.constant 8 : i32
      %shift_right_logical3A_238 = vector.broadcast %shift_right_logical3A : i32 to vector<16xi32>
      %shift_right_logical3A_239 = arith.shrui %get3A_237, %shift_right_logical3A_238 : vector<16xi32>
      %mul3A_240 = arith.constant 13108 : i32
      %mul3A_241 = vector.broadcast %mul3A_240 : i32 to vector<16xi32>
      %mul3A_242 = arith.muli %shift_right_logical3A_239, %mul3A_241 : vector<16xi32>
      %shift_right_logical3A_243 = arith.constant 16 : i32
      %shift_right_logical3A_244 = vector.broadcast %shift_right_logical3A_243 : i32 to vector<16xi32>
      %shift_right_logical3A_245 = arith.shrui %mul3A_242, %shift_right_logical3A_244 : vector<16xi32>
      %mul3A_246 = arith.constant 8 : i32
      %mul3A_247 = vector.broadcast %mul3A_246 : i32 to vector<16xi32>
      %mul3A_248 = arith.muli %get3A_237, %mul3A_247 : vector<16xi32>
      %mul3A_249 = arith.constant 10239 : i32
      %mul3A_250 = vector.broadcast %mul3A_249 : i32 to vector<16xi32>
      %mul3A_251 = arith.muli %shift_right_logical3A_245, %mul3A_250 : vector<16xi32>
      %sub3A = arith.subi %mul3A_248, %mul3A_251 : vector<16xi32>
      %mul3A_252 = arith.constant 16 : i32
      %mul3A_253 = arith.muli %scan3A_230, %mul3A_252 : i32
      %swap3A = arith.constant 3 : i32
      %swap3A_254 = arith.index_cast %swap3A : i32 to index
      %swap3A_255 = arith.index_cast %mul3A_253 : i32 to index
      %swap3A_256 = tpu.vector_load %arg4[%swap3A_254, %swap3A_255] {strides = array<i32>} : memref<5x2000xi32, #tpu.memory_space<vmem>>, vector<1x16xi32>,
      %swap3A_257 = vector.shape_cast %swap3A_256 : vector<1x16xi32> to vector<16xi32>
      %swap3A_258 = vector.shape_cast %sub3A : vector<16xi32> to vector<1x16xi32>
      tpu.vector_store %arg4[%swap3A_254, %swap3A_255], %swap3A_258 {strides = array<i32>} : memref<5x2000xi32, #tpu.memory_space<vmem>>, vector<1x16xi32>,
      %scan3A_259 = arith.constant 0 : i32
      scf.yield %scan3A_259 : i32
    }
    %scan3A_172 = arith.constant 125 : i32
    %dma_start3A_173 = arith.constant 3 : i32
    %dma_start3A_174 = arith.constant 0 : i32
    %dma_start3A_175 = tpu.memref_slice %arg4[%dma_start3A_173, %dma_start3A_174] : memref<5x2000xi32, #tpu.memory_space<vmem>> -> memref<1x2000xi32, #tpu.memory_space<vmem>>
    %dma_start3A_176 = tpu.memref_squeeze %dma_start3A_175 : memref<1x2000xi32, #tpu.memory_space<vmem>> -> memref<2000xi32, #tpu.memory_space<vmem>>
    %dma_start3A_177 = arith.constant 0 : i32
    %dma_start3A_178 = tpu.memref_slice %arg7[%dma_start3A_177] : memref<10240xf32, #tpu.memory_space<vmem_shared>> -> memref<10240xf32, #tpu.memory_space<vmem_shared>>
    tpu.enqueue_indirect_dma source(%arg5 : memref<2000xf32, #tpu.memory_space<vmem>>) target(%dma_start3A_178 : memref<10240xf32, #tpu.memory_space<vmem_shared>>) offsets(%dma_start3A_176 : memref<2000xi32, #tpu.memory_space<vmem>>) semaphore(%arg8 : memref<!tpu.dma_semaphore, #tpu.memory_space<semaphore_mem>>) {add = true}
    %scan3A_179 = arith.constant 0 : i32
    %scan3A_180 = arith.constant 0 : i32
    %scan3A_181 = arith.constant 125 : i32
    %scan3A_182 = arith.addi %scan3A_180, %scan3A_181 : i32
    %scan3A_183 = arith.constant 1 : i32
    %scan3A_184 = scf.for %scan3A_230 = %scan3A_180 to %scan3A_182 step %scan3A_183 iter_args(%scan3A_231 = %scan3A_179) -> (i32)  : i32 {
      %mul3A_232 = arith.constant 16 : i32
      %mul3A_233 = arith.muli %scan3A_230, %mul3A_232 : i32
      %get3A = arith.constant 4 : i32
      %get3A_234 = arith.index_cast %get3A : i32 to index
      %get3A_235 = arith.index_cast %mul3A_233 : i32 to index
      %get3A_236 = tpu.vector_load %arg4[%get3A_234, %get3A_235] {strides = array<i32>} : memref<5x2000xi32, #tpu.memory_space<vmem>>, vector<1x16xi32>,
      %get3A_237 = vector.shape_cast %get3A_236 : vector<1x16xi32> to vector<16xi32>
      %shift_right_logical3A = arith.constant 8 : i32
      %shift_right_logical3A_238 = vector.broadcast %shift_right_logical3A : i32 to vector<16xi32>
      %shift_right_logical3A_239 = arith.shrui %get3A_237, %shift_right_logical3A_238 : vector<16xi32>
      %mul3A_240 = arith.constant 13108 : i32
      %mul3A_241 = vector.broadcast %mul3A_240 : i32 to vector<16xi32>
      %mul3A_242 = arith.muli %shift_right_logical3A_239, %mul3A_241 : vector<16xi32>
      %shift_right_logical3A_243 = arith.constant 16 : i32
      %shift_right_logical3A_244 = vector.broadcast %shift_right_logical3A_243 : i32 to vector<16xi32>
      %shift_right_logical3A_245 = arith.shrui %mul3A_242, %shift_right_logical3A_244 : vector<16xi32>
      %mul3A_246 = arith.constant 8 : i32
      %mul3A_247 = vector.broadcast %mul3A_246 : i32 to vector<16xi32>
      %mul3A_248 = arith.muli %get3A_237, %mul3A_247 : vector<16xi32>
      %mul3A_249 = arith.constant 10239 : i32
      %mul3A_250 = vector.broadcast %mul3A_249 : i32 to vector<16xi32>
      %mul3A_251 = arith.muli %shift_right_logical3A_245, %mul3A_250 : vector<16xi32>
      %sub3A = arith.subi %mul3A_248, %mul3A_251 : vector<16xi32>
      %mul3A_252 = arith.constant 16 : i32
      %mul3A_253 = arith.muli %scan3A_230, %mul3A_252 : i32
      %swap3A = arith.constant 4 : i32
      %swap3A_254 = arith.index_cast %swap3A : i32 to index
      %swap3A_255 = arith.index_cast %mul3A_253 : i32 to index
      %swap3A_256 = tpu.vector_load %arg4[%swap3A_254, %swap3A_255] {strides = array<i32>} : memref<5x2000xi32, #tpu.memory_space<vmem>>, vector<1x16xi32>,
      %swap3A_257 = vector.shape_cast %swap3A_256 : vector<1x16xi32> to vector<16xi32>
      %swap3A_258 = vector.shape_cast %sub3A : vector<16xi32> to vector<1x16xi32>
      tpu.vector_store %arg4[%swap3A_254, %swap3A_255], %swap3A_258 {strides = array<i32>} : memref<5x2000xi32, #tpu.memory_space<vmem>>, vector<1x16xi32>,
      %scan3A_259 = arith.constant 0 : i32
      scf.yield %scan3A_259 : i32
    }
    %scan3A_185 = arith.constant 125 : i32
    %dma_start3A_186 = arith.constant 4 : i32
    %dma_start3A_187 = arith.constant 0 : i32
    %dma_start3A_188 = tpu.memref_slice %arg4[%dma_start3A_186, %dma_start3A_187] : memref<5x2000xi32, #tpu.memory_space<vmem>> -> memref<1x2000xi32, #tpu.memory_space<vmem>>
    %dma_start3A_189 = tpu.memref_squeeze %dma_start3A_188 : memref<1x2000xi32, #tpu.memory_space<vmem>> -> memref<2000xi32, #tpu.memory_space<vmem>>
    %dma_start3A_190 = arith.constant 0 : i32
    %dma_start3A_191 = tpu.memref_slice %arg7[%dma_start3A_190] : memref<10240xf32, #tpu.memory_space<vmem_shared>> -> memref<10240xf32, #tpu.memory_space<vmem_shared>>
    tpu.enqueue_indirect_dma source(%arg5 : memref<2000xf32, #tpu.memory_space<vmem>>) target(%dma_start3A_191 : memref<10240xf32, #tpu.memory_space<vmem_shared>>) offsets(%dma_start3A_189 : memref<2000xi32, #tpu.memory_space<vmem>>) semaphore(%arg8 : memref<!tpu.dma_semaphore, #tpu.memory_space<semaphore_mem>>) {add = true}
    %dma_wait3A_192 = arith.constant 0 : i32
    %dma_wait3A_193 = arith.constant 0 : i32
    %dma_wait3A_194 = tpu.memref_slice %arg4[%dma_wait3A_192, %dma_wait3A_193] : memref<5x2000xi32, #tpu.memory_space<vmem>> -> memref<1x2000xi32, #tpu.memory_space<vmem>>
    %dma_wait3A_195 = tpu.memref_squeeze %dma_wait3A_194 : memref<1x2000xi32, #tpu.memory_space<vmem>> -> memref<2000xi32, #tpu.memory_space<vmem>>
    %dma_wait3A_196 = arith.constant 0 : i32
    %dma_wait3A_197 = tpu.memref_slice %arg7[%dma_wait3A_196] : memref<10240xf32, #tpu.memory_space<vmem_shared>> -> memref<10240xf32, #tpu.memory_space<vmem_shared>>
    tpu.wait_indirect_dma semaphore(%arg8 : memref<!tpu.dma_semaphore, #tpu.memory_space<semaphore_mem>>) src(%arg5 : memref<2000xf32, #tpu.memory_space<vmem>>) dst(%dma_wait3A_197 : memref<10240xf32, #tpu.memory_space<vmem_shared>>)
    %dma_wait3A_198 = arith.constant 1 : i32
    %dma_wait3A_199 = arith.constant 0 : i32
    %dma_wait3A_200 = tpu.memref_slice %arg4[%dma_wait3A_198, %dma_wait3A_199] : memref<5x2000xi32, #tpu.memory_space<vmem>> -> memref<1x2000xi32, #tpu.memory_space<vmem>>
    %dma_wait3A_201 = tpu.memref_squeeze %dma_wait3A_200 : memref<1x2000xi32, #tpu.memory_space<vmem>> -> memref<2000xi32, #tpu.memory_space<vmem>>
    %dma_wait3A_202 = arith.constant 0 : i32
    %dma_wait3A_203 = tpu.memref_slice %arg7[%dma_wait3A_202] : memref<10240xf32, #tpu.memory_space<vmem_shared>> -> memref<10240xf32, #tpu.memory_space<vmem_shared>>
    tpu.wait_indirect_dma semaphore(%arg8 : memref<!tpu.dma_semaphore, #tpu.memory_space<semaphore_mem>>) src(%arg5 : memref<2000xf32, #tpu.memory_space<vmem>>) dst(%dma_wait3A_203 : memref<10240xf32, #tpu.memory_space<vmem_shared>>)
    %dma_wait3A_204 = arith.constant 2 : i32
    %dma_wait3A_205 = arith.constant 0 : i32
    %dma_wait3A_206 = tpu.memref_slice %arg4[%dma_wait3A_204, %dma_wait3A_205] : memref<5x2000xi32, #tpu.memory_space<vmem>> -> memref<1x2000xi32, #tpu.memory_space<vmem>>
    %dma_wait3A_207 = tpu.memref_squeeze %dma_wait3A_206 : memref<1x2000xi32, #tpu.memory_space<vmem>> -> memref<2000xi32, #tpu.memory_space<vmem>>
    %dma_wait3A_208 = arith.constant 0 : i32
    %dma_wait3A_209 = tpu.memref_slice %arg7[%dma_wait3A_208] : memref<10240xf32, #tpu.memory_space<vmem_shared>> -> memref<10240xf32, #tpu.memory_space<vmem_shared>>
    tpu.wait_indirect_dma semaphore(%arg8 : memref<!tpu.dma_semaphore, #tpu.memory_space<semaphore_mem>>) src(%arg5 : memref<2000xf32, #tpu.memory_space<vmem>>) dst(%dma_wait3A_209 : memref<10240xf32, #tpu.memory_space<vmem_shared>>)
    %dma_wait3A_210 = arith.constant 3 : i32
    %dma_wait3A_211 = arith.constant 0 : i32
    %dma_wait3A_212 = tpu.memref_slice %arg4[%dma_wait3A_210, %dma_wait3A_211] : memref<5x2000xi32, #tpu.memory_space<vmem>> -> memref<1x2000xi32, #tpu.memory_space<vmem>>
    %dma_wait3A_213 = tpu.memref_squeeze %dma_wait3A_212 : memref<1x2000xi32, #tpu.memory_space<vmem>> -> memref<2000xi32, #tpu.memory_space<vmem>>
    %dma_wait3A_214 = arith.constant 0 : i32
    %dma_wait3A_215 = tpu.memref_slice %arg7[%dma_wait3A_214] : memref<10240xf32, #tpu.memory_space<vmem_shared>> -> memref<10240xf32, #tpu.memory_space<vmem_shared>>
    tpu.wait_indirect_dma semaphore(%arg8 : memref<!tpu.dma_semaphore, #tpu.memory_space<semaphore_mem>>) src(%arg5 : memref<2000xf32, #tpu.memory_space<vmem>>) dst(%dma_wait3A_215 : memref<10240xf32, #tpu.memory_space<vmem_shared>>)
    %dma_wait3A_216 = arith.constant 4 : i32
    %dma_wait3A_217 = arith.constant 0 : i32
    %dma_wait3A_218 = tpu.memref_slice %arg4[%dma_wait3A_216, %dma_wait3A_217] : memref<5x2000xi32, #tpu.memory_space<vmem>> -> memref<1x2000xi32, #tpu.memory_space<vmem>>
    %dma_wait3A_219 = tpu.memref_squeeze %dma_wait3A_218 : memref<1x2000xi32, #tpu.memory_space<vmem>> -> memref<2000xi32, #tpu.memory_space<vmem>>
    %dma_wait3A_220 = arith.constant 0 : i32
    %dma_wait3A_221 = tpu.memref_slice %arg7[%dma_wait3A_220] : memref<10240xf32, #tpu.memory_space<vmem_shared>> -> memref<10240xf32, #tpu.memory_space<vmem_shared>>
    tpu.wait_indirect_dma semaphore(%arg8 : memref<!tpu.dma_semaphore, #tpu.memory_space<semaphore_mem>>) src(%arg5 : memref<2000xf32, #tpu.memory_space<vmem>>) dst(%dma_wait3A_221 : memref<10240xf32, #tpu.memory_space<vmem_shared>>)
    %barrier3A_222 = arith.constant 0 : index
    tpu.barrier barrier_id(%barrier3A_222)
    %mul3A_223 = arith.constant 640 : i32
    %mul3A_224 = arith.muli %arg1, %mul3A_223 : i32
    "tpu.region"() ({
      %run_scoped3A = tpu.sem_alloc : memref<!tpu.dma_semaphore, #tpu.memory_space<semaphore_mem>>
      %dma_start3A_230 = arith.constant 0 : i32
      %dma_start3A_231 = tpu.memref_slice %arg6[%dma_start3A_230] : memref<2000xf32, #tpu.memory_space<vmem>> -> memref<640xf32, #tpu.memory_space<vmem>>
      %dma_start3A_232 = tpu.memref_slice %arg7[%mul3A_224] : memref<10240xf32, #tpu.memory_space<vmem_shared>> -> memref<640xf32, #tpu.memory_space<vmem_shared>>
      %dma_start3A_233 = arith.constant 0 : i32
      %dma_start3A_234 = tpu.memref_slice %arg6[%dma_start3A_233] : memref<2000xf32, #tpu.memory_space<vmem>> -> memref<640xf32, #tpu.memory_space<vmem>>
      %dma_start3A_235 = tpu.memref_slice %arg7[%mul3A_224] : memref<10240xf32, #tpu.memory_space<vmem_shared>> -> memref<640xf32, #tpu.memory_space<vmem_shared>>
      tpu.enqueue_dma source(%dma_start3A_235 : memref<640xf32, #tpu.memory_space<vmem_shared>>) target(%dma_start3A_234 : memref<640xf32, #tpu.memory_space<vmem>>) target_semaphore(%run_scoped3A : memref<!tpu.dma_semaphore, #tpu.memory_space<semaphore_mem>>)
      %dma_wait3A_236 = arith.constant 0 : i32
      %dma_wait3A_237 = tpu.memref_slice %arg6[%dma_wait3A_236] : memref<2000xf32, #tpu.memory_space<vmem>> -> memref<640xf32, #tpu.memory_space<vmem>>
      %dma_wait3A_238 = tpu.memref_slice %arg7[%mul3A_224] : memref<10240xf32, #tpu.memory_space<vmem_shared>> -> memref<640xf32, #tpu.memory_space<vmem_shared>>
      %dma_wait3A_239 = arith.constant 0 : i32
      %dma_wait3A_240 = tpu.memref_slice %arg6[%dma_wait3A_239] : memref<2000xf32, #tpu.memory_space<vmem>> -> memref<640xf32, #tpu.memory_space<vmem>>
      %dma_wait3A_241 = tpu.memref_slice %arg7[%mul3A_224] : memref<10240xf32, #tpu.memory_space<vmem_shared>> -> memref<640xf32, #tpu.memory_space<vmem_shared>>
      tpu.wait_dma2 semaphore(%run_scoped3A : memref<!tpu.dma_semaphore, #tpu.memory_space<semaphore_mem>>) src(%dma_wait3A_241 : memref<640xf32, #tpu.memory_space<vmem_shared>>) dst(%dma_wait3A_240 : memref<640xf32, #tpu.memory_space<vmem>>)
      tpu.yield
    }) : () -> ()
    %mul3A_225 = arith.constant 10240 : i32
    %mul3A_226 = arith.muli %arg0, %mul3A_225 : i32
    %mul3A_227 = arith.constant 640 : i32
    %mul3A_228 = arith.muli %arg1, %mul3A_227 : i32
    %add3A_229 = arith.addi %mul3A_226, %mul3A_228 : i32
    "tpu.region"() ({
      %run_scoped3A = tpu.sem_alloc : memref<!tpu.dma_semaphore, #tpu.memory_space<semaphore_mem>>
      %dma_start3A_230 = arith.constant 0 : i32
      %dma_start3A_231 = tpu.memref_slice %arg6[%dma_start3A_230] : memref<2000xf32, #tpu.memory_space<vmem>> -> memref<640xf32, #tpu.memory_space<vmem>>
      %dma_start3A_232 = tpu.memref_slice %arg3[%add3A_229] : memref<20480xf32, #tpu.memory_space<hbm>> -> memref<640xf32, #tpu.memory_space<hbm>>
      %dma_start3A_233 = tpu.memref_slice %arg3[%add3A_229] : memref<20480xf32, #tpu.memory_space<hbm>> -> memref<640xf32, #tpu.memory_space<hbm>>
      %dma_start3A_234 = arith.constant 0 : i32
      %dma_start3A_235 = tpu.memref_slice %arg6[%dma_start3A_234] : memref<2000xf32, #tpu.memory_space<vmem>> -> memref<640xf32, #tpu.memory_space<vmem>>
      tpu.enqueue_dma source(%dma_start3A_235 : memref<640xf32, #tpu.memory_space<vmem>>) target(%dma_start3A_233 : memref<640xf32, #tpu.memory_space<hbm>>) target_semaphore(%run_scoped3A : memref<!tpu.dma_semaphore, #tpu.memory_space<semaphore_mem>>)
      %dma_wait3A_236 = arith.constant 0 : i32
      %dma_wait3A_237 = tpu.memref_slice %arg6[%dma_wait3A_236] : memref<2000xf32, #tpu.memory_space<vmem>> -> memref<640xf32, #tpu.memory_space<vmem>>
      %dma_wait3A_238 = tpu.memref_slice %arg3[%add3A_229] : memref<20480xf32, #tpu.memory_space<hbm>> -> memref<640xf32, #tpu.memory_space<hbm>>
      %dma_wait3A_239 = tpu.memref_slice %arg3[%add3A_229] : memref<20480xf32, #tpu.memory_space<hbm>> -> memref<640xf32, #tpu.memory_space<hbm>>
      %dma_wait3A_240 = arith.constant 0 : i32
      %dma_wait3A_241 = tpu.memref_slice %arg6[%dma_wait3A_240] : memref<2000xf32, #tpu.memory_space<vmem>> -> memref<640xf32, #tpu.memory_space<vmem>>
      tpu.wait_dma2 semaphore(%run_scoped3A : memref<!tpu.dma_semaphore, #tpu.memory_space<semaphore_mem>>) src(%dma_wait3A_241 : memref<640xf32, #tpu.memory_space<vmem>>) dst(%dma_wait3A_239 : memref<640xf32, #tpu.memory_space<hbm>>)
      tpu.yield
    }) : () -> ()
    return
  }
}

#map = affine_map<(d0, d1) -> (0, 0)>
#map1 = affine_map<(d0, d1) -> (0)>
module attributes {stable_mosaic.version = 14 : i64} {
  func.func @_msg_body(%arg0: i32, %arg1: i32, %arg2: memref<10240x16xf32, #tpu.memory_space<hbm>>, %arg3: memref<640000xi32, #tpu.memory_space<hbm>>, %arg4: memref<20480x16xf32, #tpu.memory_space<hbm>>, %arg5: memref<5x2000xi32, #tpu.memory_space<vmem>>, %arg6: memref<5x2000xi32, #tpu.memory_space<vmem>>, %arg7: memref<2000x16xf32, #tpu.memory_space<vmem>>, %arg8: memref<2000x16xf32, #tpu.memory_space<vmem>>, %arg9: memref<2000x16xf32, #tpu.memory_space<vmem>>, %arg10: memref<10240x16xf32, #tpu.memory_space<vmem_shared>>, %arg11: memref<!tpu.dma_semaphore, #tpu.memory_space<semaphore_mem>>, %arg12: memref<!tpu.dma_semaphore, #tpu.memory_space<semaphore_mem>>, %arg13: memref<!tpu.dma_semaphore, #tpu.memory_space<semaphore_mem>>, %arg14: memref<!tpu.dma_semaphore, #tpu.memory_space<semaphore_mem>>, %arg15: memref<!tpu.dma_semaphore, #tpu.memory_space<semaphore_mem>>) attributes {dimension_semantics = [#tpu.dimension_semantics<core_parallel>, #tpu.dimension_semantics<subcore_parallel>], iteration_bounds = array<i64: 2, 16>, scalar_prefetch = 0 : i64, scratch_operands = 11 : i64, tpu.core_type = #tpu.core_type<sc_vector_subcore>, window_params = [{transform_indices = #map}, {transform_indices = #map1}, {transform_indices = #map}]} {
    %mul3A = arith.constant 16 : i32
    %mul3A_0 = arith.muli %arg0, %mul3A : i32
    %add3A = arith.addi %mul3A_0, %arg1 : i32
    %scan3A = arith.constant 0 : i32
    %scan3A_1 = arith.constant 0 : i32
    %scan3A_2 = arith.constant 640 : i32
    %scan3A_3 = arith.addi %scan3A_1, %scan3A_2 : i32
    %scan3A_4 = arith.constant 1 : i32
    %scan3A_5 = scf.for %scan3A_435 = %scan3A_1 to %scan3A_3 step %scan3A_4 iter_args(%scan3A_436 = %scan3A) -> (i32)  : i32 {
      %broadcast_in_dim3A = arith.constant 0.000000e+00 : f32
      %broadcast_in_dim3A_437 = vector.broadcast %broadcast_in_dim3A : f32 to vector<16xf32>
      %swap3A = arith.index_cast %scan3A_435 : i32 to index
      %swap3A_438 = arith.constant 0 : index
      %swap3A_439 = tpu.vector_load %arg9[%swap3A, %swap3A_438] {strides = array<i32>} : memref<2000x16xf32, #tpu.memory_space<vmem>>, vector<1x16xf32>,
      %swap3A_440 = vector.shape_cast %swap3A_439 : vector<1x16xf32> to vector<16xf32>
      %swap3A_441 = vector.shape_cast %broadcast_in_dim3A_437 : vector<16xf32> to vector<1x16xf32>
      tpu.vector_store %arg9[%swap3A, %swap3A_438], %swap3A_441 {strides = array<i32>} : memref<2000x16xf32, #tpu.memory_space<vmem>>, vector<1x16xf32>,
      %scan3A_442 = arith.constant 0 : i32
      scf.yield %scan3A_442 : i32
    }
    %scan3A_6 = arith.constant 640 : i32
    %mul3A_7 = arith.constant 10000 : i32
    %mul3A_8 = arith.muli %add3A, %mul3A_7 : i32
    %add3A_9 = arith.constant 0 : i32
    %add3A_10 = arith.addi %mul3A_8, %add3A_9 : i32
    %dma_start3A = arith.constant 0 : i32
    %dma_start3A_11 = arith.constant 0 : i32
    %dma_start3A_12 = tpu.memref_slice %arg5[%dma_start3A, %dma_start3A_11] : memref<5x2000xi32, #tpu.memory_space<vmem>> -> memref<1x2000xi32, #tpu.memory_space<vmem>>
    %dma_start3A_13 = tpu.memref_squeeze %dma_start3A_12 : memref<1x2000xi32, #tpu.memory_space<vmem>> -> memref<2000xi32, #tpu.memory_space<vmem>>
    %dma_start3A_14 = tpu.memref_slice %arg3[%add3A_10] : memref<640000xi32, #tpu.memory_space<hbm>> -> memref<2000xi32, #tpu.memory_space<hbm>>
    %dma_start3A_15 = arith.constant 0 : i32
    %dma_start3A_16 = tpu.memref_slice %arg5[%dma_start3A, %dma_start3A_15] : memref<5x2000xi32, #tpu.memory_space<vmem>> -> memref<1x2000xi32, #tpu.memory_space<vmem>>
    %dma_start3A_17 = tpu.memref_squeeze %dma_start3A_16 : memref<1x2000xi32, #tpu.memory_space<vmem>> -> memref<2000xi32, #tpu.memory_space<vmem>>
    %dma_start3A_18 = tpu.memref_slice %arg3[%add3A_10] : memref<640000xi32, #tpu.memory_space<hbm>> -> memref<2000xi32, #tpu.memory_space<hbm>>
    tpu.enqueue_dma source(%dma_start3A_18 : memref<2000xi32, #tpu.memory_space<hbm>>) target(%dma_start3A_17 : memref<2000xi32, #tpu.memory_space<vmem>>) target_semaphore(%arg11 : memref<!tpu.dma_semaphore, #tpu.memory_space<semaphore_mem>>)
    %add3A_19 = arith.constant 320000 : i32
    %add3A_20 = arith.addi %add3A_19, %add3A_10 : i32
    %dma_start3A_21 = arith.constant 0 : i32
    %dma_start3A_22 = arith.constant 0 : i32
    %dma_start3A_23 = tpu.memref_slice %arg6[%dma_start3A_21, %dma_start3A_22] : memref<5x2000xi32, #tpu.memory_space<vmem>> -> memref<1x2000xi32, #tpu.memory_space<vmem>>
    %dma_start3A_24 = tpu.memref_squeeze %dma_start3A_23 : memref<1x2000xi32, #tpu.memory_space<vmem>> -> memref<2000xi32, #tpu.memory_space<vmem>>
    %dma_start3A_25 = tpu.memref_slice %arg3[%add3A_20] : memref<640000xi32, #tpu.memory_space<hbm>> -> memref<2000xi32, #tpu.memory_space<hbm>>
    %dma_start3A_26 = arith.constant 0 : i32
    %dma_start3A_27 = tpu.memref_slice %arg6[%dma_start3A_21, %dma_start3A_26] : memref<5x2000xi32, #tpu.memory_space<vmem>> -> memref<1x2000xi32, #tpu.memory_space<vmem>>
    %dma_start3A_28 = tpu.memref_squeeze %dma_start3A_27 : memref<1x2000xi32, #tpu.memory_space<vmem>> -> memref<2000xi32, #tpu.memory_space<vmem>>
    %dma_start3A_29 = tpu.memref_slice %arg3[%add3A_20] : memref<640000xi32, #tpu.memory_space<hbm>> -> memref<2000xi32, #tpu.memory_space<hbm>>
    tpu.enqueue_dma source(%dma_start3A_29 : memref<2000xi32, #tpu.memory_space<hbm>>) target(%dma_start3A_28 : memref<2000xi32, #tpu.memory_space<vmem>>) target_semaphore(%arg11 : memref<!tpu.dma_semaphore, #tpu.memory_space<semaphore_mem>>)
    %mul3A_30 = arith.constant 10000 : i32
    %mul3A_31 = arith.muli %add3A, %mul3A_30 : i32
    %add3A_32 = arith.constant 2000 : i32
    %add3A_33 = arith.addi %mul3A_31, %add3A_32 : i32
    %dma_start3A_34 = arith.constant 1 : i32
    %dma_start3A_35 = arith.constant 0 : i32
    %dma_start3A_36 = tpu.memref_slice %arg5[%dma_start3A_34, %dma_start3A_35] : memref<5x2000xi32, #tpu.memory_space<vmem>> -> memref<1x2000xi32, #tpu.memory_space<vmem>>
    %dma_start3A_37 = tpu.memref_squeeze %dma_start3A_36 : memref<1x2000xi32, #tpu.memory_space<vmem>> -> memref<2000xi32, #tpu.memory_space<vmem>>
    %dma_start3A_38 = tpu.memref_slice %arg3[%add3A_33] : memref<640000xi32, #tpu.memory_space<hbm>> -> memref<2000xi32, #tpu.memory_space<hbm>>
    %dma_start3A_39 = arith.constant 0 : i32
    %dma_start3A_40 = tpu.memref_slice %arg5[%dma_start3A_34, %dma_start3A_39] : memref<5x2000xi32, #tpu.memory_space<vmem>> -> memref<1x2000xi32, #tpu.memory_space<vmem>>
    %dma_start3A_41 = tpu.memref_squeeze %dma_start3A_40 : memref<1x2000xi32, #tpu.memory_space<vmem>> -> memref<2000xi32, #tpu.memory_space<vmem>>
    %dma_start3A_42 = tpu.memref_slice %arg3[%add3A_33] : memref<640000xi32, #tpu.memory_space<hbm>> -> memref<2000xi32, #tpu.memory_space<hbm>>
    tpu.enqueue_dma source(%dma_start3A_42 : memref<2000xi32, #tpu.memory_space<hbm>>) target(%dma_start3A_41 : memref<2000xi32, #tpu.memory_space<vmem>>) target_semaphore(%arg11 : memref<!tpu.dma_semaphore, #tpu.memory_space<semaphore_mem>>)
    %add3A_43 = arith.constant 320000 : i32
    %add3A_44 = arith.addi %add3A_43, %add3A_33 : i32
    %dma_start3A_45 = arith.constant 1 : i32
    %dma_start3A_46 = arith.constant 0 : i32
    %dma_start3A_47 = tpu.memref_slice %arg6[%dma_start3A_45, %dma_start3A_46] : memref<5x2000xi32, #tpu.memory_space<vmem>> -> memref<1x2000xi32, #tpu.memory_space<vmem>>
    %dma_start3A_48 = tpu.memref_squeeze %dma_start3A_47 : memref<1x2000xi32, #tpu.memory_space<vmem>> -> memref<2000xi32, #tpu.memory_space<vmem>>
    %dma_start3A_49 = tpu.memref_slice %arg3[%add3A_44] : memref<640000xi32, #tpu.memory_space<hbm>> -> memref<2000xi32, #tpu.memory_space<hbm>>
    %dma_start3A_50 = arith.constant 0 : i32
    %dma_start3A_51 = tpu.memref_slice %arg6[%dma_start3A_45, %dma_start3A_50] : memref<5x2000xi32, #tpu.memory_space<vmem>> -> memref<1x2000xi32, #tpu.memory_space<vmem>>
    %dma_start3A_52 = tpu.memref_squeeze %dma_start3A_51 : memref<1x2000xi32, #tpu.memory_space<vmem>> -> memref<2000xi32, #tpu.memory_space<vmem>>
    %dma_start3A_53 = tpu.memref_slice %arg3[%add3A_44] : memref<640000xi32, #tpu.memory_space<hbm>> -> memref<2000xi32, #tpu.memory_space<hbm>>
    tpu.enqueue_dma source(%dma_start3A_53 : memref<2000xi32, #tpu.memory_space<hbm>>) target(%dma_start3A_52 : memref<2000xi32, #tpu.memory_space<vmem>>) target_semaphore(%arg11 : memref<!tpu.dma_semaphore, #tpu.memory_space<semaphore_mem>>)
    %mul3A_54 = arith.constant 10000 : i32
    %mul3A_55 = arith.muli %add3A, %mul3A_54 : i32
    %add3A_56 = arith.constant 4000 : i32
    %add3A_57 = arith.addi %mul3A_55, %add3A_56 : i32
    %dma_start3A_58 = arith.constant 2 : i32
    %dma_start3A_59 = arith.constant 0 : i32
    %dma_start3A_60 = tpu.memref_slice %arg5[%dma_start3A_58, %dma_start3A_59] : memref<5x2000xi32, #tpu.memory_space<vmem>> -> memref<1x2000xi32, #tpu.memory_space<vmem>>
    %dma_start3A_61 = tpu.memref_squeeze %dma_start3A_60 : memref<1x2000xi32, #tpu.memory_space<vmem>> -> memref<2000xi32, #tpu.memory_space<vmem>>
    %dma_start3A_62 = tpu.memref_slice %arg3[%add3A_57] : memref<640000xi32, #tpu.memory_space<hbm>> -> memref<2000xi32, #tpu.memory_space<hbm>>
    %dma_start3A_63 = arith.constant 0 : i32
    %dma_start3A_64 = tpu.memref_slice %arg5[%dma_start3A_58, %dma_start3A_63] : memref<5x2000xi32, #tpu.memory_space<vmem>> -> memref<1x2000xi32, #tpu.memory_space<vmem>>
    %dma_start3A_65 = tpu.memref_squeeze %dma_start3A_64 : memref<1x2000xi32, #tpu.memory_space<vmem>> -> memref<2000xi32, #tpu.memory_space<vmem>>
    %dma_start3A_66 = tpu.memref_slice %arg3[%add3A_57] : memref<640000xi32, #tpu.memory_space<hbm>> -> memref<2000xi32, #tpu.memory_space<hbm>>
    tpu.enqueue_dma source(%dma_start3A_66 : memref<2000xi32, #tpu.memory_space<hbm>>) target(%dma_start3A_65 : memref<2000xi32, #tpu.memory_space<vmem>>) target_semaphore(%arg11 : memref<!tpu.dma_semaphore, #tpu.memory_space<semaphore_mem>>)
    %add3A_67 = arith.constant 320000 : i32
    %add3A_68 = arith.addi %add3A_67, %add3A_57 : i32
    %dma_start3A_69 = arith.constant 2 : i32
    %dma_start3A_70 = arith.constant 0 : i32
    %dma_start3A_71 = tpu.memref_slice %arg6[%dma_start3A_69, %dma_start3A_70] : memref<5x2000xi32, #tpu.memory_space<vmem>> -> memref<1x2000xi32, #tpu.memory_space<vmem>>
    %dma_start3A_72 = tpu.memref_squeeze %dma_start3A_71 : memref<1x2000xi32, #tpu.memory_space<vmem>> -> memref<2000xi32, #tpu.memory_space<vmem>>
    %dma_start3A_73 = tpu.memref_slice %arg3[%add3A_68] : memref<640000xi32, #tpu.memory_space<hbm>> -> memref<2000xi32, #tpu.memory_space<hbm>>
    %dma_start3A_74 = arith.constant 0 : i32
    %dma_start3A_75 = tpu.memref_slice %arg6[%dma_start3A_69, %dma_start3A_74] : memref<5x2000xi32, #tpu.memory_space<vmem>> -> memref<1x2000xi32, #tpu.memory_space<vmem>>
    %dma_start3A_76 = tpu.memref_squeeze %dma_start3A_75 : memref<1x2000xi32, #tpu.memory_space<vmem>> -> memref<2000xi32, #tpu.memory_space<vmem>>
    %dma_start3A_77 = tpu.memref_slice %arg3[%add3A_68] : memref<640000xi32, #tpu.memory_space<hbm>> -> memref<2000xi32, #tpu.memory_space<hbm>>
    tpu.enqueue_dma source(%dma_start3A_77 : memref<2000xi32, #tpu.memory_space<hbm>>) target(%dma_start3A_76 : memref<2000xi32, #tpu.memory_space<vmem>>) target_semaphore(%arg11 : memref<!tpu.dma_semaphore, #tpu.memory_space<semaphore_mem>>)
    %mul3A_78 = arith.constant 10000 : i32
    %mul3A_79 = arith.muli %add3A, %mul3A_78 : i32
    %add3A_80 = arith.constant 6000 : i32
    %add3A_81 = arith.addi %mul3A_79, %add3A_80 : i32
    %dma_start3A_82 = arith.constant 3 : i32
    %dma_start3A_83 = arith.constant 0 : i32
    %dma_start3A_84 = tpu.memref_slice %arg5[%dma_start3A_82, %dma_start3A_83] : memref<5x2000xi32, #tpu.memory_space<vmem>> -> memref<1x2000xi32, #tpu.memory_space<vmem>>
    %dma_start3A_85 = tpu.memref_squeeze %dma_start3A_84 : memref<1x2000xi32, #tpu.memory_space<vmem>> -> memref<2000xi32, #tpu.memory_space<vmem>>
    %dma_start3A_86 = tpu.memref_slice %arg3[%add3A_81] : memref<640000xi32, #tpu.memory_space<hbm>> -> memref<2000xi32, #tpu.memory_space<hbm>>
    %dma_start3A_87 = arith.constant 0 : i32
    %dma_start3A_88 = tpu.memref_slice %arg5[%dma_start3A_82, %dma_start3A_87] : memref<5x2000xi32, #tpu.memory_space<vmem>> -> memref<1x2000xi32, #tpu.memory_space<vmem>>
    %dma_start3A_89 = tpu.memref_squeeze %dma_start3A_88 : memref<1x2000xi32, #tpu.memory_space<vmem>> -> memref<2000xi32, #tpu.memory_space<vmem>>
    %dma_start3A_90 = tpu.memref_slice %arg3[%add3A_81] : memref<640000xi32, #tpu.memory_space<hbm>> -> memref<2000xi32, #tpu.memory_space<hbm>>
    tpu.enqueue_dma source(%dma_start3A_90 : memref<2000xi32, #tpu.memory_space<hbm>>) target(%dma_start3A_89 : memref<2000xi32, #tpu.memory_space<vmem>>) target_semaphore(%arg11 : memref<!tpu.dma_semaphore, #tpu.memory_space<semaphore_mem>>)
    %add3A_91 = arith.constant 320000 : i32
    %add3A_92 = arith.addi %add3A_91, %add3A_81 : i32
    %dma_start3A_93 = arith.constant 3 : i32
    %dma_start3A_94 = arith.constant 0 : i32
    %dma_start3A_95 = tpu.memref_slice %arg6[%dma_start3A_93, %dma_start3A_94] : memref<5x2000xi32, #tpu.memory_space<vmem>> -> memref<1x2000xi32, #tpu.memory_space<vmem>>
    %dma_start3A_96 = tpu.memref_squeeze %dma_start3A_95 : memref<1x2000xi32, #tpu.memory_space<vmem>> -> memref<2000xi32, #tpu.memory_space<vmem>>
    %dma_start3A_97 = tpu.memref_slice %arg3[%add3A_92] : memref<640000xi32, #tpu.memory_space<hbm>> -> memref<2000xi32, #tpu.memory_space<hbm>>
    %dma_start3A_98 = arith.constant 0 : i32
    %dma_start3A_99 = tpu.memref_slice %arg6[%dma_start3A_93, %dma_start3A_98] : memref<5x2000xi32, #tpu.memory_space<vmem>> -> memref<1x2000xi32, #tpu.memory_space<vmem>>
    %dma_start3A_100 = tpu.memref_squeeze %dma_start3A_99 : memref<1x2000xi32, #tpu.memory_space<vmem>> -> memref<2000xi32, #tpu.memory_space<vmem>>
    %dma_start3A_101 = tpu.memref_slice %arg3[%add3A_92] : memref<640000xi32, #tpu.memory_space<hbm>> -> memref<2000xi32, #tpu.memory_space<hbm>>
    tpu.enqueue_dma source(%dma_start3A_101 : memref<2000xi32, #tpu.memory_space<hbm>>) target(%dma_start3A_100 : memref<2000xi32, #tpu.memory_space<vmem>>) target_semaphore(%arg11 : memref<!tpu.dma_semaphore, #tpu.memory_space<semaphore_mem>>)
    %mul3A_102 = arith.constant 10000 : i32
    %mul3A_103 = arith.muli %add3A, %mul3A_102 : i32
    %add3A_104 = arith.constant 8000 : i32
    %add3A_105 = arith.addi %mul3A_103, %add3A_104 : i32
    %dma_start3A_106 = arith.constant 4 : i32
    %dma_start3A_107 = arith.constant 0 : i32
    %dma_start3A_108 = tpu.memref_slice %arg5[%dma_start3A_106, %dma_start3A_107] : memref<5x2000xi32, #tpu.memory_space<vmem>> -> memref<1x2000xi32, #tpu.memory_space<vmem>>
    %dma_start3A_109 = tpu.memref_squeeze %dma_start3A_108 : memref<1x2000xi32, #tpu.memory_space<vmem>> -> memref<2000xi32, #tpu.memory_space<vmem>>
    %dma_start3A_110 = tpu.memref_slice %arg3[%add3A_105] : memref<640000xi32, #tpu.memory_space<hbm>> -> memref<2000xi32, #tpu.memory_space<hbm>>
    %dma_start3A_111 = arith.constant 0 : i32
    %dma_start3A_112 = tpu.memref_slice %arg5[%dma_start3A_106, %dma_start3A_111] : memref<5x2000xi32, #tpu.memory_space<vmem>> -> memref<1x2000xi32, #tpu.memory_space<vmem>>
    %dma_start3A_113 = tpu.memref_squeeze %dma_start3A_112 : memref<1x2000xi32, #tpu.memory_space<vmem>> -> memref<2000xi32, #tpu.memory_space<vmem>>
    %dma_start3A_114 = tpu.memref_slice %arg3[%add3A_105] : memref<640000xi32, #tpu.memory_space<hbm>> -> memref<2000xi32, #tpu.memory_space<hbm>>
    tpu.enqueue_dma source(%dma_start3A_114 : memref<2000xi32, #tpu.memory_space<hbm>>) target(%dma_start3A_113 : memref<2000xi32, #tpu.memory_space<vmem>>) target_semaphore(%arg11 : memref<!tpu.dma_semaphore, #tpu.memory_space<semaphore_mem>>)
    %add3A_115 = arith.constant 320000 : i32
    %add3A_116 = arith.addi %add3A_115, %add3A_105 : i32
    %dma_start3A_117 = arith.constant 4 : i32
    %dma_start3A_118 = arith.constant 0 : i32
    %dma_start3A_119 = tpu.memref_slice %arg6[%dma_start3A_117, %dma_start3A_118] : memref<5x2000xi32, #tpu.memory_space<vmem>> -> memref<1x2000xi32, #tpu.memory_space<vmem>>
    %dma_start3A_120 = tpu.memref_squeeze %dma_start3A_119 : memref<1x2000xi32, #tpu.memory_space<vmem>> -> memref<2000xi32, #tpu.memory_space<vmem>>
    %dma_start3A_121 = tpu.memref_slice %arg3[%add3A_116] : memref<640000xi32, #tpu.memory_space<hbm>> -> memref<2000xi32, #tpu.memory_space<hbm>>
    %dma_start3A_122 = arith.constant 0 : i32
    %dma_start3A_123 = tpu.memref_slice %arg6[%dma_start3A_117, %dma_start3A_122] : memref<5x2000xi32, #tpu.memory_space<vmem>> -> memref<1x2000xi32, #tpu.memory_space<vmem>>
    %dma_start3A_124 = tpu.memref_squeeze %dma_start3A_123 : memref<1x2000xi32, #tpu.memory_space<vmem>> -> memref<2000xi32, #tpu.memory_space<vmem>>
    %dma_start3A_125 = tpu.memref_slice %arg3[%add3A_116] : memref<640000xi32, #tpu.memory_space<hbm>> -> memref<2000xi32, #tpu.memory_space<hbm>>
    tpu.enqueue_dma source(%dma_start3A_125 : memref<2000xi32, #tpu.memory_space<hbm>>) target(%dma_start3A_124 : memref<2000xi32, #tpu.memory_space<vmem>>) target_semaphore(%arg11 : memref<!tpu.dma_semaphore, #tpu.memory_space<semaphore_mem>>)
    %mul3A_126 = arith.constant 640 : i32
    %mul3A_127 = arith.muli %arg1, %mul3A_126 : i32
    "tpu.region"() ({
      %run_scoped3A = tpu.sem_alloc : memref<!tpu.dma_semaphore, #tpu.memory_space<semaphore_mem>>
      %dma_start3A_435 = arith.constant 0 : i32
      %dma_start3A_436 = arith.constant 0 : i32
      %dma_start3A_437 = tpu.memref_slice %arg9[%dma_start3A_435, %dma_start3A_436] : memref<2000x16xf32, #tpu.memory_space<vmem>> -> memref<640x16xf32, #tpu.memory_space<vmem>>
      %dma_start3A_438 = arith.constant 0 : i32
      %dma_start3A_439 = tpu.memref_slice %arg10[%mul3A_127, %dma_start3A_438] : memref<10240x16xf32, #tpu.memory_space<vmem_shared>> -> memref<640x16xf32, #tpu.memory_space<vmem_shared>>
      %dma_start3A_440 = arith.constant 0 : i32
      %dma_start3A_441 = tpu.memref_slice %arg10[%mul3A_127, %dma_start3A_440] : memref<10240x16xf32, #tpu.memory_space<vmem_shared>> -> memref<640x16xf32, #tpu.memory_space<vmem_shared>>
      %dma_start3A_442 = arith.constant 0 : i32
      %dma_start3A_443 = arith.constant 0 : i32
      %dma_start3A_444 = tpu.memref_slice %arg9[%dma_start3A_442, %dma_start3A_443] : memref<2000x16xf32, #tpu.memory_space<vmem>> -> memref<640x16xf32, #tpu.memory_space<vmem>>
      tpu.enqueue_dma source(%dma_start3A_444 : memref<640x16xf32, #tpu.memory_space<vmem>>) target(%dma_start3A_441 : memref<640x16xf32, #tpu.memory_space<vmem_shared>>) target_semaphore(%run_scoped3A : memref<!tpu.dma_semaphore, #tpu.memory_space<semaphore_mem>>)
      %dma_wait3A_445 = arith.constant 0 : i32
      %dma_wait3A_446 = arith.constant 0 : i32
      %dma_wait3A_447 = tpu.memref_slice %arg9[%dma_wait3A_445, %dma_wait3A_446] : memref<2000x16xf32, #tpu.memory_space<vmem>> -> memref<640x16xf32, #tpu.memory_space<vmem>>
      %dma_wait3A_448 = arith.constant 0 : i32
      %dma_wait3A_449 = tpu.memref_slice %arg10[%mul3A_127, %dma_wait3A_448] : memref<10240x16xf32, #tpu.memory_space<vmem_shared>> -> memref<640x16xf32, #tpu.memory_space<vmem_shared>>
      %dma_wait3A_450 = arith.constant 0 : i32
      %dma_wait3A_451 = tpu.memref_slice %arg10[%mul3A_127, %dma_wait3A_450] : memref<10240x16xf32, #tpu.memory_space<vmem_shared>> -> memref<640x16xf32, #tpu.memory_space<vmem_shared>>
      %dma_wait3A_452 = arith.constant 0 : i32
      %dma_wait3A_453 = arith.constant 0 : i32
      %dma_wait3A_454 = tpu.memref_slice %arg9[%dma_wait3A_452, %dma_wait3A_453] : memref<2000x16xf32, #tpu.memory_space<vmem>> -> memref<640x16xf32, #tpu.memory_space<vmem>>
      tpu.wait_dma2 semaphore(%run_scoped3A : memref<!tpu.dma_semaphore, #tpu.memory_space<semaphore_mem>>) src(%dma_wait3A_454 : memref<640x16xf32, #tpu.memory_space<vmem>>) dst(%dma_wait3A_451 : memref<640x16xf32, #tpu.memory_space<vmem_shared>>)
      tpu.yield
    }) : () -> ()
    %dma_wait3A = arith.constant 0 : i32
    %dma_wait3A_128 = arith.constant 0 : i32
    %dma_wait3A_129 = tpu.memref_slice %arg5[%dma_wait3A, %dma_wait3A_128] : memref<5x2000xi32, #tpu.memory_space<vmem>> -> memref<1x2000xi32, #tpu.memory_space<vmem>>
    %dma_wait3A_130 = tpu.memref_squeeze %dma_wait3A_129 : memref<1x2000xi32, #tpu.memory_space<vmem>> -> memref<2000xi32, #tpu.memory_space<vmem>>
    %dma_wait3A_131 = tpu.memref_slice %arg3[%add3A_10] : memref<640000xi32, #tpu.memory_space<hbm>> -> memref<2000xi32, #tpu.memory_space<hbm>>
    %dma_wait3A_132 = arith.constant 0 : i32
    %dma_wait3A_133 = tpu.memref_slice %arg5[%dma_wait3A, %dma_wait3A_132] : memref<5x2000xi32, #tpu.memory_space<vmem>> -> memref<1x2000xi32, #tpu.memory_space<vmem>>
    %dma_wait3A_134 = tpu.memref_squeeze %dma_wait3A_133 : memref<1x2000xi32, #tpu.memory_space<vmem>> -> memref<2000xi32, #tpu.memory_space<vmem>>
    %dma_wait3A_135 = tpu.memref_slice %arg3[%add3A_10] : memref<640000xi32, #tpu.memory_space<hbm>> -> memref<2000xi32, #tpu.memory_space<hbm>>
    tpu.wait_dma2 semaphore(%arg11 : memref<!tpu.dma_semaphore, #tpu.memory_space<semaphore_mem>>) src(%dma_wait3A_135 : memref<2000xi32, #tpu.memory_space<hbm>>) dst(%dma_wait3A_134 : memref<2000xi32, #tpu.memory_space<vmem>>)
    %scan3A_136 = arith.constant 0 : i32
    %scan3A_137 = arith.constant 0 : i32
    %scan3A_138 = arith.constant 125 : i32
    %scan3A_139 = arith.addi %scan3A_137, %scan3A_138 : i32
    %scan3A_140 = arith.constant 1 : i32
    %scan3A_141 = scf.for %scan3A_435 = %scan3A_137 to %scan3A_139 step %scan3A_140 iter_args(%scan3A_436 = %scan3A_136) -> (i32)  : i32 {
      %mul3A_437 = arith.constant 16 : i32
      %mul3A_438 = arith.muli %scan3A_435, %mul3A_437 : i32
      %get3A = arith.constant 0 : i32
      %get3A_439 = arith.index_cast %get3A : i32 to index
      %get3A_440 = arith.index_cast %mul3A_438 : i32 to index
      %get3A_441 = tpu.vector_load %arg5[%get3A_439, %get3A_440] {strides = array<i32>} : memref<5x2000xi32, #tpu.memory_space<vmem>>, vector<1x16xi32>,
      %get3A_442 = vector.shape_cast %get3A_441 : vector<1x16xi32> to vector<16xi32>
      %shift_right_logical3A = arith.constant 8 : i32
      %shift_right_logical3A_443 = vector.broadcast %shift_right_logical3A : i32 to vector<16xi32>
      %shift_right_logical3A_444 = arith.shrui %get3A_442, %shift_right_logical3A_443 : vector<16xi32>
      %mul3A_445 = arith.constant 13108 : i32
      %mul3A_446 = vector.broadcast %mul3A_445 : i32 to vector<16xi32>
      %mul3A_447 = arith.muli %shift_right_logical3A_444, %mul3A_446 : vector<16xi32>
      %shift_right_logical3A_448 = arith.constant 16 : i32
      %shift_right_logical3A_449 = vector.broadcast %shift_right_logical3A_448 : i32 to vector<16xi32>
      %shift_right_logical3A_450 = arith.shrui %mul3A_447, %shift_right_logical3A_449 : vector<16xi32>
      %mul3A_451 = arith.constant 8 : i32
      %mul3A_452 = vector.broadcast %mul3A_451 : i32 to vector<16xi32>
      %mul3A_453 = arith.muli %get3A_442, %mul3A_452 : vector<16xi32>
      %mul3A_454 = arith.constant 10239 : i32
      %mul3A_455 = vector.broadcast %mul3A_454 : i32 to vector<16xi32>
      %mul3A_456 = arith.muli %shift_right_logical3A_450, %mul3A_455 : vector<16xi32>
      %sub3A = arith.subi %mul3A_453, %mul3A_456 : vector<16xi32>
      %mul3A_457 = arith.constant 16 : i32
      %mul3A_458 = arith.muli %scan3A_435, %mul3A_457 : i32
      %swap3A = arith.constant 0 : i32
      %swap3A_459 = arith.index_cast %swap3A : i32 to index
      %swap3A_460 = arith.index_cast %mul3A_458 : i32 to index
      %swap3A_461 = tpu.vector_load %arg5[%swap3A_459, %swap3A_460] {strides = array<i32>} : memref<5x2000xi32, #tpu.memory_space<vmem>>, vector<1x16xi32>,
      %swap3A_462 = vector.shape_cast %swap3A_461 : vector<1x16xi32> to vector<16xi32>
      %swap3A_463 = vector.shape_cast %sub3A : vector<16xi32> to vector<1x16xi32>
      tpu.vector_store %arg5[%swap3A_459, %swap3A_460], %swap3A_463 {strides = array<i32>} : memref<5x2000xi32, #tpu.memory_space<vmem>>, vector<1x16xi32>,
      %scan3A_464 = arith.constant 0 : i32
      scf.yield %scan3A_464 : i32
    }
    %scan3A_142 = arith.constant 125 : i32
    %dma_wait3A_143 = arith.constant 0 : i32
    %dma_wait3A_144 = arith.constant 0 : i32
    %dma_wait3A_145 = tpu.memref_slice %arg6[%dma_wait3A_143, %dma_wait3A_144] : memref<5x2000xi32, #tpu.memory_space<vmem>> -> memref<1x2000xi32, #tpu.memory_space<vmem>>
    %dma_wait3A_146 = tpu.memref_squeeze %dma_wait3A_145 : memref<1x2000xi32, #tpu.memory_space<vmem>> -> memref<2000xi32, #tpu.memory_space<vmem>>
    %dma_wait3A_147 = tpu.memref_slice %arg3[%add3A_20] : memref<640000xi32, #tpu.memory_space<hbm>> -> memref<2000xi32, #tpu.memory_space<hbm>>
    %dma_wait3A_148 = arith.constant 0 : i32
    %dma_wait3A_149 = tpu.memref_slice %arg6[%dma_wait3A_143, %dma_wait3A_148] : memref<5x2000xi32, #tpu.memory_space<vmem>> -> memref<1x2000xi32, #tpu.memory_space<vmem>>
    %dma_wait3A_150 = tpu.memref_squeeze %dma_wait3A_149 : memref<1x2000xi32, #tpu.memory_space<vmem>> -> memref<2000xi32, #tpu.memory_space<vmem>>
    %dma_wait3A_151 = tpu.memref_slice %arg3[%add3A_20] : memref<640000xi32, #tpu.memory_space<hbm>> -> memref<2000xi32, #tpu.memory_space<hbm>>
    tpu.wait_dma2 semaphore(%arg11 : memref<!tpu.dma_semaphore, #tpu.memory_space<semaphore_mem>>) src(%dma_wait3A_151 : memref<2000xi32, #tpu.memory_space<hbm>>) dst(%dma_wait3A_150 : memref<2000xi32, #tpu.memory_space<vmem>>)
    %dma_wait3A_152 = arith.constant 1 : i32
    %dma_wait3A_153 = arith.constant 0 : i32
    %dma_wait3A_154 = tpu.memref_slice %arg5[%dma_wait3A_152, %dma_wait3A_153] : memref<5x2000xi32, #tpu.memory_space<vmem>> -> memref<1x2000xi32, #tpu.memory_space<vmem>>
    %dma_wait3A_155 = tpu.memref_squeeze %dma_wait3A_154 : memref<1x2000xi32, #tpu.memory_space<vmem>> -> memref<2000xi32, #tpu.memory_space<vmem>>
    %dma_wait3A_156 = tpu.memref_slice %arg3[%add3A_33] : memref<640000xi32, #tpu.memory_space<hbm>> -> memref<2000xi32, #tpu.memory_space<hbm>>
    %dma_wait3A_157 = arith.constant 0 : i32
    %dma_wait3A_158 = tpu.memref_slice %arg5[%dma_wait3A_152, %dma_wait3A_157] : memref<5x2000xi32, #tpu.memory_space<vmem>> -> memref<1x2000xi32, #tpu.memory_space<vmem>>
    %dma_wait3A_159 = tpu.memref_squeeze %dma_wait3A_158 : memref<1x2000xi32, #tpu.memory_space<vmem>> -> memref<2000xi32, #tpu.memory_space<vmem>>
    %dma_wait3A_160 = tpu.memref_slice %arg3[%add3A_33] : memref<640000xi32, #tpu.memory_space<hbm>> -> memref<2000xi32, #tpu.memory_space<hbm>>
    tpu.wait_dma2 semaphore(%arg11 : memref<!tpu.dma_semaphore, #tpu.memory_space<semaphore_mem>>) src(%dma_wait3A_160 : memref<2000xi32, #tpu.memory_space<hbm>>) dst(%dma_wait3A_159 : memref<2000xi32, #tpu.memory_space<vmem>>)
    %dma_wait3A_161 = arith.constant 1 : i32
    %dma_wait3A_162 = arith.constant 0 : i32
    %dma_wait3A_163 = tpu.memref_slice %arg6[%dma_wait3A_161, %dma_wait3A_162] : memref<5x2000xi32, #tpu.memory_space<vmem>> -> memref<1x2000xi32, #tpu.memory_space<vmem>>
    %dma_wait3A_164 = tpu.memref_squeeze %dma_wait3A_163 : memref<1x2000xi32, #tpu.memory_space<vmem>> -> memref<2000xi32, #tpu.memory_space<vmem>>
    %dma_wait3A_165 = tpu.memref_slice %arg3[%add3A_44] : memref<640000xi32, #tpu.memory_space<hbm>> -> memref<2000xi32, #tpu.memory_space<hbm>>
    %dma_wait3A_166 = arith.constant 0 : i32
    %dma_wait3A_167 = tpu.memref_slice %arg6[%dma_wait3A_161, %dma_wait3A_166] : memref<5x2000xi32, #tpu.memory_space<vmem>> -> memref<1x2000xi32, #tpu.memory_space<vmem>>
    %dma_wait3A_168 = tpu.memref_squeeze %dma_wait3A_167 : memref<1x2000xi32, #tpu.memory_space<vmem>> -> memref<2000xi32, #tpu.memory_space<vmem>>
    %dma_wait3A_169 = tpu.memref_slice %arg3[%add3A_44] : memref<640000xi32, #tpu.memory_space<hbm>> -> memref<2000xi32, #tpu.memory_space<hbm>>
    tpu.wait_dma2 semaphore(%arg11 : memref<!tpu.dma_semaphore, #tpu.memory_space<semaphore_mem>>) src(%dma_wait3A_169 : memref<2000xi32, #tpu.memory_space<hbm>>) dst(%dma_wait3A_168 : memref<2000xi32, #tpu.memory_space<vmem>>)
    %dma_wait3A_170 = arith.constant 2 : i32
    %dma_wait3A_171 = arith.constant 0 : i32
    %dma_wait3A_172 = tpu.memref_slice %arg5[%dma_wait3A_170, %dma_wait3A_171] : memref<5x2000xi32, #tpu.memory_space<vmem>> -> memref<1x2000xi32, #tpu.memory_space<vmem>>
    %dma_wait3A_173 = tpu.memref_squeeze %dma_wait3A_172 : memref<1x2000xi32, #tpu.memory_space<vmem>> -> memref<2000xi32, #tpu.memory_space<vmem>>
    %dma_wait3A_174 = tpu.memref_slice %arg3[%add3A_57] : memref<640000xi32, #tpu.memory_space<hbm>> -> memref<2000xi32, #tpu.memory_space<hbm>>
    %dma_wait3A_175 = arith.constant 0 : i32
    %dma_wait3A_176 = tpu.memref_slice %arg5[%dma_wait3A_170, %dma_wait3A_175] : memref<5x2000xi32, #tpu.memory_space<vmem>> -> memref<1x2000xi32, #tpu.memory_space<vmem>>
    %dma_wait3A_177 = tpu.memref_squeeze %dma_wait3A_176 : memref<1x2000xi32, #tpu.memory_space<vmem>> -> memref<2000xi32, #tpu.memory_space<vmem>>
    %dma_wait3A_178 = tpu.memref_slice %arg3[%add3A_57] : memref<640000xi32, #tpu.memory_space<hbm>> -> memref<2000xi32, #tpu.memory_space<hbm>>
    tpu.wait_dma2 semaphore(%arg11 : memref<!tpu.dma_semaphore, #tpu.memory_space<semaphore_mem>>) src(%dma_wait3A_178 : memref<2000xi32, #tpu.memory_space<hbm>>) dst(%dma_wait3A_177 : memref<2000xi32, #tpu.memory_space<vmem>>)
    %dma_wait3A_179 = arith.constant 2 : i32
    %dma_wait3A_180 = arith.constant 0 : i32
    %dma_wait3A_181 = tpu.memref_slice %arg6[%dma_wait3A_179, %dma_wait3A_180] : memref<5x2000xi32, #tpu.memory_space<vmem>> -> memref<1x2000xi32, #tpu.memory_space<vmem>>
    %dma_wait3A_182 = tpu.memref_squeeze %dma_wait3A_181 : memref<1x2000xi32, #tpu.memory_space<vmem>> -> memref<2000xi32, #tpu.memory_space<vmem>>
    %dma_wait3A_183 = tpu.memref_slice %arg3[%add3A_68] : memref<640000xi32, #tpu.memory_space<hbm>> -> memref<2000xi32, #tpu.memory_space<hbm>>
    %dma_wait3A_184 = arith.constant 0 : i32
    %dma_wait3A_185 = tpu.memref_slice %arg6[%dma_wait3A_179, %dma_wait3A_184] : memref<5x2000xi32, #tpu.memory_space<vmem>> -> memref<1x2000xi32, #tpu.memory_space<vmem>>
    %dma_wait3A_186 = tpu.memref_squeeze %dma_wait3A_185 : memref<1x2000xi32, #tpu.memory_space<vmem>> -> memref<2000xi32, #tpu.memory_space<vmem>>
    %dma_wait3A_187 = tpu.memref_slice %arg3[%add3A_68] : memref<640000xi32, #tpu.memory_space<hbm>> -> memref<2000xi32, #tpu.memory_space<hbm>>
    tpu.wait_dma2 semaphore(%arg11 : memref<!tpu.dma_semaphore, #tpu.memory_space<semaphore_mem>>) src(%dma_wait3A_187 : memref<2000xi32, #tpu.memory_space<hbm>>) dst(%dma_wait3A_186 : memref<2000xi32, #tpu.memory_space<vmem>>)
    %dma_wait3A_188 = arith.constant 3 : i32
    %dma_wait3A_189 = arith.constant 0 : i32
    %dma_wait3A_190 = tpu.memref_slice %arg5[%dma_wait3A_188, %dma_wait3A_189] : memref<5x2000xi32, #tpu.memory_space<vmem>> -> memref<1x2000xi32, #tpu.memory_space<vmem>>
    %dma_wait3A_191 = tpu.memref_squeeze %dma_wait3A_190 : memref<1x2000xi32, #tpu.memory_space<vmem>> -> memref<2000xi32, #tpu.memory_space<vmem>>
    %dma_wait3A_192 = tpu.memref_slice %arg3[%add3A_81] : memref<640000xi32, #tpu.memory_space<hbm>> -> memref<2000xi32, #tpu.memory_space<hbm>>
    %dma_wait3A_193 = arith.constant 0 : i32
    %dma_wait3A_194 = tpu.memref_slice %arg5[%dma_wait3A_188, %dma_wait3A_193] : memref<5x2000xi32, #tpu.memory_space<vmem>> -> memref<1x2000xi32, #tpu.memory_space<vmem>>
    %dma_wait3A_195 = tpu.memref_squeeze %dma_wait3A_194 : memref<1x2000xi32, #tpu.memory_space<vmem>> -> memref<2000xi32, #tpu.memory_space<vmem>>
    %dma_wait3A_196 = tpu.memref_slice %arg3[%add3A_81] : memref<640000xi32, #tpu.memory_space<hbm>> -> memref<2000xi32, #tpu.memory_space<hbm>>
    tpu.wait_dma2 semaphore(%arg11 : memref<!tpu.dma_semaphore, #tpu.memory_space<semaphore_mem>>) src(%dma_wait3A_196 : memref<2000xi32, #tpu.memory_space<hbm>>) dst(%dma_wait3A_195 : memref<2000xi32, #tpu.memory_space<vmem>>)
    %dma_wait3A_197 = arith.constant 3 : i32
    %dma_wait3A_198 = arith.constant 0 : i32
    %dma_wait3A_199 = tpu.memref_slice %arg6[%dma_wait3A_197, %dma_wait3A_198] : memref<5x2000xi32, #tpu.memory_space<vmem>> -> memref<1x2000xi32, #tpu.memory_space<vmem>>
    %dma_wait3A_200 = tpu.memref_squeeze %dma_wait3A_199 : memref<1x2000xi32, #tpu.memory_space<vmem>> -> memref<2000xi32, #tpu.memory_space<vmem>>
    %dma_wait3A_201 = tpu.memref_slice %arg3[%add3A_92] : memref<640000xi32, #tpu.memory_space<hbm>> -> memref<2000xi32, #tpu.memory_space<hbm>>
    %dma_wait3A_202 = arith.constant 0 : i32
    %dma_wait3A_203 = tpu.memref_slice %arg6[%dma_wait3A_197, %dma_wait3A_202] : memref<5x2000xi32, #tpu.memory_space<vmem>> -> memref<1x2000xi32, #tpu.memory_space<vmem>>
    %dma_wait3A_204 = tpu.memref_squeeze %dma_wait3A_203 : memref<1x2000xi32, #tpu.memory_space<vmem>> -> memref<2000xi32, #tpu.memory_space<vmem>>
    %dma_wait3A_205 = tpu.memref_slice %arg3[%add3A_92] : memref<640000xi32, #tpu.memory_space<hbm>> -> memref<2000xi32, #tpu.memory_space<hbm>>
    tpu.wait_dma2 semaphore(%arg11 : memref<!tpu.dma_semaphore, #tpu.memory_space<semaphore_mem>>) src(%dma_wait3A_205 : memref<2000xi32, #tpu.memory_space<hbm>>) dst(%dma_wait3A_204 : memref<2000xi32, #tpu.memory_space<vmem>>)
    %dma_wait3A_206 = arith.constant 4 : i32
    %dma_wait3A_207 = arith.constant 0 : i32
    %dma_wait3A_208 = tpu.memref_slice %arg5[%dma_wait3A_206, %dma_wait3A_207] : memref<5x2000xi32, #tpu.memory_space<vmem>> -> memref<1x2000xi32, #tpu.memory_space<vmem>>
    %dma_wait3A_209 = tpu.memref_squeeze %dma_wait3A_208 : memref<1x2000xi32, #tpu.memory_space<vmem>> -> memref<2000xi32, #tpu.memory_space<vmem>>
    %dma_wait3A_210 = tpu.memref_slice %arg3[%add3A_105] : memref<640000xi32, #tpu.memory_space<hbm>> -> memref<2000xi32, #tpu.memory_space<hbm>>
    %dma_wait3A_211 = arith.constant 0 : i32
    %dma_wait3A_212 = tpu.memref_slice %arg5[%dma_wait3A_206, %dma_wait3A_211] : memref<5x2000xi32, #tpu.memory_space<vmem>> -> memref<1x2000xi32, #tpu.memory_space<vmem>>
    %dma_wait3A_213 = tpu.memref_squeeze %dma_wait3A_212 : memref<1x2000xi32, #tpu.memory_space<vmem>> -> memref<2000xi32, #tpu.memory_space<vmem>>
    %dma_wait3A_214 = tpu.memref_slice %arg3[%add3A_105] : memref<640000xi32, #tpu.memory_space<hbm>> -> memref<2000xi32, #tpu.memory_space<hbm>>
    tpu.wait_dma2 semaphore(%arg11 : memref<!tpu.dma_semaphore, #tpu.memory_space<semaphore_mem>>) src(%dma_wait3A_214 : memref<2000xi32, #tpu.memory_space<hbm>>) dst(%dma_wait3A_213 : memref<2000xi32, #tpu.memory_space<vmem>>)
    %dma_wait3A_215 = arith.constant 4 : i32
    %dma_wait3A_216 = arith.constant 0 : i32
    %dma_wait3A_217 = tpu.memref_slice %arg6[%dma_wait3A_215, %dma_wait3A_216] : memref<5x2000xi32, #tpu.memory_space<vmem>> -> memref<1x2000xi32, #tpu.memory_space<vmem>>
    %dma_wait3A_218 = tpu.memref_squeeze %dma_wait3A_217 : memref<1x2000xi32, #tpu.memory_space<vmem>> -> memref<2000xi32, #tpu.memory_space<vmem>>
    %dma_wait3A_219 = tpu.memref_slice %arg3[%add3A_116] : memref<640000xi32, #tpu.memory_space<hbm>> -> memref<2000xi32, #tpu.memory_space<hbm>>
    %dma_wait3A_220 = arith.constant 0 : i32
    %dma_wait3A_221 = tpu.memref_slice %arg6[%dma_wait3A_215, %dma_wait3A_220] : memref<5x2000xi32, #tpu.memory_space<vmem>> -> memref<1x2000xi32, #tpu.memory_space<vmem>>
    %dma_wait3A_222 = tpu.memref_squeeze %dma_wait3A_221 : memref<1x2000xi32, #tpu.memory_space<vmem>> -> memref<2000xi32, #tpu.memory_space<vmem>>
    %dma_wait3A_223 = tpu.memref_slice %arg3[%add3A_116] : memref<640000xi32, #tpu.memory_space<hbm>> -> memref<2000xi32, #tpu.memory_space<hbm>>
    tpu.wait_dma2 semaphore(%arg11 : memref<!tpu.dma_semaphore, #tpu.memory_space<semaphore_mem>>) src(%dma_wait3A_223 : memref<2000xi32, #tpu.memory_space<hbm>>) dst(%dma_wait3A_222 : memref<2000xi32, #tpu.memory_space<vmem>>)
    %barrier3A = arith.constant 0 : index
    tpu.barrier barrier_id(%barrier3A)
    %dma_start3A_224 = arith.constant 0 : i32
    %dma_start3A_225 = arith.constant 0 : i32
    %dma_start3A_226 = tpu.memref_slice %arg5[%dma_start3A_224, %dma_start3A_225] : memref<5x2000xi32, #tpu.memory_space<vmem>> -> memref<1x2000xi32, #tpu.memory_space<vmem>>
    %dma_start3A_227 = tpu.memref_squeeze %dma_start3A_226 : memref<1x2000xi32, #tpu.memory_space<vmem>> -> memref<2000xi32, #tpu.memory_space<vmem>>
    %dma_start3A_228 = arith.constant 0 : i32
    %dma_start3A_229 = arith.constant 0 : i32
    %dma_start3A_230 = tpu.memref_slice %arg2[%dma_start3A_228, %dma_start3A_229] : memref<10240x16xf32, #tpu.memory_space<hbm>> -> memref<10240x16xf32, #tpu.memory_space<hbm>>
    tpu.enqueue_indirect_dma source(%dma_start3A_230 : memref<10240x16xf32, #tpu.memory_space<hbm>>) target(%arg7 : memref<2000x16xf32, #tpu.memory_space<vmem>>) offsets(%dma_start3A_227 : memref<2000xi32, #tpu.memory_space<vmem>>) semaphore(%arg12 : memref<!tpu.dma_semaphore, #tpu.memory_space<semaphore_mem>>)
    %scan3A_231 = arith.constant 0 : i32
    %scan3A_232 = arith.constant 0 : i32
    %scan3A_233 = arith.constant 125 : i32
    %scan3A_234 = arith.addi %scan3A_232, %scan3A_233 : i32
    %scan3A_235 = arith.constant 1 : i32
    %scan3A_236 = scf.for %scan3A_435 = %scan3A_232 to %scan3A_234 step %scan3A_235 iter_args(%scan3A_436 = %scan3A_231) -> (i32)  : i32 {
      %mul3A_437 = arith.constant 16 : i32
      %mul3A_438 = arith.muli %scan3A_435, %mul3A_437 : i32
      %get3A = arith.constant 0 : i32
      %get3A_439 = arith.index_cast %get3A : i32 to index
      %get3A_440 = arith.index_cast %mul3A_438 : i32 to index
      %get3A_441 = tpu.vector_load %arg6[%get3A_439, %get3A_440] {strides = array<i32>} : memref<5x2000xi32, #tpu.memory_space<vmem>>, vector<1x16xi32>,
      %get3A_442 = vector.shape_cast %get3A_441 : vector<1x16xi32> to vector<16xi32>
      %shift_right_logical3A = arith.constant 8 : i32
      %shift_right_logical3A_443 = vector.broadcast %shift_right_logical3A : i32 to vector<16xi32>
      %shift_right_logical3A_444 = arith.shrui %get3A_442, %shift_right_logical3A_443 : vector<16xi32>
      %mul3A_445 = arith.constant 13108 : i32
      %mul3A_446 = vector.broadcast %mul3A_445 : i32 to vector<16xi32>
      %mul3A_447 = arith.muli %shift_right_logical3A_444, %mul3A_446 : vector<16xi32>
      %shift_right_logical3A_448 = arith.constant 16 : i32
      %shift_right_logical3A_449 = vector.broadcast %shift_right_logical3A_448 : i32 to vector<16xi32>
      %shift_right_logical3A_450 = arith.shrui %mul3A_447, %shift_right_logical3A_449 : vector<16xi32>
      %mul3A_451 = arith.constant 8 : i32
      %mul3A_452 = vector.broadcast %mul3A_451 : i32 to vector<16xi32>
      %mul3A_453 = arith.muli %get3A_442, %mul3A_452 : vector<16xi32>
      %mul3A_454 = arith.constant 10239 : i32
      %mul3A_455 = vector.broadcast %mul3A_454 : i32 to vector<16xi32>
      %mul3A_456 = arith.muli %shift_right_logical3A_450, %mul3A_455 : vector<16xi32>
      %sub3A = arith.subi %mul3A_453, %mul3A_456 : vector<16xi32>
      %mul3A_457 = arith.constant 16 : i32
      %mul3A_458 = arith.muli %scan3A_435, %mul3A_457 : i32
      %swap3A = arith.constant 0 : i32
      %swap3A_459 = arith.index_cast %swap3A : i32 to index
      %swap3A_460 = arith.index_cast %mul3A_458 : i32 to index
      %swap3A_461 = tpu.vector_load %arg6[%swap3A_459, %swap3A_460] {strides = array<i32>} : memref<5x2000xi32, #tpu.memory_space<vmem>>, vector<1x16xi32>,
      %swap3A_462 = vector.shape_cast %swap3A_461 : vector<1x16xi32> to vector<16xi32>
      %swap3A_463 = vector.shape_cast %sub3A : vector<16xi32> to vector<1x16xi32>
      tpu.vector_store %arg6[%swap3A_459, %swap3A_460], %swap3A_463 {strides = array<i32>} : memref<5x2000xi32, #tpu.memory_space<vmem>>, vector<1x16xi32>,
      %scan3A_464 = arith.constant 0 : i32
      scf.yield %scan3A_464 : i32
    }
    %scan3A_237 = arith.constant 125 : i32
    %scan3A_238 = arith.constant 0 : i32
    %scan3A_239 = arith.constant 0 : i32
    %scan3A_240 = arith.constant 125 : i32
    %scan3A_241 = arith.addi %scan3A_239, %scan3A_240 : i32
    %scan3A_242 = arith.constant 1 : i32
    %scan3A_243 = scf.for %scan3A_435 = %scan3A_239 to %scan3A_241 step %scan3A_242 iter_args(%scan3A_436 = %scan3A_238) -> (i32)  : i32 {
      %mul3A_437 = arith.constant 16 : i32
      %mul3A_438 = arith.muli %scan3A_435, %mul3A_437 : i32
      %get3A = arith.constant 1 : i32
      %get3A_439 = arith.index_cast %get3A : i32 to index
      %get3A_440 = arith.index_cast %mul3A_438 : i32 to index
      %get3A_441 = tpu.vector_load %arg5[%get3A_439, %get3A_440] {strides = array<i32>} : memref<5x2000xi32, #tpu.memory_space<vmem>>, vector<1x16xi32>,
      %get3A_442 = vector.shape_cast %get3A_441 : vector<1x16xi32> to vector<16xi32>
      %shift_right_logical3A = arith.constant 8 : i32
      %shift_right_logical3A_443 = vector.broadcast %shift_right_logical3A : i32 to vector<16xi32>
      %shift_right_logical3A_444 = arith.shrui %get3A_442, %shift_right_logical3A_443 : vector<16xi32>
      %mul3A_445 = arith.constant 13108 : i32
      %mul3A_446 = vector.broadcast %mul3A_445 : i32 to vector<16xi32>
      %mul3A_447 = arith.muli %shift_right_logical3A_444, %mul3A_446 : vector<16xi32>
      %shift_right_logical3A_448 = arith.constant 16 : i32
      %shift_right_logical3A_449 = vector.broadcast %shift_right_logical3A_448 : i32 to vector<16xi32>
      %shift_right_logical3A_450 = arith.shrui %mul3A_447, %shift_right_logical3A_449 : vector<16xi32>
      %mul3A_451 = arith.constant 8 : i32
      %mul3A_452 = vector.broadcast %mul3A_451 : i32 to vector<16xi32>
      %mul3A_453 = arith.muli %get3A_442, %mul3A_452 : vector<16xi32>
      %mul3A_454 = arith.constant 10239 : i32
      %mul3A_455 = vector.broadcast %mul3A_454 : i32 to vector<16xi32>
      %mul3A_456 = arith.muli %shift_right_logical3A_450, %mul3A_455 : vector<16xi32>
      %sub3A = arith.subi %mul3A_453, %mul3A_456 : vector<16xi32>
      %mul3A_457 = arith.constant 16 : i32
      %mul3A_458 = arith.muli %scan3A_435, %mul3A_457 : i32
      %swap3A = arith.constant 1 : i32
      %swap3A_459 = arith.index_cast %swap3A : i32 to index
      %swap3A_460 = arith.index_cast %mul3A_458 : i32 to index
      %swap3A_461 = tpu.vector_load %arg5[%swap3A_459, %swap3A_460] {strides = array<i32>} : memref<5x2000xi32, #tpu.memory_space<vmem>>, vector<1x16xi32>,
      %swap3A_462 = vector.shape_cast %swap3A_461 : vector<1x16xi32> to vector<16xi32>
      %swap3A_463 = vector.shape_cast %sub3A : vector<16xi32> to vector<1x16xi32>
      tpu.vector_store %arg5[%swap3A_459, %swap3A_460], %swap3A_463 {strides = array<i32>} : memref<5x2000xi32, #tpu.memory_space<vmem>>, vector<1x16xi32>,
      %scan3A_464 = arith.constant 0 : i32
      scf.yield %scan3A_464 : i32
    }
    %scan3A_244 = arith.constant 125 : i32
    %scan3A_245 = arith.constant 0 : i32
    %scan3A_246 = arith.constant 0 : i32
    %scan3A_247 = arith.constant 125 : i32
    %scan3A_248 = arith.addi %scan3A_246, %scan3A_247 : i32
    %scan3A_249 = arith.constant 1 : i32
    %scan3A_250 = scf.for %scan3A_435 = %scan3A_246 to %scan3A_248 step %scan3A_249 iter_args(%scan3A_436 = %scan3A_245) -> (i32)  : i32 {
      %mul3A_437 = arith.constant 16 : i32
      %mul3A_438 = arith.muli %scan3A_435, %mul3A_437 : i32
      %get3A = arith.constant 1 : i32
      %get3A_439 = arith.index_cast %get3A : i32 to index
      %get3A_440 = arith.index_cast %mul3A_438 : i32 to index
      %get3A_441 = tpu.vector_load %arg6[%get3A_439, %get3A_440] {strides = array<i32>} : memref<5x2000xi32, #tpu.memory_space<vmem>>, vector<1x16xi32>,
      %get3A_442 = vector.shape_cast %get3A_441 : vector<1x16xi32> to vector<16xi32>
      %shift_right_logical3A = arith.constant 8 : i32
      %shift_right_logical3A_443 = vector.broadcast %shift_right_logical3A : i32 to vector<16xi32>
      %shift_right_logical3A_444 = arith.shrui %get3A_442, %shift_right_logical3A_443 : vector<16xi32>
      %mul3A_445 = arith.constant 13108 : i32
      %mul3A_446 = vector.broadcast %mul3A_445 : i32 to vector<16xi32>
      %mul3A_447 = arith.muli %shift_right_logical3A_444, %mul3A_446 : vector<16xi32>
      %shift_right_logical3A_448 = arith.constant 16 : i32
      %shift_right_logical3A_449 = vector.broadcast %shift_right_logical3A_448 : i32 to vector<16xi32>
      %shift_right_logical3A_450 = arith.shrui %mul3A_447, %shift_right_logical3A_449 : vector<16xi32>
      %mul3A_451 = arith.constant 8 : i32
      %mul3A_452 = vector.broadcast %mul3A_451 : i32 to vector<16xi32>
      %mul3A_453 = arith.muli %get3A_442, %mul3A_452 : vector<16xi32>
      %mul3A_454 = arith.constant 10239 : i32
      %mul3A_455 = vector.broadcast %mul3A_454 : i32 to vector<16xi32>
      %mul3A_456 = arith.muli %shift_right_logical3A_450, %mul3A_455 : vector<16xi32>
      %sub3A = arith.subi %mul3A_453, %mul3A_456 : vector<16xi32>
      %mul3A_457 = arith.constant 16 : i32
      %mul3A_458 = arith.muli %scan3A_435, %mul3A_457 : i32
      %swap3A = arith.constant 1 : i32
      %swap3A_459 = arith.index_cast %swap3A : i32 to index
      %swap3A_460 = arith.index_cast %mul3A_458 : i32 to index
      %swap3A_461 = tpu.vector_load %arg6[%swap3A_459, %swap3A_460] {strides = array<i32>} : memref<5x2000xi32, #tpu.memory_space<vmem>>, vector<1x16xi32>,
      %swap3A_462 = vector.shape_cast %swap3A_461 : vector<1x16xi32> to vector<16xi32>
      %swap3A_463 = vector.shape_cast %sub3A : vector<16xi32> to vector<1x16xi32>
      tpu.vector_store %arg6[%swap3A_459, %swap3A_460], %swap3A_463 {strides = array<i32>} : memref<5x2000xi32, #tpu.memory_space<vmem>>, vector<1x16xi32>,
      %scan3A_464 = arith.constant 0 : i32
      scf.yield %scan3A_464 : i32
    }
    %scan3A_251 = arith.constant 125 : i32
    %dma_wait3A_252 = arith.constant 0 : i32
    %dma_wait3A_253 = arith.constant 0 : i32
    %dma_wait3A_254 = tpu.memref_slice %arg5[%dma_wait3A_252, %dma_wait3A_253] : memref<5x2000xi32, #tpu.memory_space<vmem>> -> memref<1x2000xi32, #tpu.memory_space<vmem>>
    %dma_wait3A_255 = tpu.memref_squeeze %dma_wait3A_254 : memref<1x2000xi32, #tpu.memory_space<vmem>> -> memref<2000xi32, #tpu.memory_space<vmem>>
    %dma_wait3A_256 = arith.constant 0 : i32
    %dma_wait3A_257 = arith.constant 0 : i32
    %dma_wait3A_258 = tpu.memref_slice %arg2[%dma_wait3A_256, %dma_wait3A_257] : memref<10240x16xf32, #tpu.memory_space<hbm>> -> memref<10240x16xf32, #tpu.memory_space<hbm>>
    tpu.wait_indirect_dma semaphore(%arg12 : memref<!tpu.dma_semaphore, #tpu.memory_space<semaphore_mem>>) src(%dma_wait3A_258 : memref<10240x16xf32, #tpu.memory_space<hbm>>) dst(%arg7 : memref<2000x16xf32, #tpu.memory_space<vmem>>)
    %dma_start3A_259 = arith.constant 1 : i32
    %dma_start3A_260 = arith.constant 0 : i32
    %dma_start3A_261 = tpu.memref_slice %arg5[%dma_start3A_259, %dma_start3A_260] : memref<5x2000xi32, #tpu.memory_space<vmem>> -> memref<1x2000xi32, #tpu.memory_space<vmem>>
    %dma_start3A_262 = tpu.memref_squeeze %dma_start3A_261 : memref<1x2000xi32, #tpu.memory_space<vmem>> -> memref<2000xi32, #tpu.memory_space<vmem>>
    %dma_start3A_263 = arith.constant 0 : i32
    %dma_start3A_264 = arith.constant 0 : i32
    %dma_start3A_265 = tpu.memref_slice %arg2[%dma_start3A_263, %dma_start3A_264] : memref<10240x16xf32, #tpu.memory_space<hbm>> -> memref<10240x16xf32, #tpu.memory_space<hbm>>
    tpu.enqueue_indirect_dma source(%dma_start3A_265 : memref<10240x16xf32, #tpu.memory_space<hbm>>) target(%arg8 : memref<2000x16xf32, #tpu.memory_space<vmem>>) offsets(%dma_start3A_262 : memref<2000xi32, #tpu.memory_space<vmem>>) semaphore(%arg13 : memref<!tpu.dma_semaphore, #tpu.memory_space<semaphore_mem>>)
    %dma_start3A_266 = arith.constant 0 : i32
    %dma_start3A_267 = arith.constant 0 : i32
    %dma_start3A_268 = tpu.memref_slice %arg6[%dma_start3A_266, %dma_start3A_267] : memref<5x2000xi32, #tpu.memory_space<vmem>> -> memref<1x2000xi32, #tpu.memory_space<vmem>>
    %dma_start3A_269 = tpu.memref_squeeze %dma_start3A_268 : memref<1x2000xi32, #tpu.memory_space<vmem>> -> memref<2000xi32, #tpu.memory_space<vmem>>
    %dma_start3A_270 = arith.constant 0 : i32
    %dma_start3A_271 = arith.constant 0 : i32
    %dma_start3A_272 = tpu.memref_slice %arg10[%dma_start3A_270, %dma_start3A_271] : memref<10240x16xf32, #tpu.memory_space<vmem_shared>> -> memref<10240x16xf32, #tpu.memory_space<vmem_shared>>
    tpu.enqueue_indirect_dma source(%arg7 : memref<2000x16xf32, #tpu.memory_space<vmem>>) target(%dma_start3A_272 : memref<10240x16xf32, #tpu.memory_space<vmem_shared>>) offsets(%dma_start3A_269 : memref<2000xi32, #tpu.memory_space<vmem>>) semaphore(%arg15 : memref<!tpu.dma_semaphore, #tpu.memory_space<semaphore_mem>>) {add = true}
    %scan3A_273 = arith.constant 0 : i32
    %scan3A_274 = arith.constant 0 : i32
    %scan3A_275 = arith.constant 125 : i32
    %scan3A_276 = arith.addi %scan3A_274, %scan3A_275 : i32
    %scan3A_277 = arith.constant 1 : i32
    %scan3A_278 = scf.for %scan3A_435 = %scan3A_274 to %scan3A_276 step %scan3A_277 iter_args(%scan3A_436 = %scan3A_273) -> (i32)  : i32 {
      %mul3A_437 = arith.constant 16 : i32
      %mul3A_438 = arith.muli %scan3A_435, %mul3A_437 : i32
      %get3A = arith.constant 2 : i32
      %get3A_439 = arith.index_cast %get3A : i32 to index
      %get3A_440 = arith.index_cast %mul3A_438 : i32 to index
      %get3A_441 = tpu.vector_load %arg5[%get3A_439, %get3A_440] {strides = array<i32>} : memref<5x2000xi32, #tpu.memory_space<vmem>>, vector<1x16xi32>,
      %get3A_442 = vector.shape_cast %get3A_441 : vector<1x16xi32> to vector<16xi32>
      %shift_right_logical3A = arith.constant 8 : i32
      %shift_right_logical3A_443 = vector.broadcast %shift_right_logical3A : i32 to vector<16xi32>
      %shift_right_logical3A_444 = arith.shrui %get3A_442, %shift_right_logical3A_443 : vector<16xi32>
      %mul3A_445 = arith.constant 13108 : i32
      %mul3A_446 = vector.broadcast %mul3A_445 : i32 to vector<16xi32>
      %mul3A_447 = arith.muli %shift_right_logical3A_444, %mul3A_446 : vector<16xi32>
      %shift_right_logical3A_448 = arith.constant 16 : i32
      %shift_right_logical3A_449 = vector.broadcast %shift_right_logical3A_448 : i32 to vector<16xi32>
      %shift_right_logical3A_450 = arith.shrui %mul3A_447, %shift_right_logical3A_449 : vector<16xi32>
      %mul3A_451 = arith.constant 8 : i32
      %mul3A_452 = vector.broadcast %mul3A_451 : i32 to vector<16xi32>
      %mul3A_453 = arith.muli %get3A_442, %mul3A_452 : vector<16xi32>
      %mul3A_454 = arith.constant 10239 : i32
      %mul3A_455 = vector.broadcast %mul3A_454 : i32 to vector<16xi32>
      %mul3A_456 = arith.muli %shift_right_logical3A_450, %mul3A_455 : vector<16xi32>
      %sub3A = arith.subi %mul3A_453, %mul3A_456 : vector<16xi32>
      %mul3A_457 = arith.constant 16 : i32
      %mul3A_458 = arith.muli %scan3A_435, %mul3A_457 : i32
      %swap3A = arith.constant 2 : i32
      %swap3A_459 = arith.index_cast %swap3A : i32 to index
      %swap3A_460 = arith.index_cast %mul3A_458 : i32 to index
      %swap3A_461 = tpu.vector_load %arg5[%swap3A_459, %swap3A_460] {strides = array<i32>} : memref<5x2000xi32, #tpu.memory_space<vmem>>, vector<1x16xi32>,
      %swap3A_462 = vector.shape_cast %swap3A_461 : vector<1x16xi32> to vector<16xi32>
      %swap3A_463 = vector.shape_cast %sub3A : vector<16xi32> to vector<1x16xi32>
      tpu.vector_store %arg5[%swap3A_459, %swap3A_460], %swap3A_463 {strides = array<i32>} : memref<5x2000xi32, #tpu.memory_space<vmem>>, vector<1x16xi32>,
      %scan3A_464 = arith.constant 0 : i32
      scf.yield %scan3A_464 : i32
    }
    %scan3A_279 = arith.constant 125 : i32
    %scan3A_280 = arith.constant 0 : i32
    %scan3A_281 = arith.constant 0 : i32
    %scan3A_282 = arith.constant 125 : i32
    %scan3A_283 = arith.addi %scan3A_281, %scan3A_282 : i32
    %scan3A_284 = arith.constant 1 : i32
    %scan3A_285 = scf.for %scan3A_435 = %scan3A_281 to %scan3A_283 step %scan3A_284 iter_args(%scan3A_436 = %scan3A_280) -> (i32)  : i32 {
      %mul3A_437 = arith.constant 16 : i32
      %mul3A_438 = arith.muli %scan3A_435, %mul3A_437 : i32
      %get3A = arith.constant 2 : i32
      %get3A_439 = arith.index_cast %get3A : i32 to index
      %get3A_440 = arith.index_cast %mul3A_438 : i32 to index
      %get3A_441 = tpu.vector_load %arg6[%get3A_439, %get3A_440] {strides = array<i32>} : memref<5x2000xi32, #tpu.memory_space<vmem>>, vector<1x16xi32>,
      %get3A_442 = vector.shape_cast %get3A_441 : vector<1x16xi32> to vector<16xi32>
      %shift_right_logical3A = arith.constant 8 : i32
      %shift_right_logical3A_443 = vector.broadcast %shift_right_logical3A : i32 to vector<16xi32>
      %shift_right_logical3A_444 = arith.shrui %get3A_442, %shift_right_logical3A_443 : vector<16xi32>
      %mul3A_445 = arith.constant 13108 : i32
      %mul3A_446 = vector.broadcast %mul3A_445 : i32 to vector<16xi32>
      %mul3A_447 = arith.muli %shift_right_logical3A_444, %mul3A_446 : vector<16xi32>
      %shift_right_logical3A_448 = arith.constant 16 : i32
      %shift_right_logical3A_449 = vector.broadcast %shift_right_logical3A_448 : i32 to vector<16xi32>
      %shift_right_logical3A_450 = arith.shrui %mul3A_447, %shift_right_logical3A_449 : vector<16xi32>
      %mul3A_451 = arith.constant 8 : i32
      %mul3A_452 = vector.broadcast %mul3A_451 : i32 to vector<16xi32>
      %mul3A_453 = arith.muli %get3A_442, %mul3A_452 : vector<16xi32>
      %mul3A_454 = arith.constant 10239 : i32
      %mul3A_455 = vector.broadcast %mul3A_454 : i32 to vector<16xi32>
      %mul3A_456 = arith.muli %shift_right_logical3A_450, %mul3A_455 : vector<16xi32>
      %sub3A = arith.subi %mul3A_453, %mul3A_456 : vector<16xi32>
      %mul3A_457 = arith.constant 16 : i32
      %mul3A_458 = arith.muli %scan3A_435, %mul3A_457 : i32
      %swap3A = arith.constant 2 : i32
      %swap3A_459 = arith.index_cast %swap3A : i32 to index
      %swap3A_460 = arith.index_cast %mul3A_458 : i32 to index
      %swap3A_461 = tpu.vector_load %arg6[%swap3A_459, %swap3A_460] {strides = array<i32>} : memref<5x2000xi32, #tpu.memory_space<vmem>>, vector<1x16xi32>,
      %swap3A_462 = vector.shape_cast %swap3A_461 : vector<1x16xi32> to vector<16xi32>
      %swap3A_463 = vector.shape_cast %sub3A : vector<16xi32> to vector<1x16xi32>
      tpu.vector_store %arg6[%swap3A_459, %swap3A_460], %swap3A_463 {strides = array<i32>} : memref<5x2000xi32, #tpu.memory_space<vmem>>, vector<1x16xi32>,
      %scan3A_464 = arith.constant 0 : i32
      scf.yield %scan3A_464 : i32
    }
    %scan3A_286 = arith.constant 125 : i32
    %dma_wait3A_287 = arith.constant 1 : i32
    %dma_wait3A_288 = arith.constant 0 : i32
    %dma_wait3A_289 = tpu.memref_slice %arg5[%dma_wait3A_287, %dma_wait3A_288] : memref<5x2000xi32, #tpu.memory_space<vmem>> -> memref<1x2000xi32, #tpu.memory_space<vmem>>
    %dma_wait3A_290 = tpu.memref_squeeze %dma_wait3A_289 : memref<1x2000xi32, #tpu.memory_space<vmem>> -> memref<2000xi32, #tpu.memory_space<vmem>>
    %dma_wait3A_291 = arith.constant 0 : i32
    %dma_wait3A_292 = arith.constant 0 : i32
    %dma_wait3A_293 = tpu.memref_slice %arg2[%dma_wait3A_291, %dma_wait3A_292] : memref<10240x16xf32, #tpu.memory_space<hbm>> -> memref<10240x16xf32, #tpu.memory_space<hbm>>
    tpu.wait_indirect_dma semaphore(%arg13 : memref<!tpu.dma_semaphore, #tpu.memory_space<semaphore_mem>>) src(%dma_wait3A_293 : memref<10240x16xf32, #tpu.memory_space<hbm>>) dst(%arg8 : memref<2000x16xf32, #tpu.memory_space<vmem>>)
    %dma_start3A_294 = arith.constant 2 : i32
    %dma_start3A_295 = arith.constant 0 : i32
    %dma_start3A_296 = tpu.memref_slice %arg5[%dma_start3A_294, %dma_start3A_295] : memref<5x2000xi32, #tpu.memory_space<vmem>> -> memref<1x2000xi32, #tpu.memory_space<vmem>>
    %dma_start3A_297 = tpu.memref_squeeze %dma_start3A_296 : memref<1x2000xi32, #tpu.memory_space<vmem>> -> memref<2000xi32, #tpu.memory_space<vmem>>
    %dma_start3A_298 = arith.constant 0 : i32
    %dma_start3A_299 = arith.constant 0 : i32
    %dma_start3A_300 = tpu.memref_slice %arg2[%dma_start3A_298, %dma_start3A_299] : memref<10240x16xf32, #tpu.memory_space<hbm>> -> memref<10240x16xf32, #tpu.memory_space<hbm>>
    tpu.enqueue_indirect_dma source(%dma_start3A_300 : memref<10240x16xf32, #tpu.memory_space<hbm>>) target(%arg9 : memref<2000x16xf32, #tpu.memory_space<vmem>>) offsets(%dma_start3A_297 : memref<2000xi32, #tpu.memory_space<vmem>>) semaphore(%arg14 : memref<!tpu.dma_semaphore, #tpu.memory_space<semaphore_mem>>)
    %dma_start3A_301 = arith.constant 1 : i32
    %dma_start3A_302 = arith.constant 0 : i32
    %dma_start3A_303 = tpu.memref_slice %arg6[%dma_start3A_301, %dma_start3A_302] : memref<5x2000xi32, #tpu.memory_space<vmem>> -> memref<1x2000xi32, #tpu.memory_space<vmem>>
    %dma_start3A_304 = tpu.memref_squeeze %dma_start3A_303 : memref<1x2000xi32, #tpu.memory_space<vmem>> -> memref<2000xi32, #tpu.memory_space<vmem>>
    %dma_start3A_305 = arith.constant 0 : i32
    %dma_start3A_306 = arith.constant 0 : i32
    %dma_start3A_307 = tpu.memref_slice %arg10[%dma_start3A_305, %dma_start3A_306] : memref<10240x16xf32, #tpu.memory_space<vmem_shared>> -> memref<10240x16xf32, #tpu.memory_space<vmem_shared>>
    tpu.enqueue_indirect_dma source(%arg8 : memref<2000x16xf32, #tpu.memory_space<vmem>>) target(%dma_start3A_307 : memref<10240x16xf32, #tpu.memory_space<vmem_shared>>) offsets(%dma_start3A_304 : memref<2000xi32, #tpu.memory_space<vmem>>) semaphore(%arg15 : memref<!tpu.dma_semaphore, #tpu.memory_space<semaphore_mem>>) {add = true}
    %scan3A_308 = arith.constant 0 : i32
    %scan3A_309 = arith.constant 0 : i32
    %scan3A_310 = arith.constant 125 : i32
    %scan3A_311 = arith.addi %scan3A_309, %scan3A_310 : i32
    %scan3A_312 = arith.constant 1 : i32
    %scan3A_313 = scf.for %scan3A_435 = %scan3A_309 to %scan3A_311 step %scan3A_312 iter_args(%scan3A_436 = %scan3A_308) -> (i32)  : i32 {
      %mul3A_437 = arith.constant 16 : i32
      %mul3A_438 = arith.muli %scan3A_435, %mul3A_437 : i32
      %get3A = arith.constant 3 : i32
      %get3A_439 = arith.index_cast %get3A : i32 to index
      %get3A_440 = arith.index_cast %mul3A_438 : i32 to index
      %get3A_441 = tpu.vector_load %arg5[%get3A_439, %get3A_440] {strides = array<i32>} : memref<5x2000xi32, #tpu.memory_space<vmem>>, vector<1x16xi32>,
      %get3A_442 = vector.shape_cast %get3A_441 : vector<1x16xi32> to vector<16xi32>
      %shift_right_logical3A = arith.constant 8 : i32
      %shift_right_logical3A_443 = vector.broadcast %shift_right_logical3A : i32 to vector<16xi32>
      %shift_right_logical3A_444 = arith.shrui %get3A_442, %shift_right_logical3A_443 : vector<16xi32>
      %mul3A_445 = arith.constant 13108 : i32
      %mul3A_446 = vector.broadcast %mul3A_445 : i32 to vector<16xi32>
      %mul3A_447 = arith.muli %shift_right_logical3A_444, %mul3A_446 : vector<16xi32>
      %shift_right_logical3A_448 = arith.constant 16 : i32
      %shift_right_logical3A_449 = vector.broadcast %shift_right_logical3A_448 : i32 to vector<16xi32>
      %shift_right_logical3A_450 = arith.shrui %mul3A_447, %shift_right_logical3A_449 : vector<16xi32>
      %mul3A_451 = arith.constant 8 : i32
      %mul3A_452 = vector.broadcast %mul3A_451 : i32 to vector<16xi32>
      %mul3A_453 = arith.muli %get3A_442, %mul3A_452 : vector<16xi32>
      %mul3A_454 = arith.constant 10239 : i32
      %mul3A_455 = vector.broadcast %mul3A_454 : i32 to vector<16xi32>
      %mul3A_456 = arith.muli %shift_right_logical3A_450, %mul3A_455 : vector<16xi32>
      %sub3A = arith.subi %mul3A_453, %mul3A_456 : vector<16xi32>
      %mul3A_457 = arith.constant 16 : i32
      %mul3A_458 = arith.muli %scan3A_435, %mul3A_457 : i32
      %swap3A = arith.constant 3 : i32
      %swap3A_459 = arith.index_cast %swap3A : i32 to index
      %swap3A_460 = arith.index_cast %mul3A_458 : i32 to index
      %swap3A_461 = tpu.vector_load %arg5[%swap3A_459, %swap3A_460] {strides = array<i32>} : memref<5x2000xi32, #tpu.memory_space<vmem>>, vector<1x16xi32>,
      %swap3A_462 = vector.shape_cast %swap3A_461 : vector<1x16xi32> to vector<16xi32>
      %swap3A_463 = vector.shape_cast %sub3A : vector<16xi32> to vector<1x16xi32>
      tpu.vector_store %arg5[%swap3A_459, %swap3A_460], %swap3A_463 {strides = array<i32>} : memref<5x2000xi32, #tpu.memory_space<vmem>>, vector<1x16xi32>,
      %scan3A_464 = arith.constant 0 : i32
      scf.yield %scan3A_464 : i32
    }
    %scan3A_314 = arith.constant 125 : i32
    %scan3A_315 = arith.constant 0 : i32
    %scan3A_316 = arith.constant 0 : i32
    %scan3A_317 = arith.constant 125 : i32
    %scan3A_318 = arith.addi %scan3A_316, %scan3A_317 : i32
    %scan3A_319 = arith.constant 1 : i32
    %scan3A_320 = scf.for %scan3A_435 = %scan3A_316 to %scan3A_318 step %scan3A_319 iter_args(%scan3A_436 = %scan3A_315) -> (i32)  : i32 {
      %mul3A_437 = arith.constant 16 : i32
      %mul3A_438 = arith.muli %scan3A_435, %mul3A_437 : i32
      %get3A = arith.constant 3 : i32
      %get3A_439 = arith.index_cast %get3A : i32 to index
      %get3A_440 = arith.index_cast %mul3A_438 : i32 to index
      %get3A_441 = tpu.vector_load %arg6[%get3A_439, %get3A_440] {strides = array<i32>} : memref<5x2000xi32, #tpu.memory_space<vmem>>, vector<1x16xi32>,
      %get3A_442 = vector.shape_cast %get3A_441 : vector<1x16xi32> to vector<16xi32>
      %shift_right_logical3A = arith.constant 8 : i32
      %shift_right_logical3A_443 = vector.broadcast %shift_right_logical3A : i32 to vector<16xi32>
      %shift_right_logical3A_444 = arith.shrui %get3A_442, %shift_right_logical3A_443 : vector<16xi32>
      %mul3A_445 = arith.constant 13108 : i32
      %mul3A_446 = vector.broadcast %mul3A_445 : i32 to vector<16xi32>
      %mul3A_447 = arith.muli %shift_right_logical3A_444, %mul3A_446 : vector<16xi32>
      %shift_right_logical3A_448 = arith.constant 16 : i32
      %shift_right_logical3A_449 = vector.broadcast %shift_right_logical3A_448 : i32 to vector<16xi32>
      %shift_right_logical3A_450 = arith.shrui %mul3A_447, %shift_right_logical3A_449 : vector<16xi32>
      %mul3A_451 = arith.constant 8 : i32
      %mul3A_452 = vector.broadcast %mul3A_451 : i32 to vector<16xi32>
      %mul3A_453 = arith.muli %get3A_442, %mul3A_452 : vector<16xi32>
      %mul3A_454 = arith.constant 10239 : i32
      %mul3A_455 = vector.broadcast %mul3A_454 : i32 to vector<16xi32>
      %mul3A_456 = arith.muli %shift_right_logical3A_450, %mul3A_455 : vector<16xi32>
      %sub3A = arith.subi %mul3A_453, %mul3A_456 : vector<16xi32>
      %mul3A_457 = arith.constant 16 : i32
      %mul3A_458 = arith.muli %scan3A_435, %mul3A_457 : i32
      %swap3A = arith.constant 3 : i32
      %swap3A_459 = arith.index_cast %swap3A : i32 to index
      %swap3A_460 = arith.index_cast %mul3A_458 : i32 to index
      %swap3A_461 = tpu.vector_load %arg6[%swap3A_459, %swap3A_460] {strides = array<i32>} : memref<5x2000xi32, #tpu.memory_space<vmem>>, vector<1x16xi32>,
      %swap3A_462 = vector.shape_cast %swap3A_461 : vector<1x16xi32> to vector<16xi32>
      %swap3A_463 = vector.shape_cast %sub3A : vector<16xi32> to vector<1x16xi32>
      tpu.vector_store %arg6[%swap3A_459, %swap3A_460], %swap3A_463 {strides = array<i32>} : memref<5x2000xi32, #tpu.memory_space<vmem>>, vector<1x16xi32>,
      %scan3A_464 = arith.constant 0 : i32
      scf.yield %scan3A_464 : i32
    }
    %scan3A_321 = arith.constant 125 : i32
    %dma_wait3A_322 = arith.constant 2 : i32
    %dma_wait3A_323 = arith.constant 0 : i32
    %dma_wait3A_324 = tpu.memref_slice %arg5[%dma_wait3A_322, %dma_wait3A_323] : memref<5x2000xi32, #tpu.memory_space<vmem>> -> memref<1x2000xi32, #tpu.memory_space<vmem>>
    %dma_wait3A_325 = tpu.memref_squeeze %dma_wait3A_324 : memref<1x2000xi32, #tpu.memory_space<vmem>> -> memref<2000xi32, #tpu.memory_space<vmem>>
    %dma_wait3A_326 = arith.constant 0 : i32
    %dma_wait3A_327 = arith.constant 0 : i32
    %dma_wait3A_328 = tpu.memref_slice %arg2[%dma_wait3A_326, %dma_wait3A_327] : memref<10240x16xf32, #tpu.memory_space<hbm>> -> memref<10240x16xf32, #tpu.memory_space<hbm>>
    tpu.wait_indirect_dma semaphore(%arg14 : memref<!tpu.dma_semaphore, #tpu.memory_space<semaphore_mem>>) src(%dma_wait3A_328 : memref<10240x16xf32, #tpu.memory_space<hbm>>) dst(%arg9 : memref<2000x16xf32, #tpu.memory_space<vmem>>)
    %dma_wait3A_329 = arith.constant 0 : i32
    %dma_wait3A_330 = arith.constant 0 : i32
    %dma_wait3A_331 = tpu.memref_slice %arg6[%dma_wait3A_329, %dma_wait3A_330] : memref<5x2000xi32, #tpu.memory_space<vmem>> -> memref<1x2000xi32, #tpu.memory_space<vmem>>
    %dma_wait3A_332 = tpu.memref_squeeze %dma_wait3A_331 : memref<1x2000xi32, #tpu.memory_space<vmem>> -> memref<2000xi32, #tpu.memory_space<vmem>>
    %dma_wait3A_333 = arith.constant 0 : i32
    %dma_wait3A_334 = arith.constant 0 : i32
    %dma_wait3A_335 = tpu.memref_slice %arg10[%dma_wait3A_333, %dma_wait3A_334] : memref<10240x16xf32, #tpu.memory_space<vmem_shared>> -> memref<10240x16xf32, #tpu.memory_space<vmem_shared>>
    tpu.wait_indirect_dma semaphore(%arg15 : memref<!tpu.dma_semaphore, #tpu.memory_space<semaphore_mem>>) src(%arg7 : memref<2000x16xf32, #tpu.memory_space<vmem>>) dst(%dma_wait3A_335 : memref<10240x16xf32, #tpu.memory_space<vmem_shared>>)
    %dma_start3A_336 = arith.constant 3 : i32
    %dma_start3A_337 = arith.constant 0 : i32
    %dma_start3A_338 = tpu.memref_slice %arg5[%dma_start3A_336, %dma_start3A_337] : memref<5x2000xi32, #tpu.memory_space<vmem>> -> memref<1x2000xi32, #tpu.memory_space<vmem>>
    %dma_start3A_339 = tpu.memref_squeeze %dma_start3A_338 : memref<1x2000xi32, #tpu.memory_space<vmem>> -> memref<2000xi32, #tpu.memory_space<vmem>>
    %dma_start3A_340 = arith.constant 0 : i32
    %dma_start3A_341 = arith.constant 0 : i32
    %dma_start3A_342 = tpu.memref_slice %arg2[%dma_start3A_340, %dma_start3A_341] : memref<10240x16xf32, #tpu.memory_space<hbm>> -> memref<10240x16xf32, #tpu.memory_space<hbm>>
    tpu.enqueue_indirect_dma source(%dma_start3A_342 : memref<10240x16xf32, #tpu.memory_space<hbm>>) target(%arg7 : memref<2000x16xf32, #tpu.memory_space<vmem>>) offsets(%dma_start3A_339 : memref<2000xi32, #tpu.memory_space<vmem>>) semaphore(%arg12 : memref<!tpu.dma_semaphore, #tpu.memory_space<semaphore_mem>>)
    %dma_start3A_343 = arith.constant 2 : i32
    %dma_start3A_344 = arith.constant 0 : i32
    %dma_start3A_345 = tpu.memref_slice %arg6[%dma_start3A_343, %dma_start3A_344] : memref<5x2000xi32, #tpu.memory_space<vmem>> -> memref<1x2000xi32, #tpu.memory_space<vmem>>
    %dma_start3A_346 = tpu.memref_squeeze %dma_start3A_345 : memref<1x2000xi32, #tpu.memory_space<vmem>> -> memref<2000xi32, #tpu.memory_space<vmem>>
    %dma_start3A_347 = arith.constant 0 : i32
    %dma_start3A_348 = arith.constant 0 : i32
    %dma_start3A_349 = tpu.memref_slice %arg10[%dma_start3A_347, %dma_start3A_348] : memref<10240x16xf32, #tpu.memory_space<vmem_shared>> -> memref<10240x16xf32, #tpu.memory_space<vmem_shared>>
    tpu.enqueue_indirect_dma source(%arg9 : memref<2000x16xf32, #tpu.memory_space<vmem>>) target(%dma_start3A_349 : memref<10240x16xf32, #tpu.memory_space<vmem_shared>>) offsets(%dma_start3A_346 : memref<2000xi32, #tpu.memory_space<vmem>>) semaphore(%arg15 : memref<!tpu.dma_semaphore, #tpu.memory_space<semaphore_mem>>) {add = true}
    %scan3A_350 = arith.constant 0 : i32
    %scan3A_351 = arith.constant 0 : i32
    %scan3A_352 = arith.constant 125 : i32
    %scan3A_353 = arith.addi %scan3A_351, %scan3A_352 : i32
    %scan3A_354 = arith.constant 1 : i32
    %scan3A_355 = scf.for %scan3A_435 = %scan3A_351 to %scan3A_353 step %scan3A_354 iter_args(%scan3A_436 = %scan3A_350) -> (i32)  : i32 {
      %mul3A_437 = arith.constant 16 : i32
      %mul3A_438 = arith.muli %scan3A_435, %mul3A_437 : i32
      %get3A = arith.constant 4 : i32
      %get3A_439 = arith.index_cast %get3A : i32 to index
      %get3A_440 = arith.index_cast %mul3A_438 : i32 to index
      %get3A_441 = tpu.vector_load %arg5[%get3A_439, %get3A_440] {strides = array<i32>} : memref<5x2000xi32, #tpu.memory_space<vmem>>, vector<1x16xi32>,
      %get3A_442 = vector.shape_cast %get3A_441 : vector<1x16xi32> to vector<16xi32>
      %shift_right_logical3A = arith.constant 8 : i32
      %shift_right_logical3A_443 = vector.broadcast %shift_right_logical3A : i32 to vector<16xi32>
      %shift_right_logical3A_444 = arith.shrui %get3A_442, %shift_right_logical3A_443 : vector<16xi32>
      %mul3A_445 = arith.constant 13108 : i32
      %mul3A_446 = vector.broadcast %mul3A_445 : i32 to vector<16xi32>
      %mul3A_447 = arith.muli %shift_right_logical3A_444, %mul3A_446 : vector<16xi32>
      %shift_right_logical3A_448 = arith.constant 16 : i32
      %shift_right_logical3A_449 = vector.broadcast %shift_right_logical3A_448 : i32 to vector<16xi32>
      %shift_right_logical3A_450 = arith.shrui %mul3A_447, %shift_right_logical3A_449 : vector<16xi32>
      %mul3A_451 = arith.constant 8 : i32
      %mul3A_452 = vector.broadcast %mul3A_451 : i32 to vector<16xi32>
      %mul3A_453 = arith.muli %get3A_442, %mul3A_452 : vector<16xi32>
      %mul3A_454 = arith.constant 10239 : i32
      %mul3A_455 = vector.broadcast %mul3A_454 : i32 to vector<16xi32>
      %mul3A_456 = arith.muli %shift_right_logical3A_450, %mul3A_455 : vector<16xi32>
      %sub3A = arith.subi %mul3A_453, %mul3A_456 : vector<16xi32>
      %mul3A_457 = arith.constant 16 : i32
      %mul3A_458 = arith.muli %scan3A_435, %mul3A_457 : i32
      %swap3A = arith.constant 4 : i32
      %swap3A_459 = arith.index_cast %swap3A : i32 to index
      %swap3A_460 = arith.index_cast %mul3A_458 : i32 to index
      %swap3A_461 = tpu.vector_load %arg5[%swap3A_459, %swap3A_460] {strides = array<i32>} : memref<5x2000xi32, #tpu.memory_space<vmem>>, vector<1x16xi32>,
      %swap3A_462 = vector.shape_cast %swap3A_461 : vector<1x16xi32> to vector<16xi32>
      %swap3A_463 = vector.shape_cast %sub3A : vector<16xi32> to vector<1x16xi32>
      tpu.vector_store %arg5[%swap3A_459, %swap3A_460], %swap3A_463 {strides = array<i32>} : memref<5x2000xi32, #tpu.memory_space<vmem>>, vector<1x16xi32>,
      %scan3A_464 = arith.constant 0 : i32
      scf.yield %scan3A_464 : i32
    }
    %scan3A_356 = arith.constant 125 : i32
    %scan3A_357 = arith.constant 0 : i32
    %scan3A_358 = arith.constant 0 : i32
    %scan3A_359 = arith.constant 125 : i32
    %scan3A_360 = arith.addi %scan3A_358, %scan3A_359 : i32
    %scan3A_361 = arith.constant 1 : i32
    %scan3A_362 = scf.for %scan3A_435 = %scan3A_358 to %scan3A_360 step %scan3A_361 iter_args(%scan3A_436 = %scan3A_357) -> (i32)  : i32 {
      %mul3A_437 = arith.constant 16 : i32
      %mul3A_438 = arith.muli %scan3A_435, %mul3A_437 : i32
      %get3A = arith.constant 4 : i32
      %get3A_439 = arith.index_cast %get3A : i32 to index
      %get3A_440 = arith.index_cast %mul3A_438 : i32 to index
      %get3A_441 = tpu.vector_load %arg6[%get3A_439, %get3A_440] {strides = array<i32>} : memref<5x2000xi32, #tpu.memory_space<vmem>>, vector<1x16xi32>,
      %get3A_442 = vector.shape_cast %get3A_441 : vector<1x16xi32> to vector<16xi32>
      %shift_right_logical3A = arith.constant 8 : i32
      %shift_right_logical3A_443 = vector.broadcast %shift_right_logical3A : i32 to vector<16xi32>
      %shift_right_logical3A_444 = arith.shrui %get3A_442, %shift_right_logical3A_443 : vector<16xi32>
      %mul3A_445 = arith.constant 13108 : i32
      %mul3A_446 = vector.broadcast %mul3A_445 : i32 to vector<16xi32>
      %mul3A_447 = arith.muli %shift_right_logical3A_444, %mul3A_446 : vector<16xi32>
      %shift_right_logical3A_448 = arith.constant 16 : i32
      %shift_right_logical3A_449 = vector.broadcast %shift_right_logical3A_448 : i32 to vector<16xi32>
      %shift_right_logical3A_450 = arith.shrui %mul3A_447, %shift_right_logical3A_449 : vector<16xi32>
      %mul3A_451 = arith.constant 8 : i32
      %mul3A_452 = vector.broadcast %mul3A_451 : i32 to vector<16xi32>
      %mul3A_453 = arith.muli %get3A_442, %mul3A_452 : vector<16xi32>
      %mul3A_454 = arith.constant 10239 : i32
      %mul3A_455 = vector.broadcast %mul3A_454 : i32 to vector<16xi32>
      %mul3A_456 = arith.muli %shift_right_logical3A_450, %mul3A_455 : vector<16xi32>
      %sub3A = arith.subi %mul3A_453, %mul3A_456 : vector<16xi32>
      %mul3A_457 = arith.constant 16 : i32
      %mul3A_458 = arith.muli %scan3A_435, %mul3A_457 : i32
      %swap3A = arith.constant 4 : i32
      %swap3A_459 = arith.index_cast %swap3A : i32 to index
      %swap3A_460 = arith.index_cast %mul3A_458 : i32 to index
      %swap3A_461 = tpu.vector_load %arg6[%swap3A_459, %swap3A_460] {strides = array<i32>} : memref<5x2000xi32, #tpu.memory_space<vmem>>, vector<1x16xi32>,
      %swap3A_462 = vector.shape_cast %swap3A_461 : vector<1x16xi32> to vector<16xi32>
      %swap3A_463 = vector.shape_cast %sub3A : vector<16xi32> to vector<1x16xi32>
      tpu.vector_store %arg6[%swap3A_459, %swap3A_460], %swap3A_463 {strides = array<i32>} : memref<5x2000xi32, #tpu.memory_space<vmem>>, vector<1x16xi32>,
      %scan3A_464 = arith.constant 0 : i32
      scf.yield %scan3A_464 : i32
    }
    %scan3A_363 = arith.constant 125 : i32
    %dma_wait3A_364 = arith.constant 3 : i32
    %dma_wait3A_365 = arith.constant 0 : i32
    %dma_wait3A_366 = tpu.memref_slice %arg5[%dma_wait3A_364, %dma_wait3A_365] : memref<5x2000xi32, #tpu.memory_space<vmem>> -> memref<1x2000xi32, #tpu.memory_space<vmem>>
    %dma_wait3A_367 = tpu.memref_squeeze %dma_wait3A_366 : memref<1x2000xi32, #tpu.memory_space<vmem>> -> memref<2000xi32, #tpu.memory_space<vmem>>
    %dma_wait3A_368 = arith.constant 0 : i32
    %dma_wait3A_369 = arith.constant 0 : i32
    %dma_wait3A_370 = tpu.memref_slice %arg2[%dma_wait3A_368, %dma_wait3A_369] : memref<10240x16xf32, #tpu.memory_space<hbm>> -> memref<10240x16xf32, #tpu.memory_space<hbm>>
    tpu.wait_indirect_dma semaphore(%arg12 : memref<!tpu.dma_semaphore, #tpu.memory_space<semaphore_mem>>) src(%dma_wait3A_370 : memref<10240x16xf32, #tpu.memory_space<hbm>>) dst(%arg7 : memref<2000x16xf32, #tpu.memory_space<vmem>>)
    %dma_wait3A_371 = arith.constant 1 : i32
    %dma_wait3A_372 = arith.constant 0 : i32
    %dma_wait3A_373 = tpu.memref_slice %arg6[%dma_wait3A_371, %dma_wait3A_372] : memref<5x2000xi32, #tpu.memory_space<vmem>> -> memref<1x2000xi32, #tpu.memory_space<vmem>>
    %dma_wait3A_374 = tpu.memref_squeeze %dma_wait3A_373 : memref<1x2000xi32, #tpu.memory_space<vmem>> -> memref<2000xi32, #tpu.memory_space<vmem>>
    %dma_wait3A_375 = arith.constant 0 : i32
    %dma_wait3A_376 = arith.constant 0 : i32
    %dma_wait3A_377 = tpu.memref_slice %arg10[%dma_wait3A_375, %dma_wait3A_376] : memref<10240x16xf32, #tpu.memory_space<vmem_shared>> -> memref<10240x16xf32, #tpu.memory_space<vmem_shared>>
    tpu.wait_indirect_dma semaphore(%arg15 : memref<!tpu.dma_semaphore, #tpu.memory_space<semaphore_mem>>) src(%arg8 : memref<2000x16xf32, #tpu.memory_space<vmem>>) dst(%dma_wait3A_377 : memref<10240x16xf32, #tpu.memory_space<vmem_shared>>)
    %dma_start3A_378 = arith.constant 4 : i32
    %dma_start3A_379 = arith.constant 0 : i32
    %dma_start3A_380 = tpu.memref_slice %arg5[%dma_start3A_378, %dma_start3A_379] : memref<5x2000xi32, #tpu.memory_space<vmem>> -> memref<1x2000xi32, #tpu.memory_space<vmem>>
    %dma_start3A_381 = tpu.memref_squeeze %dma_start3A_380 : memref<1x2000xi32, #tpu.memory_space<vmem>> -> memref<2000xi32, #tpu.memory_space<vmem>>
    %dma_start3A_382 = arith.constant 0 : i32
    %dma_start3A_383 = arith.constant 0 : i32
    %dma_start3A_384 = tpu.memref_slice %arg2[%dma_start3A_382, %dma_start3A_383] : memref<10240x16xf32, #tpu.memory_space<hbm>> -> memref<10240x16xf32, #tpu.memory_space<hbm>>
    tpu.enqueue_indirect_dma source(%dma_start3A_384 : memref<10240x16xf32, #tpu.memory_space<hbm>>) target(%arg8 : memref<2000x16xf32, #tpu.memory_space<vmem>>) offsets(%dma_start3A_381 : memref<2000xi32, #tpu.memory_space<vmem>>) semaphore(%arg13 : memref<!tpu.dma_semaphore, #tpu.memory_space<semaphore_mem>>)
    %dma_start3A_385 = arith.constant 3 : i32
    %dma_start3A_386 = arith.constant 0 : i32
    %dma_start3A_387 = tpu.memref_slice %arg6[%dma_start3A_385, %dma_start3A_386] : memref<5x2000xi32, #tpu.memory_space<vmem>> -> memref<1x2000xi32, #tpu.memory_space<vmem>>
    %dma_start3A_388 = tpu.memref_squeeze %dma_start3A_387 : memref<1x2000xi32, #tpu.memory_space<vmem>> -> memref<2000xi32, #tpu.memory_space<vmem>>
    %dma_start3A_389 = arith.constant 0 : i32
    %dma_start3A_390 = arith.constant 0 : i32
    %dma_start3A_391 = tpu.memref_slice %arg10[%dma_start3A_389, %dma_start3A_390] : memref<10240x16xf32, #tpu.memory_space<vmem_shared>> -> memref<10240x16xf32, #tpu.memory_space<vmem_shared>>
    tpu.enqueue_indirect_dma source(%arg7 : memref<2000x16xf32, #tpu.memory_space<vmem>>) target(%dma_start3A_391 : memref<10240x16xf32, #tpu.memory_space<vmem_shared>>) offsets(%dma_start3A_388 : memref<2000xi32, #tpu.memory_space<vmem>>) semaphore(%arg15 : memref<!tpu.dma_semaphore, #tpu.memory_space<semaphore_mem>>) {add = true}
    %dma_wait3A_392 = arith.constant 4 : i32
    %dma_wait3A_393 = arith.constant 0 : i32
    %dma_wait3A_394 = tpu.memref_slice %arg5[%dma_wait3A_392, %dma_wait3A_393] : memref<5x2000xi32, #tpu.memory_space<vmem>> -> memref<1x2000xi32, #tpu.memory_space<vmem>>
    %dma_wait3A_395 = tpu.memref_squeeze %dma_wait3A_394 : memref<1x2000xi32, #tpu.memory_space<vmem>> -> memref<2000xi32, #tpu.memory_space<vmem>>
    %dma_wait3A_396 = arith.constant 0 : i32
    %dma_wait3A_397 = arith.constant 0 : i32
    %dma_wait3A_398 = tpu.memref_slice %arg2[%dma_wait3A_396, %dma_wait3A_397] : memref<10240x16xf32, #tpu.memory_space<hbm>> -> memref<10240x16xf32, #tpu.memory_space<hbm>>
    tpu.wait_indirect_dma semaphore(%arg13 : memref<!tpu.dma_semaphore, #tpu.memory_space<semaphore_mem>>) src(%dma_wait3A_398 : memref<10240x16xf32, #tpu.memory_space<hbm>>) dst(%arg8 : memref<2000x16xf32, #tpu.memory_space<vmem>>)
    %dma_wait3A_399 = arith.constant 2 : i32
    %dma_wait3A_400 = arith.constant 0 : i32
    %dma_wait3A_401 = tpu.memref_slice %arg6[%dma_wait3A_399, %dma_wait3A_400] : memref<5x2000xi32, #tpu.memory_space<vmem>> -> memref<1x2000xi32, #tpu.memory_space<vmem>>
    %dma_wait3A_402 = tpu.memref_squeeze %dma_wait3A_401 : memref<1x2000xi32, #tpu.memory_space<vmem>> -> memref<2000xi32, #tpu.memory_space<vmem>>
    %dma_wait3A_403 = arith.constant 0 : i32
    %dma_wait3A_404 = arith.constant 0 : i32
    %dma_wait3A_405 = tpu.memref_slice %arg10[%dma_wait3A_403, %dma_wait3A_404] : memref<10240x16xf32, #tpu.memory_space<vmem_shared>> -> memref<10240x16xf32, #tpu.memory_space<vmem_shared>>
    tpu.wait_indirect_dma semaphore(%arg15 : memref<!tpu.dma_semaphore, #tpu.memory_space<semaphore_mem>>) src(%arg9 : memref<2000x16xf32, #tpu.memory_space<vmem>>) dst(%dma_wait3A_405 : memref<10240x16xf32, #tpu.memory_space<vmem_shared>>)
    %dma_start3A_406 = arith.constant 4 : i32
    %dma_start3A_407 = arith.constant 0 : i32
    %dma_start3A_408 = tpu.memref_slice %arg6[%dma_start3A_406, %dma_start3A_407] : memref<5x2000xi32, #tpu.memory_space<vmem>> -> memref<1x2000xi32, #tpu.memory_space<vmem>>
    %dma_start3A_409 = tpu.memref_squeeze %dma_start3A_408 : memref<1x2000xi32, #tpu.memory_space<vmem>> -> memref<2000xi32, #tpu.memory_space<vmem>>
    %dma_start3A_410 = arith.constant 0 : i32
    %dma_start3A_411 = arith.constant 0 : i32
    %dma_start3A_412 = tpu.memref_slice %arg10[%dma_start3A_410, %dma_start3A_411] : memref<10240x16xf32, #tpu.memory_space<vmem_shared>> -> memref<10240x16xf32, #tpu.memory_space<vmem_shared>>
    tpu.enqueue_indirect_dma source(%arg8 : memref<2000x16xf32, #tpu.memory_space<vmem>>) target(%dma_start3A_412 : memref<10240x16xf32, #tpu.memory_space<vmem_shared>>) offsets(%dma_start3A_409 : memref<2000xi32, #tpu.memory_space<vmem>>) semaphore(%arg15 : memref<!tpu.dma_semaphore, #tpu.memory_space<semaphore_mem>>) {add = true}
    %dma_wait3A_413 = arith.constant 3 : i32
    %dma_wait3A_414 = arith.constant 0 : i32
    %dma_wait3A_415 = tpu.memref_slice %arg6[%dma_wait3A_413, %dma_wait3A_414] : memref<5x2000xi32, #tpu.memory_space<vmem>> -> memref<1x2000xi32, #tpu.memory_space<vmem>>
    %dma_wait3A_416 = tpu.memref_squeeze %dma_wait3A_415 : memref<1x2000xi32, #tpu.memory_space<vmem>> -> memref<2000xi32, #tpu.memory_space<vmem>>
    %dma_wait3A_417 = arith.constant 0 : i32
    %dma_wait3A_418 = arith.constant 0 : i32
    %dma_wait3A_419 = tpu.memref_slice %arg10[%dma_wait3A_417, %dma_wait3A_418] : memref<10240x16xf32, #tpu.memory_space<vmem_shared>> -> memref<10240x16xf32, #tpu.memory_space<vmem_shared>>
    tpu.wait_indirect_dma semaphore(%arg15 : memref<!tpu.dma_semaphore, #tpu.memory_space<semaphore_mem>>) src(%arg7 : memref<2000x16xf32, #tpu.memory_space<vmem>>) dst(%dma_wait3A_419 : memref<10240x16xf32, #tpu.memory_space<vmem_shared>>)
    %dma_wait3A_420 = arith.constant 4 : i32
    %dma_wait3A_421 = arith.constant 0 : i32
    %dma_wait3A_422 = tpu.memref_slice %arg6[%dma_wait3A_420, %dma_wait3A_421] : memref<5x2000xi32, #tpu.memory_space<vmem>> -> memref<1x2000xi32, #tpu.memory_space<vmem>>
    %dma_wait3A_423 = tpu.memref_squeeze %dma_wait3A_422 : memref<1x2000xi32, #tpu.memory_space<vmem>> -> memref<2000xi32, #tpu.memory_space<vmem>>
    %dma_wait3A_424 = arith.constant 0 : i32
    %dma_wait3A_425 = arith.constant 0 : i32
    %dma_wait3A_426 = tpu.memref_slice %arg10[%dma_wait3A_424, %dma_wait3A_425] : memref<10240x16xf32, #tpu.memory_space<vmem_shared>> -> memref<10240x16xf32, #tpu.memory_space<vmem_shared>>
    tpu.wait_indirect_dma semaphore(%arg15 : memref<!tpu.dma_semaphore, #tpu.memory_space<semaphore_mem>>) src(%arg8 : memref<2000x16xf32, #tpu.memory_space<vmem>>) dst(%dma_wait3A_426 : memref<10240x16xf32, #tpu.memory_space<vmem_shared>>)
    %barrier3A_427 = arith.constant 0 : index
    tpu.barrier barrier_id(%barrier3A_427)
    %mul3A_428 = arith.constant 640 : i32
    %mul3A_429 = arith.muli %arg1, %mul3A_428 : i32
    "tpu.region"() ({
      %run_scoped3A = tpu.sem_alloc : memref<!tpu.dma_semaphore, #tpu.memory_space<semaphore_mem>>
      %dma_start3A_435 = arith.constant 0 : i32
      %dma_start3A_436 = arith.constant 0 : i32
      %dma_start3A_437 = tpu.memref_slice %arg9[%dma_start3A_435, %dma_start3A_436] : memref<2000x16xf32, #tpu.memory_space<vmem>> -> memref<640x16xf32, #tpu.memory_space<vmem>>
      %dma_start3A_438 = arith.constant 0 : i32
      %dma_start3A_439 = tpu.memref_slice %arg10[%mul3A_429, %dma_start3A_438] : memref<10240x16xf32, #tpu.memory_space<vmem_shared>> -> memref<640x16xf32, #tpu.memory_space<vmem_shared>>
      %dma_start3A_440 = arith.constant 0 : i32
      %dma_start3A_441 = arith.constant 0 : i32
      %dma_start3A_442 = tpu.memref_slice %arg9[%dma_start3A_440, %dma_start3A_441] : memref<2000x16xf32, #tpu.memory_space<vmem>> -> memref<640x16xf32, #tpu.memory_space<vmem>>
      %dma_start3A_443 = arith.constant 0 : i32
      %dma_start3A_444 = tpu.memref_slice %arg10[%mul3A_429, %dma_start3A_443] : memref<10240x16xf32, #tpu.memory_space<vmem_shared>> -> memref<640x16xf32, #tpu.memory_space<vmem_shared>>
      tpu.enqueue_dma source(%dma_start3A_444 : memref<640x16xf32, #tpu.memory_space<vmem_shared>>) target(%dma_start3A_442 : memref<640x16xf32, #tpu.memory_space<vmem>>) target_semaphore(%run_scoped3A : memref<!tpu.dma_semaphore, #tpu.memory_space<semaphore_mem>>)
      %dma_wait3A_445 = arith.constant 0 : i32
      %dma_wait3A_446 = arith.constant 0 : i32
      %dma_wait3A_447 = tpu.memref_slice %arg9[%dma_wait3A_445, %dma_wait3A_446] : memref<2000x16xf32, #tpu.memory_space<vmem>> -> memref<640x16xf32, #tpu.memory_space<vmem>>
      %dma_wait3A_448 = arith.constant 0 : i32
      %dma_wait3A_449 = tpu.memref_slice %arg10[%mul3A_429, %dma_wait3A_448] : memref<10240x16xf32, #tpu.memory_space<vmem_shared>> -> memref<640x16xf32, #tpu.memory_space<vmem_shared>>
      %dma_wait3A_450 = arith.constant 0 : i32
      %dma_wait3A_451 = arith.constant 0 : i32
      %dma_wait3A_452 = tpu.memref_slice %arg9[%dma_wait3A_450, %dma_wait3A_451] : memref<2000x16xf32, #tpu.memory_space<vmem>> -> memref<640x16xf32, #tpu.memory_space<vmem>>
      %dma_wait3A_453 = arith.constant 0 : i32
      %dma_wait3A_454 = tpu.memref_slice %arg10[%mul3A_429, %dma_wait3A_453] : memref<10240x16xf32, #tpu.memory_space<vmem_shared>> -> memref<640x16xf32, #tpu.memory_space<vmem_shared>>
      tpu.wait_dma2 semaphore(%run_scoped3A : memref<!tpu.dma_semaphore, #tpu.memory_space<semaphore_mem>>) src(%dma_wait3A_454 : memref<640x16xf32, #tpu.memory_space<vmem_shared>>) dst(%dma_wait3A_452 : memref<640x16xf32, #tpu.memory_space<vmem>>)
      tpu.yield
    }) : () -> ()
    %mul3A_430 = arith.constant 10240 : i32
    %mul3A_431 = arith.muli %arg0, %mul3A_430 : i32
    %mul3A_432 = arith.constant 640 : i32
    %mul3A_433 = arith.muli %arg1, %mul3A_432 : i32
    %add3A_434 = arith.addi %mul3A_431, %mul3A_433 : i32
    "tpu.region"() ({
      %run_scoped3A = tpu.sem_alloc : memref<!tpu.dma_semaphore, #tpu.memory_space<semaphore_mem>>
      %dma_start3A_435 = arith.constant 0 : i32
      %dma_start3A_436 = arith.constant 0 : i32
      %dma_start3A_437 = tpu.memref_slice %arg9[%dma_start3A_435, %dma_start3A_436] : memref<2000x16xf32, #tpu.memory_space<vmem>> -> memref<640x16xf32, #tpu.memory_space<vmem>>
      %dma_start3A_438 = arith.constant 0 : i32
      %dma_start3A_439 = tpu.memref_slice %arg4[%add3A_434, %dma_start3A_438] : memref<20480x16xf32, #tpu.memory_space<hbm>> -> memref<640x16xf32, #tpu.memory_space<hbm>>
      %dma_start3A_440 = arith.constant 0 : i32
      %dma_start3A_441 = tpu.memref_slice %arg4[%add3A_434, %dma_start3A_440] : memref<20480x16xf32, #tpu.memory_space<hbm>> -> memref<640x16xf32, #tpu.memory_space<hbm>>
      %dma_start3A_442 = arith.constant 0 : i32
      %dma_start3A_443 = arith.constant 0 : i32
      %dma_start3A_444 = tpu.memref_slice %arg9[%dma_start3A_442, %dma_start3A_443] : memref<2000x16xf32, #tpu.memory_space<vmem>> -> memref<640x16xf32, #tpu.memory_space<vmem>>
      tpu.enqueue_dma source(%dma_start3A_444 : memref<640x16xf32, #tpu.memory_space<vmem>>) target(%dma_start3A_441 : memref<640x16xf32, #tpu.memory_space<hbm>>) target_semaphore(%run_scoped3A : memref<!tpu.dma_semaphore, #tpu.memory_space<semaphore_mem>>)
      %dma_wait3A_445 = arith.constant 0 : i32
      %dma_wait3A_446 = arith.constant 0 : i32
      %dma_wait3A_447 = tpu.memref_slice %arg9[%dma_wait3A_445, %dma_wait3A_446] : memref<2000x16xf32, #tpu.memory_space<vmem>> -> memref<640x16xf32, #tpu.memory_space<vmem>>
      %dma_wait3A_448 = arith.constant 0 : i32
      %dma_wait3A_449 = tpu.memref_slice %arg4[%add3A_434, %dma_wait3A_448] : memref<20480x16xf32, #tpu.memory_space<hbm>> -> memref<640x16xf32, #tpu.memory_space<hbm>>
      %dma_wait3A_450 = arith.constant 0 : i32
      %dma_wait3A_451 = tpu.memref_slice %arg4[%add3A_434, %dma_wait3A_450] : memref<20480x16xf32, #tpu.memory_space<hbm>> -> memref<640x16xf32, #tpu.memory_space<hbm>>
      %dma_wait3A_452 = arith.constant 0 : i32
      %dma_wait3A_453 = arith.constant 0 : i32
      %dma_wait3A_454 = tpu.memref_slice %arg9[%dma_wait3A_452, %dma_wait3A_453] : memref<2000x16xf32, #tpu.memory_space<vmem>> -> memref<640x16xf32, #tpu.memory_space<vmem>>
      tpu.wait_dma2 semaphore(%run_scoped3A : memref<!tpu.dma_semaphore, #tpu.memory_space<semaphore_mem>>) src(%dma_wait3A_454 : memref<640x16xf32, #tpu.memory_space<vmem>>) dst(%dma_wait3A_451 : memref<640x16xf32, #tpu.memory_space<hbm>>)
      tpu.yield
    }) : () -> ()
    return
  }
}

module attributes {stable_mosaic.version = 14 : i64} {
  func.func @_s1b_body(%arg0: i32, %arg1: memref<640x128xf32, #tpu.memory_space<vmem>>, %arg2: memref<2x40x128xf32, #tpu.memory_space<vmem>>, %arg3: memref<640x128xf32, #tpu.memory_space<vmem>>, %arg4: memref<640x128xf32, #tpu.memory_space<vmem>>) attributes {dimension_semantics = [#tpu.dimension_semantics<arbitrary>], iteration_bounds = array<i64: 2>, scalar_prefetch = 0 : i64, scratch_operands = 0 : i64, tpu.core_type = #tpu.core_type<tc>, window_params = [{transform_indices = @transform_0, window_bounds = array<i64: 640, 128>}, {transform_indices = @transform_1, window_bounds = array<i64: 2, 40, 128>}, {transform_indices = @transform_2, window_bounds = array<i64: 640, 128>}, {transform_indices = @transform_3, window_bounds = array<i64: 640, 128>}]} {
    %get3A = arith.constant 0 : index
    %get3A_0 = arith.constant 0 : index
    %get3A_1 = arith.constant 0 : index
    %get3A_2 = vector.load %arg2[%get3A, %get3A_0, %get3A_1] : memref<2x40x128xf32, #tpu.memory_space<vmem>>, vector<1x40x128xf32>
    %get3A_3 = vector.shape_cast %get3A_2 : vector<1x40x128xf32> to vector<40x128xf32>
    %get3A_4 = arith.constant 1 : index
    %get3A_5 = arith.constant 0 : index
    %get3A_6 = arith.constant 0 : index
    %get3A_7 = vector.load %arg2[%get3A_4, %get3A_5, %get3A_6] : memref<2x40x128xf32, #tpu.memory_space<vmem>>, vector<1x40x128xf32>
    %get3A_8 = vector.shape_cast %get3A_7 : vector<1x40x128xf32> to vector<40x128xf32>
    %add3A = arith.addf %get3A_3, %get3A_8 : vector<40x128xf32>
    %add3A_9 = arith.constant 1.000000e+00 : f32
    %add3A_10 = vector.broadcast %add3A_9 : f32 to vector<40x128xf32>
    %add3A_11 = arith.addf %add3A, %add3A_10 : vector<40x128xf32>
    %rsqrt3A = math.rsqrt %add3A_11 : vector<40x128xf32>
    %iota3A = tpu.iota {dimensions = array<i32: 0>} : vector<640x40xi32>
    %iota3A_12 = tpu.iota {dimensions = array<i32: 1>} : vector<640x40xi32>
    %jit3A = arith.constant 16 : i32
    %div3A = vector.broadcast %jit3A : i32 to vector<640x40xi32>
    %div3A_13 = arith.divsi %iota3A, %div3A : vector<640x40xi32>
    %sign3A = arith.constant 0 : i32
    %sign3A_14 = vector.broadcast %sign3A : i32 to vector<640x40xi32>
    %sign3A_15 = arith.cmpi sgt, %iota3A, %sign3A_14 : vector<640x40xi32>
    %sign3A_16 = arith.extui %sign3A_15 : vector<640x40xi1> to vector<640x40xi32>
    %sign3A_17 = arith.constant 0 : i32
    %sign3A_18 = vector.broadcast %sign3A_17 : i32 to vector<640x40xi32>
    %sign3A_19 = arith.cmpi slt, %iota3A, %sign3A_18 : vector<640x40xi32>
    %sign3A_20 = arith.extui %sign3A_19 : vector<640x40xi1> to vector<640x40xi32>
    %sign3A_21 = arith.subi %sign3A_16, %sign3A_20 : vector<640x40xi32>
    %sign3A_22 = arith.constant 0 : i32
    %sign3A_23 = arith.cmpi sgt, %jit3A, %sign3A_22 : i32
    %sign3A_24 = arith.extui %sign3A_23 : i1 to i32
    %sign3A_25 = arith.constant 0 : i32
    %sign3A_26 = arith.cmpi slt, %jit3A, %sign3A_25 : i32
    %sign3A_27 = arith.extui %sign3A_26 : i1 to i32
    %sign3A_28 = arith.subi %sign3A_24, %sign3A_27 : i32
    %ne3A = vector.broadcast %sign3A_28 : i32 to vector<640x40xi32>
    %ne3A_29 = arith.cmpi ne, %sign3A_21, %ne3A : vector<640x40xi32>
    %rem3A = vector.broadcast %jit3A : i32 to vector<640x40xi32>
    %rem3A_30 = arith.remsi %iota3A, %rem3A : vector<640x40xi32>
    %ne3A_31 = arith.constant 0 : i32
    %ne3A_32 = vector.broadcast %ne3A_31 : i32 to vector<640x40xi32>
    %ne3A_33 = arith.cmpi ne, %rem3A_30, %ne3A_32 : vector<640x40xi32>
    %and3A = arith.andi %ne3A_29, %ne3A_33 : vector<640x40xi1>
    %sub3A = arith.constant 1 : i32
    %sub3A_34 = vector.broadcast %sub3A : i32 to vector<640x40xi32>
    %sub3A_35 = arith.subi %div3A_13, %sub3A_34 : vector<640x40xi32>
    %select_n3A = arith.select %and3A, %sub3A_35, %div3A_13 : vector<640x40xi1>, vector<640x40xi32>
    %eq3A = arith.cmpi eq, %select_n3A, %iota3A_12 : vector<640x40xi32>
    %jit3A_36 = arith.constant 1.000000e+00 : f32
    %jit3A_37 = arith.constant 0.000000e+00 : f32
    %broadcast_in_dim3A = vector.broadcast %jit3A_36 : f32 to vector<640x40xf32>
    %broadcast_in_dim3A_38 = vector.broadcast %jit3A_37 : f32 to vector<640x40xf32>
    %select_n3A_39 = arith.select %eq3A, %broadcast_in_dim3A, %broadcast_in_dim3A_38 : vector<640x40xi1>, vector<640x40xf32>
    %dot_general3A = arith.constant dense<0.000000e+00> : vector<640x128xf32>
    %dot_general3A_40 = tpu.matmul %select_n3A_39, %rsqrt3A, %dot_general3A {dimension_numbers = #tpu.dot_dimension_numbers<[1], [0], [0], [1], [0, 0, 1, 1], [], []>, transpose_lhs_hint = false} : vector<640x40xf32>, vector<40x128xf32>, vector<640x128xf32> -> vector<640x128xf32>
    %iota3A_41 = tpu.iota {dimensions = array<i32: 0>} : vector<640x128xi32>
    %iota3A_42 = tpu.iota {dimensions = array<i32: 1>} : vector<640x128xi32>
    %jit3A_43 = arith.constant 16 : i32
    %eq3A_44 = arith.constant 0 : i32
    %eq3A_45 = arith.cmpi eq, %jit3A_43, %eq3A_44 : i32
    %jit3A_46 = arith.constant 1 : i32
    %select_n3A_47 = arith.select %eq3A_45, %jit3A_46, %jit3A_43 : i32
    %rem3A_48 = vector.broadcast %select_n3A_47 : i32 to vector<640x128xi32>
    %rem3A_49 = arith.remsi %iota3A_41, %rem3A_48 : vector<640x128xi32>
    %ne3A_50 = arith.constant 0 : i32
    %ne3A_51 = vector.broadcast %ne3A_50 : i32 to vector<640x128xi32>
    %ne3A_52 = arith.cmpi ne, %rem3A_49, %ne3A_51 : vector<640x128xi32>
    %lt3A = arith.constant 0 : i32
    %lt3A_53 = vector.broadcast %lt3A : i32 to vector<640x128xi32>
    %lt3A_54 = arith.cmpi slt, %rem3A_49, %lt3A_53 : vector<640x128xi32>
    %lt3A_55 = arith.constant 0 : i32
    %lt3A_56 = arith.cmpi slt, %select_n3A_47, %lt3A_55 : i32
    %ne3A_57 = vector.broadcast %lt3A_56 : i1 to vector<640x128xi1>
    %ne3A_58 = vector.broadcast %ne3A_57 : vector<640x128xi1> to vector<640x128xi1>
    %ne3A_59 = arith.xori %lt3A_54, %ne3A_58 : vector<640x128xi1>
    %and3A_60 = arith.andi %ne3A_59, %ne3A_52 : vector<640x128xi1>
    %add3A_61 = vector.broadcast %select_n3A_47 : i32 to vector<640x128xi32>
    %add3A_62 = arith.addi %rem3A_49, %add3A_61 : vector<640x128xi32>
    %select_n3A_63 = arith.select %and3A_60, %add3A_62, %rem3A_49 : vector<640x128xi1>, vector<640x128xi32>
    %mul3A = arith.constant 8 : i32
    %mul3A_64 = vector.broadcast %mul3A : i32 to vector<640x128xi32>
    %mul3A_65 = arith.muli %mul3A_64, %select_n3A_63 : vector<640x128xi32>
    %add3A_66 = arith.constant 0 : i32
    %add3A_67 = vector.broadcast %add3A_66 : i32 to vector<640x128xi32>
    %add3A_68 = arith.addi %mul3A_65, %add3A_67 : vector<640x128xi32>
    %eq3A_69 = arith.cmpi eq, %iota3A_42, %add3A_68 : vector<640x128xi32>
    %jit3A_70 = arith.constant 1.000000e+00 : f32
    %jit3A_71 = arith.constant 0.000000e+00 : f32
    %broadcast_in_dim3A_72 = vector.broadcast %jit3A_70 : f32 to vector<640x128xf32>
    %broadcast_in_dim3A_73 = vector.broadcast %jit3A_71 : f32 to vector<640x128xf32>
    %select_n3A_74 = arith.select %eq3A_69, %broadcast_in_dim3A_72, %broadcast_in_dim3A_73 : vector<640x128xi1>, vector<640x128xf32>
    %mul3A_75 = arith.mulf %dot_general3A_40, %select_n3A_74 : vector<640x128xf32>
    %reduce_sum3A = arith.constant dense<0.000000e+00> : vector<640xf32>
    %reduce_sum3A_76 = vector.multi_reduction <add>, %mul3A_75, %reduce_sum3A [1] : vector<640x128xf32> to vector<640xf32>
    %broadcast_in_dim3A_77 = vector.shape_cast %reduce_sum3A_76 : vector<640xf32> to vector<640x1xf32>
    %jit3A_78 = arith.constant 16 : i32
    %eq3A_79 = arith.constant 0 : i32
    %eq3A_80 = arith.cmpi eq, %jit3A_78, %eq3A_79 : i32
    %jit3A_81 = arith.constant 1 : i32
    %select_n3A_82 = arith.select %eq3A_80, %jit3A_81, %jit3A_78 : i32
    %rem3A_83 = vector.broadcast %select_n3A_82 : i32 to vector<640x128xi32>
    %rem3A_84 = arith.remsi %iota3A_41, %rem3A_83 : vector<640x128xi32>
    %ne3A_85 = arith.constant 0 : i32
    %ne3A_86 = vector.broadcast %ne3A_85 : i32 to vector<640x128xi32>
    %ne3A_87 = arith.cmpi ne, %rem3A_84, %ne3A_86 : vector<640x128xi32>
    %lt3A_88 = arith.constant 0 : i32
    %lt3A_89 = vector.broadcast %lt3A_88 : i32 to vector<640x128xi32>
    %lt3A_90 = arith.cmpi slt, %rem3A_84, %lt3A_89 : vector<640x128xi32>
    %lt3A_91 = arith.constant 0 : i32
    %lt3A_92 = arith.cmpi slt, %select_n3A_82, %lt3A_91 : i32
    %ne3A_93 = vector.broadcast %lt3A_92 : i1 to vector<640x128xi1>
    %ne3A_94 = vector.broadcast %ne3A_93 : vector<640x128xi1> to vector<640x128xi1>
    %ne3A_95 = arith.xori %lt3A_90, %ne3A_94 : vector<640x128xi1>
    %and3A_96 = arith.andi %ne3A_95, %ne3A_87 : vector<640x128xi1>
    %add3A_97 = vector.broadcast %select_n3A_82 : i32 to vector<640x128xi32>
    %add3A_98 = arith.addi %rem3A_84, %add3A_97 : vector<640x128xi32>
    %select_n3A_99 = arith.select %and3A_96, %add3A_98, %rem3A_84 : vector<640x128xi1>, vector<640x128xi32>
    %mul3A_100 = arith.constant 8 : i32
    %mul3A_101 = vector.broadcast %mul3A_100 : i32 to vector<640x128xi32>
    %mul3A_102 = arith.muli %mul3A_101, %select_n3A_99 : vector<640x128xi32>
    %add3A_103 = arith.constant 1 : i32
    %add3A_104 = vector.broadcast %add3A_103 : i32 to vector<640x128xi32>
    %add3A_105 = arith.addi %mul3A_102, %add3A_104 : vector<640x128xi32>
    %eq3A_106 = arith.cmpi eq, %iota3A_42, %add3A_105 : vector<640x128xi32>
    %jit3A_107 = arith.constant 1.000000e+00 : f32
    %jit3A_108 = arith.constant 0.000000e+00 : f32
    %broadcast_in_dim3A_109 = vector.broadcast %jit3A_107 : f32 to vector<640x128xf32>
    %broadcast_in_dim3A_110 = vector.broadcast %jit3A_108 : f32 to vector<640x128xf32>
    %select_n3A_111 = arith.select %eq3A_106, %broadcast_in_dim3A_109, %broadcast_in_dim3A_110 : vector<640x128xi1>, vector<640x128xf32>
    %mul3A_112 = arith.mulf %dot_general3A_40, %select_n3A_111 : vector<640x128xf32>
    %reduce_sum3A_113 = arith.constant dense<0.000000e+00> : vector<640xf32>
    %reduce_sum3A_114 = vector.multi_reduction <add>, %mul3A_112, %reduce_sum3A_113 [1] : vector<640x128xf32> to vector<640xf32>
    %broadcast_in_dim3A_115 = vector.shape_cast %reduce_sum3A_114 : vector<640xf32> to vector<640x1xf32>
    %jit3A_116 = arith.constant 16 : i32
    %eq3A_117 = arith.constant 0 : i32
    %eq3A_118 = arith.cmpi eq, %jit3A_116, %eq3A_117 : i32
    %jit3A_119 = arith.constant 1 : i32
    %select_n3A_120 = arith.select %eq3A_118, %jit3A_119, %jit3A_116 : i32
    %rem3A_121 = vector.broadcast %select_n3A_120 : i32 to vector<640x128xi32>
    %rem3A_122 = arith.remsi %iota3A_41, %rem3A_121 : vector<640x128xi32>
    %ne3A_123 = arith.constant 0 : i32
    %ne3A_124 = vector.broadcast %ne3A_123 : i32 to vector<640x128xi32>
    %ne3A_125 = arith.cmpi ne, %rem3A_122, %ne3A_124 : vector<640x128xi32>
    %lt3A_126 = arith.constant 0 : i32
    %lt3A_127 = vector.broadcast %lt3A_126 : i32 to vector<640x128xi32>
    %lt3A_128 = arith.cmpi slt, %rem3A_122, %lt3A_127 : vector<640x128xi32>
    %lt3A_129 = arith.constant 0 : i32
    %lt3A_130 = arith.cmpi slt, %select_n3A_120, %lt3A_129 : i32
    %ne3A_131 = vector.broadcast %lt3A_130 : i1 to vector<640x128xi1>
    %ne3A_132 = vector.broadcast %ne3A_131 : vector<640x128xi1> to vector<640x128xi1>
    %ne3A_133 = arith.xori %lt3A_128, %ne3A_132 : vector<640x128xi1>
    %and3A_134 = arith.andi %ne3A_133, %ne3A_125 : vector<640x128xi1>
    %add3A_135 = vector.broadcast %select_n3A_120 : i32 to vector<640x128xi32>
    %add3A_136 = arith.addi %rem3A_122, %add3A_135 : vector<640x128xi32>
    %select_n3A_137 = arith.select %and3A_134, %add3A_136, %rem3A_122 : vector<640x128xi1>, vector<640x128xi32>
    %mul3A_138 = arith.constant 8 : i32
    %mul3A_139 = vector.broadcast %mul3A_138 : i32 to vector<640x128xi32>
    %mul3A_140 = arith.muli %mul3A_139, %select_n3A_137 : vector<640x128xi32>
    %add3A_141 = arith.constant 2 : i32
    %add3A_142 = vector.broadcast %add3A_141 : i32 to vector<640x128xi32>
    %add3A_143 = arith.addi %mul3A_140, %add3A_142 : vector<640x128xi32>
    %eq3A_144 = arith.cmpi eq, %iota3A_42, %add3A_143 : vector<640x128xi32>
    %jit3A_145 = arith.constant 1.000000e+00 : f32
    %jit3A_146 = arith.constant 0.000000e+00 : f32
    %broadcast_in_dim3A_147 = vector.broadcast %jit3A_145 : f32 to vector<640x128xf32>
    %broadcast_in_dim3A_148 = vector.broadcast %jit3A_146 : f32 to vector<640x128xf32>
    %select_n3A_149 = arith.select %eq3A_144, %broadcast_in_dim3A_147, %broadcast_in_dim3A_148 : vector<640x128xi1>, vector<640x128xf32>
    %mul3A_150 = arith.mulf %dot_general3A_40, %select_n3A_149 : vector<640x128xf32>
    %reduce_sum3A_151 = arith.constant dense<0.000000e+00> : vector<640xf32>
    %reduce_sum3A_152 = vector.multi_reduction <add>, %mul3A_150, %reduce_sum3A_151 [1] : vector<640x128xf32> to vector<640xf32>
    %broadcast_in_dim3A_153 = vector.shape_cast %reduce_sum3A_152 : vector<640xf32> to vector<640x1xf32>
    %jit3A_154 = arith.constant 16 : i32
    %eq3A_155 = arith.constant 0 : i32
    %eq3A_156 = arith.cmpi eq, %jit3A_154, %eq3A_155 : i32
    %jit3A_157 = arith.constant 1 : i32
    %select_n3A_158 = arith.select %eq3A_156, %jit3A_157, %jit3A_154 : i32
    %rem3A_159 = vector.broadcast %select_n3A_158 : i32 to vector<640x128xi32>
    %rem3A_160 = arith.remsi %iota3A_41, %rem3A_159 : vector<640x128xi32>
    %ne3A_161 = arith.constant 0 : i32
    %ne3A_162 = vector.broadcast %ne3A_161 : i32 to vector<640x128xi32>
    %ne3A_163 = arith.cmpi ne, %rem3A_160, %ne3A_162 : vector<640x128xi32>
    %lt3A_164 = arith.constant 0 : i32
    %lt3A_165 = vector.broadcast %lt3A_164 : i32 to vector<640x128xi32>
    %lt3A_166 = arith.cmpi slt, %rem3A_160, %lt3A_165 : vector<640x128xi32>
    %lt3A_167 = arith.constant 0 : i32
    %lt3A_168 = arith.cmpi slt, %select_n3A_158, %lt3A_167 : i32
    %ne3A_169 = vector.broadcast %lt3A_168 : i1 to vector<640x128xi1>
    %ne3A_170 = vector.broadcast %ne3A_169 : vector<640x128xi1> to vector<640x128xi1>
    %ne3A_171 = arith.xori %lt3A_166, %ne3A_170 : vector<640x128xi1>
    %and3A_172 = arith.andi %ne3A_171, %ne3A_163 : vector<640x128xi1>
    %add3A_173 = vector.broadcast %select_n3A_158 : i32 to vector<640x128xi32>
    %add3A_174 = arith.addi %rem3A_160, %add3A_173 : vector<640x128xi32>
    %select_n3A_175 = arith.select %and3A_172, %add3A_174, %rem3A_160 : vector<640x128xi1>, vector<640x128xi32>
    %mul3A_176 = arith.constant 8 : i32
    %mul3A_177 = vector.broadcast %mul3A_176 : i32 to vector<640x128xi32>
    %mul3A_178 = arith.muli %mul3A_177, %select_n3A_175 : vector<640x128xi32>
    %add3A_179 = arith.constant 3 : i32
    %add3A_180 = vector.broadcast %add3A_179 : i32 to vector<640x128xi32>
    %add3A_181 = arith.addi %mul3A_178, %add3A_180 : vector<640x128xi32>
    %eq3A_182 = arith.cmpi eq, %iota3A_42, %add3A_181 : vector<640x128xi32>
    %jit3A_183 = arith.constant 1.000000e+00 : f32
    %jit3A_184 = arith.constant 0.000000e+00 : f32
    %broadcast_in_dim3A_185 = vector.broadcast %jit3A_183 : f32 to vector<640x128xf32>
    %broadcast_in_dim3A_186 = vector.broadcast %jit3A_184 : f32 to vector<640x128xf32>
    %select_n3A_187 = arith.select %eq3A_182, %broadcast_in_dim3A_185, %broadcast_in_dim3A_186 : vector<640x128xi1>, vector<640x128xf32>
    %mul3A_188 = arith.mulf %dot_general3A_40, %select_n3A_187 : vector<640x128xf32>
    %reduce_sum3A_189 = arith.constant dense<0.000000e+00> : vector<640xf32>
    %reduce_sum3A_190 = vector.multi_reduction <add>, %mul3A_188, %reduce_sum3A_189 [1] : vector<640x128xf32> to vector<640xf32>
    %broadcast_in_dim3A_191 = vector.shape_cast %reduce_sum3A_190 : vector<640xf32> to vector<640x1xf32>
    %jit3A_192 = arith.constant 16 : i32
    %eq3A_193 = arith.constant 0 : i32
    %eq3A_194 = arith.cmpi eq, %jit3A_192, %eq3A_193 : i32
    %jit3A_195 = arith.constant 1 : i32
    %select_n3A_196 = arith.select %eq3A_194, %jit3A_195, %jit3A_192 : i32
    %rem3A_197 = vector.broadcast %select_n3A_196 : i32 to vector<640x128xi32>
    %rem3A_198 = arith.remsi %iota3A_41, %rem3A_197 : vector<640x128xi32>
    %ne3A_199 = arith.constant 0 : i32
    %ne3A_200 = vector.broadcast %ne3A_199 : i32 to vector<640x128xi32>
    %ne3A_201 = arith.cmpi ne, %rem3A_198, %ne3A_200 : vector<640x128xi32>
    %lt3A_202 = arith.constant 0 : i32
    %lt3A_203 = vector.broadcast %lt3A_202 : i32 to vector<640x128xi32>
    %lt3A_204 = arith.cmpi slt, %rem3A_198, %lt3A_203 : vector<640x128xi32>
    %lt3A_205 = arith.constant 0 : i32
    %lt3A_206 = arith.cmpi slt, %select_n3A_196, %lt3A_205 : i32
    %ne3A_207 = vector.broadcast %lt3A_206 : i1 to vector<640x128xi1>
    %ne3A_208 = vector.broadcast %ne3A_207 : vector<640x128xi1> to vector<640x128xi1>
    %ne3A_209 = arith.xori %lt3A_204, %ne3A_208 : vector<640x128xi1>
    %and3A_210 = arith.andi %ne3A_209, %ne3A_201 : vector<640x128xi1>
    %add3A_211 = vector.broadcast %select_n3A_196 : i32 to vector<640x128xi32>
    %add3A_212 = arith.addi %rem3A_198, %add3A_211 : vector<640x128xi32>
    %select_n3A_213 = arith.select %and3A_210, %add3A_212, %rem3A_198 : vector<640x128xi1>, vector<640x128xi32>
    %mul3A_214 = arith.constant 8 : i32
    %mul3A_215 = vector.broadcast %mul3A_214 : i32 to vector<640x128xi32>
    %mul3A_216 = arith.muli %mul3A_215, %select_n3A_213 : vector<640x128xi32>
    %add3A_217 = arith.constant 4 : i32
    %add3A_218 = vector.broadcast %add3A_217 : i32 to vector<640x128xi32>
    %add3A_219 = arith.addi %mul3A_216, %add3A_218 : vector<640x128xi32>
    %eq3A_220 = arith.cmpi eq, %iota3A_42, %add3A_219 : vector<640x128xi32>
    %jit3A_221 = arith.constant 1.000000e+00 : f32
    %jit3A_222 = arith.constant 0.000000e+00 : f32
    %broadcast_in_dim3A_223 = vector.broadcast %jit3A_221 : f32 to vector<640x128xf32>
    %broadcast_in_dim3A_224 = vector.broadcast %jit3A_222 : f32 to vector<640x128xf32>
    %select_n3A_225 = arith.select %eq3A_220, %broadcast_in_dim3A_223, %broadcast_in_dim3A_224 : vector<640x128xi1>, vector<640x128xf32>
    %mul3A_226 = arith.mulf %dot_general3A_40, %select_n3A_225 : vector<640x128xf32>
    %reduce_sum3A_227 = arith.constant dense<0.000000e+00> : vector<640xf32>
    %reduce_sum3A_228 = vector.multi_reduction <add>, %mul3A_226, %reduce_sum3A_227 [1] : vector<640x128xf32> to vector<640xf32>
    %broadcast_in_dim3A_229 = vector.shape_cast %reduce_sum3A_228 : vector<640xf32> to vector<640x1xf32>
    %jit3A_230 = arith.constant 16 : i32
    %eq3A_231 = arith.constant 0 : i32
    %eq3A_232 = arith.cmpi eq, %jit3A_230, %eq3A_231 : i32
    %jit3A_233 = arith.constant 1 : i32
    %select_n3A_234 = arith.select %eq3A_232, %jit3A_233, %jit3A_230 : i32
    %rem3A_235 = vector.broadcast %select_n3A_234 : i32 to vector<640x128xi32>
    %rem3A_236 = arith.remsi %iota3A_41, %rem3A_235 : vector<640x128xi32>
    %ne3A_237 = arith.constant 0 : i32
    %ne3A_238 = vector.broadcast %ne3A_237 : i32 to vector<640x128xi32>
    %ne3A_239 = arith.cmpi ne, %rem3A_236, %ne3A_238 : vector<640x128xi32>
    %lt3A_240 = arith.constant 0 : i32
    %lt3A_241 = vector.broadcast %lt3A_240 : i32 to vector<640x128xi32>
    %lt3A_242 = arith.cmpi slt, %rem3A_236, %lt3A_241 : vector<640x128xi32>
    %lt3A_243 = arith.constant 0 : i32
    %lt3A_244 = arith.cmpi slt, %select_n3A_234, %lt3A_243 : i32
    %ne3A_245 = vector.broadcast %lt3A_244 : i1 to vector<640x128xi1>
    %ne3A_246 = vector.broadcast %ne3A_245 : vector<640x128xi1> to vector<640x128xi1>
    %ne3A_247 = arith.xori %lt3A_242, %ne3A_246 : vector<640x128xi1>
    %and3A_248 = arith.andi %ne3A_247, %ne3A_239 : vector<640x128xi1>
    %add3A_249 = vector.broadcast %select_n3A_234 : i32 to vector<640x128xi32>
    %add3A_250 = arith.addi %rem3A_236, %add3A_249 : vector<640x128xi32>
    %select_n3A_251 = arith.select %and3A_248, %add3A_250, %rem3A_236 : vector<640x128xi1>, vector<640x128xi32>
    %mul3A_252 = arith.constant 8 : i32
    %mul3A_253 = vector.broadcast %mul3A_252 : i32 to vector<640x128xi32>
    %mul3A_254 = arith.muli %mul3A_253, %select_n3A_251 : vector<640x128xi32>
    %add3A_255 = arith.constant 5 : i32
    %add3A_256 = vector.broadcast %add3A_255 : i32 to vector<640x128xi32>
    %add3A_257 = arith.addi %mul3A_254, %add3A_256 : vector<640x128xi32>
    %eq3A_258 = arith.cmpi eq, %iota3A_42, %add3A_257 : vector<640x128xi32>
    %jit3A_259 = arith.constant 1.000000e+00 : f32
    %jit3A_260 = arith.constant 0.000000e+00 : f32
    %broadcast_in_dim3A_261 = vector.broadcast %jit3A_259 : f32 to vector<640x128xf32>
    %broadcast_in_dim3A_262 = vector.broadcast %jit3A_260 : f32 to vector<640x128xf32>
    %select_n3A_263 = arith.select %eq3A_258, %broadcast_in_dim3A_261, %broadcast_in_dim3A_262 : vector<640x128xi1>, vector<640x128xf32>
    %mul3A_264 = arith.mulf %dot_general3A_40, %select_n3A_263 : vector<640x128xf32>
    %reduce_sum3A_265 = arith.constant dense<0.000000e+00> : vector<640xf32>
    %reduce_sum3A_266 = vector.multi_reduction <add>, %mul3A_264, %reduce_sum3A_265 [1] : vector<640x128xf32> to vector<640xf32>
    %broadcast_in_dim3A_267 = vector.shape_cast %reduce_sum3A_266 : vector<640xf32> to vector<640x1xf32>
    %jit3A_268 = arith.constant 16 : i32
    %eq3A_269 = arith.constant 0 : i32
    %eq3A_270 = arith.cmpi eq, %jit3A_268, %eq3A_269 : i32
    %jit3A_271 = arith.constant 1 : i32
    %select_n3A_272 = arith.select %eq3A_270, %jit3A_271, %jit3A_268 : i32
    %rem3A_273 = vector.broadcast %select_n3A_272 : i32 to vector<640x128xi32>
    %rem3A_274 = arith.remsi %iota3A_41, %rem3A_273 : vector<640x128xi32>
    %ne3A_275 = arith.constant 0 : i32
    %ne3A_276 = vector.broadcast %ne3A_275 : i32 to vector<640x128xi32>
    %ne3A_277 = arith.cmpi ne, %rem3A_274, %ne3A_276 : vector<640x128xi32>
    %lt3A_278 = arith.constant 0 : i32
    %lt3A_279 = vector.broadcast %lt3A_278 : i32 to vector<640x128xi32>
    %lt3A_280 = arith.cmpi slt, %rem3A_274, %lt3A_279 : vector<640x128xi32>
    %lt3A_281 = arith.constant 0 : i32
    %lt3A_282 = arith.cmpi slt, %select_n3A_272, %lt3A_281 : i32
    %ne3A_283 = vector.broadcast %lt3A_282 : i1 to vector<640x128xi1>
    %ne3A_284 = vector.broadcast %ne3A_283 : vector<640x128xi1> to vector<640x128xi1>
    %ne3A_285 = arith.xori %lt3A_280, %ne3A_284 : vector<640x128xi1>
    %and3A_286 = arith.andi %ne3A_285, %ne3A_277 : vector<640x128xi1>
    %add3A_287 = vector.broadcast %select_n3A_272 : i32 to vector<640x128xi32>
    %add3A_288 = arith.addi %rem3A_274, %add3A_287 : vector<640x128xi32>
    %select_n3A_289 = arith.select %and3A_286, %add3A_288, %rem3A_274 : vector<640x128xi1>, vector<640x128xi32>
    %mul3A_290 = arith.constant 8 : i32
    %mul3A_291 = vector.broadcast %mul3A_290 : i32 to vector<640x128xi32>
    %mul3A_292 = arith.muli %mul3A_291, %select_n3A_289 : vector<640x128xi32>
    %add3A_293 = arith.constant 6 : i32
    %add3A_294 = vector.broadcast %add3A_293 : i32 to vector<640x128xi32>
    %add3A_295 = arith.addi %mul3A_292, %add3A_294 : vector<640x128xi32>
    %eq3A_296 = arith.cmpi eq, %iota3A_42, %add3A_295 : vector<640x128xi32>
    %jit3A_297 = arith.constant 1.000000e+00 : f32
    %jit3A_298 = arith.constant 0.000000e+00 : f32
    %broadcast_in_dim3A_299 = vector.broadcast %jit3A_297 : f32 to vector<640x128xf32>
    %broadcast_in_dim3A_300 = vector.broadcast %jit3A_298 : f32 to vector<640x128xf32>
    %select_n3A_301 = arith.select %eq3A_296, %broadcast_in_dim3A_299, %broadcast_in_dim3A_300 : vector<640x128xi1>, vector<640x128xf32>
    %mul3A_302 = arith.mulf %dot_general3A_40, %select_n3A_301 : vector<640x128xf32>
    %reduce_sum3A_303 = arith.constant dense<0.000000e+00> : vector<640xf32>
    %reduce_sum3A_304 = vector.multi_reduction <add>, %mul3A_302, %reduce_sum3A_303 [1] : vector<640x128xf32> to vector<640xf32>
    %broadcast_in_dim3A_305 = vector.shape_cast %reduce_sum3A_304 : vector<640xf32> to vector<640x1xf32>
    %jit3A_306 = arith.constant 16 : i32
    %eq3A_307 = arith.constant 0 : i32
    %eq3A_308 = arith.cmpi eq, %jit3A_306, %eq3A_307 : i32
    %jit3A_309 = arith.constant 1 : i32
    %select_n3A_310 = arith.select %eq3A_308, %jit3A_309, %jit3A_306 : i32
    %rem3A_311 = vector.broadcast %select_n3A_310 : i32 to vector<640x128xi32>
    %rem3A_312 = arith.remsi %iota3A_41, %rem3A_311 : vector<640x128xi32>
    %ne3A_313 = arith.constant 0 : i32
    %ne3A_314 = vector.broadcast %ne3A_313 : i32 to vector<640x128xi32>
    %ne3A_315 = arith.cmpi ne, %rem3A_312, %ne3A_314 : vector<640x128xi32>
    %lt3A_316 = arith.constant 0 : i32
    %lt3A_317 = vector.broadcast %lt3A_316 : i32 to vector<640x128xi32>
    %lt3A_318 = arith.cmpi slt, %rem3A_312, %lt3A_317 : vector<640x128xi32>
    %lt3A_319 = arith.constant 0 : i32
    %lt3A_320 = arith.cmpi slt, %select_n3A_310, %lt3A_319 : i32
    %ne3A_321 = vector.broadcast %lt3A_320 : i1 to vector<640x128xi1>
    %ne3A_322 = vector.broadcast %ne3A_321 : vector<640x128xi1> to vector<640x128xi1>
    %ne3A_323 = arith.xori %lt3A_318, %ne3A_322 : vector<640x128xi1>
    %and3A_324 = arith.andi %ne3A_323, %ne3A_315 : vector<640x128xi1>
    %add3A_325 = vector.broadcast %select_n3A_310 : i32 to vector<640x128xi32>
    %add3A_326 = arith.addi %rem3A_312, %add3A_325 : vector<640x128xi32>
    %select_n3A_327 = arith.select %and3A_324, %add3A_326, %rem3A_312 : vector<640x128xi1>, vector<640x128xi32>
    %mul3A_328 = arith.constant 8 : i32
    %mul3A_329 = vector.broadcast %mul3A_328 : i32 to vector<640x128xi32>
    %mul3A_330 = arith.muli %mul3A_329, %select_n3A_327 : vector<640x128xi32>
    %add3A_331 = arith.constant 7 : i32
    %add3A_332 = vector.broadcast %add3A_331 : i32 to vector<640x128xi32>
    %add3A_333 = arith.addi %mul3A_330, %add3A_332 : vector<640x128xi32>
    %eq3A_334 = arith.cmpi eq, %iota3A_42, %add3A_333 : vector<640x128xi32>
    %jit3A_335 = arith.constant 1.000000e+00 : f32
    %jit3A_336 = arith.constant 0.000000e+00 : f32
    %broadcast_in_dim3A_337 = vector.broadcast %jit3A_335 : f32 to vector<640x128xf32>
    %broadcast_in_dim3A_338 = vector.broadcast %jit3A_336 : f32 to vector<640x128xf32>
    %select_n3A_339 = arith.select %eq3A_334, %broadcast_in_dim3A_337, %broadcast_in_dim3A_338 : vector<640x128xi1>, vector<640x128xf32>
    %mul3A_340 = arith.mulf %dot_general3A_40, %select_n3A_339 : vector<640x128xf32>
    %reduce_sum3A_341 = arith.constant dense<0.000000e+00> : vector<640xf32>
    %reduce_sum3A_342 = vector.multi_reduction <add>, %mul3A_340, %reduce_sum3A_341 [1] : vector<640x128xf32> to vector<640xf32>
    %broadcast_in_dim3A_343 = vector.shape_cast %reduce_sum3A_342 : vector<640xf32> to vector<640x1xf32>
    %concatenate3A = tpu.concatenate %broadcast_in_dim3A_77, %broadcast_in_dim3A_115, %broadcast_in_dim3A_153, %broadcast_in_dim3A_191, %broadcast_in_dim3A_229, %broadcast_in_dim3A_267, %broadcast_in_dim3A_305, %broadcast_in_dim3A_343 in 1 : vector<640x1xf32>, vector<640x1xf32>, vector<640x1xf32>, vector<640x1xf32>, vector<640x1xf32>, vector<640x1xf32>, vector<640x1xf32>, vector<640x1xf32> -> vector<640x8xf32>
    %iota3A_344 = tpu.iota {dimensions = array<i32: 0>} : vector<8x128xi32>
    %iota3A_345 = tpu.iota {dimensions = array<i32: 1>} : vector<8x128xi32>
    %jit3A_346 = arith.constant 16 : i32
    %div3A_347 = vector.broadcast %jit3A_346 : i32 to vector<8x128xi32>
    %div3A_348 = arith.divsi %iota3A_345, %div3A_347 : vector<8x128xi32>
    %sign3A_349 = arith.constant 0 : i32
    %sign3A_350 = vector.broadcast %sign3A_349 : i32 to vector<8x128xi32>
    %sign3A_351 = arith.cmpi sgt, %iota3A_345, %sign3A_350 : vector<8x128xi32>
    %sign3A_352 = arith.extui %sign3A_351 : vector<8x128xi1> to vector<8x128xi32>
    %sign3A_353 = arith.constant 0 : i32
    %sign3A_354 = vector.broadcast %sign3A_353 : i32 to vector<8x128xi32>
    %sign3A_355 = arith.cmpi slt, %iota3A_345, %sign3A_354 : vector<8x128xi32>
    %sign3A_356 = arith.extui %sign3A_355 : vector<8x128xi1> to vector<8x128xi32>
    %sign3A_357 = arith.subi %sign3A_352, %sign3A_356 : vector<8x128xi32>
    %sign3A_358 = arith.constant 0 : i32
    %sign3A_359 = arith.cmpi sgt, %jit3A_346, %sign3A_358 : i32
    %sign3A_360 = arith.extui %sign3A_359 : i1 to i32
    %sign3A_361 = arith.constant 0 : i32
    %sign3A_362 = arith.cmpi slt, %jit3A_346, %sign3A_361 : i32
    %sign3A_363 = arith.extui %sign3A_362 : i1 to i32
    %sign3A_364 = arith.subi %sign3A_360, %sign3A_363 : i32
    %ne3A_365 = vector.broadcast %sign3A_364 : i32 to vector<8x128xi32>
    %ne3A_366 = arith.cmpi ne, %sign3A_357, %ne3A_365 : vector<8x128xi32>
    %rem3A_367 = vector.broadcast %jit3A_346 : i32 to vector<8x128xi32>
    %rem3A_368 = arith.remsi %iota3A_345, %rem3A_367 : vector<8x128xi32>
    %ne3A_369 = arith.constant 0 : i32
    %ne3A_370 = vector.broadcast %ne3A_369 : i32 to vector<8x128xi32>
    %ne3A_371 = arith.cmpi ne, %rem3A_368, %ne3A_370 : vector<8x128xi32>
    %and3A_372 = arith.andi %ne3A_366, %ne3A_371 : vector<8x128xi1>
    %sub3A_373 = arith.constant 1 : i32
    %sub3A_374 = vector.broadcast %sub3A_373 : i32 to vector<8x128xi32>
    %sub3A_375 = arith.subi %div3A_348, %sub3A_374 : vector<8x128xi32>
    %select_n3A_376 = arith.select %and3A_372, %sub3A_375, %div3A_348 : vector<8x128xi1>, vector<8x128xi32>
    %eq3A_377 = arith.cmpi eq, %select_n3A_376, %iota3A_344 : vector<8x128xi32>
    %jit3A_378 = arith.constant 1.000000e+00 : f32
    %jit3A_379 = arith.constant 0.000000e+00 : f32
    %broadcast_in_dim3A_380 = vector.broadcast %jit3A_378 : f32 to vector<8x128xf32>
    %broadcast_in_dim3A_381 = vector.broadcast %jit3A_379 : f32 to vector<8x128xf32>
    %select_n3A_382 = arith.select %eq3A_377, %broadcast_in_dim3A_380, %broadcast_in_dim3A_381 : vector<8x128xi1>, vector<8x128xf32>
    %dot_general3A_383 = arith.constant dense<0.000000e+00> : vector<640x128xf32>
    %dot_general3A_384 = tpu.matmul %concatenate3A, %select_n3A_382, %dot_general3A_383 {dimension_numbers = #tpu.dot_dimension_numbers<[1], [0], [0], [1], [0, 0, 1, 1], [], []>, transpose_lhs_hint = false} : vector<640x8xf32>, vector<8x128xf32>, vector<640x128xf32> -> vector<640x128xf32>
    %swap3A = arith.constant 0 : index
    %swap3A_385 = arith.constant 0 : index
    %swap3A_386 = vector.load %arg4[%swap3A, %swap3A_385] : memref<640x128xf32, #tpu.memory_space<vmem>>, vector<640x128xf32>
    tpu.vector_store %arg4[%swap3A, %swap3A_385], %dot_general3A_384 {strides = array<i32>} : memref<640x128xf32, #tpu.memory_space<vmem>>, vector<640x128xf32>,
    %get3A_387 = arith.constant 0 : index
    %get3A_388 = arith.constant 0 : index
    %get3A_389 = vector.load %arg1[%get3A_387, %get3A_388] : memref<640x128xf32, #tpu.memory_space<vmem>>, vector<640x128xf32>
    %mul3A_390 = arith.mulf %get3A_389, %dot_general3A_384 : vector<640x128xf32>
    %swap3A_391 = arith.constant 0 : index
    %swap3A_392 = arith.constant 0 : index
    %swap3A_393 = vector.load %arg3[%swap3A_391, %swap3A_392] : memref<640x128xf32, #tpu.memory_space<vmem>>, vector<640x128xf32>
    tpu.vector_store %arg3[%swap3A_391, %swap3A_392], %mul3A_390 {strides = array<i32>} : memref<640x128xf32, #tpu.memory_space<vmem>>, vector<640x128xf32>,
    return
  }
  func.func @transform_0(%arg0: i32) -> (i32, i32) {
    %c0_i32 = arith.constant 0 : i32
    %c0_i32_0 = arith.constant 0 : i32
    return %arg0, %c0_i32 : i32, i32
  }
  func.func @transform_1(%arg0: i32) -> (i32, i32, i32) {
    %c0_i32 = arith.constant 0 : i32
    %c0_i32_0 = arith.constant 0 : i32
    %c0_i32_1 = arith.constant 0 : i32
    return %c0_i32, %arg0, %c0_i32_0 : i32, i32, i32
  }
  func.func @transform_2(%arg0: i32) -> (i32, i32) {
    %c0_i32 = arith.constant 0 : i32
    %c0_i32_0 = arith.constant 0 : i32
    return %arg0, %c0_i32 : i32, i32
  }
  func.func @transform_3(%arg0: i32) -> (i32, i32) {
    %c0_i32 = arith.constant 0 : i32
    %c0_i32_0 = arith.constant 0 : i32
    return %arg0, %c0_i32 : i32, i32
  }
}

module attributes {stable_mosaic.version = 14 : i64} {
  func.func @_s1a_body(%arg0: memref<10000x128xf32, #tpu.memory_space<vmem>>, %arg1: memref<128x16xf32, #tpu.memory_space<vmem>>, %arg2: memref<1280x128xf32, #tpu.memory_space<vmem>>) attributes {dimension_semantics = [], scalar_prefetch = 0 : i64, scratch_operands = 0 : i64, tpu.core_type = #tpu.core_type<tc>} {
    %get3A = arith.constant 0 : index
    %get3A_0 = arith.constant 0 : index
    %get3A_1 = vector.load %arg0[%get3A, %get3A_0] : memref<10000x128xf32, #tpu.memory_space<vmem>>, vector<1280x128xf32>
    %get3A_2 = arith.constant 0 : index
    %get3A_3 = arith.constant 0 : index
    %get3A_4 = vector.load %arg1[%get3A_2, %get3A_3] : memref<128x16xf32, #tpu.memory_space<vmem>>, vector<128x16xf32>
    %dot_general3A = arith.constant dense<0.000000e+00> : vector<1280x16xf32>
    %dot_general3A_5 = tpu.matmul %get3A_1, %get3A_4, %dot_general3A {dimension_numbers = #tpu.dot_dimension_numbers<[1], [0], [0], [1], [0, 0, 1, 1], [], []>, transpose_lhs_hint = false} : vector<1280x128xf32>, vector<128x16xf32>, vector<1280x16xf32> -> vector<1280x16xf32>
    %swap3A = arith.constant 0 : index
    %swap3A_6 = arith.constant 0 : index
    %swap3A_7 = vector.load %arg2[%swap3A, %swap3A_6] : memref<1280x128xf32, #tpu.memory_space<vmem>>, vector<1280x16xf32>
    tpu.vector_store %arg2[%swap3A, %swap3A_6], %dot_general3A_5 {strides = array<i32>} : memref<1280x128xf32, #tpu.memory_space<vmem>>, vector<1280x16xf32>,
    %get3A_8 = arith.constant 1280 : index
    %get3A_9 = arith.constant 0 : index
    %get3A_10 = vector.load %arg0[%get3A_8, %get3A_9] : memref<10000x128xf32, #tpu.memory_space<vmem>>, vector<1280x128xf32>
    %get3A_11 = arith.constant 0 : index
    %get3A_12 = arith.constant 0 : index
    %get3A_13 = vector.load %arg1[%get3A_11, %get3A_12] : memref<128x16xf32, #tpu.memory_space<vmem>>, vector<128x16xf32>
    %dot_general3A_14 = arith.constant dense<0.000000e+00> : vector<1280x16xf32>
    %dot_general3A_15 = tpu.matmul %get3A_10, %get3A_13, %dot_general3A_14 {dimension_numbers = #tpu.dot_dimension_numbers<[1], [0], [0], [1], [0, 0, 1, 1], [], []>, transpose_lhs_hint = false} : vector<1280x128xf32>, vector<128x16xf32>, vector<1280x16xf32> -> vector<1280x16xf32>
    %swap3A_16 = arith.constant 0 : index
    %swap3A_17 = arith.constant 16 : index
    %swap3A_18 = vector.load %arg2[%swap3A_16, %swap3A_17] : memref<1280x128xf32, #tpu.memory_space<vmem>>, vector<1280x16xf32>
    tpu.vector_store %arg2[%swap3A_16, %swap3A_17], %dot_general3A_15 {strides = array<i32>} : memref<1280x128xf32, #tpu.memory_space<vmem>>, vector<1280x16xf32>,
    %get3A_19 = arith.constant 2560 : index
    %get3A_20 = arith.constant 0 : index
    %get3A_21 = vector.load %arg0[%get3A_19, %get3A_20] : memref<10000x128xf32, #tpu.memory_space<vmem>>, vector<1280x128xf32>
    %get3A_22 = arith.constant 0 : index
    %get3A_23 = arith.constant 0 : index
    %get3A_24 = vector.load %arg1[%get3A_22, %get3A_23] : memref<128x16xf32, #tpu.memory_space<vmem>>, vector<128x16xf32>
    %dot_general3A_25 = arith.constant dense<0.000000e+00> : vector<1280x16xf32>
    %dot_general3A_26 = tpu.matmul %get3A_21, %get3A_24, %dot_general3A_25 {dimension_numbers = #tpu.dot_dimension_numbers<[1], [0], [0], [1], [0, 0, 1, 1], [], []>, transpose_lhs_hint = false} : vector<1280x128xf32>, vector<128x16xf32>, vector<1280x16xf32> -> vector<1280x16xf32>
    %swap3A_27 = arith.constant 0 : index
    %swap3A_28 = arith.constant 32 : index
    %swap3A_29 = vector.load %arg2[%swap3A_27, %swap3A_28] : memref<1280x128xf32, #tpu.memory_space<vmem>>, vector<1280x16xf32>
    tpu.vector_store %arg2[%swap3A_27, %swap3A_28], %dot_general3A_26 {strides = array<i32>} : memref<1280x128xf32, #tpu.memory_space<vmem>>, vector<1280x16xf32>,
    %get3A_30 = arith.constant 3840 : index
    %get3A_31 = arith.constant 0 : index
    %get3A_32 = vector.load %arg0[%get3A_30, %get3A_31] : memref<10000x128xf32, #tpu.memory_space<vmem>>, vector<1280x128xf32>
    %get3A_33 = arith.constant 0 : index
    %get3A_34 = arith.constant 0 : index
    %get3A_35 = vector.load %arg1[%get3A_33, %get3A_34] : memref<128x16xf32, #tpu.memory_space<vmem>>, vector<128x16xf32>
    %dot_general3A_36 = arith.constant dense<0.000000e+00> : vector<1280x16xf32>
    %dot_general3A_37 = tpu.matmul %get3A_32, %get3A_35, %dot_general3A_36 {dimension_numbers = #tpu.dot_dimension_numbers<[1], [0], [0], [1], [0, 0, 1, 1], [], []>, transpose_lhs_hint = false} : vector<1280x128xf32>, vector<128x16xf32>, vector<1280x16xf32> -> vector<1280x16xf32>
    %swap3A_38 = arith.constant 0 : index
    %swap3A_39 = arith.constant 48 : index
    %swap3A_40 = vector.load %arg2[%swap3A_38, %swap3A_39] : memref<1280x128xf32, #tpu.memory_space<vmem>>, vector<1280x16xf32>
    tpu.vector_store %arg2[%swap3A_38, %swap3A_39], %dot_general3A_37 {strides = array<i32>} : memref<1280x128xf32, #tpu.memory_space<vmem>>, vector<1280x16xf32>,
    %get3A_41 = arith.constant 5120 : index
    %get3A_42 = arith.constant 0 : index
    %get3A_43 = vector.load %arg0[%get3A_41, %get3A_42] : memref<10000x128xf32, #tpu.memory_space<vmem>>, vector<1280x128xf32>
    %get3A_44 = arith.constant 0 : index
    %get3A_45 = arith.constant 0 : index
    %get3A_46 = vector.load %arg1[%get3A_44, %get3A_45] : memref<128x16xf32, #tpu.memory_space<vmem>>, vector<128x16xf32>
    %dot_general3A_47 = arith.constant dense<0.000000e+00> : vector<1280x16xf32>
    %dot_general3A_48 = tpu.matmul %get3A_43, %get3A_46, %dot_general3A_47 {dimension_numbers = #tpu.dot_dimension_numbers<[1], [0], [0], [1], [0, 0, 1, 1], [], []>, transpose_lhs_hint = false} : vector<1280x128xf32>, vector<128x16xf32>, vector<1280x16xf32> -> vector<1280x16xf32>
    %swap3A_49 = arith.constant 0 : index
    %swap3A_50 = arith.constant 64 : index
    %swap3A_51 = vector.load %arg2[%swap3A_49, %swap3A_50] : memref<1280x128xf32, #tpu.memory_space<vmem>>, vector<1280x16xf32>
    tpu.vector_store %arg2[%swap3A_49, %swap3A_50], %dot_general3A_48 {strides = array<i32>} : memref<1280x128xf32, #tpu.memory_space<vmem>>, vector<1280x16xf32>,
    %get3A_52 = arith.constant 6400 : index
    %get3A_53 = arith.constant 0 : index
    %get3A_54 = vector.load %arg0[%get3A_52, %get3A_53] : memref<10000x128xf32, #tpu.memory_space<vmem>>, vector<1280x128xf32>
    %get3A_55 = arith.constant 0 : index
    %get3A_56 = arith.constant 0 : index
    %get3A_57 = vector.load %arg1[%get3A_55, %get3A_56] : memref<128x16xf32, #tpu.memory_space<vmem>>, vector<128x16xf32>
    %dot_general3A_58 = arith.constant dense<0.000000e+00> : vector<1280x16xf32>
    %dot_general3A_59 = tpu.matmul %get3A_54, %get3A_57, %dot_general3A_58 {dimension_numbers = #tpu.dot_dimension_numbers<[1], [0], [0], [1], [0, 0, 1, 1], [], []>, transpose_lhs_hint = false} : vector<1280x128xf32>, vector<128x16xf32>, vector<1280x16xf32> -> vector<1280x16xf32>
    %swap3A_60 = arith.constant 0 : index
    %swap3A_61 = arith.constant 80 : index
    %swap3A_62 = vector.load %arg2[%swap3A_60, %swap3A_61] : memref<1280x128xf32, #tpu.memory_space<vmem>>, vector<1280x16xf32>
    tpu.vector_store %arg2[%swap3A_60, %swap3A_61], %dot_general3A_59 {strides = array<i32>} : memref<1280x128xf32, #tpu.memory_space<vmem>>, vector<1280x16xf32>,
    %get3A_63 = arith.constant 7680 : index
    %get3A_64 = arith.constant 0 : index
    %get3A_65 = vector.load %arg0[%get3A_63, %get3A_64] : memref<10000x128xf32, #tpu.memory_space<vmem>>, vector<1280x128xf32>
    %get3A_66 = arith.constant 0 : index
    %get3A_67 = arith.constant 0 : index
    %get3A_68 = vector.load %arg1[%get3A_66, %get3A_67] : memref<128x16xf32, #tpu.memory_space<vmem>>, vector<128x16xf32>
    %dot_general3A_69 = arith.constant dense<0.000000e+00> : vector<1280x16xf32>
    %dot_general3A_70 = tpu.matmul %get3A_65, %get3A_68, %dot_general3A_69 {dimension_numbers = #tpu.dot_dimension_numbers<[1], [0], [0], [1], [0, 0, 1, 1], [], []>, transpose_lhs_hint = false} : vector<1280x128xf32>, vector<128x16xf32>, vector<1280x16xf32> -> vector<1280x16xf32>
    %swap3A_71 = arith.constant 0 : index
    %swap3A_72 = arith.constant 96 : index
    %swap3A_73 = vector.load %arg2[%swap3A_71, %swap3A_72] : memref<1280x128xf32, #tpu.memory_space<vmem>>, vector<1280x16xf32>
    tpu.vector_store %arg2[%swap3A_71, %swap3A_72], %dot_general3A_70 {strides = array<i32>} : memref<1280x128xf32, #tpu.memory_space<vmem>>, vector<1280x16xf32>,
    %get3A_74 = arith.constant 8960 : index
    %get3A_75 = arith.constant 0 : index
    %get3A_76 = vector.load %arg0[%get3A_74, %get3A_75] : memref<10000x128xf32, #tpu.memory_space<vmem>>, vector<1040x128xf32>
    %get3A_77 = arith.constant 0 : index
    %get3A_78 = arith.constant 0 : index
    %get3A_79 = vector.load %arg1[%get3A_77, %get3A_78] : memref<128x16xf32, #tpu.memory_space<vmem>>, vector<128x16xf32>
    %dot_general3A_80 = arith.constant dense<0.000000e+00> : vector<1040x16xf32>
    %dot_general3A_81 = tpu.matmul %get3A_76, %get3A_79, %dot_general3A_80 {dimension_numbers = #tpu.dot_dimension_numbers<[1], [0], [0], [1], [0, 0, 1, 1], [], []>, transpose_lhs_hint = false} : vector<1040x128xf32>, vector<128x16xf32>, vector<1040x16xf32> -> vector<1040x16xf32>
    %swap3A_82 = arith.constant 0 : index
    %swap3A_83 = arith.constant 112 : index
    %swap3A_84 = vector.load %arg2[%swap3A_82, %swap3A_83] : memref<1280x128xf32, #tpu.memory_space<vmem>>, vector<1040x16xf32>
    tpu.vector_store %arg2[%swap3A_82, %swap3A_83], %dot_general3A_81 {strides = array<i32>} : memref<1280x128xf32, #tpu.memory_space<vmem>>, vector<1040x16xf32>,
    return
  }
}

module attributes {stable_mosaic.version = 14 : i64} {
  func.func @_s2_body(%arg0: i32, %arg1: memref<2x640x128xf32, #tpu.memory_space<vmem>>, %arg2: memref<640x128xf32, #tpu.memory_space<vmem>>, %arg3: memref<640x128xf32, #tpu.memory_space<vmem>>, %arg4: memref<1x128xf32, #tpu.memory_space<vmem>>, %arg5: memref<128x128xf32, #tpu.memory_space<vmem>>, %arg6: memref<640x128xf32, #tpu.memory_space<vmem>>) attributes {dimension_semantics = [#tpu.dimension_semantics<arbitrary>], iteration_bounds = array<i64: 2>, scalar_prefetch = 0 : i64, scratch_operands = 0 : i64, tpu.core_type = #tpu.core_type<tc>, window_params = [{transform_indices = @transform_0, window_bounds = array<i64: 2, 640, 128>}, {transform_indices = @transform_1, window_bounds = array<i64: 640, 128>}, {transform_indices = @transform_2, window_bounds = array<i64: 640, 128>}, {pipeline_mode = #tpu.pipeline_mode<synchronous>, transform_indices = @transform_3, window_bounds = array<i64: 1, 128>}, {pipeline_mode = #tpu.pipeline_mode<synchronous>, transform_indices = @transform_4, window_bounds = array<i64: 128, 128>}, {transform_indices = @transform_5, window_bounds = array<i64: 640, 128>}]} {
    %get3A = arith.constant 0 : index
    %get3A_0 = arith.constant 0 : index
    %get3A_1 = vector.load %arg3[%get3A, %get3A_0] : memref<640x128xf32, #tpu.memory_space<vmem>>, vector<640x128xf32>
    %get3A_2 = arith.constant 0 : index
    %get3A_3 = arith.constant 0 : index
    %get3A_4 = arith.constant 0 : index
    %get3A_5 = vector.load %arg1[%get3A_2, %get3A_3, %get3A_4] : memref<2x640x128xf32, #tpu.memory_space<vmem>>, vector<1x640x128xf32>
    %get3A_6 = vector.shape_cast %get3A_5 : vector<1x640x128xf32> to vector<640x128xf32>
    %get3A_7 = arith.constant 1 : index
    %get3A_8 = arith.constant 0 : index
    %get3A_9 = arith.constant 0 : index
    %get3A_10 = vector.load %arg1[%get3A_7, %get3A_8, %get3A_9] : memref<2x640x128xf32, #tpu.memory_space<vmem>>, vector<1x640x128xf32>
    %get3A_11 = vector.shape_cast %get3A_10 : vector<1x640x128xf32> to vector<640x128xf32>
    %add3A = arith.addf %get3A_6, %get3A_11 : vector<640x128xf32>
    %get3A_12 = arith.constant 0 : index
    %get3A_13 = arith.constant 0 : index
    %get3A_14 = vector.load %arg2[%get3A_12, %get3A_13] : memref<640x128xf32, #tpu.memory_space<vmem>>, vector<640x128xf32>
    %add3A_15 = arith.addf %add3A, %get3A_14 : vector<640x128xf32>
    %mul3A = arith.mulf %add3A_15, %get3A_1 : vector<640x128xf32>
    %get3A_16 = arith.constant 0 : index
    %get3A_17 = arith.constant 0 : index
    %get3A_18 = vector.load %arg4[%get3A_16, %get3A_17] : memref<1x128xf32, #tpu.memory_space<vmem>>, vector<1x128xf32>
    %add3A_19 = vector.broadcast %get3A_18 : vector<1x128xf32> to vector<640x128xf32>
    %add3A_20 = arith.addf %mul3A, %add3A_19 : vector<640x128xf32>
    %max3A = arith.constant 0.000000e+00 : f32
    %max3A_21 = vector.broadcast %max3A : f32 to vector<640x128xf32>
    %max3A_22 = arith.maximumf %add3A_20, %max3A_21 : vector<640x128xf32>
    %get3A_23 = arith.constant 0 : index
    %get3A_24 = arith.constant 0 : index
    %get3A_25 = vector.load %arg5[%get3A_23, %get3A_24] : memref<128x128xf32, #tpu.memory_space<vmem>>, vector<128x128xf32>
    %dot_general3A = arith.constant dense<0.000000e+00> : vector<640x128xf32>
    %dot_general3A_26 = tpu.matmul %max3A_22, %get3A_25, %dot_general3A {dimension_numbers = #tpu.dot_dimension_numbers<[1], [0], [0], [1], [0, 0, 1, 1], [], []>, transpose_lhs_hint = false} : vector<640x128xf32>, vector<128x128xf32>, vector<640x128xf32> -> vector<640x128xf32>
    %mul3A_27 = arith.mulf %dot_general3A_26, %get3A_1 : vector<640x128xf32>
    %swap3A = arith.constant 0 : index
    %swap3A_28 = arith.constant 0 : index
    %swap3A_29 = vector.load %arg6[%swap3A, %swap3A_28] : memref<640x128xf32, #tpu.memory_space<vmem>>, vector<640x128xf32>
    tpu.vector_store %arg6[%swap3A, %swap3A_28], %mul3A_27 {strides = array<i32>} : memref<640x128xf32, #tpu.memory_space<vmem>>, vector<640x128xf32>,
    return
  }
  func.func @transform_0(%arg0: i32) -> (i32, i32, i32) {
    %c0_i32 = arith.constant 0 : i32
    %c0_i32_0 = arith.constant 0 : i32
    %c0_i32_1 = arith.constant 0 : i32
    return %c0_i32, %arg0, %c0_i32_0 : i32, i32, i32
  }
  func.func @transform_1(%arg0: i32) -> (i32, i32) {
    %c0_i32 = arith.constant 0 : i32
    %c0_i32_0 = arith.constant 0 : i32
    return %arg0, %c0_i32 : i32, i32
  }
  func.func @transform_2(%arg0: i32) -> (i32, i32) {
    %c0_i32 = arith.constant 0 : i32
    %c0_i32_0 = arith.constant 0 : i32
    return %arg0, %c0_i32 : i32, i32
  }
  func.func @transform_3(%arg0: i32) -> (i32, i32) {
    %c0_i32 = arith.constant 0 : i32
    %c0_i32_0 = arith.constant 0 : i32
    %c0_i32_1 = arith.constant 0 : i32
    return %c0_i32, %c0_i32_0 : i32, i32
  }
  func.func @transform_4(%arg0: i32) -> (i32, i32) {
    %c0_i32 = arith.constant 0 : i32
    %c0_i32_0 = arith.constant 0 : i32
    %c0_i32_1 = arith.constant 0 : i32
    return %c0_i32, %c0_i32_0 : i32, i32
  }
  func.func @transform_5(%arg0: i32) -> (i32, i32) {
    %c0_i32 = arith.constant 0 : i32
    %c0_i32_0 = arith.constant 0 : i32
    return %arg0, %c0_i32 : i32, i32
  }
}

module attributes {stable_mosaic.version = 14 : i64} {
  func.func @_s3_body(%arg0: memref<2x1280x128xf32, #tpu.memory_space<vmem>>, %arg1: memref<1280x128xf32, #tpu.memory_space<vmem>>, %arg2: memref<1280x128xf32, #tpu.memory_space<vmem>>, %arg3: memref<1x16xf32, #tpu.memory_space<vmem>>, %arg4: memref<10240x8xf32, #tpu.memory_space<vmem>>) attributes {dimension_semantics = [], scalar_prefetch = 0 : i64, scratch_operands = 0 : i64, tpu.core_type = #tpu.core_type<tc>} {
    %iota3A = tpu.iota {dimensions = array<i32: 1>} : vector<1280x16xi32>
    %lt3A = arith.constant 7 : i32
    %lt3A_0 = vector.broadcast %lt3A : i32 to vector<1280x16xi32>
    %lt3A_1 = arith.cmpi slt, %iota3A, %lt3A_0 : vector<1280x16xi32>
    %get3A = arith.constant 0 : index
    %get3A_2 = arith.constant 0 : index
    %get3A_3 = arith.constant 0 : index
    %get3A_4 = vector.load %arg0[%get3A, %get3A_2, %get3A_3] : memref<2x1280x128xf32, #tpu.memory_space<vmem>>, vector<1x1280x128xf32>
    %get3A_5 = vector.shape_cast %get3A_4 : vector<1x1280x128xf32> to vector<1280x128xf32>
    %get3A_6 = arith.constant 1 : index
    %get3A_7 = arith.constant 0 : index
    %get3A_8 = arith.constant 0 : index
    %get3A_9 = vector.load %arg0[%get3A_6, %get3A_7, %get3A_8] : memref<2x1280x128xf32, #tpu.memory_space<vmem>>, vector<1x1280x128xf32>
    %get3A_10 = vector.shape_cast %get3A_9 : vector<1x1280x128xf32> to vector<1280x128xf32>
    %add3A = arith.addf %get3A_5, %get3A_10 : vector<1280x128xf32>
    %get3A_11 = arith.constant 0 : index
    %get3A_12 = arith.constant 0 : index
    %get3A_13 = vector.load %arg1[%get3A_11, %get3A_12] : memref<1280x128xf32, #tpu.memory_space<vmem>>, vector<1280x128xf32>
    %add3A_14 = arith.addf %add3A, %get3A_13 : vector<1280x128xf32>
    %get3A_15 = arith.constant 0 : index
    %get3A_16 = arith.constant 0 : index
    %get3A_17 = vector.load %arg2[%get3A_15, %get3A_16] : memref<1280x128xf32, #tpu.memory_space<vmem>>, vector<1280x128xf32>
    %mul3A = arith.mulf %add3A_14, %get3A_17 : vector<1280x128xf32>
    %slice3A = vector.extract_strided_slice %mul3A {offsets = [0, 0], sizes = [1280, 16], strides = [1, 1]} : vector<1280x128xf32> to vector<1280x16xf32>
    %get3A_18 = arith.constant 0 : index
    %get3A_19 = arith.constant 0 : index
    %get3A_20 = vector.load %arg3[%get3A_18, %get3A_19] : memref<1x16xf32, #tpu.memory_space<vmem>>, vector<1x16xf32>
    %add3A_21 = vector.broadcast %get3A_20 : vector<1x16xf32> to vector<1280x16xf32>
    %add3A_22 = arith.addf %slice3A, %add3A_21 : vector<1280x16xf32>
    %jit3A = arith.constant -1.000000e+30 : f32
    %broadcast_in_dim3A = vector.broadcast %jit3A : f32 to vector<1280x16xf32>
    %select_n3A = arith.select %lt3A_1, %add3A_22, %broadcast_in_dim3A : vector<1280x16xi1>, vector<1280x16xf32>
    %reduce_max3A = arith.constant dense<0xFF800000> : vector<1280xf32>
    %reduce_max3A_23 = vector.multi_reduction <maximumf>, %select_n3A, %reduce_max3A [1] : vector<1280x16xf32> to vector<1280xf32>
    %broadcast_in_dim3A_24 = vector.shape_cast %reduce_max3A_23 : vector<1280xf32> to vector<1280x1xf32>
    %sub3A = vector.broadcast %broadcast_in_dim3A_24 : vector<1280x1xf32> to vector<1280x16xf32>
    %sub3A_25 = arith.subf %add3A_22, %sub3A : vector<1280x16xf32>
    %exp3A = math.exp %sub3A_25 : vector<1280x16xf32>
    %jit3A_26 = arith.constant 0.000000e+00 : f32
    %broadcast_in_dim3A_27 = vector.broadcast %jit3A_26 : f32 to vector<1280x16xf32>
    %select_n3A_28 = arith.select %lt3A_1, %exp3A, %broadcast_in_dim3A_27 : vector<1280x16xi1>, vector<1280x16xf32>
    %reduce_sum3A = arith.constant dense<0.000000e+00> : vector<1280xf32>
    %reduce_sum3A_29 = vector.multi_reduction <add>, %select_n3A_28, %reduce_sum3A [1] : vector<1280x16xf32> to vector<1280xf32>
    %broadcast_in_dim3A_30 = vector.shape_cast %reduce_sum3A_29 : vector<1280xf32> to vector<1280x1xf32>
    %log3A = math.log %broadcast_in_dim3A_30 : vector<1280x1xf32>
    %add3A_31 = arith.addf %log3A, %broadcast_in_dim3A_24 : vector<1280x1xf32>
    %sub3A_32 = vector.broadcast %add3A_31 : vector<1280x1xf32> to vector<1280x16xf32>
    %sub3A_33 = arith.subf %add3A_22, %sub3A_32 : vector<1280x16xf32>
    %slice3A_34 = vector.extract_strided_slice %sub3A_33 {offsets = [0, 0], sizes = [1280, 8], strides = [1, 1]} : vector<1280x16xf32> to vector<1280x8xf32>
    %swap3A = arith.constant 0 : index
    %swap3A_35 = arith.constant 0 : index
    %swap3A_36 = vector.load %arg4[%swap3A, %swap3A_35] : memref<10240x8xf32, #tpu.memory_space<vmem>>, vector<1280x8xf32>
    tpu.vector_store %arg4[%swap3A, %swap3A_35], %slice3A_34 {strides = array<i32>} : memref<10240x8xf32, #tpu.memory_space<vmem>>, vector<1280x8xf32>,
    %slice3A_37 = vector.extract_strided_slice %mul3A {offsets = [0, 16], sizes = [1280, 16], strides = [1, 1]} : vector<1280x128xf32> to vector<1280x16xf32>
    %get3A_38 = arith.constant 0 : index
    %get3A_39 = arith.constant 0 : index
    %get3A_40 = vector.load %arg3[%get3A_38, %get3A_39] : memref<1x16xf32, #tpu.memory_space<vmem>>, vector<1x16xf32>
    %add3A_41 = vector.broadcast %get3A_40 : vector<1x16xf32> to vector<1280x16xf32>
    %add3A_42 = arith.addf %slice3A_37, %add3A_41 : vector<1280x16xf32>
    %jit3A_43 = arith.constant -1.000000e+30 : f32
    %broadcast_in_dim3A_44 = vector.broadcast %jit3A_43 : f32 to vector<1280x16xf32>
    %select_n3A_45 = arith.select %lt3A_1, %add3A_42, %broadcast_in_dim3A_44 : vector<1280x16xi1>, vector<1280x16xf32>
    %reduce_max3A_46 = arith.constant dense<0xFF800000> : vector<1280xf32>
    %reduce_max3A_47 = vector.multi_reduction <maximumf>, %select_n3A_45, %reduce_max3A_46 [1] : vector<1280x16xf32> to vector<1280xf32>
    %broadcast_in_dim3A_48 = vector.shape_cast %reduce_max3A_47 : vector<1280xf32> to vector<1280x1xf32>
    %sub3A_49 = vector.broadcast %broadcast_in_dim3A_48 : vector<1280x1xf32> to vector<1280x16xf32>
    %sub3A_50 = arith.subf %add3A_42, %sub3A_49 : vector<1280x16xf32>
    %exp3A_51 = math.exp %sub3A_50 : vector<1280x16xf32>
    %jit3A_52 = arith.constant 0.000000e+00 : f32
    %broadcast_in_dim3A_53 = vector.broadcast %jit3A_52 : f32 to vector<1280x16xf32>
    %select_n3A_54 = arith.select %lt3A_1, %exp3A_51, %broadcast_in_dim3A_53 : vector<1280x16xi1>, vector<1280x16xf32>
    %reduce_sum3A_55 = arith.constant dense<0.000000e+00> : vector<1280xf32>
    %reduce_sum3A_56 = vector.multi_reduction <add>, %select_n3A_54, %reduce_sum3A_55 [1] : vector<1280x16xf32> to vector<1280xf32>
    %broadcast_in_dim3A_57 = vector.shape_cast %reduce_sum3A_56 : vector<1280xf32> to vector<1280x1xf32>
    %log3A_58 = math.log %broadcast_in_dim3A_57 : vector<1280x1xf32>
    %add3A_59 = arith.addf %log3A_58, %broadcast_in_dim3A_48 : vector<1280x1xf32>
    %sub3A_60 = vector.broadcast %add3A_59 : vector<1280x1xf32> to vector<1280x16xf32>
    %sub3A_61 = arith.subf %add3A_42, %sub3A_60 : vector<1280x16xf32>
    %slice3A_62 = vector.extract_strided_slice %sub3A_61 {offsets = [0, 0], sizes = [1280, 8], strides = [1, 1]} : vector<1280x16xf32> to vector<1280x8xf32>
    %swap3A_63 = arith.constant 1280 : index
    %swap3A_64 = arith.constant 0 : index
    %swap3A_65 = vector.load %arg4[%swap3A_63, %swap3A_64] : memref<10240x8xf32, #tpu.memory_space<vmem>>, vector<1280x8xf32>
    tpu.vector_store %arg4[%swap3A_63, %swap3A_64], %slice3A_62 {strides = array<i32>} : memref<10240x8xf32, #tpu.memory_space<vmem>>, vector<1280x8xf32>,
    %slice3A_66 = vector.extract_strided_slice %mul3A {offsets = [0, 32], sizes = [1280, 16], strides = [1, 1]} : vector<1280x128xf32> to vector<1280x16xf32>
    %get3A_67 = arith.constant 0 : index
    %get3A_68 = arith.constant 0 : index
    %get3A_69 = vector.load %arg3[%get3A_67, %get3A_68] : memref<1x16xf32, #tpu.memory_space<vmem>>, vector<1x16xf32>
    %add3A_70 = vector.broadcast %get3A_69 : vector<1x16xf32> to vector<1280x16xf32>
    %add3A_71 = arith.addf %slice3A_66, %add3A_70 : vector<1280x16xf32>
    %jit3A_72 = arith.constant -1.000000e+30 : f32
    %broadcast_in_dim3A_73 = vector.broadcast %jit3A_72 : f32 to vector<1280x16xf32>
    %select_n3A_74 = arith.select %lt3A_1, %add3A_71, %broadcast_in_dim3A_73 : vector<1280x16xi1>, vector<1280x16xf32>
    %reduce_max3A_75 = arith.constant dense<0xFF800000> : vector<1280xf32>
    %reduce_max3A_76 = vector.multi_reduction <maximumf>, %select_n3A_74, %reduce_max3A_75 [1] : vector<1280x16xf32> to vector<1280xf32>
    %broadcast_in_dim3A_77 = vector.shape_cast %reduce_max3A_76 : vector<1280xf32> to vector<1280x1xf32>
    %sub3A_78 = vector.broadcast %broadcast_in_dim3A_77 : vector<1280x1xf32> to vector<1280x16xf32>
    %sub3A_79 = arith.subf %add3A_71, %sub3A_78 : vector<1280x16xf32>
    %exp3A_80 = math.exp %sub3A_79 : vector<1280x16xf32>
    %jit3A_81 = arith.constant 0.000000e+00 : f32
    %broadcast_in_dim3A_82 = vector.broadcast %jit3A_81 : f32 to vector<1280x16xf32>
    %select_n3A_83 = arith.select %lt3A_1, %exp3A_80, %broadcast_in_dim3A_82 : vector<1280x16xi1>, vector<1280x16xf32>
    %reduce_sum3A_84 = arith.constant dense<0.000000e+00> : vector<1280xf32>
    %reduce_sum3A_85 = vector.multi_reduction <add>, %select_n3A_83, %reduce_sum3A_84 [1] : vector<1280x16xf32> to vector<1280xf32>
    %broadcast_in_dim3A_86 = vector.shape_cast %reduce_sum3A_85 : vector<1280xf32> to vector<1280x1xf32>
    %log3A_87 = math.log %broadcast_in_dim3A_86 : vector<1280x1xf32>
    %add3A_88 = arith.addf %log3A_87, %broadcast_in_dim3A_77 : vector<1280x1xf32>
    %sub3A_89 = vector.broadcast %add3A_88 : vector<1280x1xf32> to vector<1280x16xf32>
    %sub3A_90 = arith.subf %add3A_71, %sub3A_89 : vector<1280x16xf32>
    %slice3A_91 = vector.extract_strided_slice %sub3A_90 {offsets = [0, 0], sizes = [1280, 8], strides = [1, 1]} : vector<1280x16xf32> to vector<1280x8xf32>
    %swap3A_92 = arith.constant 2560 : index
    %swap3A_93 = arith.constant 0 : index
    %swap3A_94 = vector.load %arg4[%swap3A_92, %swap3A_93] : memref<10240x8xf32, #tpu.memory_space<vmem>>, vector<1280x8xf32>
    tpu.vector_store %arg4[%swap3A_92, %swap3A_93], %slice3A_91 {strides = array<i32>} : memref<10240x8xf32, #tpu.memory_space<vmem>>, vector<1280x8xf32>,
    %slice3A_95 = vector.extract_strided_slice %mul3A {offsets = [0, 48], sizes = [1280, 16], strides = [1, 1]} : vector<1280x128xf32> to vector<1280x16xf32>
    %get3A_96 = arith.constant 0 : index
    %get3A_97 = arith.constant 0 : index
    %get3A_98 = vector.load %arg3[%get3A_96, %get3A_97] : memref<1x16xf32, #tpu.memory_space<vmem>>, vector<1x16xf32>
    %add3A_99 = vector.broadcast %get3A_98 : vector<1x16xf32> to vector<1280x16xf32>
    %add3A_100 = arith.addf %slice3A_95, %add3A_99 : vector<1280x16xf32>
    %jit3A_101 = arith.constant -1.000000e+30 : f32
    %broadcast_in_dim3A_102 = vector.broadcast %jit3A_101 : f32 to vector<1280x16xf32>
    %select_n3A_103 = arith.select %lt3A_1, %add3A_100, %broadcast_in_dim3A_102 : vector<1280x16xi1>, vector<1280x16xf32>
    %reduce_max3A_104 = arith.constant dense<0xFF800000> : vector<1280xf32>
    %reduce_max3A_105 = vector.multi_reduction <maximumf>, %select_n3A_103, %reduce_max3A_104 [1] : vector<1280x16xf32> to vector<1280xf32>
    %broadcast_in_dim3A_106 = vector.shape_cast %reduce_max3A_105 : vector<1280xf32> to vector<1280x1xf32>
    %sub3A_107 = vector.broadcast %broadcast_in_dim3A_106 : vector<1280x1xf32> to vector<1280x16xf32>
    %sub3A_108 = arith.subf %add3A_100, %sub3A_107 : vector<1280x16xf32>
    %exp3A_109 = math.exp %sub3A_108 : vector<1280x16xf32>
    %jit3A_110 = arith.constant 0.000000e+00 : f32
    %broadcast_in_dim3A_111 = vector.broadcast %jit3A_110 : f32 to vector<1280x16xf32>
    %select_n3A_112 = arith.select %lt3A_1, %exp3A_109, %broadcast_in_dim3A_111 : vector<1280x16xi1>, vector<1280x16xf32>
    %reduce_sum3A_113 = arith.constant dense<0.000000e+00> : vector<1280xf32>
    %reduce_sum3A_114 = vector.multi_reduction <add>, %select_n3A_112, %reduce_sum3A_113 [1] : vector<1280x16xf32> to vector<1280xf32>
    %broadcast_in_dim3A_115 = vector.shape_cast %reduce_sum3A_114 : vector<1280xf32> to vector<1280x1xf32>
    %log3A_116 = math.log %broadcast_in_dim3A_115 : vector<1280x1xf32>
    %add3A_117 = arith.addf %log3A_116, %broadcast_in_dim3A_106 : vector<1280x1xf32>
    %sub3A_118 = vector.broadcast %add3A_117 : vector<1280x1xf32> to vector<1280x16xf32>
    %sub3A_119 = arith.subf %add3A_100, %sub3A_118 : vector<1280x16xf32>
    %slice3A_120 = vector.extract_strided_slice %sub3A_119 {offsets = [0, 0], sizes = [1280, 8], strides = [1, 1]} : vector<1280x16xf32> to vector<1280x8xf32>
    %swap3A_121 = arith.constant 3840 : index
    %swap3A_122 = arith.constant 0 : index
    %swap3A_123 = vector.load %arg4[%swap3A_121, %swap3A_122] : memref<10240x8xf32, #tpu.memory_space<vmem>>, vector<1280x8xf32>
    tpu.vector_store %arg4[%swap3A_121, %swap3A_122], %slice3A_120 {strides = array<i32>} : memref<10240x8xf32, #tpu.memory_space<vmem>>, vector<1280x8xf32>,
    %slice3A_124 = vector.extract_strided_slice %mul3A {offsets = [0, 64], sizes = [1280, 16], strides = [1, 1]} : vector<1280x128xf32> to vector<1280x16xf32>
    %get3A_125 = arith.constant 0 : index
    %get3A_126 = arith.constant 0 : index
    %get3A_127 = vector.load %arg3[%get3A_125, %get3A_126] : memref<1x16xf32, #tpu.memory_space<vmem>>, vector<1x16xf32>
    %add3A_128 = vector.broadcast %get3A_127 : vector<1x16xf32> to vector<1280x16xf32>
    %add3A_129 = arith.addf %slice3A_124, %add3A_128 : vector<1280x16xf32>
    %jit3A_130 = arith.constant -1.000000e+30 : f32
    %broadcast_in_dim3A_131 = vector.broadcast %jit3A_130 : f32 to vector<1280x16xf32>
    %select_n3A_132 = arith.select %lt3A_1, %add3A_129, %broadcast_in_dim3A_131 : vector<1280x16xi1>, vector<1280x16xf32>
    %reduce_max3A_133 = arith.constant dense<0xFF800000> : vector<1280xf32>
    %reduce_max3A_134 = vector.multi_reduction <maximumf>, %select_n3A_132, %reduce_max3A_133 [1] : vector<1280x16xf32> to vector<1280xf32>
    %broadcast_in_dim3A_135 = vector.shape_cast %reduce_max3A_134 : vector<1280xf32> to vector<1280x1xf32>
    %sub3A_136 = vector.broadcast %broadcast_in_dim3A_135 : vector<1280x1xf32> to vector<1280x16xf32>
    %sub3A_137 = arith.subf %add3A_129, %sub3A_136 : vector<1280x16xf32>
    %exp3A_138 = math.exp %sub3A_137 : vector<1280x16xf32>
    %jit3A_139 = arith.constant 0.000000e+00 : f32
    %broadcast_in_dim3A_140 = vector.broadcast %jit3A_139 : f32 to vector<1280x16xf32>
    %select_n3A_141 = arith.select %lt3A_1, %exp3A_138, %broadcast_in_dim3A_140 : vector<1280x16xi1>, vector<1280x16xf32>
    %reduce_sum3A_142 = arith.constant dense<0.000000e+00> : vector<1280xf32>
    %reduce_sum3A_143 = vector.multi_reduction <add>, %select_n3A_141, %reduce_sum3A_142 [1] : vector<1280x16xf32> to vector<1280xf32>
    %broadcast_in_dim3A_144 = vector.shape_cast %reduce_sum3A_143 : vector<1280xf32> to vector<1280x1xf32>
    %log3A_145 = math.log %broadcast_in_dim3A_144 : vector<1280x1xf32>
    %add3A_146 = arith.addf %log3A_145, %broadcast_in_dim3A_135 : vector<1280x1xf32>
    %sub3A_147 = vector.broadcast %add3A_146 : vector<1280x1xf32> to vector<1280x16xf32>
    %sub3A_148 = arith.subf %add3A_129, %sub3A_147 : vector<1280x16xf32>
    %slice3A_149 = vector.extract_strided_slice %sub3A_148 {offsets = [0, 0], sizes = [1280, 8], strides = [1, 1]} : vector<1280x16xf32> to vector<1280x8xf32>
    %swap3A_150 = arith.constant 5120 : index
    %swap3A_151 = arith.constant 0 : index
    %swap3A_152 = vector.load %arg4[%swap3A_150, %swap3A_151] : memref<10240x8xf32, #tpu.memory_space<vmem>>, vector<1280x8xf32>
    tpu.vector_store %arg4[%swap3A_150, %swap3A_151], %slice3A_149 {strides = array<i32>} : memref<10240x8xf32, #tpu.memory_space<vmem>>, vector<1280x8xf32>,
    %slice3A_153 = vector.extract_strided_slice %mul3A {offsets = [0, 80], sizes = [1280, 16], strides = [1, 1]} : vector<1280x128xf32> to vector<1280x16xf32>
    %get3A_154 = arith.constant 0 : index
    %get3A_155 = arith.constant 0 : index
    %get3A_156 = vector.load %arg3[%get3A_154, %get3A_155] : memref<1x16xf32, #tpu.memory_space<vmem>>, vector<1x16xf32>
    %add3A_157 = vector.broadcast %get3A_156 : vector<1x16xf32> to vector<1280x16xf32>
    %add3A_158 = arith.addf %slice3A_153, %add3A_157 : vector<1280x16xf32>
    %jit3A_159 = arith.constant -1.000000e+30 : f32
    %broadcast_in_dim3A_160 = vector.broadcast %jit3A_159 : f32 to vector<1280x16xf32>
    %select_n3A_161 = arith.select %lt3A_1, %add3A_158, %broadcast_in_dim3A_160 : vector<1280x16xi1>, vector<1280x16xf32>
    %reduce_max3A_162 = arith.constant dense<0xFF800000> : vector<1280xf32>
    %reduce_max3A_163 = vector.multi_reduction <maximumf>, %select_n3A_161, %reduce_max3A_162 [1] : vector<1280x16xf32> to vector<1280xf32>
    %broadcast_in_dim3A_164 = vector.shape_cast %reduce_max3A_163 : vector<1280xf32> to vector<1280x1xf32>
    %sub3A_165 = vector.broadcast %broadcast_in_dim3A_164 : vector<1280x1xf32> to vector<1280x16xf32>
    %sub3A_166 = arith.subf %add3A_158, %sub3A_165 : vector<1280x16xf32>
    %exp3A_167 = math.exp %sub3A_166 : vector<1280x16xf32>
    %jit3A_168 = arith.constant 0.000000e+00 : f32
    %broadcast_in_dim3A_169 = vector.broadcast %jit3A_168 : f32 to vector<1280x16xf32>
    %select_n3A_170 = arith.select %lt3A_1, %exp3A_167, %broadcast_in_dim3A_169 : vector<1280x16xi1>, vector<1280x16xf32>
    %reduce_sum3A_171 = arith.constant dense<0.000000e+00> : vector<1280xf32>
    %reduce_sum3A_172 = vector.multi_reduction <add>, %select_n3A_170, %reduce_sum3A_171 [1] : vector<1280x16xf32> to vector<1280xf32>
    %broadcast_in_dim3A_173 = vector.shape_cast %reduce_sum3A_172 : vector<1280xf32> to vector<1280x1xf32>
    %log3A_174 = math.log %broadcast_in_dim3A_173 : vector<1280x1xf32>
    %add3A_175 = arith.addf %log3A_174, %broadcast_in_dim3A_164 : vector<1280x1xf32>
    %sub3A_176 = vector.broadcast %add3A_175 : vector<1280x1xf32> to vector<1280x16xf32>
    %sub3A_177 = arith.subf %add3A_158, %sub3A_176 : vector<1280x16xf32>
    %slice3A_178 = vector.extract_strided_slice %sub3A_177 {offsets = [0, 0], sizes = [1280, 8], strides = [1, 1]} : vector<1280x16xf32> to vector<1280x8xf32>
    %swap3A_179 = arith.constant 6400 : index
    %swap3A_180 = arith.constant 0 : index
    %swap3A_181 = vector.load %arg4[%swap3A_179, %swap3A_180] : memref<10240x8xf32, #tpu.memory_space<vmem>>, vector<1280x8xf32>
    tpu.vector_store %arg4[%swap3A_179, %swap3A_180], %slice3A_178 {strides = array<i32>} : memref<10240x8xf32, #tpu.memory_space<vmem>>, vector<1280x8xf32>,
    %slice3A_182 = vector.extract_strided_slice %mul3A {offsets = [0, 96], sizes = [1280, 16], strides = [1, 1]} : vector<1280x128xf32> to vector<1280x16xf32>
    %get3A_183 = arith.constant 0 : index
    %get3A_184 = arith.constant 0 : index
    %get3A_185 = vector.load %arg3[%get3A_183, %get3A_184] : memref<1x16xf32, #tpu.memory_space<vmem>>, vector<1x16xf32>
    %add3A_186 = vector.broadcast %get3A_185 : vector<1x16xf32> to vector<1280x16xf32>
    %add3A_187 = arith.addf %slice3A_182, %add3A_186 : vector<1280x16xf32>
    %jit3A_188 = arith.constant -1.000000e+30 : f32
    %broadcast_in_dim3A_189 = vector.broadcast %jit3A_188 : f32 to vector<1280x16xf32>
    %select_n3A_190 = arith.select %lt3A_1, %add3A_187, %broadcast_in_dim3A_189 : vector<1280x16xi1>, vector<1280x16xf32>
    %reduce_max3A_191 = arith.constant dense<0xFF800000> : vector<1280xf32>
    %reduce_max3A_192 = vector.multi_reduction <maximumf>, %select_n3A_190, %reduce_max3A_191 [1] : vector<1280x16xf32> to vector<1280xf32>
    %broadcast_in_dim3A_193 = vector.shape_cast %reduce_max3A_192 : vector<1280xf32> to vector<1280x1xf32>
    %sub3A_194 = vector.broadcast %broadcast_in_dim3A_193 : vector<1280x1xf32> to vector<1280x16xf32>
    %sub3A_195 = arith.subf %add3A_187, %sub3A_194 : vector<1280x16xf32>
    %exp3A_196 = math.exp %sub3A_195 : vector<1280x16xf32>
    %jit3A_197 = arith.constant 0.000000e+00 : f32
    %broadcast_in_dim3A_198 = vector.broadcast %jit3A_197 : f32 to vector<1280x16xf32>
    %select_n3A_199 = arith.select %lt3A_1, %exp3A_196, %broadcast_in_dim3A_198 : vector<1280x16xi1>, vector<1280x16xf32>
    %reduce_sum3A_200 = arith.constant dense<0.000000e+00> : vector<1280xf32>
    %reduce_sum3A_201 = vector.multi_reduction <add>, %select_n3A_199, %reduce_sum3A_200 [1] : vector<1280x16xf32> to vector<1280xf32>
    %broadcast_in_dim3A_202 = vector.shape_cast %reduce_sum3A_201 : vector<1280xf32> to vector<1280x1xf32>
    %log3A_203 = math.log %broadcast_in_dim3A_202 : vector<1280x1xf32>
    %add3A_204 = arith.addf %log3A_203, %broadcast_in_dim3A_193 : vector<1280x1xf32>
    %sub3A_205 = vector.broadcast %add3A_204 : vector<1280x1xf32> to vector<1280x16xf32>
    %sub3A_206 = arith.subf %add3A_187, %sub3A_205 : vector<1280x16xf32>
    %slice3A_207 = vector.extract_strided_slice %sub3A_206 {offsets = [0, 0], sizes = [1280, 8], strides = [1, 1]} : vector<1280x16xf32> to vector<1280x8xf32>
    %swap3A_208 = arith.constant 7680 : index
    %swap3A_209 = arith.constant 0 : index
    %swap3A_210 = vector.load %arg4[%swap3A_208, %swap3A_209] : memref<10240x8xf32, #tpu.memory_space<vmem>>, vector<1280x8xf32>
    tpu.vector_store %arg4[%swap3A_208, %swap3A_209], %slice3A_207 {strides = array<i32>} : memref<10240x8xf32, #tpu.memory_space<vmem>>, vector<1280x8xf32>,
    %slice3A_211 = vector.extract_strided_slice %mul3A {offsets = [0, 112], sizes = [1280, 16], strides = [1, 1]} : vector<1280x128xf32> to vector<1280x16xf32>
    %get3A_212 = arith.constant 0 : index
    %get3A_213 = arith.constant 0 : index
    %get3A_214 = vector.load %arg3[%get3A_212, %get3A_213] : memref<1x16xf32, #tpu.memory_space<vmem>>, vector<1x16xf32>
    %add3A_215 = vector.broadcast %get3A_214 : vector<1x16xf32> to vector<1280x16xf32>
    %add3A_216 = arith.addf %slice3A_211, %add3A_215 : vector<1280x16xf32>
    %jit3A_217 = arith.constant -1.000000e+30 : f32
    %broadcast_in_dim3A_218 = vector.broadcast %jit3A_217 : f32 to vector<1280x16xf32>
    %select_n3A_219 = arith.select %lt3A_1, %add3A_216, %broadcast_in_dim3A_218 : vector<1280x16xi1>, vector<1280x16xf32>
    %reduce_max3A_220 = arith.constant dense<0xFF800000> : vector<1280xf32>
    %reduce_max3A_221 = vector.multi_reduction <maximumf>, %select_n3A_219, %reduce_max3A_220 [1] : vector<1280x16xf32> to vector<1280xf32>
    %broadcast_in_dim3A_222 = vector.shape_cast %reduce_max3A_221 : vector<1280xf32> to vector<1280x1xf32>
    %sub3A_223 = vector.broadcast %broadcast_in_dim3A_222 : vector<1280x1xf32> to vector<1280x16xf32>
    %sub3A_224 = arith.subf %add3A_216, %sub3A_223 : vector<1280x16xf32>
    %exp3A_225 = math.exp %sub3A_224 : vector<1280x16xf32>
    %jit3A_226 = arith.constant 0.000000e+00 : f32
    %broadcast_in_dim3A_227 = vector.broadcast %jit3A_226 : f32 to vector<1280x16xf32>
    %select_n3A_228 = arith.select %lt3A_1, %exp3A_225, %broadcast_in_dim3A_227 : vector<1280x16xi1>, vector<1280x16xf32>
    %reduce_sum3A_229 = arith.constant dense<0.000000e+00> : vector<1280xf32>
    %reduce_sum3A_230 = vector.multi_reduction <add>, %select_n3A_228, %reduce_sum3A_229 [1] : vector<1280x16xf32> to vector<1280xf32>
    %broadcast_in_dim3A_231 = vector.shape_cast %reduce_sum3A_230 : vector<1280xf32> to vector<1280x1xf32>
    %log3A_232 = math.log %broadcast_in_dim3A_231 : vector<1280x1xf32>
    %add3A_233 = arith.addf %log3A_232, %broadcast_in_dim3A_222 : vector<1280x1xf32>
    %sub3A_234 = vector.broadcast %add3A_233 : vector<1280x1xf32> to vector<1280x16xf32>
    %sub3A_235 = arith.subf %add3A_216, %sub3A_234 : vector<1280x16xf32>
    %slice3A_236 = vector.extract_strided_slice %sub3A_235 {offsets = [0, 0], sizes = [1280, 8], strides = [1, 1]} : vector<1280x16xf32> to vector<1280x8xf32>
    %swap3A_237 = arith.constant 8960 : index
    %swap3A_238 = arith.constant 0 : index
    %swap3A_239 = vector.load %arg4[%swap3A_237, %swap3A_238] : memref<10240x8xf32, #tpu.memory_space<vmem>>, vector<1280x8xf32>
    tpu.vector_store %arg4[%swap3A_237, %swap3A_238], %slice3A_236 {strides = array<i32>} : memref<10240x8xf32, #tpu.memory_space<vmem>>, vector<1280x8xf32>,
    return
  }
}

</mosaic_0001>

<sc_bundles>
// kernel: kernel.12.cloned.1.call-start
scs
__scs_entry_jumppad:
0x0: {  	(pc) =	sbr.rel $0x88, $3  }
0x1: {  	(tag) =	ssettag $0x0;
	lr =	simm.s32 $0x1  }
0x2: {  	[smem:$0x3F9B] =	sst lr;
	_ =	strace $0xD0000000  }
0x3: {  	_ = 	snop  }
0x4: {  	_ = 	snop  }
0x5: {  	_ = 	snop  }
0x6: {  	_ = 	snop  }
0x7: {  	_ = 	snop  }
__scs_overlays_trampoline_lowered:
0x8: {  	[smem:$0x3FAA] =	sst s0  }
0x9: {  	[smem:$0x3FAB] =	sst s1  }
0xa: {  	[smem:$0x3FAC] =	sst s2  }
0xb: {  	[smem:$0x3FAD] =	sst s3  }
0xc: {  	[smem:$0x3FAE] =	sst s4  }
0xd: {  	[smem:$0x3FAF] =	sst s5  }
0xe: {  	[smem:$0x3FB0] =	sst s6  }
0xf: {  	[smem:$0x3FB1] =	sst s7  }
0x10: {  	[smem:$0x3FB2] =	sst s8  }
0x11: {  	[smem:$0x3FB3] =	sst s9;
	s0 =	simm.s32 @!p0 $0x0  }
0x12: {  	s1 =	sld [smem:$0x3F99];
	s0 =	simm.s32 @p0 $0x1  }
0x13: {  	[smem:$0x3FB4] =	sst s0;
	s0 =	simm.s32 @!p1 $0x0  }
0x14: {  	s2 =	sld [smem:$0x3F98];
	s0 =	simm.s32 @p1 $0x1  }
0x15: {  	[smem:$0x3FB5] =	sst s0;
	s0 =	simm.s32 @!p2 $0x0  }
0x16: {  	s3 =	sld [smem:$0x3FDB];
	s0 =	simm.s32 @p2 $0x1  }
0x17: {  	s4 =	simm.s32 $0x1BF5;
	[smem:$0x3FB7] =	sst s0  }
0x18: {  	s0 =	sld [smem:$0x3F9A];
	_ =	swait.ge [sflag:s4], $0x0  }
0x19: {  	s7 =	sld [smem:$0x3F9B]  }
0x1a: {  	s8 =	sadd.s32 $0xFFFFE003, lr  }
0x1b: {  	s9 =	sadd.s32 $0xFFFFFEF7, lr;
	s5 =	simm.s32 $0xFFFFFFFF;
	p2 =	slt.u32 s8, $0xFFFFF086  }
0x1c: {  	p1 =	slt.u32 s9, $0xF7A;
	s5 =	simm.s32 @!p2 $0x0  }
0x1d: {  	s5 =	simm.s32 @p1 $0x1;
	p0 =	seq.s32 s7, s2  }
0x1e: {  	s7 =	smul.u32 @!p0 $0xF7A, s2;
	p2 =	seq.s32 @!p0 s5, $0x0  }
0x1f: {  	s9 =	smul.u32 $0xF7A, s1;
	s8 =	simm.s32 @!p0 $0x1BF5;
	p2 =	por !p2, p0  }
0x20: {  	[sflag:s8] =	ssyncset.s32 @!p0 $0xFFFFF086;
	s6 =	sadd.s32 @!p0 s3, s7;
	s7 =	simm.s32 @!p0 $0x108  }
0x21: {  	s3 =	sadd.s32 s3, s9;
	s6 =	sadd.s32 @!p0 $0x88, s6;
	s7 =	simm.s32 @p2 $0x1082  }
0x22: {  	[simem:s7], [sflag:s8] =	dma.local @!p0 [hbm:s6], $0xF7A  }
0x23: {  	s9 =	sor.u32 $0xD0000000, s2;
	s6 =	simm.s32 $0x108;
	_ =	swait.ge @!p0 [sflag:s8], $0x0  }
0x24: {  	s3 =	sadd.s32 $0x88, s3;
	s6 =	simm.s32 @!p1 $0x1082;
	[sflag:s4] =	ssyncset.s32 $0xFFFFF086  }
0x25: {  	[simem:s6], [sflag:s4] =	dma.local [hbm:s3], $0xF7A  }
0x26: {  	[smem:$0x3F9B] =	sst s1;
	(tag) =	ssettag s2;
	_ =	strace s9  }
0x27: {  	s1 =	sld [smem:$0x3FAB]  }
0x28: {  	s2 =	sld [smem:$0x3FAC]  }
0x29: {  	s4 =	sld [smem:$0x3FAE]  }
0x2a: {  	p0 =	seq.s32 s5, $0x0;
	s5 =	sld [smem:$0x3FAF]  }
0x2b: {  	s6 =	sld [smem:$0x3FB0]  }
0x2c: {  	s7 =	sld [smem:$0x3FB1]  }
0x2d: {  	s3 =	simm.s32 $0x108;
	s8 =	sld [smem:$0x3FB2]  }
0x2e: {  	s3 =	simm.s32 @!p0 $0x1082;
	s9 =	sld [smem:$0x3FB3]  }
0x2f: {  	lr =	sadd.s32 s0, s3;
	s0 =	sld [smem:$0x3FAA]  }
0x30: {  	s3 =	sld [smem:$0x3FAD]  }
0x31: {  	[smem:$0x3FB6] =	sst s10  }
0x32: {  	s10 =	sld [smem:$0x3FB4];
	_ =	sdelay $0x3  }
0x33: {  	p0 =	seq.s32 s10, $0x1;
	s10 =	sld [smem:$0x3FB6];
	_ =	sdelay $0x3  }
0x34: {  	[smem:$0x3FB6] =	sst s10  }
0x35: {  	s10 =	sld [smem:$0x3FB5];
	_ =	sdelay $0x3  }
0x36: {  	p1 =	seq.s32 s10, $0x1;
	s10 =	sld [smem:$0x3FB6];
	_ =	sdelay $0x3  }
0x37: {  	[smem:$0x3FB6] =	sst s10  }
0x38: {  	s10 =	sld [smem:$0x3FB7]  }
0x39: {  	_ = 	snop;
	(pc) =	sbr.ind lr, $3  }
0x3a: {  	_ = 	snop  }
0x3b: {  	_ = 	snop  }
0x3c: {  	p2 =	seq.s32 s10, $0x1;
	s10 =	sld [smem:$0x3FB6]  }
0x3d: {  	_ =	shalt  }
0x3e: {  	_ =	shalt  }
0x3f: {  	_ =	shalt  }
0x40: {  	_ =	shalt  }
0x41: {  	_ =	shalt  }
0x42: {  	_ =	shalt  }
0x43: {  	_ =	shalt  }
0x44: {  	_ =	shalt  }
0x45: {  	_ =	shalt  }
0x46: {  	_ =	shalt  }
0x47: {  	_ =	shalt  }
0x48: {  	_ =	shalt  }
0x49: {  	_ =	shalt  }
0x4a: {  	_ =	shalt  }
0x4b: {  	_ =	shalt  }
0x4c: {  	_ =	shalt  }
0x4d: {  	_ =	shalt  }
0x4e: {  	_ =	shalt  }
0x4f: {  	_ =	shalt  }
0x50: {  	_ =	shalt  }
0x51: {  	_ =	shalt  }
0x52: {  	_ =	shalt  }
0x53: {  	_ =	shalt  }
0x54: {  	_ =	shalt  }
0x55: {  	_ =	shalt  }
0x56: {  	_ =	shalt  }
0x57: {  	_ =	shalt  }
0x58: {  	_ =	shalt  }
0x59: {  	_ =	shalt  }
0x5a: {  	_ =	shalt  }
0x5b: {  	_ =	shalt  }
0x5c: {  	_ =	shalt  }
0x5d: {  	_ =	shalt  }
0x5e: {  	_ =	shalt  }
0x5f: {  	_ =	shalt  }
0x60: {  	_ =	shalt  }
0x61: {  	_ =	shalt  }
0x62: {  	_ =	shalt  }
0x63: {  	_ =	shalt  }
0x64: {  	_ =	shalt  }
0x65: {  	_ =	shalt  }
0x66: {  	_ =	shalt  }
0x67: {  	_ =	shalt  }
0x68: {  	_ =	shalt  }
0x69: {  	_ =	shalt  }
0x6a: {  	_ =	shalt  }
0x6b: {  	_ =	shalt  }
0x6c: {  	_ =	shalt  }
0x6d: {  	_ =	shalt  }
0x6e: {  	_ =	shalt  }
0x6f: {  	_ =	shalt  }
0x70: {  	_ =	shalt  }
0x71: {  	_ =	shalt  }
0x72: {  	_ =	shalt  }
0x73: {  	_ =	shalt  }
0x74: {  	_ =	shalt  }
0x75: {  	_ =	shalt  }
0x76: {  	_ =	shalt  }
0x77: {  	_ =	shalt  }
0x78: {  	_ =	shalt  }
0x79: {  	_ =	shalt  }
0x7a: {  	_ =	shalt  }
0x7b: {  	_ =	shalt  }
0x7c: {  	_ =	shalt  }
0x7d: {  	_ =	shalt  }
0x7e: {  	_ =	shalt  }
0x7f: {  	_ =	shalt  }
0x80: {  	_ =	shalt  }
0x81: {  	_ =	shalt  }
0x82: {  	_ =	shalt  }
0x83: {  	_ =	shalt  }
0x84: {  	_ =	shalt  }
0x85: {  	_ =	shalt  }
0x86: {  	_ =	shalt  }
0x87: {  	_ =	shalt  }
.Lfunc_end0:
.L_simem_size_0:
called_computation.1_lowered:
.L_overlay_start_0:
0x88: {  	s2 =	sld [smem:$0x3FD9]  }
0x89: {  	s3 =	sld [smem:$0x3FFE];
	_ =	sdelay $0x1  }
0x8a: {  	s1 =	srdreg.scid  }
0x8b: {  	s0 =	sand.u32 $0x1, s1  }
0x8c: {  	s16 =	sshll.u32 s0, $0xA;
	s2 =	sadd.s32 s3, s2  }
0x8d: {  	s2 =	sadd.s32 s2, s16  }
0x8e: {  	[smem:$0x3FC2] =	sst s2  }
0x8f: {  	_ = 	snop  }
0x90: {  	(tm) =	ssettm $0x1  }
0x91: {  	s17 =	sld [smem:$0x3FFB];
	_ =	sdelay $0x3  }
0x92: {  	_ =	strace s17  }
0x93: {  	s2 =	sld [smem:$0x3FFC];
	_ =	sdelay $0x3  }
0x94: {  	_ =	strace s2  }
0x95: {  	s2 =	sld [smem:$0x3FFD];
	_ =	sdelay $0x3  }
0x96: {  	_ =	strace s2  }
0x97: {  	_ =	strace $0x8FFFFFFF  }
0x98: {  	s18 =	sld [smem:$0x3FDB];
	_ =	sdelay $0x1  }
0x99: {  	s19 =	simm.s32 $_scs_section_size  }
0x9a: {  	s4 =	simm.s32 $_size__tile_overlayer_lowered;
	s5 =	simm.s32 $_tile_overlayer_lowered  }
0x9b: {  	s22 =	simm.s32 $0x1BFF;
	s21 =	sshll.u32 s5, $0x1;
	s2 =	sadd.s32 s19, s18  }
0x9c: {  	s6 =	simm.s32 $0x0;
	s20 =	sshll.u32 s4, $0x1;
	s4 =	sadd.s32 s21, s2  }
0x9d: {  	[timem:s6], [sflag:s22] =	dma.local [hbm:s4], s20  }
0x9e: {  	_ =	swait.ge [sflag:s22], s20  }
0x9f: {  	s3 =	ssub.s32 $0x0, s20;
	[sflag:s22] =	ssyncset.done $0x0  }
0xa0: {  	[sflag:s22] =	ssyncadd.s32 s3;
	_ =	sdelay $0x1  }
0xa1: {  	s23 =	simm.s32 $0x1B8B  }
0xa2: {  	_ =	swait.ge [sflag:s23], $0x1  }
0xa3: {  	[sflag:s23] =	ssyncset.done $0x0  }
0xa4: {  	s25 =	simm.s32 $0x1B8E;
	s24 =	sld [smem:$0x3FFE];
	[sflag:s23] =	ssyncadd.s32 $0xFFFFFFFF  }
0xa5: {  	s26 =	simm.s32 $execute0_lowered;
	[smem:$0x3FD2] =	sst s25  }
0xa6: {  	s4 =	sshll.u32 s26, $0x1;
	_ =	strace $0x80000049;
	[dreg:$0x1] =	wrdreg $0xFFFFFFFF  }
0xa7: {  	s28 =	simm.s32 $_size_execute0_lowered;
	s2 =	sadd.s32 s2, s4;
	[dreg:$0x0] =	wrdreg $0x0  }
0xa8: {  	s4 =	sshll.u32 s28, $0x1;
	[dreg:$0x2] =	wrdreg s2  }
0xa9: {  	[dreg:$0x3] =	wrdreg s4  }
0xaa: {  	[dreg:$0x4] =	wrdreg $0xC0  }
0xab: {  	_ =	task [dreg:s6], $0x5FFFF  }
0xac: {  	[dreg:$0x1] =	wrdreg $0xFFFFFFFF  }
0xad: {  	[dreg:$0x0] =	wrdreg $0x60  }
0xae: {  	[dreg:$0x2] =	wrdreg s24  }
0xaf: {  	[dreg:$0x3] =	wrdreg $0x1C5200  }
0xb0: {  	[dreg:$0x4] =	wrdreg $0x9  }
0xb1: {  	_ =	task.clear_ibuf [dreg:s6], $0x5FFFF;
	_ =	strace $0x90000049  }
0xb2: {  	s29 =	simm.s32 $0x9;
	_ =	strace $0x8000004B  }
0xb3: {  	_ =	swait.ge [sflag:s29], $0x1  }
0xb4: {  	[sflag:s29] =	ssyncadd.s32 $0xFFFFFFFF  }
0xb5: {  	_ =	strace $0x9000004B  }
0xb6: {  	_ =	sfence  }
0xb7: {  	s30 =	sld [smem:$0x0];
	_ =	sdelay $0x2  }
0xb8: {  	s31 =	sshll.u32 s1, $0xD;
	s1 =	sshrl.u32 s1, $0x2  }
0xb9: {  	s3 =	sand.u32 $0x4000, s31;
	s1 =	sadd.s32 s1, s30  }
0xba: {  	s0 =	sor.u32 s3, s0;
	s1 =	sshll.u32 s1, $0x11  }
0xbb: {  	s0 =	sor.u32 s1, s0  }
0xbc: {  	s0 =	sadd.s32 $0x8F2B, s0  }
0xbd: {  	[sflag:s0] =	ssyncadd.remote.s32 $0x1  }
0xbe: {  	_ =	sfence.sel $0xFFFF  }
0xbf: {  	[dreg:$0x0] =	wrdreg $0xFFFFFFFF;
	(pc) =	sbr.abs _section_cstart, $3  }
0xc0: {  	[dreg:$0x1] =	wrdreg $0xFFFFFFFF  }
0xc1: {  	_ =	task.clear_ibuf [dreg:s6], $0x2FFFF;
	_ =	strace $0x9FFFFFFF  }
0xc2: {  	(tm) =	ssettm $0x7FFFFFFF  }
0xc3: {  	_ =	shalt  }
tec
execute0_lowered:
.L_overlay_start_1:
0x0: {  	(tag) =	ssettag $0x1  }
0x1: {  	s0 =	srdreg.scid  }
0x2: {  	s1 =	rddreg [dreg:$0x0];
	s7 =	stileid.u32  }
0x3: {  	s2 =	rddreg [dreg:$0x1];
	s4 =	simm.s32 $0x0;
	s18 =	simm.s32 $0x2710  }
0x4: {  	s19 =	simm.s32 $0x7D0;
	s28 =	simm.s32 $0x14820;
	s29 =	simm.s32 $0x6  }
0x5: {  	s30 =	simm.s32 $0x1;
	s31 =	simm.s32 $0x4E20;
	s0 =	sand.u32 $0x1, s0  }
0x6: {  	[smem:$0x7FF] =	sst s4;
	s5 =	smul.u32 $0x500, s7;
	s4 =	sadd.s32 $0x16600, s1  }
0x7: {  	s24 =	smul.u32 $0xA000, s7;
	s3 =	sshll.u32 s0, $0x4;
	_ =	strace $0x8000004A  }
0x8: {  	s6 =	smul.u32 $0x5000, s0;
	s0 =	ssub.s32 $0x2, s0;
	s3 =	sor.u32 s7, s3  }
0x9: {  	s20 =	sshrl.u32 s0, $0x1;
	s7 =	simm.s32 $0x0;
	s3 =	smul.u32 $0x2710, s3  }
0xa: {  	s5 =	sadd.s32 s5, s6;
	s0 =	ssub.s32 s0, s20;
	s20 =	simm.s32 $0x2EE0  }
0xb: {  	s6 =	simm.s32 $0x5;
	s17 =	smax.u32 s0, $0x1;
	s3 =	sshrl.u32 s3, $0x3  }
0xc: {  	s0 =	simm.s32 $0xCB20;
	s3 =	sadd.s32 s3, s1;
	s1 =	sadd.s32 s5, s1  }
0xd: {  	s5 =	sshrl.u32 s24, $0x2;
	s24 =	simm.s32 $0x3E80;
	s21 =	sadd.s32 $0x2C00, s3  }
0xe: {  	s22 =	sadd.s32 $0xC840, s3;
	s23 =	sadd.s32 $0x2CFA, s3;
	s25 =	sadd.s32 $0xC93A, s3  }
0xf: {  	s26 =	sadd.s32 $0x2DF4, s3;
	s10 =	sadd.s32 $0xCA34, s3;
	s11 =	sadd.s32 $0x2EEE, s3  }
0x10: {  	s12 =	sadd.s32 $0xCB2E, s3;
	s13 =	sadd.s32 $0x2FE8, s3;
	[dreg:$0x3] =	wrdreg s21  }
0x11: {  	s14 =	sadd.s32 $0xCC28, s3;
	s15 =	sadd.s32 s5, s2;
	[dreg:$0x4] =	wrdreg s22  }
0x12: {  	s16 =	sadd.s32 $0x1B600, s1;
	s1 =	simm.s32 $0x2;
	[dreg:$0x5] =	wrdreg s23  }
0x13: {  	s3 =	simm.s32 $0x3;
	s5 =	simm.s32 $0x4;
	[dreg:$0x6] =	wrdreg s25  }
0x14: {  	[dreg:$0x7] =	wrdreg s26;
	s21 =	simm.s32 $0xFA0;
	s22 =	simm.s32 $0x36B0  }
0x15: {  	v0 =	vimm.f32 $0.0e+00;
	s23 =	simm.s32 $0x1770;
	s25 =	simm.s32 $0x1F40;
	s26 =	simm.s32 $0x4650  }
.LBB2_1:
0x16: {  	s8 =	simm.s32 $0x40;
	s9 =	simm.s32 $0x0  }
.LBB2_2:
0x17: {  	p0 =	sne.s32 s8, $0x9FC0;
	[tilespmem:s9+$0x14820] =	vst v0;
	s9 =	smov.u32 s8;
	s8 =	sadd.s32 $0x40, s8  }
.Ltmp0:
0x18: {  	(pc) =	sbr.rel @p0 .LBB2_2-.Ltmp0, $2  }
0x19: {  	_ =	sdelay $0x2  }
0x1a: {  	s9 =	sshra.s32 s9, $0x2  }
0x1b: {  	[tilespmem:s9+$0x14820] =	vst v0;
	s8 =	simm.s32 $0x0;
	s9 =	rddreg [dreg:$0x3]  }
0x1c: {  	[tilespmem:s8], [sflag:$0x1] =	stream.linear.gather [hbm4b:s9+s8], $0x7D0, $0x38;
	[tilespmem:$0x1ED20] =	vst v63  }
0x1d: {  	s9 =	rddreg [dreg:$0x4]  }
0x1e: {  	[tilespmem:s18], [sflag:$0x1] =	stream.linear.gather [hbm4b:s9+s8], $0x7D0, $0x38;
	[tilespmem:$0x1ED20] =	vst v63  }
0x1f: {  	s9 =	rddreg [dreg:$0x5]  }
0x20: {  	[tilespmem:s19], [sflag:$0x1] =	stream.linear.gather [hbm4b:s9+s8], $0x7D0, $0x38;
	[tilespmem:$0x1ED20] =	vst v63  }
0x21: {  	s9 =	rddreg [dreg:$0x6]  }
0x22: {  	[tilespmem:s20], [sflag:$0x1] =	stream.linear.gather [hbm4b:s9+s8], $0x7D0, $0x38;
	[tilespmem:$0x1ED20] =	vst v63  }
0x23: {  	s9 =	rddreg [dreg:$0x7]  }
0x24: {  	[tilespmem:s21], [sflag:$0x1] =	stream.linear.gather [hbm4b:s9+s8], $0x7D0, $0x38;
	[tilespmem:$0x1ED20] =	vst v63  }
0x25: {  	_ = 	snop  }
0x26: {  	[tilespmem:s22], [sflag:$0x1] =	stream.linear.gather [hbm4b:s10+s8], $0x7D0, $0x38;
	[tilespmem:$0x1ED20] =	vst v63  }
0x27: {  	_ = 	snop  }
0x28: {  	[tilespmem:s23], [sflag:$0x1] =	stream.linear.gather [hbm4b:s11+s8], $0x7D0, $0x38;
	[tilespmem:$0x1ED20] =	vst v63  }
0x29: {  	_ = 	snop  }
0x2a: {  	[tilespmem:s24], [sflag:$0x1] =	stream.linear.gather [hbm4b:s12+s8], $0x7D0, $0x38;
	[tilespmem:$0x1ED20] =	vst v63  }
0x2b: {  	_ = 	snop  }
0x2c: {  	[tilespmem:s25], [sflag:$0x1] =	stream.linear.gather [hbm4b:s13+s8], $0x7D0, $0x38;
	[tilespmem:$0x1ED20] =	vst v63  }
0x2d: {  	_ = 	snop  }
0x2e: {  	[tilespmem:s26], [sflag:$0x1] =	stream.linear.gather [hbm4b:s14+s8], $0x7D0, $0x38;
	[tilespmem:$0x1ED20] =	vst v63  }
0x2f: {  	_ = 	snop  }
0x30: {  	[spmem:s15] =	stream.linear.scatter [tilespmem:s28], [sflag:$0x6], $0x2800, $0x38;
	[tilespmem:$0x1ED20] =	vst v63  }
0x31: {  	_ =	swait.ge [sflag:s29], $0x2800  }
0x32: {  	[sflag:s29] =	ssyncset.done $0x0  }
0x33: {  	[sflag:s29] =	ssyncadd.s32 $0xFFFFD800  }
0x34: {  	_ =	swait.ge [sflag:s30], $0x7D0  }
0x35: {  	[sflag:s30] =	ssyncset.done $0x0  }
0x36: {  	s9 =	simm.s32 $0x40;
	s8 =	simm.s32 $0x0;
	[sflag:s30] =	ssyncadd.s32 $0xFFFFF830  }
.LBB2_4:
0x37: {  	p0 =	sne.s32 s9, $0x1F00;
	v1 =	vld [tilespmem:s8+$0x0];
	_ =	sdelay $0x4  }
0x38: {  	v2 =	vshrl.u32 v1, $0x8  }
0x39: {  	v2 =	vmul.u32 $0x3334, v2;
	_ =	sdelay $0x1  }
.Ltmp1:
0x3a: {  	v2 =	vshrl.u32 v2, $0x10;
	(pc) =	sbr.rel @p0 .LBB2_4-.Ltmp1, $4  }
0x3b: {  	v2 =	vmul.u32 $0xFFFFD801, v2  }
0x3c: {  	v1 =	vshll.u32 v1, $0x3  }
0x3d: {  	v1 =	vadd.s32 v1, v2  }
0x3e: {  	[tilespmem:s8+$0x0] =	vst v1;
	s8 =	sshra.s32 s9, $0x2;
	s9 =	sadd.s32 $0x40, s9  }
0x3f: {  	v1 =	vld [tilespmem:s8+$0x0];
	_ =	sdelay $0x4  }
0x40: {  	v2 =	vshrl.u32 v1, $0x8  }
0x41: {  	v2 =	vmul.u32 $0x3334, v2;
	_ =	sdelay $0x1  }
0x42: {  	v2 =	vshrl.u32 v2, $0x10  }
0x43: {  	v2 =	vmul.u32 $0xFFFFD801, v2  }
0x44: {  	v1 =	vshll.u32 v1, $0x3  }
0x45: {  	v1 =	vadd.s32 v1, v2  }
0x46: {  	[tilespmem:s8+$0x0] =	vst v1  }
0x47: {  	_ =	swait.ge [sflag:s30], $0x7D0  }
0x48: {  	[sflag:s30] =	ssyncset.done $0x0  }
0x49: {  	[sflag:s30] =	ssyncadd.s32 $0xFFFFF830  }
0x4a: {  	_ =	swait.ge [sflag:s30], $0x7D0  }
0x4b: {  	[sflag:s30] =	ssyncset.done $0x0  }
0x4c: {  	[sflag:s30] =	ssyncadd.s32 $0xFFFFF830  }
0x4d: {  	_ =	swait.ge [sflag:s30], $0x7D0  }
0x4e: {  	[sflag:s30] =	ssyncset.done $0x0  }
0x4f: {  	[sflag:s30] =	ssyncadd.s32 $0xFFFFF830  }
0x50: {  	_ =	swait.ge [sflag:s30], $0x7D0  }
0x51: {  	[sflag:s30] =	ssyncset.done $0x0  }
0x52: {  	[sflag:s30] =	ssyncadd.s32 $0xFFFFF830  }
0x53: {  	_ =	swait.ge [sflag:s30], $0x7D0  }
0x54: {  	[sflag:s30] =	ssyncset.done $0x0  }
0x55: {  	[sflag:s30] =	ssyncadd.s32 $0xFFFFF830  }
0x56: {  	_ =	swait.ge [sflag:s30], $0x7D0  }
0x57: {  	[sflag:s30] =	ssyncset.done $0x0  }
0x58: {  	[sflag:s30] =	ssyncadd.s32 $0xFFFFF830  }
0x59: {  	_ =	swait.ge [sflag:s30], $0x7D0  }
0x5a: {  	[sflag:s30] =	ssyncset.done $0x0  }
0x5b: {  	[sflag:s30] =	ssyncadd.s32 $0xFFFFF830  }
0x5c: {  	_ =	swait.ge [sflag:s30], $0x7D0  }
0x5d: {  	[sflag:s30] =	ssyncset.done $0x0  }
0x5e: {  	[sflag:s30] =	ssyncadd.s32 $0xFFFFF830  }
0x5f: {  	_ =	swait.ge [sflag:s30], $0x7D0  }
0x60: {  	[sflag:s30] =	ssyncset.done $0x0  }
0x61: {  	[sflag:s30] =	ssyncadd.s32 $0xFFFFF830  }
0x62: {  	s9 =	simm.s32 $0x0;
	[bflag:$0x0] =	sbarrier.arrive $0xFFFF  }
0x63: {  	[tilespmem:s31], [sflag:$0x2] =	stream.indirect.gather [hbm4b:s4+s19], $0x10, s9, s19, $0xb8;
	[tilespmem:$0x1ED20] =	vst v63  }
0x64: {  	s8 =	simm.s32 $0x0;
	s9 =	simm.s32 $0x40  }
.LBB2_6:
0x65: {  	p0 =	sne.s32 s9, $0x1F00;
	v1 =	vld [tilespmem:s8+$0x2710];
	_ =	sdelay $0x4  }
0x66: {  	v2 =	vshrl.u32 v1, $0x8  }
0x67: {  	v2 =	vmul.u32 $0x3334, v2;
	_ =	sdelay $0x1  }
.Ltmp2:
0x68: {  	v2 =	vshrl.u32 v2, $0x10;
	(pc) =	sbr.rel @p0 .LBB2_6-.Ltmp2, $4  }
0x69: {  	v2 =	vmul.u32 $0xFFFFD801, v2  }
0x6a: {  	v1 =	vshll.u32 v1, $0x3  }
0x6b: {  	v1 =	vadd.s32 v1, v2  }
0x6c: {  	[tilespmem:s8+$0x2710] =	vst v1;
	s8 =	sshra.s32 s9, $0x2;
	s9 =	sadd.s32 $0x40, s9  }
0x6d: {  	v1 =	vld [tilespmem:s8+$0x2710];
	_ =	sdelay $0x4  }
0x6e: {  	v2 =	vshrl.u32 v1, $0x8  }
0x6f: {  	v2 =	vmul.u32 $0x3334, v2;
	_ =	sdelay $0x1  }
0x70: {  	v2 =	vshrl.u32 v2, $0x10  }
0x71: {  	v2 =	vmul.u32 $0xFFFFD801, v2  }
0x72: {  	v1 =	vshll.u32 v1, $0x3  }
0x73: {  	v1 =	vadd.s32 v1, v2  }
0x74: {  	s9 =	simm.s32 $0x40;
	[tilespmem:s8+$0x2710] =	vst v1;
	s8 =	simm.s32 $0x0  }
.LBB2_8:
0x75: {  	p0 =	sne.s32 s9, $0x1F00;
	v1 =	vld [tilespmem:s8+$0x7D0];
	_ =	sdelay $0x4  }
0x76: {  	v2 =	vshrl.u32 v1, $0x8  }
0x77: {  	v2 =	vmul.u32 $0x3334, v2;
	_ =	sdelay $0x1  }
.Ltmp3:
0x78: {  	v2 =	vshrl.u32 v2, $0x10;
	(pc) =	sbr.rel @p0 .LBB2_8-.Ltmp3, $4  }
0x79: {  	v2 =	vmul.u32 $0xFFFFD801, v2  }
0x7a: {  	v1 =	vshll.u32 v1, $0x3  }
0x7b: {  	v1 =	vadd.s32 v1, v2  }
0x7c: {  	[tilespmem:s8+$0x7D0] =	vst v1;
	s8 =	sshra.s32 s9, $0x2;
	s9 =	sadd.s32 $0x40, s9  }
0x7d: {  	v1 =	vld [tilespmem:s8+$0x7D0];
	_ =	sdelay $0x4  }
0x7e: {  	v2 =	vshrl.u32 v1, $0x8  }
0x7f: {  	v2 =	vmul.u32 $0x3334, v2;
	_ =	sdelay $0x1  }
0x80: {  	v2 =	vshrl.u32 v2, $0x10  }
0x81: {  	v2 =	vmul.u32 $0xFFFFD801, v2  }
0x82: {  	v1 =	vshll.u32 v1, $0x3  }
0x83: {  	v1 =	vadd.s32 v1, v2  }
0x84: {  	s9 =	simm.s32 $0x40;
	[tilespmem:s8+$0x7D0] =	vst v1;
	s8 =	simm.s32 $0x0  }
.LBB2_10:
0x85: {  	p0 =	sne.s32 s9, $0x1F00;
	v1 =	vld [tilespmem:s8+$0x2EE0];
	_ =	sdelay $0x4  }
0x86: {  	v2 =	vshrl.u32 v1, $0x8  }
0x87: {  	v2 =	vmul.u32 $0x3334, v2;
	_ =	sdelay $0x1  }
.Ltmp4:
0x88: {  	v2 =	vshrl.u32 v2, $0x10;
	(pc) =	sbr.rel @p0 .LBB2_10-.Ltmp4, $4  }
0x89: {  	v2 =	vmul.u32 $0xFFFFD801, v2  }
0x8a: {  	v1 =	vshll.u32 v1, $0x3  }
0x8b: {  	v1 =	vadd.s32 v1, v2  }
0x8c: {  	[tilespmem:s8+$0x2EE0] =	vst v1;
	s8 =	sshra.s32 s9, $0x2;
	s9 =	sadd.s32 $0x40, s9  }
0x8d: {  	v1 =	vld [tilespmem:s8+$0x2EE0];
	_ =	sdelay $0x4  }
0x8e: {  	v2 =	vshrl.u32 v1, $0x8  }
0x8f: {  	v2 =	vmul.u32 $0x3334, v2;
	_ =	sdelay $0x1  }
0x90: {  	v2 =	vshrl.u32 v2, $0x10  }
0x91: {  	v2 =	vmul.u32 $0xFFFFD801, v2  }
0x92: {  	v1 =	vshll.u32 v1, $0x3  }
0x93: {  	v1 =	vadd.s32 v1, v2  }
0x94: {  	[tilespmem:s8+$0x2EE0] =	vst v1  }
0x95: {  	_ =	swait.ge [sflag:s1], $0x7D00  }
0x96: {  	[sflag:s1] =	ssyncset.done $0x0  }
0x97: {  	[sflag:s1] =	ssyncadd.s32 $0xFFFF8300  }
0x98: {  	[tilespmem:s0], [sflag:$0x3] =	stream.indirect.gather [hbm4b:s4+s19], $0x10, s19, s19, $0xb8;
	[tilespmem:$0x1ED20] =	vst v63  }
0x99: {  	s9 =	simm.s32 $0x40;
	s8 =	simm.s32 $0x0  }
0x9a: {  	[spmem:s2] =	stream.indirect.scatter.add.f32 [tilespmem:s31], [sflag:$0x5], $0x10, s18, s19, $0xb8;
	[tilespmem:$0x1ED20] =	vst v63  }
.LBB2_12:
0x9b: {  	p0 =	sne.s32 s9, $0x1F00;
	v1 =	vld [tilespmem:s8+$0xFA0];
	_ =	sdelay $0x4  }
0x9c: {  	v2 =	vshrl.u32 v1, $0x8  }
0x9d: {  	v2 =	vmul.u32 $0x3334, v2;
	_ =	sdelay $0x1  }
.Ltmp5:
0x9e: {  	v2 =	vshrl.u32 v2, $0x10;
	(pc) =	sbr.rel @p0 .LBB2_12-.Ltmp5, $4  }
0x9f: {  	v2 =	vmul.u32 $0xFFFFD801, v2  }
0xa0: {  	v1 =	vshll.u32 v1, $0x3  }
0xa1: {  	v1 =	vadd.s32 v1, v2  }
0xa2: {  	[tilespmem:s8+$0xFA0] =	vst v1;
	s8 =	sshra.s32 s9, $0x2;
	s9 =	sadd.s32 $0x40, s9  }
0xa3: {  	v1 =	vld [tilespmem:s8+$0xFA0];
	_ =	sdelay $0x4  }
0xa4: {  	v2 =	vshrl.u32 v1, $0x8  }
0xa5: {  	v2 =	vmul.u32 $0x3334, v2;
	_ =	sdelay $0x1  }
0xa6: {  	v2 =	vshrl.u32 v2, $0x10  }
0xa7: {  	v2 =	vmul.u32 $0xFFFFD801, v2  }
0xa8: {  	v1 =	vshll.u32 v1, $0x3  }
0xa9: {  	v1 =	vadd.s32 v1, v2  }
0xaa: {  	s9 =	simm.s32 $0x40;
	[tilespmem:s8+$0xFA0] =	vst v1;
	s8 =	simm.s32 $0x0  }
.LBB2_14:
0xab: {  	p0 =	sne.s32 s9, $0x1F00;
	v1 =	vld [tilespmem:s8+$0x36B0];
	_ =	sdelay $0x4  }
0xac: {  	v2 =	vshrl.u32 v1, $0x8  }
0xad: {  	v2 =	vmul.u32 $0x3334, v2;
	_ =	sdelay $0x1  }
.Ltmp6:
0xae: {  	v2 =	vshrl.u32 v2, $0x10;
	(pc) =	sbr.rel @p0 .LBB2_14-.Ltmp6, $4  }
0xaf: {  	v2 =	vmul.u32 $0xFFFFD801, v2  }
0xb0: {  	v1 =	vshll.u32 v1, $0x3  }
0xb1: {  	v1 =	vadd.s32 v1, v2  }
0xb2: {  	[tilespmem:s8+$0x36B0] =	vst v1;
	s8 =	sshra.s32 s9, $0x2;
	s9 =	sadd.s32 $0x40, s9  }
0xb3: {  	v1 =	vld [tilespmem:s8+$0x36B0];
	_ =	sdelay $0x4  }
0xb4: {  	v2 =	vshrl.u32 v1, $0x8  }
0xb5: {  	v2 =	vmul.u32 $0x3334, v2;
	_ =	sdelay $0x1  }
0xb6: {  	v2 =	vshrl.u32 v2, $0x10  }
0xb7: {  	v2 =	vmul.u32 $0xFFFFD801, v2  }
0xb8: {  	v1 =	vshll.u32 v1, $0x3  }
0xb9: {  	v1 =	vadd.s32 v1, v2  }
0xba: {  	[tilespmem:s8+$0x36B0] =	vst v1  }
0xbb: {  	_ =	swait.ge [sflag:s3], $0x7D00  }
0xbc: {  	[sflag:s3] =	ssyncset.done $0x0  }
0xbd: {  	[sflag:s3] =	ssyncadd.s32 $0xFFFF8300  }
0xbe: {  	[tilespmem:s28], [sflag:$0x4] =	stream.indirect.gather [hbm4b:s4+s19], $0x10, s21, s19, $0xb8;
	[tilespmem:$0x1ED20] =	vst v63  }
0xbf: {  	s9 =	simm.s32 $0x40;
	s8 =	simm.s32 $0x0  }
0xc0: {  	[spmem:s2] =	stream.indirect.scatter.add.f32 [tilespmem:s0], [sflag:$0x5], $0x10, s20, s19, $0xb8;
	[tilespmem:$0x1ED20] =	vst v63  }
.LBB2_16:
0xc1: {  	p0 =	sne.s32 s9, $0x1F00;
	v1 =	vld [tilespmem:s8+$0x1770];
	_ =	sdelay $0x4  }
0xc2: {  	v2 =	vshrl.u32 v1, $0x8  }
0xc3: {  	v2 =	vmul.u32 $0x3334, v2;
	_ =	sdelay $0x1  }
.Ltmp7:
0xc4: {  	v2 =	vshrl.u32 v2, $0x10;
	(pc) =	sbr.rel @p0 .LBB2_16-.Ltmp7, $4  }
0xc5: {  	v2 =	vmul.u32 $0xFFFFD801, v2  }
0xc6: {  	v1 =	vshll.u32 v1, $0x3  }
0xc7: {  	v1 =	vadd.s32 v1, v2  }
0xc8: {  	[tilespmem:s8+$0x1770] =	vst v1;
	s8 =	sshra.s32 s9, $0x2;
	s9 =	sadd.s32 $0x40, s9  }
0xc9: {  	v1 =	vld [tilespmem:s8+$0x1770];
	_ =	sdelay $0x4  }
0xca: {  	v2 =	vshrl.u32 v1, $0x8  }
0xcb: {  	v2 =	vmul.u32 $0x3334, v2;
	_ =	sdelay $0x1  }
0xcc: {  	v2 =	vshrl.u32 v2, $0x10  }
0xcd: {  	v2 =	vmul.u32 $0xFFFFD801, v2  }
0xce: {  	v1 =	vshll.u32 v1, $0x3  }
0xcf: {  	v1 =	vadd.s32 v1, v2  }
0xd0: {  	s9 =	simm.s32 $0x40;
	[tilespmem:s8+$0x1770] =	vst v1;
	s8 =	simm.s32 $0x0  }
.LBB2_18:
0xd1: {  	p0 =	sne.s32 s9, $0x1F00;
	v1 =	vld [tilespmem:s8+$0x3E80];
	_ =	sdelay $0x4  }
0xd2: {  	v2 =	vshrl.u32 v1, $0x8  }
0xd3: {  	v2 =	vmul.u32 $0x3334, v2;
	_ =	sdelay $0x1  }
.Ltmp8:
0xd4: {  	v2 =	vshrl.u32 v2, $0x10;
	(pc) =	sbr.rel @p0 .LBB2_18-.Ltmp8, $4  }
0xd5: {  	v2 =	vmul.u32 $0xFFFFD801, v2  }
0xd6: {  	v1 =	vshll.u32 v1, $0x3  }
0xd7: {  	v1 =	vadd.s32 v1, v2  }
0xd8: {  	[tilespmem:s8+$0x3E80] =	vst v1;
	s8 =	sshra.s32 s9, $0x2;
	s9 =	sadd.s32 $0x40, s9  }
0xd9: {  	v1 =	vld [tilespmem:s8+$0x3E80];
	_ =	sdelay $0x4  }
0xda: {  	v2 =	vshrl.u32 v1, $0x8  }
0xdb: {  	v2 =	vmul.u32 $0x3334, v2;
	_ =	sdelay $0x1  }
0xdc: {  	v2 =	vshrl.u32 v2, $0x10  }
0xdd: {  	v2 =	vmul.u32 $0xFFFFD801, v2  }
0xde: {  	v1 =	vshll.u32 v1, $0x3  }
0xdf: {  	v1 =	vadd.s32 v1, v2  }
0xe0: {  	[tilespmem:s8+$0x3E80] =	vst v1  }
0xe1: {  	_ =	swait.ge [sflag:s5], $0x7D00  }
0xe2: {  	[sflag:s5] =	ssyncset.done $0x0  }
0xe3: {  	[sflag:s5] =	ssyncadd.s32 $0xFFFF8300  }
0xe4: {  	_ =	swait.ge [sflag:s6], $0x7D00  }
0xe5: {  	[sflag:s6] =	ssyncset.done $0x0  }
0xe6: {  	[sflag:s6] =	ssyncadd.s32 $0xFFFF8300  }
0xe7: {  	[tilespmem:s31], [sflag:$0x2] =	stream.indirect.gather [hbm4b:s4+s19], $0x10, s23, s19, $0xb8;
	[tilespmem:$0x1ED20] =	vst v63  }
0xe8: {  	s9 =	simm.s32 $0x40;
	s8 =	simm.s32 $0x0  }
0xe9: {  	[spmem:s2] =	stream.indirect.scatter.add.f32 [tilespmem:s28], [sflag:$0x5], $0x10, s22, s19, $0xb8;
	[tilespmem:$0x1ED20] =	vst v63  }
.LBB2_20:
0xea: {  	p0 =	sne.s32 s9, $0x1F00;
	v1 =	vld [tilespmem:s8+$0x1F40];
	_ =	sdelay $0x4  }
0xeb: {  	v2 =	vshrl.u32 v1, $0x8  }
0xec: {  	v2 =	vmul.u32 $0x3334, v2;
	_ =	sdelay $0x1  }
.Ltmp9:
0xed: {  	v2 =	vshrl.u32 v2, $0x10;
	(pc) =	sbr.rel @p0 .LBB2_20-.Ltmp9, $4  }
0xee: {  	v2 =	vmul.u32 $0xFFFFD801, v2  }
0xef: {  	v1 =	vshll.u32 v1, $0x3  }
0xf0: {  	v1 =	vadd.s32 v1, v2  }
0xf1: {  	[tilespmem:s8+$0x1F40] =	vst v1;
	s8 =	sshra.s32 s9, $0x2;
	s9 =	sadd.s32 $0x40, s9  }
0xf2: {  	v1 =	vld [tilespmem:s8+$0x1F40];
	_ =	sdelay $0x4  }
0xf3: {  	v2 =	vshrl.u32 v1, $0x8  }
0xf4: {  	v2 =	vmul.u32 $0x3334, v2;
	_ =	sdelay $0x1  }
0xf5: {  	v2 =	vshrl.u32 v2, $0x10  }
0xf6: {  	v2 =	vmul.u32 $0xFFFFD801, v2  }
0xf7: {  	v1 =	vshll.u32 v1, $0x3  }
0xf8: {  	v1 =	vadd.s32 v1, v2  }
0xf9: {  	s9 =	simm.s32 $0x40;
	[tilespmem:s8+$0x1F40] =	vst v1;
	s8 =	simm.s32 $0x0  }
.LBB2_22:
0xfa: {  	p0 =	sne.s32 s9, $0x1F00;
	v1 =	vld [tilespmem:s8+$0x4650];
	_ =	sdelay $0x4  }
0xfb: {  	v2 =	vshrl.u32 v1, $0x8  }
0xfc: {  	v2 =	vmul.u32 $0x3334, v2;
	_ =	sdelay $0x1  }
.Ltmp10:
0xfd: {  	v2 =	vshrl.u32 v2, $0x10;
	(pc) =	sbr.rel @p0 .LBB2_22-.Ltmp10, $4  }
0xfe: {  	v2 =	vmul.u32 $0xFFFFD801, v2  }
0xff: {  	v1 =	vshll.u32 v1, $0x3  }
0x100: {  	v1 =	vadd.s32 v1, v2  }
0x101: {  	[tilespmem:s8+$0x4650] =	vst v1;
	s8 =	sshra.s32 s9, $0x2;
	s9 =	sadd.s32 $0x40, s9  }
0x102: {  	v1 =	vld [tilespmem:s8+$0x4650];
	_ =	sdelay $0x4  }
0x103: {  	v2 =	vshrl.u32 v1, $0x8  }
0x104: {  	v2 =	vmul.u32 $0x3334, v2;
	_ =	sdelay $0x1  }
0x105: {  	v2 =	vshrl.u32 v2, $0x10  }
0x106: {  	v2 =	vmul.u32 $0xFFFFD801, v2  }
0x107: {  	v1 =	vshll.u32 v1, $0x3  }
0x108: {  	v1 =	vadd.s32 v1, v2  }
0x109: {  	[tilespmem:s8+$0x4650] =	vst v1  }
0x10a: {  	_ =	swait.ge [sflag:s1], $0x7D00  }
0x10b: {  	[sflag:s1] =	ssyncset.done $0x0  }
0x10c: {  	[sflag:s1] =	ssyncadd.s32 $0xFFFF8300  }
0x10d: {  	_ =	swait.ge [sflag:s6], $0x7D00  }
0x10e: {  	[sflag:s6] =	ssyncset.done $0x0  }
0x10f: {  	[sflag:s6] =	ssyncadd.s32 $0xFFFF8300  }
0x110: {  	[tilespmem:s0], [sflag:$0x3] =	stream.indirect.gather [hbm4b:s4+s19], $0x10, s25, s19, $0xb8;
	[tilespmem:$0x1ED20] =	vst v63  }
0x111: {  	_ = 	snop  }
0x112: {  	[spmem:s2] =	stream.indirect.scatter.add.f32 [tilespmem:s31], [sflag:$0x5], $0x10, s24, s19, $0xb8;
	[tilespmem:$0x1ED20] =	vst v63  }
0x113: {  	_ =	swait.ge [sflag:s3], $0x7D00  }
0x114: {  	[sflag:s3] =	ssyncset.done $0x0  }
0x115: {  	[sflag:s3] =	ssyncadd.s32 $0xFFFF8300  }
0x116: {  	_ =	swait.ge [sflag:s6], $0x7D00  }
0x117: {  	[sflag:s6] =	ssyncset.done $0x0  }
0x118: {  	[sflag:s6] =	ssyncadd.s32 $0xFFFF8300  }
0x119: {  	[spmem:s2] =	stream.indirect.scatter.add.f32 [tilespmem:s0], [sflag:$0x5], $0x10, s26, s19, $0xb8;
	[tilespmem:$0x1ED20] =	vst v63  }
0x11a: {  	_ =	swait.ge [sflag:s6], $0x7D00  }
0x11b: {  	[sflag:s6] =	ssyncset.done $0x0  }
0x11c: {  	[sflag:s6] =	ssyncadd.s32 $0xFFFF8300  }
0x11d: {  	_ =	swait.ge [sflag:s6], $0x7D00  }
0x11e: {  	[sflag:s6] =	ssyncset.done $0x0  }
0x11f: {  	[sflag:s6] =	ssyncadd.s32 $0xFFFF8300  }
0x120: {  	[bflag:$0x0] =	sbarrier.arrive $0xFFFF  }
0x121: {  	[tilespmem:s28], [sflag:$0x6] =	stream.linear.gather [spmem:s15], $0x2800, $0x38;
	[tilespmem:$0x1ED20] =	vst v63  }
0x122: {  	s7 =	sadd.s32 $0x1, s7;
	_ =	swait.ge [sflag:s29], $0x2800  }
0x123: {  	p0 =	sne.s32 s7, s17;
	[sflag:s29] =	ssyncset.done $0x0  }
.Ltmp11:
0x124: {  	s9 =	simm.s32 $0x0;
	[sflag:s29] =	ssyncadd.s32 $0xFFFFD800;
	(pc) =	sbr.rel @p0 .LBB2_1-.Ltmp11, $4  }
0x125: {  	[hbm4b:s16+s9] =	stream.linear.scatter [tilespmem:s28], [sflag:$0x6], $0x2800, $0x38;
	[tilespmem:$0x1ED20] =	vst v63  }
0x126: {  	_ =	swait.ge [sflag:s29], $0x2800  }
0x127: {  	[sflag:s29] =	ssyncset.done $0x0  }
0x128: {  	[sflag:s29] =	ssyncadd.s32 $0xFFFFD800  }
0x129: {  	_ =	sfence.sel $0x180000  }
0x12a: {  	[bflag:$0x0] =	sbarrier.arrive $0xFFFF  }
0x12b: {  	_ =	strace $0x9000004A  }
0x12c: {  	s0 =	stileid.u32;
	[bflag:$0x2] =	sbarrier.arrive $0xFFFF  }
0x12d: {  	p0 =	sne.s32 s0, $0x0;
	s0 =	rddreg [dreg:$0x2]  }
0x12e: {  	s0 =	sadd.s32 @!p0 $0x100000, s0  }
0x12f: {  	[sflag:s0] =	ssyncadd.tile.s32 @!p0 $0x1;
	_ =	shalt  }
.Lfunc_end2:
_tile_overlayer_lowered:
.L_overlay_start_2:
0x130: {  	(tag) =	ssettag $0x2  }
0x131: {  	s0 =	rddreg [dreg:$0x0];
	s2 =	stileid.u32  }
0x132: {  	s1 =	rddreg [dreg:$0x1];
	p0 =	sne.s32 s2, $0x0  }
0x133: {  	s3 =	rddreg [dreg:$0x2];
	[bflag:$0x3] =	sbarrier.arrive $0xFFFF;
	s2 =	simm.s32 @!p0 $0x1C06  }
0x134: {  	[timem:s3], [sflag:s2] =	dma.local @!p0 [hbm:s0], s1  }
0x135: {  	s0 =	simm.s32 @!p0 $0x6  }
0x136: {  	_ =	swait.ge @!p0 [sflag:s0], s1  }
0x137: {  	s1 =	ssub.s32 @!p0 $0x0, s1;
	[sflag:s0] =	ssyncset.done @!p0 $0x0  }
0x138: {  	[sflag:s0] =	ssyncadd.s32 @!p0 s1  }
0x139: {  	[bflag:$0x3] =	sbarrier.arrive $0xFFFF  }
0x13a: {  	_ =	shalt  }

// kernel: kernel.15.cloned.1.call-start
scs
__scs_entry_jumppad:
0x0: {  	(pc) =	sbr.rel $0x88, $3  }
0x1: {  	(tag) =	ssettag $0x0;
	lr =	simm.s32 $0x1  }
0x2: {  	[smem:$0x3F9B] =	sst lr;
	_ =	strace $0xD0000000  }
0x3: {  	_ = 	snop  }
0x4: {  	_ = 	snop  }
0x5: {  	_ = 	snop  }
0x6: {  	_ = 	snop  }
0x7: {  	_ = 	snop  }
__scs_overlays_trampoline_lowered:
0x8: {  	[smem:$0x3FAA] =	sst s0  }
0x9: {  	[smem:$0x3FAB] =	sst s1  }
0xa: {  	[smem:$0x3FAC] =	sst s2  }
0xb: {  	[smem:$0x3FAD] =	sst s3  }
0xc: {  	[smem:$0x3FAE] =	sst s4  }
0xd: {  	[smem:$0x3FAF] =	sst s5  }
0xe: {  	[smem:$0x3FB0] =	sst s6  }
0xf: {  	[smem:$0x3FB1] =	sst s7  }
0x10: {  	[smem:$0x3FB2] =	sst s8  }
0x11: {  	[smem:$0x3FB3] =	sst s9;
	s0 =	simm.s32 @!p0 $0x0  }
0x12: {  	s1 =	sld [smem:$0x3F99];
	s0 =	simm.s32 @p0 $0x1  }
0x13: {  	[smem:$0x3FB4] =	sst s0;
	s0 =	simm.s32 @!p1 $0x0  }
0x14: {  	s2 =	sld [smem:$0x3F98];
	s0 =	simm.s32 @p1 $0x1  }
0x15: {  	[smem:$0x3FB5] =	sst s0;
	s0 =	simm.s32 @!p2 $0x0  }
0x16: {  	s3 =	sld [smem:$0x3FDB];
	s0 =	simm.s32 @p2 $0x1  }
0x17: {  	s4 =	simm.s32 $0x1BF5;
	[smem:$0x3FB7] =	sst s0  }
0x18: {  	s0 =	sld [smem:$0x3F9A];
	_ =	swait.ge [sflag:s4], $0x0  }
0x19: {  	s7 =	sld [smem:$0x3F9B]  }
0x1a: {  	s8 =	sadd.s32 $0xFFFFE003, lr  }
0x1b: {  	s9 =	sadd.s32 $0xFFFFFEF7, lr;
	s5 =	simm.s32 $0xFFFFFFFF;
	p2 =	slt.u32 s8, $0xFFFFF086  }
0x1c: {  	p1 =	slt.u32 s9, $0xF7A;
	s5 =	simm.s32 @!p2 $0x0  }
0x1d: {  	s5 =	simm.s32 @p1 $0x1;
	p0 =	seq.s32 s7, s2  }
0x1e: {  	s7 =	smul.u32 @!p0 $0xF7A, s2;
	p2 =	seq.s32 @!p0 s5, $0x0  }
0x1f: {  	s9 =	smul.u32 $0xF7A, s1;
	s8 =	simm.s32 @!p0 $0x1BF5;
	p2 =	por !p2, p0  }
0x20: {  	[sflag:s8] =	ssyncset.s32 @!p0 $0xFFFFF086;
	s6 =	sadd.s32 @!p0 s3, s7;
	s7 =	simm.s32 @!p0 $0x108  }
0x21: {  	s3 =	sadd.s32 s3, s9;
	s6 =	sadd.s32 @!p0 $0x88, s6;
	s7 =	simm.s32 @p2 $0x1082  }
0x22: {  	[simem:s7], [sflag:s8] =	dma.local @!p0 [hbm:s6], $0xF7A  }
0x23: {  	s9 =	sor.u32 $0xD0000000, s2;
	s6 =	simm.s32 $0x108;
	_ =	swait.ge @!p0 [sflag:s8], $0x0  }
0x24: {  	s3 =	sadd.s32 $0x88, s3;
	s6 =	simm.s32 @!p1 $0x1082;
	[sflag:s4] =	ssyncset.s32 $0xFFFFF086  }
0x25: {  	[simem:s6], [sflag:s4] =	dma.local [hbm:s3], $0xF7A  }
0x26: {  	[smem:$0x3F9B] =	sst s1;
	(tag) =	ssettag s2;
	_ =	strace s9  }
0x27: {  	s1 =	sld [smem:$0x3FAB]  }
0x28: {  	s2 =	sld [smem:$0x3FAC]  }
0x29: {  	s4 =	sld [smem:$0x3FAE]  }
0x2a: {  	p0 =	seq.s32 s5, $0x0;
	s5 =	sld [smem:$0x3FAF]  }
0x2b: {  	s6 =	sld [smem:$0x3FB0]  }
0x2c: {  	s7 =	sld [smem:$0x3FB1]  }
0x2d: {  	s3 =	simm.s32 $0x108;
	s8 =	sld [smem:$0x3FB2]  }
0x2e: {  	s3 =	simm.s32 @!p0 $0x1082;
	s9 =	sld [smem:$0x3FB3]  }
0x2f: {  	lr =	sadd.s32 s0, s3;
	s0 =	sld [smem:$0x3FAA]  }
0x30: {  	s3 =	sld [smem:$0x3FAD]  }
0x31: {  	[smem:$0x3FB6] =	sst s10  }
0x32: {  	s10 =	sld [smem:$0x3FB4];
	_ =	sdelay $0x3  }
0x33: {  	p0 =	seq.s32 s10, $0x1;
	s10 =	sld [smem:$0x3FB6];
	_ =	sdelay $0x3  }
0x34: {  	[smem:$0x3FB6] =	sst s10  }
0x35: {  	s10 =	sld [smem:$0x3FB5];
	_ =	sdelay $0x3  }
0x36: {  	p1 =	seq.s32 s10, $0x1;
	s10 =	sld [smem:$0x3FB6];
	_ =	sdelay $0x3  }
0x37: {  	[smem:$0x3FB6] =	sst s10  }
0x38: {  	s10 =	sld [smem:$0x3FB7]  }
0x39: {  	_ = 	snop;
	(pc) =	sbr.ind lr, $3  }
0x3a: {  	_ = 	snop  }
0x3b: {  	_ = 	snop  }
0x3c: {  	p2 =	seq.s32 s10, $0x1;
	s10 =	sld [smem:$0x3FB6]  }
0x3d: {  	_ =	shalt  }
0x3e: {  	_ =	shalt  }
0x3f: {  	_ =	shalt  }
0x40: {  	_ =	shalt  }
0x41: {  	_ =	shalt  }
0x42: {  	_ =	shalt  }
0x43: {  	_ =	shalt  }
0x44: {  	_ =	shalt  }
0x45: {  	_ =	shalt  }
0x46: {  	_ =	shalt  }
0x47: {  	_ =	shalt  }
0x48: {  	_ =	shalt  }
0x49: {  	_ =	shalt  }
0x4a: {  	_ =	shalt  }
0x4b: {  	_ =	shalt  }
0x4c: {  	_ =	shalt  }
0x4d: {  	_ =	shalt  }
0x4e: {  	_ =	shalt  }
0x4f: {  	_ =	shalt  }
0x50: {  	_ =	shalt  }
0x51: {  	_ =	shalt  }
0x52: {  	_ =	shalt  }
0x53: {  	_ =	shalt  }
0x54: {  	_ =	shalt  }
0x55: {  	_ =	shalt  }
0x56: {  	_ =	shalt  }
0x57: {  	_ =	shalt  }
0x58: {  	_ =	shalt  }
0x59: {  	_ =	shalt  }
0x5a: {  	_ =	shalt  }
0x5b: {  	_ =	shalt  }
0x5c: {  	_ =	shalt  }
0x5d: {  	_ =	shalt  }
0x5e: {  	_ =	shalt  }
0x5f: {  	_ =	shalt  }
0x60: {  	_ =	shalt  }
0x61: {  	_ =	shalt  }
0x62: {  	_ =	shalt  }
0x63: {  	_ =	shalt  }
0x64: {  	_ =	shalt  }
0x65: {  	_ =	shalt  }
0x66: {  	_ =	shalt  }
0x67: {  	_ =	shalt  }
0x68: {  	_ =	shalt  }
0x69: {  	_ =	shalt  }
0x6a: {  	_ =	shalt  }
0x6b: {  	_ =	shalt  }
0x6c: {  	_ =	shalt  }
0x6d: {  	_ =	shalt  }
0x6e: {  	_ =	shalt  }
0x6f: {  	_ =	shalt  }
0x70: {  	_ =	shalt  }
0x71: {  	_ =	shalt  }
0x72: {  	_ =	shalt  }
0x73: {  	_ =	shalt  }
0x74: {  	_ =	shalt  }
0x75: {  	_ =	shalt  }
0x76: {  	_ =	shalt  }
0x77: {  	_ =	shalt  }
0x78: {  	_ =	shalt  }
0x79: {  	_ =	shalt  }
0x7a: {  	_ =	shalt  }
0x7b: {  	_ =	shalt  }
0x7c: {  	_ =	shalt  }
0x7d: {  	_ =	shalt  }
0x7e: {  	_ =	shalt  }
0x7f: {  	_ =	shalt  }
0x80: {  	_ =	shalt  }
0x81: {  	_ =	shalt  }
0x82: {  	_ =	shalt  }
0x83: {  	_ =	shalt  }
0x84: {  	_ =	shalt  }
0x85: {  	_ =	shalt  }
0x86: {  	_ =	shalt  }
0x87: {  	_ =	shalt  }
.Lfunc_end0:
.L_simem_size_0:
called_computation.2_lowered:
.L_overlay_start_0:
0x88: {  	s2 =	sld [smem:$0x3FD9]  }
0x89: {  	s3 =	sld [smem:$0x3FFE];
	_ =	sdelay $0x1  }
0x8a: {  	s1 =	srdreg.scid  }
0x8b: {  	s0 =	sand.u32 $0x1, s1  }
0x8c: {  	s16 =	sshll.u32 s0, $0xA;
	s2 =	sadd.s32 s3, s2  }
0x8d: {  	s2 =	sadd.s32 s2, s16  }
0x8e: {  	[smem:$0x3FC2] =	sst s2  }
0x8f: {  	_ = 	snop  }
0x90: {  	(tm) =	ssettm $0x1  }
0x91: {  	s17 =	sld [smem:$0x3FFB];
	_ =	sdelay $0x3  }
0x92: {  	_ =	strace s17  }
0x93: {  	s2 =	sld [smem:$0x3FFC];
	_ =	sdelay $0x3  }
0x94: {  	_ =	strace s2  }
0x95: {  	s2 =	sld [smem:$0x3FFD];
	_ =	sdelay $0x3  }
0x96: {  	_ =	strace s2  }
0x97: {  	_ =	strace $0x8FFFFFFF  }
0x98: {  	s18 =	sld [smem:$0x3FDB];
	_ =	sdelay $0x1  }
0x99: {  	s19 =	simm.s32 $_scs_section_size  }
0x9a: {  	s4 =	simm.s32 $_size__tile_overlayer_lowered;
	s5 =	simm.s32 $_tile_overlayer_lowered  }
0x9b: {  	s22 =	simm.s32 $0x1BFF;
	s21 =	sshll.u32 s5, $0x1;
	s2 =	sadd.s32 s19, s18  }
0x9c: {  	s6 =	simm.s32 $0x0;
	s20 =	sshll.u32 s4, $0x1;
	s4 =	sadd.s32 s21, s2  }
0x9d: {  	[timem:s6], [sflag:s22] =	dma.local [hbm:s4], s20  }
0x9e: {  	_ =	swait.ge [sflag:s22], s20  }
0x9f: {  	s3 =	ssub.s32 $0x0, s20;
	[sflag:s22] =	ssyncset.done $0x0  }
0xa0: {  	[sflag:s22] =	ssyncadd.s32 s3;
	_ =	sdelay $0x1  }
0xa1: {  	s23 =	simm.s32 $0x1B8B  }
0xa2: {  	_ =	swait.ge [sflag:s23], $0x1  }
0xa3: {  	[sflag:s23] =	ssyncset.done $0x0  }
0xa4: {  	s25 =	simm.s32 $0x1B8E;
	s24 =	sld [smem:$0x3FFE];
	[sflag:s23] =	ssyncadd.s32 $0xFFFFFFFF  }
0xa5: {  	s26 =	simm.s32 $execute0_lowered;
	[smem:$0x3FD2] =	sst s25  }
0xa6: {  	s4 =	sshll.u32 s26, $0x1;
	_ =	strace $0x8000004C;
	[dreg:$0x1] =	wrdreg $0xFFFFFFFF  }
0xa7: {  	s28 =	simm.s32 $_size_execute0_lowered;
	s2 =	sadd.s32 s2, s4;
	[dreg:$0x0] =	wrdreg $0x0  }
0xa8: {  	s4 =	sshll.u32 s28, $0x1;
	[dreg:$0x2] =	wrdreg s2  }
0xa9: {  	[dreg:$0x3] =	wrdreg s4  }
0xaa: {  	[dreg:$0x4] =	wrdreg $0xC0  }
0xab: {  	_ =	task [dreg:s6], $0x5FFFF  }
0xac: {  	[dreg:$0x1] =	wrdreg $0xFFFFFFFF  }
0xad: {  	[dreg:$0x0] =	wrdreg $0x60  }
0xae: {  	[dreg:$0x2] =	wrdreg s24  }
0xaf: {  	[dreg:$0x3] =	wrdreg $0x1C5200  }
0xb0: {  	[dreg:$0x4] =	wrdreg $0x9  }
0xb1: {  	_ =	task.clear_ibuf [dreg:s6], $0x5FFFF;
	_ =	strace $0x9000004C  }
0xb2: {  	s29 =	simm.s32 $0x9;
	_ =	strace $0x8000004E  }
0xb3: {  	_ =	swait.ge [sflag:s29], $0x1  }
0xb4: {  	[sflag:s29] =	ssyncadd.s32 $0xFFFFFFFF  }
0xb5: {  	_ =	strace $0x9000004E  }
0xb6: {  	_ =	sfence  }
0xb7: {  	s30 =	sld [smem:$0x0];
	_ =	sdelay $0x2  }
0xb8: {  	s31 =	sshll.u32 s1, $0xD;
	s1 =	sshrl.u32 s1, $0x2  }
0xb9: {  	s3 =	sand.u32 $0x4000, s31;
	s1 =	sadd.s32 s1, s30  }
0xba: {  	s0 =	sor.u32 s3, s0;
	s1 =	sshll.u32 s1, $0x11  }
0xbb: {  	s0 =	sor.u32 s1, s0  }
0xbc: {  	s0 =	sadd.s32 $0x8F2B, s0  }
0xbd: {  	[sflag:s0] =	ssyncadd.remote.s32 $0x1  }
0xbe: {  	_ =	sfence.sel $0xFFFF  }
0xbf: {  	[dreg:$0x0] =	wrdreg $0xFFFFFFFF;
	(pc) =	sbr.abs _section_cstart, $3  }
0xc0: {  	[dreg:$0x1] =	wrdreg $0xFFFFFFFF  }
0xc1: {  	_ =	task.clear_ibuf [dreg:s6], $0x2FFFF;
	_ =	strace $0x9FFFFFFF  }
0xc2: {  	(tm) =	ssettm $0x7FFFFFFF  }
0xc3: {  	_ =	shalt  }
tec
execute0_lowered:
.L_overlay_start_1:
0x0: {  	(tag) =	ssettag $0x1  }
0x1: {  	s0 =	srdreg.scid  }
0x2: {  	s1 =	rddreg [dreg:$0x0];
	s7 =	stileid.u32  }
0x3: {  	s2 =	rddreg [dreg:$0x1];
	s4 =	simm.s32 $0x0;
	s18 =	simm.s32 $0x2710  }
0x4: {  	s19 =	simm.s32 $0x7D0;
	s28 =	simm.s32 $0x14820;
	s29 =	simm.s32 $0x6  }
0x5: {  	s30 =	simm.s32 $0x1;
	s31 =	simm.s32 $0x4E20;
	s0 =	sand.u32 $0x1, s0  }
0x6: {  	[smem:$0x7FF] =	sst s4;
	s5 =	smul.u32 $0x500, s7;
	s4 =	sadd.s32 $0x16600, s1  }
0x7: {  	s24 =	smul.u32 $0xA000, s7;
	s3 =	sshll.u32 s0, $0x4;
	_ =	strace $0x8000004D  }
0x8: {  	s6 =	smul.u32 $0x5000, s0;
	s0 =	ssub.s32 $0x2, s0;
	s3 =	sor.u32 s7, s3  }
0x9: {  	s20 =	sshrl.u32 s0, $0x1;
	s7 =	simm.s32 $0x0;
	s3 =	smul.u32 $0x2710, s3  }
0xa: {  	s5 =	sadd.s32 s5, s6;
	s0 =	ssub.s32 s0, s20;
	s20 =	simm.s32 $0x2EE0  }
0xb: {  	s6 =	simm.s32 $0x5;
	s17 =	smax.u32 s0, $0x1;
	s3 =	sshrl.u32 s3, $0x3  }
0xc: {  	s0 =	simm.s32 $0xCB20;
	s3 =	sadd.s32 s3, s1;
	s1 =	sadd.s32 s5, s1  }
0xd: {  	s5 =	sshrl.u32 s24, $0x2;
	s24 =	simm.s32 $0x3E80;
	s21 =	sadd.s32 $0x2C00, s3  }
0xe: {  	s22 =	sadd.s32 $0xC840, s3;
	s23 =	sadd.s32 $0x2CFA, s3;
	s25 =	sadd.s32 $0xC93A, s3  }
0xf: {  	s26 =	sadd.s32 $0x2DF4, s3;
	s10 =	sadd.s32 $0xCA34, s3;
	s11 =	sadd.s32 $0x2EEE, s3  }
0x10: {  	s12 =	sadd.s32 $0xCB2E, s3;
	s13 =	sadd.s32 $0x2FE8, s3;
	[dreg:$0x3] =	wrdreg s21  }
0x11: {  	s14 =	sadd.s32 $0xCC28, s3;
	s15 =	sadd.s32 s5, s2;
	[dreg:$0x4] =	wrdreg s22  }
0x12: {  	s16 =	sadd.s32 $0x1B600, s1;
	s1 =	simm.s32 $0x2;
	[dreg:$0x5] =	wrdreg s23  }
0x13: {  	s3 =	simm.s32 $0x3;
	s5 =	simm.s32 $0x4;
	[dreg:$0x6] =	wrdreg s25  }
0x14: {  	[dreg:$0x7] =	wrdreg s26;
	s21 =	simm.s32 $0xFA0;
	s22 =	simm.s32 $0x36B0  }
0x15: {  	v0 =	vimm.f32 $0.0e+00;
	s23 =	simm.s32 $0x1770;
	s25 =	simm.s32 $0x1F40;
	s26 =	simm.s32 $0x4650  }
.LBB2_1:
0x16: {  	s8 =	simm.s32 $0x40;
	s9 =	simm.s32 $0x0  }
.LBB2_2:
0x17: {  	p0 =	sne.s32 s8, $0x9FC0;
	[tilespmem:s9+$0x14820] =	vst v0;
	s9 =	smov.u32 s8;
	s8 =	sadd.s32 $0x40, s8  }
.Ltmp0:
0x18: {  	(pc) =	sbr.rel @p0 .LBB2_2-.Ltmp0, $2  }
0x19: {  	_ =	sdelay $0x2  }
0x1a: {  	s9 =	sshra.s32 s9, $0x2  }
0x1b: {  	[tilespmem:s9+$0x14820] =	vst v0;
	s8 =	simm.s32 $0x0;
	s9 =	rddreg [dreg:$0x3]  }
0x1c: {  	[tilespmem:s8], [sflag:$0x1] =	stream.linear.gather [hbm4b:s9+s8], $0x7D0, $0x38;
	[tilespmem:$0x1ED20] =	vst v63  }
0x1d: {  	s9 =	rddreg [dreg:$0x4]  }
0x1e: {  	[tilespmem:s18], [sflag:$0x1] =	stream.linear.gather [hbm4b:s9+s8], $0x7D0, $0x38;
	[tilespmem:$0x1ED20] =	vst v63  }
0x1f: {  	s9 =	rddreg [dreg:$0x5]  }
0x20: {  	[tilespmem:s19], [sflag:$0x1] =	stream.linear.gather [hbm4b:s9+s8], $0x7D0, $0x38;
	[tilespmem:$0x1ED20] =	vst v63  }
0x21: {  	s9 =	rddreg [dreg:$0x6]  }
0x22: {  	[tilespmem:s20], [sflag:$0x1] =	stream.linear.gather [hbm4b:s9+s8], $0x7D0, $0x38;
	[tilespmem:$0x1ED20] =	vst v63  }
0x23: {  	s9 =	rddreg [dreg:$0x7]  }
0x24: {  	[tilespmem:s21], [sflag:$0x1] =	stream.linear.gather [hbm4b:s9+s8], $0x7D0, $0x38;
	[tilespmem:$0x1ED20] =	vst v63  }
0x25: {  	_ = 	snop  }
0x26: {  	[tilespmem:s22], [sflag:$0x1] =	stream.linear.gather [hbm4b:s10+s8], $0x7D0, $0x38;
	[tilespmem:$0x1ED20] =	vst v63  }
0x27: {  	_ = 	snop  }
0x28: {  	[tilespmem:s23], [sflag:$0x1] =	stream.linear.gather [hbm4b:s11+s8], $0x7D0, $0x38;
	[tilespmem:$0x1ED20] =	vst v63  }
0x29: {  	_ = 	snop  }
0x2a: {  	[tilespmem:s24], [sflag:$0x1] =	stream.linear.gather [hbm4b:s12+s8], $0x7D0, $0x38;
	[tilespmem:$0x1ED20] =	vst v63  }
0x2b: {  	_ = 	snop  }
0x2c: {  	[tilespmem:s25], [sflag:$0x1] =	stream.linear.gather [hbm4b:s13+s8], $0x7D0, $0x38;
	[tilespmem:$0x1ED20] =	vst v63  }
0x2d: {  	_ = 	snop  }
0x2e: {  	[tilespmem:s26], [sflag:$0x1] =	stream.linear.gather [hbm4b:s14+s8], $0x7D0, $0x38;
	[tilespmem:$0x1ED20] =	vst v63  }
0x2f: {  	_ = 	snop  }
0x30: {  	[spmem:s15] =	stream.linear.scatter [tilespmem:s28], [sflag:$0x6], $0x2800, $0x38;
	[tilespmem:$0x1ED20] =	vst v63  }
0x31: {  	_ =	swait.ge [sflag:s29], $0x2800  }
0x32: {  	[sflag:s29] =	ssyncset.done $0x0  }
0x33: {  	[sflag:s29] =	ssyncadd.s32 $0xFFFFD800  }
0x34: {  	_ =	swait.ge [sflag:s30], $0x7D0  }
0x35: {  	[sflag:s30] =	ssyncset.done $0x0  }
0x36: {  	s9 =	simm.s32 $0x40;
	s8 =	simm.s32 $0x0;
	[sflag:s30] =	ssyncadd.s32 $0xFFFFF830  }
.LBB2_4:
0x37: {  	p0 =	sne.s32 s9, $0x1F00;
	v1 =	vld [tilespmem:s8+$0x0];
	_ =	sdelay $0x4  }
0x38: {  	v2 =	vshrl.u32 v1, $0x8  }
0x39: {  	v2 =	vmul.u32 $0x3334, v2;
	_ =	sdelay $0x1  }
.Ltmp1:
0x3a: {  	v2 =	vshrl.u32 v2, $0x10;
	(pc) =	sbr.rel @p0 .LBB2_4-.Ltmp1, $4  }
0x3b: {  	v2 =	vmul.u32 $0xFFFFD801, v2  }
0x3c: {  	v1 =	vshll.u32 v1, $0x3  }
0x3d: {  	v1 =	vadd.s32 v1, v2  }
0x3e: {  	[tilespmem:s8+$0x0] =	vst v1;
	s8 =	sshra.s32 s9, $0x2;
	s9 =	sadd.s32 $0x40, s9  }
0x3f: {  	v1 =	vld [tilespmem:s8+$0x0];
	_ =	sdelay $0x4  }
0x40: {  	v2 =	vshrl.u32 v1, $0x8  }
0x41: {  	v2 =	vmul.u32 $0x3334, v2;
	_ =	sdelay $0x1  }
0x42: {  	v2 =	vshrl.u32 v2, $0x10  }
0x43: {  	v2 =	vmul.u32 $0xFFFFD801, v2  }
0x44: {  	v1 =	vshll.u32 v1, $0x3  }
0x45: {  	v1 =	vadd.s32 v1, v2  }
0x46: {  	[tilespmem:s8+$0x0] =	vst v1  }
0x47: {  	_ =	swait.ge [sflag:s30], $0x7D0  }
0x48: {  	[sflag:s30] =	ssyncset.done $0x0  }
0x49: {  	[sflag:s30] =	ssyncadd.s32 $0xFFFFF830  }
0x4a: {  	_ =	swait.ge [sflag:s30], $0x7D0  }
0x4b: {  	[sflag:s30] =	ssyncset.done $0x0  }
0x4c: {  	[sflag:s30] =	ssyncadd.s32 $0xFFFFF830  }
0x4d: {  	_ =	swait.ge [sflag:s30], $0x7D0  }
0x4e: {  	[sflag:s30] =	ssyncset.done $0x0  }
0x4f: {  	[sflag:s30] =	ssyncadd.s32 $0xFFFFF830  }
0x50: {  	_ =	swait.ge [sflag:s30], $0x7D0  }
0x51: {  	[sflag:s30] =	ssyncset.done $0x0  }
0x52: {  	[sflag:s30] =	ssyncadd.s32 $0xFFFFF830  }
0x53: {  	_ =	swait.ge [sflag:s30], $0x7D0  }
0x54: {  	[sflag:s30] =	ssyncset.done $0x0  }
0x55: {  	[sflag:s30] =	ssyncadd.s32 $0xFFFFF830  }
0x56: {  	_ =	swait.ge [sflag:s30], $0x7D0  }
0x57: {  	[sflag:s30] =	ssyncset.done $0x0  }
0x58: {  	[sflag:s30] =	ssyncadd.s32 $0xFFFFF830  }
0x59: {  	_ =	swait.ge [sflag:s30], $0x7D0  }
0x5a: {  	[sflag:s30] =	ssyncset.done $0x0  }
0x5b: {  	[sflag:s30] =	ssyncadd.s32 $0xFFFFF830  }
0x5c: {  	_ =	swait.ge [sflag:s30], $0x7D0  }
0x5d: {  	[sflag:s30] =	ssyncset.done $0x0  }
0x5e: {  	[sflag:s30] =	ssyncadd.s32 $0xFFFFF830  }
0x5f: {  	_ =	swait.ge [sflag:s30], $0x7D0  }
0x60: {  	[sflag:s30] =	ssyncset.done $0x0  }
0x61: {  	[sflag:s30] =	ssyncadd.s32 $0xFFFFF830  }
0x62: {  	s9 =	simm.s32 $0x0;
	[bflag:$0x0] =	sbarrier.arrive $0xFFFF  }
0x63: {  	[tilespmem:s31], [sflag:$0x2] =	stream.indirect.gather [hbm4b:s4+s19], $0x10, s9, s19, $0xb8;
	[tilespmem:$0x1ED20] =	vst v63  }
0x64: {  	s8 =	simm.s32 $0x0;
	s9 =	simm.s32 $0x40  }
.LBB2_6:
0x65: {  	p0 =	sne.s32 s9, $0x1F00;
	v1 =	vld [tilespmem:s8+$0x2710];
	_ =	sdelay $0x4  }
0x66: {  	v2 =	vshrl.u32 v1, $0x8  }
0x67: {  	v2 =	vmul.u32 $0x3334, v2;
	_ =	sdelay $0x1  }
.Ltmp2:
0x68: {  	v2 =	vshrl.u32 v2, $0x10;
	(pc) =	sbr.rel @p0 .LBB2_6-.Ltmp2, $4  }
0x69: {  	v2 =	vmul.u32 $0xFFFFD801, v2  }
0x6a: {  	v1 =	vshll.u32 v1, $0x3  }
0x6b: {  	v1 =	vadd.s32 v1, v2  }
0x6c: {  	[tilespmem:s8+$0x2710] =	vst v1;
	s8 =	sshra.s32 s9, $0x2;
	s9 =	sadd.s32 $0x40, s9  }
0x6d: {  	v1 =	vld [tilespmem:s8+$0x2710];
	_ =	sdelay $0x4  }
0x6e: {  	v2 =	vshrl.u32 v1, $0x8  }
0x6f: {  	v2 =	vmul.u32 $0x3334, v2;
	_ =	sdelay $0x1  }
0x70: {  	v2 =	vshrl.u32 v2, $0x10  }
0x71: {  	v2 =	vmul.u32 $0xFFFFD801, v2  }
0x72: {  	v1 =	vshll.u32 v1, $0x3  }
0x73: {  	v1 =	vadd.s32 v1, v2  }
0x74: {  	s9 =	simm.s32 $0x40;
	[tilespmem:s8+$0x2710] =	vst v1;
	s8 =	simm.s32 $0x0  }
.LBB2_8:
0x75: {  	p0 =	sne.s32 s9, $0x1F00;
	v1 =	vld [tilespmem:s8+$0x7D0];
	_ =	sdelay $0x4  }
0x76: {  	v2 =	vshrl.u32 v1, $0x8  }
0x77: {  	v2 =	vmul.u32 $0x3334, v2;
	_ =	sdelay $0x1  }
.Ltmp3:
0x78: {  	v2 =	vshrl.u32 v2, $0x10;
	(pc) =	sbr.rel @p0 .LBB2_8-.Ltmp3, $4  }
0x79: {  	v2 =	vmul.u32 $0xFFFFD801, v2  }
0x7a: {  	v1 =	vshll.u32 v1, $0x3  }
0x7b: {  	v1 =	vadd.s32 v1, v2  }
0x7c: {  	[tilespmem:s8+$0x7D0] =	vst v1;
	s8 =	sshra.s32 s9, $0x2;
	s9 =	sadd.s32 $0x40, s9  }
0x7d: {  	v1 =	vld [tilespmem:s8+$0x7D0];
	_ =	sdelay $0x4  }
0x7e: {  	v2 =	vshrl.u32 v1, $0x8  }
0x7f: {  	v2 =	vmul.u32 $0x3334, v2;
	_ =	sdelay $0x1  }
0x80: {  	v2 =	vshrl.u32 v2, $0x10  }
0x81: {  	v2 =	vmul.u32 $0xFFFFD801, v2  }
0x82: {  	v1 =	vshll.u32 v1, $0x3  }
0x83: {  	v1 =	vadd.s32 v1, v2  }
0x84: {  	s9 =	simm.s32 $0x40;
	[tilespmem:s8+$0x7D0] =	vst v1;
	s8 =	simm.s32 $0x0  }
.LBB2_10:
0x85: {  	p0 =	sne.s32 s9, $0x1F00;
	v1 =	vld [tilespmem:s8+$0x2EE0];
	_ =	sdelay $0x4  }
0x86: {  	v2 =	vshrl.u32 v1, $0x8  }
0x87: {  	v2 =	vmul.u32 $0x3334, v2;
	_ =	sdelay $0x1  }
.Ltmp4:
0x88: {  	v2 =	vshrl.u32 v2, $0x10;
	(pc) =	sbr.rel @p0 .LBB2_10-.Ltmp4, $4  }
0x89: {  	v2 =	vmul.u32 $0xFFFFD801, v2  }
0x8a: {  	v1 =	vshll.u32 v1, $0x3  }
0x8b: {  	v1 =	vadd.s32 v1, v2  }
0x8c: {  	[tilespmem:s8+$0x2EE0] =	vst v1;
	s8 =	sshra.s32 s9, $0x2;
	s9 =	sadd.s32 $0x40, s9  }
0x8d: {  	v1 =	vld [tilespmem:s8+$0x2EE0];
	_ =	sdelay $0x4  }
0x8e: {  	v2 =	vshrl.u32 v1, $0x8  }
0x8f: {  	v2 =	vmul.u32 $0x3334, v2;
	_ =	sdelay $0x1  }
0x90: {  	v2 =	vshrl.u32 v2, $0x10  }
0x91: {  	v2 =	vmul.u32 $0xFFFFD801, v2  }
0x92: {  	v1 =	vshll.u32 v1, $0x3  }
0x93: {  	v1 =	vadd.s32 v1, v2  }
0x94: {  	[tilespmem:s8+$0x2EE0] =	vst v1  }
0x95: {  	_ =	swait.ge [sflag:s1], $0x7D00  }
0x96: {  	[sflag:s1] =	ssyncset.done $0x0  }
0x97: {  	[sflag:s1] =	ssyncadd.s32 $0xFFFF8300  }
0x98: {  	[tilespmem:s0], [sflag:$0x3] =	stream.indirect.gather [hbm4b:s4+s19], $0x10, s19, s19, $0xb8;
	[tilespmem:$0x1ED20] =	vst v63  }
0x99: {  	s9 =	simm.s32 $0x40;
	s8 =	simm.s32 $0x0  }
0x9a: {  	[spmem:s2] =	stream.indirect.scatter.add.f32 [tilespmem:s31], [sflag:$0x5], $0x10, s18, s19, $0xb8;
	[tilespmem:$0x1ED20] =	vst v63  }
.LBB2_12:
0x9b: {  	p0 =	sne.s32 s9, $0x1F00;
	v1 =	vld [tilespmem:s8+$0xFA0];
	_ =	sdelay $0x4  }
0x9c: {  	v2 =	vshrl.u32 v1, $0x8  }
0x9d: {  	v2 =	vmul.u32 $0x3334, v2;
	_ =	sdelay $0x1  }
.Ltmp5:
0x9e: {  	v2 =	vshrl.u32 v2, $0x10;
	(pc) =	sbr.rel @p0 .LBB2_12-.Ltmp5, $4  }
0x9f: {  	v2 =	vmul.u32 $0xFFFFD801, v2  }
0xa0: {  	v1 =	vshll.u32 v1, $0x3  }
0xa1: {  	v1 =	vadd.s32 v1, v2  }
0xa2: {  	[tilespmem:s8+$0xFA0] =	vst v1;
	s8 =	sshra.s32 s9, $0x2;
	s9 =	sadd.s32 $0x40, s9  }
0xa3: {  	v1 =	vld [tilespmem:s8+$0xFA0];
	_ =	sdelay $0x4  }
0xa4: {  	v2 =	vshrl.u32 v1, $0x8  }
0xa5: {  	v2 =	vmul.u32 $0x3334, v2;
	_ =	sdelay $0x1  }
0xa6: {  	v2 =	vshrl.u32 v2, $0x10  }
0xa7: {  	v2 =	vmul.u32 $0xFFFFD801, v2  }
0xa8: {  	v1 =	vshll.u32 v1, $0x3  }
0xa9: {  	v1 =	vadd.s32 v1, v2  }
0xaa: {  	s9 =	simm.s32 $0x40;
	[tilespmem:s8+$0xFA0] =	vst v1;
	s8 =	simm.s32 $0x0  }
.LBB2_14:
0xab: {  	p0 =	sne.s32 s9, $0x1F00;
	v1 =	vld [tilespmem:s8+$0x36B0];
	_ =	sdelay $0x4  }
0xac: {  	v2 =	vshrl.u32 v1, $0x8  }
0xad: {  	v2 =	vmul.u32 $0x3334, v2;
	_ =	sdelay $0x1  }
.Ltmp6:
0xae: {  	v2 =	vshrl.u32 v2, $0x10;
	(pc) =	sbr.rel @p0 .LBB2_14-.Ltmp6, $4  }
0xaf: {  	v2 =	vmul.u32 $0xFFFFD801, v2  }
0xb0: {  	v1 =	vshll.u32 v1, $0x3  }
0xb1: {  	v1 =	vadd.s32 v1, v2  }
0xb2: {  	[tilespmem:s8+$0x36B0] =	vst v1;
	s8 =	sshra.s32 s9, $0x2;
	s9 =	sadd.s32 $0x40, s9  }
0xb3: {  	v1 =	vld [tilespmem:s8+$0x36B0];
	_ =	sdelay $0x4  }
0xb4: {  	v2 =	vshrl.u32 v1, $0x8  }
0xb5: {  	v2 =	vmul.u32 $0x3334, v2;
	_ =	sdelay $0x1  }
0xb6: {  	v2 =	vshrl.u32 v2, $0x10  }
0xb7: {  	v2 =	vmul.u32 $0xFFFFD801, v2  }
0xb8: {  	v1 =	vshll.u32 v1, $0x3  }
0xb9: {  	v1 =	vadd.s32 v1, v2  }
0xba: {  	[tilespmem:s8+$0x36B0] =	vst v1  }
0xbb: {  	_ =	swait.ge [sflag:s3], $0x7D00  }
0xbc: {  	[sflag:s3] =	ssyncset.done $0x0  }
0xbd: {  	[sflag:s3] =	ssyncadd.s32 $0xFFFF8300  }
0xbe: {  	[tilespmem:s28], [sflag:$0x4] =	stream.indirect.gather [hbm4b:s4+s19], $0x10, s21, s19, $0xb8;
	[tilespmem:$0x1ED20] =	vst v63  }
0xbf: {  	s9 =	simm.s32 $0x40;
	s8 =	simm.s32 $0x0  }
0xc0: {  	[spmem:s2] =	stream.indirect.scatter.add.f32 [tilespmem:s0], [sflag:$0x5], $0x10, s20, s19, $0xb8;
	[tilespmem:$0x1ED20] =	vst v63  }
.LBB2_16:
0xc1: {  	p0 =	sne.s32 s9, $0x1F00;
	v1 =	vld [tilespmem:s8+$0x1770];
	_ =	sdelay $0x4  }
0xc2: {  	v2 =	vshrl.u32 v1, $0x8  }
0xc3: {  	v2 =	vmul.u32 $0x3334, v2;
	_ =	sdelay $0x1  }
.Ltmp7:
0xc4: {  	v2 =	vshrl.u32 v2, $0x10;
	(pc) =	sbr.rel @p0 .LBB2_16-.Ltmp7, $4  }
0xc5: {  	v2 =	vmul.u32 $0xFFFFD801, v2  }
0xc6: {  	v1 =	vshll.u32 v1, $0x3  }
0xc7: {  	v1 =	vadd.s32 v1, v2  }
0xc8: {  	[tilespmem:s8+$0x1770] =	vst v1;
	s8 =	sshra.s32 s9, $0x2;
	s9 =	sadd.s32 $0x40, s9  }
0xc9: {  	v1 =	vld [tilespmem:s8+$0x1770];
	_ =	sdelay $0x4  }
0xca: {  	v2 =	vshrl.u32 v1, $0x8  }
0xcb: {  	v2 =	vmul.u32 $0x3334, v2;
	_ =	sdelay $0x1  }
0xcc: {  	v2 =	vshrl.u32 v2, $0x10  }
0xcd: {  	v2 =	vmul.u32 $0xFFFFD801, v2  }
0xce: {  	v1 =	vshll.u32 v1, $0x3  }
0xcf: {  	v1 =	vadd.s32 v1, v2  }
0xd0: {  	s9 =	simm.s32 $0x40;
	[tilespmem:s8+$0x1770] =	vst v1;
	s8 =	simm.s32 $0x0  }
.LBB2_18:
0xd1: {  	p0 =	sne.s32 s9, $0x1F00;
	v1 =	vld [tilespmem:s8+$0x3E80];
	_ =	sdelay $0x4  }
0xd2: {  	v2 =	vshrl.u32 v1, $0x8  }
0xd3: {  	v2 =	vmul.u32 $0x3334, v2;
	_ =	sdelay $0x1  }
.Ltmp8:
0xd4: {  	v2 =	vshrl.u32 v2, $0x10;
	(pc) =	sbr.rel @p0 .LBB2_18-.Ltmp8, $4  }
0xd5: {  	v2 =	vmul.u32 $0xFFFFD801, v2  }
0xd6: {  	v1 =	vshll.u32 v1, $0x3  }
0xd7: {  	v1 =	vadd.s32 v1, v2  }
0xd8: {  	[tilespmem:s8+$0x3E80] =	vst v1;
	s8 =	sshra.s32 s9, $0x2;
	s9 =	sadd.s32 $0x40, s9  }
0xd9: {  	v1 =	vld [tilespmem:s8+$0x3E80];
	_ =	sdelay $0x4  }
0xda: {  	v2 =	vshrl.u32 v1, $0x8  }
0xdb: {  	v2 =	vmul.u32 $0x3334, v2;
	_ =	sdelay $0x1  }
0xdc: {  	v2 =	vshrl.u32 v2, $0x10  }
0xdd: {  	v2 =	vmul.u32 $0xFFFFD801, v2  }
0xde: {  	v1 =	vshll.u32 v1, $0x3  }
0xdf: {  	v1 =	vadd.s32 v1, v2  }
0xe0: {  	[tilespmem:s8+$0x3E80] =	vst v1  }
0xe1: {  	_ =	swait.ge [sflag:s5], $0x7D00  }
0xe2: {  	[sflag:s5] =	ssyncset.done $0x0  }
0xe3: {  	[sflag:s5] =	ssyncadd.s32 $0xFFFF8300  }
0xe4: {  	_ =	swait.ge [sflag:s6], $0x7D00  }
0xe5: {  	[sflag:s6] =	ssyncset.done $0x0  }
0xe6: {  	[sflag:s6] =	ssyncadd.s32 $0xFFFF8300  }
0xe7: {  	[tilespmem:s31], [sflag:$0x2] =	stream.indirect.gather [hbm4b:s4+s19], $0x10, s23, s19, $0xb8;
	[tilespmem:$0x1ED20] =	vst v63  }
0xe8: {  	s9 =	simm.s32 $0x40;
	s8 =	simm.s32 $0x0  }
0xe9: {  	[spmem:s2] =	stream.indirect.scatter.add.f32 [tilespmem:s28], [sflag:$0x5], $0x10, s22, s19, $0xb8;
	[tilespmem:$0x1ED20] =	vst v63  }
.LBB2_20:
0xea: {  	p0 =	sne.s32 s9, $0x1F00;
	v1 =	vld [tilespmem:s8+$0x1F40];
	_ =	sdelay $0x4  }
0xeb: {  	v2 =	vshrl.u32 v1, $0x8  }
0xec: {  	v2 =	vmul.u32 $0x3334, v2;
	_ =	sdelay $0x1  }
.Ltmp9:
0xed: {  	v2 =	vshrl.u32 v2, $0x10;
	(pc) =	sbr.rel @p0 .LBB2_20-.Ltmp9, $4  }
0xee: {  	v2 =	vmul.u32 $0xFFFFD801, v2  }
0xef: {  	v1 =	vshll.u32 v1, $0x3  }
0xf0: {  	v1 =	vadd.s32 v1, v2  }
0xf1: {  	[tilespmem:s8+$0x1F40] =	vst v1;
	s8 =	sshra.s32 s9, $0x2;
	s9 =	sadd.s32 $0x40, s9  }
0xf2: {  	v1 =	vld [tilespmem:s8+$0x1F40];
	_ =	sdelay $0x4  }
0xf3: {  	v2 =	vshrl.u32 v1, $0x8  }
0xf4: {  	v2 =	vmul.u32 $0x3334, v2;
	_ =	sdelay $0x1  }
0xf5: {  	v2 =	vshrl.u32 v2, $0x10  }
0xf6: {  	v2 =	vmul.u32 $0xFFFFD801, v2  }
0xf7: {  	v1 =	vshll.u32 v1, $0x3  }
0xf8: {  	v1 =	vadd.s32 v1, v2  }
0xf9: {  	s9 =	simm.s32 $0x40;
	[tilespmem:s8+$0x1F40] =	vst v1;
	s8 =	simm.s32 $0x0  }
.LBB2_22:
0xfa: {  	p0 =	sne.s32 s9, $0x1F00;
	v1 =	vld [tilespmem:s8+$0x4650];
	_ =	sdelay $0x4  }
0xfb: {  	v2 =	vshrl.u32 v1, $0x8  }
0xfc: {  	v2 =	vmul.u32 $0x3334, v2;
	_ =	sdelay $0x1  }
.Ltmp10:
0xfd: {  	v2 =	vshrl.u32 v2, $0x10;
	(pc) =	sbr.rel @p0 .LBB2_22-.Ltmp10, $4  }
0xfe: {  	v2 =	vmul.u32 $0xFFFFD801, v2  }
0xff: {  	v1 =	vshll.u32 v1, $0x3  }
0x100: {  	v1 =	vadd.s32 v1, v2  }
0x101: {  	[tilespmem:s8+$0x4650] =	vst v1;
	s8 =	sshra.s32 s9, $0x2;
	s9 =	sadd.s32 $0x40, s9  }
0x102: {  	v1 =	vld [tilespmem:s8+$0x4650];
	_ =	sdelay $0x4  }
0x103: {  	v2 =	vshrl.u32 v1, $0x8  }
0x104: {  	v2 =	vmul.u32 $0x3334, v2;
	_ =	sdelay $0x1  }
0x105: {  	v2 =	vshrl.u32 v2, $0x10  }
0x106: {  	v2 =	vmul.u32 $0xFFFFD801, v2  }
0x107: {  	v1 =	vshll.u32 v1, $0x3  }
0x108: {  	v1 =	vadd.s32 v1, v2  }
0x109: {  	[tilespmem:s8+$0x4650] =	vst v1  }
0x10a: {  	_ =	swait.ge [sflag:s1], $0x7D00  }
0x10b: {  	[sflag:s1] =	ssyncset.done $0x0  }
0x10c: {  	[sflag:s1] =	ssyncadd.s32 $0xFFFF8300  }
0x10d: {  	_ =	swait.ge [sflag:s6], $0x7D00  }
0x10e: {  	[sflag:s6] =	ssyncset.done $0x0  }
0x10f: {  	[sflag:s6] =	ssyncadd.s32 $0xFFFF8300  }
0x110: {  	[tilespmem:s0], [sflag:$0x3] =	stream.indirect.gather [hbm4b:s4+s19], $0x10, s25, s19, $0xb8;
	[tilespmem:$0x1ED20] =	vst v63  }
0x111: {  	_ = 	snop  }
0x112: {  	[spmem:s2] =	stream.indirect.scatter.add.f32 [tilespmem:s31], [sflag:$0x5], $0x10, s24, s19, $0xb8;
	[tilespmem:$0x1ED20] =	vst v63  }
0x113: {  	_ =	swait.ge [sflag:s3], $0x7D00  }
0x114: {  	[sflag:s3] =	ssyncset.done $0x0  }
0x115: {  	[sflag:s3] =	ssyncadd.s32 $0xFFFF8300  }
0x116: {  	_ =	swait.ge [sflag:s6], $0x7D00  }
0x117: {  	[sflag:s6] =	ssyncset.done $0x0  }
0x118: {  	[sflag:s6] =	ssyncadd.s32 $0xFFFF8300  }
0x119: {  	[spmem:s2] =	stream.indirect.scatter.add.f32 [tilespmem:s0], [sflag:$0x5], $0x10, s26, s19, $0xb8;
	[tilespmem:$0x1ED20] =	vst v63  }
0x11a: {  	_ =	swait.ge [sflag:s6], $0x7D00  }
0x11b: {  	[sflag:s6] =	ssyncset.done $0x0  }
0x11c: {  	[sflag:s6] =	ssyncadd.s32 $0xFFFF8300  }
0x11d: {  	_ =	swait.ge [sflag:s6], $0x7D00  }
0x11e: {  	[sflag:s6] =	ssyncset.done $0x0  }
0x11f: {  	[sflag:s6] =	ssyncadd.s32 $0xFFFF8300  }
0x120: {  	[bflag:$0x0] =	sbarrier.arrive $0xFFFF  }
0x121: {  	[tilespmem:s28], [sflag:$0x6] =	stream.linear.gather [spmem:s15], $0x2800, $0x38;
	[tilespmem:$0x1ED20] =	vst v63  }
0x122: {  	s7 =	sadd.s32 $0x1, s7;
	_ =	swait.ge [sflag:s29], $0x2800  }
0x123: {  	p0 =	sne.s32 s7, s17;
	[sflag:s29] =	ssyncset.done $0x0  }
.Ltmp11:
0x124: {  	s9 =	simm.s32 $0x0;
	[sflag:s29] =	ssyncadd.s32 $0xFFFFD800;
	(pc) =	sbr.rel @p0 .LBB2_1-.Ltmp11, $4  }
0x125: {  	[hbm4b:s16+s9] =	stream.linear.scatter [tilespmem:s28], [sflag:$0x6], $0x2800, $0x38;
	[tilespmem:$0x1ED20] =	vst v63  }
0x126: {  	_ =	swait.ge [sflag:s29], $0x2800  }
0x127: {  	[sflag:s29] =	ssyncset.done $0x0  }
0x128: {  	[sflag:s29] =	ssyncadd.s32 $0xFFFFD800  }
0x129: {  	_ =	sfence.sel $0x180000  }
0x12a: {  	[bflag:$0x0] =	sbarrier.arrive $0xFFFF  }
0x12b: {  	_ =	strace $0x9000004D  }
0x12c: {  	s0 =	stileid.u32;
	[bflag:$0x2] =	sbarrier.arrive $0xFFFF  }
0x12d: {  	p0 =	sne.s32 s0, $0x0;
	s0 =	rddreg [dreg:$0x2]  }
0x12e: {  	s0 =	sadd.s32 @!p0 $0x100000, s0  }
0x12f: {  	[sflag:s0] =	ssyncadd.tile.s32 @!p0 $0x1;
	_ =	shalt  }
.Lfunc_end2:
_tile_overlayer_lowered:
.L_overlay_start_2:
0x130: {  	(tag) =	ssettag $0x2  }
0x131: {  	s0 =	rddreg [dreg:$0x0];
	s2 =	stileid.u32  }
0x132: {  	s1 =	rddreg [dreg:$0x1];
	p0 =	sne.s32 s2, $0x0  }
0x133: {  	s3 =	rddreg [dreg:$0x2];
	[bflag:$0x3] =	sbarrier.arrive $0xFFFF;
	s2 =	simm.s32 @!p0 $0x1C06  }
0x134: {  	[timem:s3], [sflag:s2] =	dma.local @!p0 [hbm:s0], s1  }
0x135: {  	s0 =	simm.s32 @!p0 $0x6  }
0x136: {  	_ =	swait.ge @!p0 [sflag:s0], s1  }
0x137: {  	s1 =	ssub.s32 @!p0 $0x0, s1;
	[sflag:s0] =	ssyncset.done @!p0 $0x0  }
0x138: {  	[sflag:s0] =	ssyncadd.s32 @!p0 s1  }
0x139: {  	[bflag:$0x3] =	sbarrier.arrive $0xFFFF  }
0x13a: {  	_ =	shalt  }

// kernel: kernel.9.cloned.1.call-start
scs
__scs_entry_jumppad:
0x0: {  	(pc) =	sbr.rel $0x88, $3  }
0x1: {  	(tag) =	ssettag $0x0;
	lr =	simm.s32 $0x1  }
0x2: {  	[smem:$0x3F9B] =	sst lr;
	_ =	strace $0xD0000000  }
0x3: {  	_ = 	snop  }
0x4: {  	_ = 	snop  }
0x5: {  	_ = 	snop  }
0x6: {  	_ = 	snop  }
0x7: {  	_ = 	snop  }
__scs_overlays_trampoline_lowered:
0x8: {  	[smem:$0x3FAA] =	sst s0  }
0x9: {  	[smem:$0x3FAB] =	sst s1  }
0xa: {  	[smem:$0x3FAC] =	sst s2  }
0xb: {  	[smem:$0x3FAD] =	sst s3  }
0xc: {  	[smem:$0x3FAE] =	sst s4  }
0xd: {  	[smem:$0x3FAF] =	sst s5  }
0xe: {  	[smem:$0x3FB0] =	sst s6  }
0xf: {  	[smem:$0x3FB1] =	sst s7  }
0x10: {  	[smem:$0x3FB2] =	sst s8  }
0x11: {  	[smem:$0x3FB3] =	sst s9;
	s0 =	simm.s32 @!p0 $0x0  }
0x12: {  	s1 =	sld [smem:$0x3F99];
	s0 =	simm.s32 @p0 $0x1  }
0x13: {  	[smem:$0x3FB4] =	sst s0;
	s0 =	simm.s32 @!p1 $0x0  }
0x14: {  	s2 =	sld [smem:$0x3F98];
	s0 =	simm.s32 @p1 $0x1  }
0x15: {  	[smem:$0x3FB5] =	sst s0;
	s0 =	simm.s32 @!p2 $0x0  }
0x16: {  	s3 =	sld [smem:$0x3FDB];
	s0 =	simm.s32 @p2 $0x1  }
0x17: {  	s4 =	simm.s32 $0x1BF5;
	[smem:$0x3FB7] =	sst s0  }
0x18: {  	s0 =	sld [smem:$0x3F9A];
	_ =	swait.ge [sflag:s4], $0x0  }
0x19: {  	s7 =	sld [smem:$0x3F9B]  }
0x1a: {  	s8 =	sadd.s32 $0xFFFFE003, lr  }
0x1b: {  	s9 =	sadd.s32 $0xFFFFFEF7, lr;
	s5 =	simm.s32 $0xFFFFFFFF;
	p2 =	slt.u32 s8, $0xFFFFF086  }
0x1c: {  	p1 =	slt.u32 s9, $0xF7A;
	s5 =	simm.s32 @!p2 $0x0  }
0x1d: {  	s5 =	simm.s32 @p1 $0x1;
	p0 =	seq.s32 s7, s2  }
0x1e: {  	s7 =	smul.u32 @!p0 $0xF7A, s2;
	p2 =	seq.s32 @!p0 s5, $0x0  }
0x1f: {  	s9 =	smul.u32 $0xF7A, s1;
	s8 =	simm.s32 @!p0 $0x1BF5;
	p2 =	por !p2, p0  }
0x20: {  	[sflag:s8] =	ssyncset.s32 @!p0 $0xFFFFF086;
	s6 =	sadd.s32 @!p0 s3, s7;
	s7 =	simm.s32 @!p0 $0x108  }
0x21: {  	s3 =	sadd.s32 s3, s9;
	s6 =	sadd.s32 @!p0 $0x88, s6;
	s7 =	simm.s32 @p2 $0x1082  }
0x22: {  	[simem:s7], [sflag:s8] =	dma.local @!p0 [hbm:s6], $0xF7A  }
0x23: {  	s9 =	sor.u32 $0xD0000000, s2;
	s6 =	simm.s32 $0x108;
	_ =	swait.ge @!p0 [sflag:s8], $0x0  }
0x24: {  	s3 =	sadd.s32 $0x88, s3;
	s6 =	simm.s32 @!p1 $0x1082;
	[sflag:s4] =	ssyncset.s32 $0xFFFFF086  }
0x25: {  	[simem:s6], [sflag:s4] =	dma.local [hbm:s3], $0xF7A  }
0x26: {  	[smem:$0x3F9B] =	sst s1;
	(tag) =	ssettag s2;
	_ =	strace s9  }
0x27: {  	s1 =	sld [smem:$0x3FAB]  }
0x28: {  	s2 =	sld [smem:$0x3FAC]  }
0x29: {  	s4 =	sld [smem:$0x3FAE]  }
0x2a: {  	p0 =	seq.s32 s5, $0x0;
	s5 =	sld [smem:$0x3FAF]  }
0x2b: {  	s6 =	sld [smem:$0x3FB0]  }
0x2c: {  	s7 =	sld [smem:$0x3FB1]  }
0x2d: {  	s3 =	simm.s32 $0x108;
	s8 =	sld [smem:$0x3FB2]  }
0x2e: {  	s3 =	simm.s32 @!p0 $0x1082;
	s9 =	sld [smem:$0x3FB3]  }
0x2f: {  	lr =	sadd.s32 s0, s3;
	s0 =	sld [smem:$0x3FAA]  }
0x30: {  	s3 =	sld [smem:$0x3FAD]  }
0x31: {  	[smem:$0x3FB6] =	sst s10  }
0x32: {  	s10 =	sld [smem:$0x3FB4];
	_ =	sdelay $0x3  }
0x33: {  	p0 =	seq.s32 s10, $0x1;
	s10 =	sld [smem:$0x3FB6];
	_ =	sdelay $0x3  }
0x34: {  	[smem:$0x3FB6] =	sst s10  }
0x35: {  	s10 =	sld [smem:$0x3FB5];
	_ =	sdelay $0x3  }
0x36: {  	p1 =	seq.s32 s10, $0x1;
	s10 =	sld [smem:$0x3FB6];
	_ =	sdelay $0x3  }
0x37: {  	[smem:$0x3FB6] =	sst s10  }
0x38: {  	s10 =	sld [smem:$0x3FB7]  }
0x39: {  	_ = 	snop;
	(pc) =	sbr.ind lr, $3  }
0x3a: {  	_ = 	snop  }
0x3b: {  	_ = 	snop  }
0x3c: {  	p2 =	seq.s32 s10, $0x1;
	s10 =	sld [smem:$0x3FB6]  }
0x3d: {  	_ =	shalt  }
0x3e: {  	_ =	shalt  }
0x3f: {  	_ =	shalt  }
0x40: {  	_ =	shalt  }
0x41: {  	_ =	shalt  }
0x42: {  	_ =	shalt  }
0x43: {  	_ =	shalt  }
0x44: {  	_ =	shalt  }
0x45: {  	_ =	shalt  }
0x46: {  	_ =	shalt  }
0x47: {  	_ =	shalt  }
0x48: {  	_ =	shalt  }
0x49: {  	_ =	shalt  }
0x4a: {  	_ =	shalt  }
0x4b: {  	_ =	shalt  }
0x4c: {  	_ =	shalt  }
0x4d: {  	_ =	shalt  }
0x4e: {  	_ =	shalt  }
0x4f: {  	_ =	shalt  }
0x50: {  	_ =	shalt  }
0x51: {  	_ =	shalt  }
0x52: {  	_ =	shalt  }
0x53: {  	_ =	shalt  }
0x54: {  	_ =	shalt  }
0x55: {  	_ =	shalt  }
0x56: {  	_ =	shalt  }
0x57: {  	_ =	shalt  }
0x58: {  	_ =	shalt  }
0x59: {  	_ =	shalt  }
0x5a: {  	_ =	shalt  }
0x5b: {  	_ =	shalt  }
0x5c: {  	_ =	shalt  }
0x5d: {  	_ =	shalt  }
0x5e: {  	_ =	shalt  }
0x5f: {  	_ =	shalt  }
0x60: {  	_ =	shalt  }
0x61: {  	_ =	shalt  }
0x62: {  	_ =	shalt  }
0x63: {  	_ =	shalt  }
0x64: {  	_ =	shalt  }
0x65: {  	_ =	shalt  }
0x66: {  	_ =	shalt  }
0x67: {  	_ =	shalt  }
0x68: {  	_ =	shalt  }
0x69: {  	_ =	shalt  }
0x6a: {  	_ =	shalt  }
0x6b: {  	_ =	shalt  }
0x6c: {  	_ =	shalt  }
0x6d: {  	_ =	shalt  }
0x6e: {  	_ =	shalt  }
0x6f: {  	_ =	shalt  }
0x70: {  	_ =	shalt  }
0x71: {  	_ =	shalt  }
0x72: {  	_ =	shalt  }
0x73: {  	_ =	shalt  }
0x74: {  	_ =	shalt  }
0x75: {  	_ =	shalt  }
0x76: {  	_ =	shalt  }
0x77: {  	_ =	shalt  }
0x78: {  	_ =	shalt  }
0x79: {  	_ =	shalt  }
0x7a: {  	_ =	shalt  }
0x7b: {  	_ =	shalt  }
0x7c: {  	_ =	shalt  }
0x7d: {  	_ =	shalt  }
0x7e: {  	_ =	shalt  }
0x7f: {  	_ =	shalt  }
0x80: {  	_ =	shalt  }
0x81: {  	_ =	shalt  }
0x82: {  	_ =	shalt  }
0x83: {  	_ =	shalt  }
0x84: {  	_ =	shalt  }
0x85: {  	_ =	shalt  }
0x86: {  	_ =	shalt  }
0x87: {  	_ =	shalt  }
.Lfunc_end0:
.L_simem_size_0:
called_computation_lowered:
.L_overlay_start_0:
0x88: {  	s2 =	sld [smem:$0x3FD9]  }
0x89: {  	s3 =	sld [smem:$0x3FFE];
	_ =	sdelay $0x1  }
0x8a: {  	s1 =	srdreg.scid  }
0x8b: {  	s0 =	sand.u32 $0x1, s1  }
0x8c: {  	s17 =	sshll.u32 s0, $0xA;
	s2 =	sadd.s32 s3, s2  }
0x8d: {  	s2 =	sadd.s32 s2, s17  }
0x8e: {  	[smem:$0x3FC2] =	sst s2  }
0x8f: {  	_ = 	snop  }
0x90: {  	s2 =	sld [smem:$0x3FD0];
	(tm) =	ssettm $0x1  }
0x91: {  	s18 =	sld [smem:$0x3FFB];
	_ =	sdelay $0x3  }
0x92: {  	_ =	strace s18  }
0x93: {  	s3 =	sld [smem:$0x3FFC];
	_ =	sdelay $0x3  }
0x94: {  	_ =	strace s3  }
0x95: {  	s3 =	sld [smem:$0x3FFD];
	_ =	sdelay $0x3  }
0x96: {  	_ =	strace s3  }
0x97: {  	_ =	strace $0x8FFFFFFF  }
0x98: {  	s19 =	sld [smem:$0x3FDB];
	_ =	sdelay $0x1  }
0x99: {  	s4 =	simm.s32 $_scs_section_size  }
0x9a: {  	s5 =	simm.s32 $_size__tile_overlayer_lowered;
	s6 =	simm.s32 $_tile_overlayer_lowered  }
0x9b: {  	s22 =	simm.s32 $0x1BFF;
	s21 =	sshll.u32 s6, $0x1;
	s3 =	sadd.s32 s4, s19  }
0x9c: {  	s7 =	simm.s32 $0x0;
	s20 =	sshll.u32 s5, $0x1;
	s5 =	sadd.s32 s21, s3  }
0x9d: {  	[timem:s7], [sflag:s22] =	dma.local [hbm:s5], s20  }
0x9e: {  	_ =	swait.ge [sflag:s22], s20  }
0x9f: {  	s4 =	ssub.s32 $0x0, s20;
	[sflag:s22] =	ssyncset.done $0x0  }
0xa0: {  	[sflag:s22] =	ssyncadd.s32 s4;
	_ =	sdelay $0x1  }
0xa1: {  	s23 =	simm.s32 $0x1B8B  }
0xa2: {  	_ =	swait.ge [sflag:s23], $0x1  }
0xa3: {  	[sflag:s23] =	ssyncset.done $0x0  }
0xa4: {  	s25 =	simm.s32 $0x1B8E;
	s24 =	sld [smem:$0x3FFE];
	[sflag:s23] =	ssyncadd.s32 $0xFFFFFFFF  }
0xa5: {  	s26 =	simm.s32 $execute0_lowered;
	[smem:$0x3FD2] =	sst s25  }
0xa6: {  	s5 =	sshll.u32 s26, $0x1;
	_ =	strace $0x80000046;
	[dreg:$0x1] =	wrdreg $0xFFFFFFFF  }
0xa7: {  	s28 =	simm.s32 $_size_execute0_lowered;
	s3 =	sadd.s32 s3, s5;
	[dreg:$0x0] =	wrdreg $0x0  }
0xa8: {  	s5 =	sshll.u32 s28, $0x1;
	[dreg:$0x2] =	wrdreg s3  }
0xa9: {  	[dreg:$0x3] =	wrdreg s5  }
0xaa: {  	[dreg:$0x4] =	wrdreg $0xC0  }
0xab: {  	_ =	task [dreg:s7], $0x5FFFF  }
0xac: {  	[dreg:$0x1] =	wrdreg $0xFFFFFFFF  }
0xad: {  	[dreg:$0x0] =	wrdreg $0x60  }
0xae: {  	[dreg:$0x2] =	wrdreg s24  }
0xaf: {  	[dreg:$0x3] =	wrdreg s2  }
0xb0: {  	[dreg:$0x4] =	wrdreg $0x36B00  }
0xb1: {  	[dreg:$0x5] =	wrdreg $0x9  }
0xb2: {  	_ =	task.clear_ibuf [dreg:s7], $0x6FFFF;
	_ =	strace $0x90000046  }
0xb3: {  	s29 =	simm.s32 $0x9;
	_ =	strace $0x80000048  }
0xb4: {  	_ =	swait.ge [sflag:s29], $0x1  }
0xb5: {  	[sflag:s29] =	ssyncadd.s32 $0xFFFFFFFF  }
0xb6: {  	_ =	strace $0x90000048  }
0xb7: {  	_ =	sfence  }
0xb8: {  	s30 =	sld [smem:$0x0];
	_ =	sdelay $0x2  }
0xb9: {  	s31 =	sshll.u32 s1, $0xD;
	s1 =	sshrl.u32 s1, $0x2  }
0xba: {  	s3 =	sand.u32 $0x4000, s31;
	s1 =	sadd.s32 s1, s30  }
0xbb: {  	s0 =	sor.u32 s3, s0;
	s1 =	sshll.u32 s1, $0x11  }
0xbc: {  	s0 =	sor.u32 s1, s0  }
0xbd: {  	s0 =	sadd.s32 $0x8F2B, s0  }
0xbe: {  	[sflag:s0] =	ssyncadd.remote.s32 $0x1  }
0xbf: {  	_ =	sfence.sel $0xFFFF  }
0xc0: {  	[dreg:$0x0] =	wrdreg $0xFFFFFFFF;
	(pc) =	sbr.abs _section_cstart, $3  }
0xc1: {  	[dreg:$0x1] =	wrdreg $0xFFFFFFFF  }
0xc2: {  	_ =	task.clear_ibuf [dreg:s7], $0x2FFFF;
	_ =	strace $0x9FFFFFFF  }
0xc3: {  	(tm) =	ssettm $0x7FFFFFFF  }
tec
execute0_lowered:
.L_overlay_start_1:
0x0: {  	(tag) =	ssettag $0x1  }
0x1: {  	s4 =	rddreg [dreg:$0x0]  }
0x2: {  	s0 =	srdreg.scid;
	s10 =	rddreg [dreg:$0x1]  }
0x3: {  	s2 =	rddreg [dreg:$0x2];
	s3 =	simm.s32 $0x0;
	s13 =	simm.s32 $0xFA0  }
0x4: {  	s14 =	simm.s32 $0x1770;
	s15 =	simm.s32 $0x1F40;
	s16 =	simm.s32 $0x2EE0  }
0x5: {  	s17 =	simm.s32 $0x2;
	s18 =	simm.s32 $0x1;
	s19 =	simm.s32 $0x2710  }
0x6: {  	s20 =	simm.s32 $0x0;
	s5 =	sand.u32 $0x1, s0;
	s0 =	stileid.u32  }
0x7: {  	[smem:$0x7FF] =	sst s3;
	s1 =	sshll.u32 s5, $0x4;
	s9 =	smul.u32 $0x280, s0  }
0x8: {  	s7 =	ssub.s32 $0x2, s5;
	s11 =	smul.u32 $0x2800, s5;
	s6 =	sor.u32 s0, s1  }
0x9: {  	s1 =	rddreg [dreg:$0x3];
	s31 =	sshrl.u32 s7, $0x1;
	s6 =	smul.u32 $0x2710, s6  }
0xa: {  	_ =	strace $0x80000047;
	s12 =	ssub.s32 s7, s31;
	s11 =	sadd.s32 s9, s11  }
0xb: {  	s9 =	sadd.s32 s9, s2;
	s11 =	sshrl.u32 s11, $0x3;
	s6 =	sshrl.u32 s6, $0x3  }
0xc: {  	s10 =	sadd.s32 s10, s11;
	s11 =	smax.u32 s12, $0x1;
	s8 =	sadd.s32 s6, s4  }
0xd: {  	s12 =	simm.s32 $0x7D0;
	s4 =	sadd.s32 $0xC840, s8;
	s5 =	sadd.s32 $0xC93A, s8  }
0xe: {  	v0 =	vimm.f32 $1.000000000e+00;
	v1 =	vimm.f32 $0.0e+00;
	s6 =	sadd.s32 $0xCA34, s8;
	s7 =	sadd.s32 $0xCB2E, s8;
	s8 =	sadd.s32 $0xCC28, s8  }
.LBB2_1:
0xf: {  	s21 =	simm.s32 $0x40;
	s22 =	simm.s32 $0x0  }
.LBB2_2:
0x10: {  	p0 =	sne.s32 s21, $0x1F00;
	[tilespmem:s22+$0x2710] =	vst v0;
	s23 =	smov.u32 s21;
	s21 =	sadd.s32 $0x40, s21  }
.Ltmp0:
0x11: {  	[tilespmem:s22+$0x2EE0] =	vst v1;
	(pc) =	sbr.rel @p0 .LBB2_2-.Ltmp0, $2  }
0x12: {  	_ =	sdelay $0x2  }
0x13: {  	s22 =	sshra.s32 s23, $0x2  }
0x14: {  	[tilespmem:s22+$0x2710] =	vst v0  }
0x15: {  	[tilespmem:s22+$0x2EE0] =	vst v1;
	s21 =	simm.s32 $0x0  }
0x16: {  	[tilespmem:s21], [sflag:$0x1] =	stream.linear.gather [hbm4b:s4+s21], $0x7D0, $0x38;
	[tilespmem:$0x3930] =	vst v63  }
0x17: {  	_ = 	snop  }
0x18: {  	[tilespmem:s12], [sflag:$0x1] =	stream.linear.gather [hbm4b:s5+s21], $0x7D0, $0x38;
	[tilespmem:$0x3930] =	vst v63  }
0x19: {  	_ = 	snop  }
0x1a: {  	[tilespmem:s13], [sflag:$0x1] =	stream.linear.gather [hbm4b:s6+s21], $0x7D0, $0x38;
	[tilespmem:$0x3930] =	vst v63  }
0x1b: {  	_ = 	snop  }
0x1c: {  	[tilespmem:s14], [sflag:$0x1] =	stream.linear.gather [hbm4b:s7+s21], $0x7D0, $0x38;
	[tilespmem:$0x3930] =	vst v63  }
0x1d: {  	_ = 	snop  }
0x1e: {  	[tilespmem:s15], [sflag:$0x1] =	stream.linear.gather [hbm4b:s8+s21], $0x7D0, $0x38;
	[tilespmem:$0x3930] =	vst v63  }
0x1f: {  	_ = 	snop  }
0x20: {  	[spmem:s9] =	stream.linear.scatter [tilespmem:s16], [sflag:$0x2], $0x280, $0x38;
	[tilespmem:$0x3930] =	vst v63  }
0x21: {  	_ =	swait.ge [sflag:s17], $0x280  }
0x22: {  	[sflag:s17] =	ssyncset.done $0x0  }
0x23: {  	[sflag:s17] =	ssyncadd.s32 $0xFFFFFD80  }
0x24: {  	_ =	swait.ge [sflag:s18], $0x7D0  }
0x25: {  	[sflag:s18] =	ssyncset.done $0x0  }
0x26: {  	[sflag:s18] =	ssyncadd.s32 $0xFFFFF830  }
0x27: {  	_ =	swait.ge [sflag:s18], $0x7D0  }
0x28: {  	[sflag:s18] =	ssyncset.done $0x0  }
0x29: {  	[sflag:s18] =	ssyncadd.s32 $0xFFFFF830  }
0x2a: {  	_ =	swait.ge [sflag:s18], $0x7D0  }
0x2b: {  	[sflag:s18] =	ssyncset.done $0x0  }
0x2c: {  	[sflag:s18] =	ssyncadd.s32 $0xFFFFF830  }
0x2d: {  	_ =	swait.ge [sflag:s18], $0x7D0  }
0x2e: {  	[sflag:s18] =	ssyncset.done $0x0  }
0x2f: {  	[sflag:s18] =	ssyncadd.s32 $0xFFFFF830  }
0x30: {  	_ =	swait.ge [sflag:s18], $0x7D0  }
0x31: {  	[sflag:s18] =	ssyncset.done $0x0  }
0x32: {  	[sflag:s18] =	ssyncadd.s32 $0xFFFFF830  }
0x33: {  	s22 =	simm.s32 $0x40;
	s21 =	simm.s32 $0x0;
	[bflag:$0x0] =	sbarrier.arrive $0xFFFF  }
.LBB2_4:
0x34: {  	p0 =	sne.s32 s22, $0x1F00;
	v2 =	vld [tilespmem:s21+$0x0];
	_ =	sdelay $0x4  }
0x35: {  	v3 =	vshrl.u32 v2, $0x8  }
0x36: {  	v3 =	vmul.u32 $0x3334, v3;
	_ =	sdelay $0x1  }
.Ltmp1:
0x37: {  	v3 =	vshrl.u32 v3, $0x10;
	(pc) =	sbr.rel @p0 .LBB2_4-.Ltmp1, $4  }
0x38: {  	v3 =	vmul.u32 $0xFFFFD801, v3  }
0x39: {  	v2 =	vshll.u32 v2, $0x3  }
0x3a: {  	v2 =	vadd.s32 v2, v3  }
0x3b: {  	[tilespmem:s21+$0x0] =	vst v2;
	s21 =	sshra.s32 s22, $0x2;
	s22 =	sadd.s32 $0x40, s22  }
0x3c: {  	v2 =	vld [tilespmem:s21+$0x0];
	_ =	sdelay $0x4  }
0x3d: {  	v3 =	vshrl.u32 v2, $0x8  }
0x3e: {  	v3 =	vmul.u32 $0x3334, v3;
	_ =	sdelay $0x1  }
0x3f: {  	v3 =	vshrl.u32 v3, $0x10  }
0x40: {  	v3 =	vmul.u32 $0xFFFFD801, v3  }
0x41: {  	v2 =	vshll.u32 v2, $0x3  }
0x42: {  	v2 =	vadd.s32 v2, v3  }
0x43: {  	s31 =	simm.s32 $0x0;
	s22 =	simm.s32 $0x40;
	[tilespmem:s21+$0x0] =	vst v2;
	s21 =	simm.s32 $0x0  }
0x44: {  	[spmem:s2] =	stream.indirect.scatter.add.f32 [tilespmem:s19], [sflag:$0x1], $0x1, s31, s12, $0xb8;
	[tilespmem:$0x3930] =	vst v63  }
.LBB2_6:
0x45: {  	p0 =	sne.s32 s22, $0x1F00;
	v2 =	vld [tilespmem:s21+$0x7D0];
	_ =	sdelay $0x4  }
0x46: {  	v3 =	vshrl.u32 v2, $0x8  }
0x47: {  	v3 =	vmul.u32 $0x3334, v3;
	_ =	sdelay $0x1  }
.Ltmp2:
0x48: {  	v3 =	vshrl.u32 v3, $0x10;
	(pc) =	sbr.rel @p0 .LBB2_6-.Ltmp2, $4  }
0x49: {  	v3 =	vmul.u32 $0xFFFFD801, v3  }
0x4a: {  	v2 =	vshll.u32 v2, $0x3  }
0x4b: {  	v2 =	vadd.s32 v2, v3  }
0x4c: {  	[tilespmem:s21+$0x7D0] =	vst v2;
	s21 =	sshra.s32 s22, $0x2;
	s22 =	sadd.s32 $0x40, s22  }
0x4d: {  	v2 =	vld [tilespmem:s21+$0x7D0];
	_ =	sdelay $0x4  }
0x4e: {  	v3 =	vshrl.u32 v2, $0x8  }
0x4f: {  	v3 =	vmul.u32 $0x3334, v3;
	_ =	sdelay $0x1  }
0x50: {  	v3 =	vshrl.u32 v3, $0x10  }
0x51: {  	v3 =	vmul.u32 $0xFFFFD801, v3  }
0x52: {  	v2 =	vshll.u32 v2, $0x3  }
0x53: {  	v2 =	vadd.s32 v2, v3  }
0x54: {  	s22 =	simm.s32 $0x40;
	[tilespmem:s21+$0x7D0] =	vst v2;
	s21 =	simm.s32 $0x0  }
0x55: {  	[spmem:s2] =	stream.indirect.scatter.add.f32 [tilespmem:s19], [sflag:$0x1], $0x1, s12, s12, $0xb8;
	[tilespmem:$0x3930] =	vst v63  }
.LBB2_8:
0x56: {  	p0 =	sne.s32 s22, $0x1F00;
	v2 =	vld [tilespmem:s21+$0xFA0];
	_ =	sdelay $0x4  }
0x57: {  	v3 =	vshrl.u32 v2, $0x8  }
0x58: {  	v3 =	vmul.u32 $0x3334, v3;
	_ =	sdelay $0x1  }
.Ltmp3:
0x59: {  	v3 =	vshrl.u32 v3, $0x10;
	(pc) =	sbr.rel @p0 .LBB2_8-.Ltmp3, $4  }
0x5a: {  	v3 =	vmul.u32 $0xFFFFD801, v3  }
0x5b: {  	v2 =	vshll.u32 v2, $0x3  }
0x5c: {  	v2 =	vadd.s32 v2, v3  }
0x5d: {  	[tilespmem:s21+$0xFA0] =	vst v2;
	s21 =	sshra.s32 s22, $0x2;
	s22 =	sadd.s32 $0x40, s22  }
0x5e: {  	v2 =	vld [tilespmem:s21+$0xFA0];
	_ =	sdelay $0x4  }
0x5f: {  	v3 =	vshrl.u32 v2, $0x8  }
0x60: {  	v3 =	vmul.u32 $0x3334, v3;
	_ =	sdelay $0x1  }
0x61: {  	v3 =	vshrl.u32 v3, $0x10  }
0x62: {  	v3 =	vmul.u32 $0xFFFFD801, v3  }
0x63: {  	v2 =	vshll.u32 v2, $0x3  }
0x64: {  	v2 =	vadd.s32 v2, v3  }
0x65: {  	s22 =	simm.s32 $0x40;
	[tilespmem:s21+$0xFA0] =	vst v2;
	s21 =	simm.s32 $0x0  }
0x66: {  	[spmem:s2] =	stream.indirect.scatter.add.f32 [tilespmem:s19], [sflag:$0x1], $0x1, s13, s12, $0xb8;
	[tilespmem:$0x3930] =	vst v63  }
.LBB2_10:
0x67: {  	p0 =	sne.s32 s22, $0x1F00;
	v2 =	vld [tilespmem:s21+$0x1770];
	_ =	sdelay $0x4  }
0x68: {  	v3 =	vshrl.u32 v2, $0x8  }
0x69: {  	v3 =	vmul.u32 $0x3334, v3;
	_ =	sdelay $0x1  }
.Ltmp4:
0x6a: {  	v3 =	vshrl.u32 v3, $0x10;
	(pc) =	sbr.rel @p0 .LBB2_10-.Ltmp4, $4  }
0x6b: {  	v3 =	vmul.u32 $0xFFFFD801, v3  }
0x6c: {  	v2 =	vshll.u32 v2, $0x3  }
0x6d: {  	v2 =	vadd.s32 v2, v3  }
0x6e: {  	[tilespmem:s21+$0x1770] =	vst v2;
	s21 =	sshra.s32 s22, $0x2;
	s22 =	sadd.s32 $0x40, s22  }
0x6f: {  	v2 =	vld [tilespmem:s21+$0x1770];
	_ =	sdelay $0x4  }
0x70: {  	v3 =	vshrl.u32 v2, $0x8  }
0x71: {  	v3 =	vmul.u32 $0x3334, v3;
	_ =	sdelay $0x1  }
0x72: {  	v3 =	vshrl.u32 v3, $0x10  }
0x73: {  	v3 =	vmul.u32 $0xFFFFD801, v3  }
0x74: {  	v2 =	vshll.u32 v2, $0x3  }
0x75: {  	v2 =	vadd.s32 v2, v3  }
0x76: {  	s22 =	simm.s32 $0x40;
	[tilespmem:s21+$0x1770] =	vst v2;
	s21 =	simm.s32 $0x0  }
0x77: {  	[spmem:s2] =	stream.indirect.scatter.add.f32 [tilespmem:s19], [sflag:$0x1], $0x1, s14, s12, $0xb8;
	[tilespmem:$0x3930] =	vst v63  }
.LBB2_12:
0x78: {  	p0 =	sne.s32 s22, $0x1F00;
	v2 =	vld [tilespmem:s21+$0x1F40];
	_ =	sdelay $0x4  }
0x79: {  	v3 =	vshrl.u32 v2, $0x8  }
0x7a: {  	v3 =	vmul.u32 $0x3334, v3;
	_ =	sdelay $0x1  }
.Ltmp5:
0x7b: {  	v3 =	vshrl.u32 v3, $0x10;
	(pc) =	sbr.rel @p0 .LBB2_12-.Ltmp5, $4  }
0x7c: {  	v3 =	vmul.u32 $0xFFFFD801, v3  }
0x7d: {  	v2 =	vshll.u32 v2, $0x3  }
0x7e: {  	v2 =	vadd.s32 v2, v3  }
0x7f: {  	[tilespmem:s21+$0x1F40] =	vst v2;
	s21 =	sshra.s32 s22, $0x2;
	s22 =	sadd.s32 $0x40, s22  }
0x80: {  	v2 =	vld [tilespmem:s21+$0x1F40];
	_ =	sdelay $0x4  }
0x81: {  	v3 =	vshrl.u32 v2, $0x8  }
0x82: {  	v3 =	vmul.u32 $0x3334, v3;
	_ =	sdelay $0x1  }
0x83: {  	v3 =	vshrl.u32 v3, $0x10  }
0x84: {  	v3 =	vmul.u32 $0xFFFFD801, v3  }
0x85: {  	v2 =	vshll.u32 v2, $0x3  }
0x86: {  	v2 =	vadd.s32 v2, v3  }
0x87: {  	[tilespmem:s21+$0x1F40] =	vst v2  }
0x88: {  	[spmem:s2] =	stream.indirect.scatter.add.f32 [tilespmem:s19], [sflag:$0x1], $0x1, s15, s12, $0xb8;
	[tilespmem:$0x3930] =	vst v63  }
0x89: {  	_ =	swait.ge [sflag:s18], $0x7D0  }
0x8a: {  	[sflag:s18] =	ssyncset.done $0x0  }
0x8b: {  	[sflag:s18] =	ssyncadd.s32 $0xFFFFF830  }
0x8c: {  	_ =	swait.ge [sflag:s18], $0x7D0  }
0x8d: {  	[sflag:s18] =	ssyncset.done $0x0  }
0x8e: {  	[sflag:s18] =	ssyncadd.s32 $0xFFFFF830  }
0x8f: {  	_ =	swait.ge [sflag:s18], $0x7D0  }
0x90: {  	[sflag:s18] =	ssyncset.done $0x0  }
0x91: {  	[sflag:s18] =	ssyncadd.s32 $0xFFFFF830  }
0x92: {  	_ =	swait.ge [sflag:s18], $0x7D0  }
0x93: {  	[sflag:s18] =	ssyncset.done $0x0  }
0x94: {  	[sflag:s18] =	ssyncadd.s32 $0xFFFFF830  }
0x95: {  	_ =	swait.ge [sflag:s18], $0x7D0  }
0x96: {  	[sflag:s18] =	ssyncset.done $0x0  }
0x97: {  	[sflag:s18] =	ssyncadd.s32 $0xFFFFF830  }
0x98: {  	[bflag:$0x0] =	sbarrier.arrive $0xFFFF  }
0x99: {  	[tilespmem:s16], [sflag:$0x2] =	stream.linear.gather [spmem:s9], $0x280, $0x38;
	[tilespmem:$0x3930] =	vst v63  }
0x9a: {  	s20 =	sadd.s32 $0x1, s20;
	_ =	swait.ge [sflag:s17], $0x280  }
0x9b: {  	p0 =	sne.s32 s20, s11;
	[sflag:s17] =	ssyncset.done $0x0  }
.Ltmp6:
0x9c: {  	[sflag:s17] =	ssyncadd.s32 $0xFFFFFD80;
	(pc) =	sbr.rel @p0 .LBB2_1-.Ltmp6, $4  }
0x9d: {  	[hbm4b:s10+s3] =	stream.linear.scatter [tilespmem:s16], [sflag:$0x2], $0x280, $0x38;
	[tilespmem:$0x3930] =	vst v63  }
0x9e: {  	_ =	swait.ge [sflag:s17], $0x280  }
0x9f: {  	[sflag:s17] =	ssyncset.done $0x0  }
0xa0: {  	[sflag:s17] =	ssyncadd.s32 $0xFFFFFD80  }
0xa1: {  	_ =	sfence.sel $0x180000  }
0xa2: {  	[bflag:$0x0] =	sbarrier.arrive $0xFFFF  }
0xa3: {  	p0 =	sne.s32 s0, $0x0;
	_ =	strace $0x90000047  }
0xa4: {  	s0 =	sadd.s32 @!p0 $0x100000, s1;
	[bflag:$0x2] =	sbarrier.arrive $0xFFFF  }
0xa5: {  	[sflag:s0] =	ssyncadd.tile.s32 @!p0 $0x1;
	_ =	shalt  }
.Lfunc_end2:
_tile_overlayer_lowered:
.L_overlay_start_2:
0xa6: {  	(tag) =	ssettag $0x2  }
0xa7: {  	s0 =	rddreg [dreg:$0x0];
	s2 =	stileid.u32  }
0xa8: {  	s1 =	rddreg [dreg:$0x1];
	p0 =	sne.s32 s2, $0x0  }
0xa9: {  	s3 =	rddreg [dreg:$0x2];
	[bflag:$0x3] =	sbarrier.arrive $0xFFFF;
	s2 =	simm.s32 @!p0 $0x1C02  }
0xaa: {  	[timem:s3], [sflag:s2] =	dma.local @!p0 [hbm:s0], s1  }
0xab: {  	s0 =	simm.s32 @!p0 $0x2  }
0xac: {  	_ =	swait.ge @!p0 [sflag:s0], s1  }
0xad: {  	s1 =	ssub.s32 @!p0 $0x0, s1;
	[sflag:s0] =	ssyncset.done @!p0 $0x0  }
0xae: {  	[sflag:s0] =	ssyncadd.s32 @!p0 s1  }
0xaf: {  	[bflag:$0x3] =	sbarrier.arrive $0xFFFF  }
0xb0: {  	_ =	shalt  }

</sc_bundles>
